<compile_context>
chip_gen: v7x
topology: tpu7x:2x2x1
jax: 0.10.2.dev20260603
libtpu: 0.0.44.dev20260713+nightly
codegen_flags: <defaults>
</compile_context>

<pallas_src>
import functools

import jax
import jax.numpy as jnp
from jax import lax
from jax.experimental import pallas as pl
from jax.experimental.pallas import tpu as pltpu
from jax.experimental.pallas import tpu_sc as plsc

N = 10000
E = 320000
D_IN = 128
D_H = 128
D_OUT = 64

NHAT = 10240
EPAD = 327680
NW = 32
EPW = EPAD // NW
RPT = NHAT // 16

@functools.lru_cache(maxsize=None)
def _sc_mesh():
    return plsc.VectorSubcoreMesh(core_axis_name="c", subcore_axis_name="s")


def _zero_rows(buf, nrows, width):
    z16 = jnp.zeros((16,), jnp.float32)

    def body(i, _):
        for k in range(width // 16):
            buf[i, pl.ds(k * 16, 16)] = z16
        return _

    lax.fori_loop(0, nrows, body, None, unroll=False)


IDR = RPT // 128


def _fill_ids(ids, base):
    lane = lax.iota(jnp.int32, 16)

    def body(j, _):
        for k in range(8):
            ids[j, pl.ds(k * 16, 16)] = base + j * 128 + k * 16 + lane
        return _

    lax.fori_loop(0, IDR, body, None, unroll=False)


@functools.lru_cache(maxsize=None)
def _build_sc_degree():
    G = 4
    NCH = EPW // (G * 128)
    IB = EPW // 128

    @functools.partial(
        pl.kernel,
        mesh=_sc_mesh(),
        out_type=jax.ShapeDtypeStruct((2 * NHAT, D_H), jnp.float32),
        scratch_types=[
            pltpu.VMEM((IB, 128), jnp.int32),
            pltpu.VMEM((128, D_H), jnp.float32),
            pltpu.VMEM((IDR, 128), jnp.int32),
            pltpu.VMEM_SHARED((NHAT, D_H), jnp.float32),
            pltpu.SemaphoreType.DMA,
        ],
    )
    def deg_kernel(dst_hbm, out_hbm, dstv, buf, ids, acc_sh, sem):
        c = lax.axis_index("c")
        s = lax.axis_index("s")
        wid = c * 16 + s

        _fill_ids(ids, s * RPT)
        pltpu.sync_copy(dst_hbm.at[pl.ds(wid * IB, IB)], dstv)

        _zero_rows(buf, 128, D_H)
        for j in range(IDR):
            pltpu.sync_copy(buf, acc_sh.at[ids.at[j]])

        one16 = jnp.ones((16,), jnp.float32)

        def ones_body(i, _):
            for k in range(D_H // 16):
                buf[i, pl.ds(k * 16, 16)] = one16
            return _

        lax.fori_loop(0, 128, ones_body, None, unroll=False)
        plsc.subcore_barrier()

        def chunk(i, _):
            handles = [
                pltpu.async_copy(buf, acc_sh.at[dstv.at[i * G + j]], sem,
                                 add=True)
                for j in range(G)
            ]
            for h in handles:
                h.wait()
            return _

        lax.fori_loop(0, NCH, chunk, None, unroll=False)
        plsc.subcore_barrier()
        for j in range(IDR):
            pltpu.sync_copy(acc_sh.at[ids.at[j]], buf)
            pltpu.sync_copy(
                buf, out_hbm.at[pl.ds(c * NHAT + s * RPT + j * 128, 128)])

    return deg_kernel


def _sc_degree(dstp):
    return _build_sc_degree()(dstp).reshape(2, NHAT, D_H)


@functools.lru_cache(maxsize=None)
def _make_sc_mp(D):
    KC = 128
    PH = 2
    CPP = EPW // KC // PH

    @functools.partial(
        pl.kernel,
        mesh=_sc_mesh(),
        out_type=jax.ShapeDtypeStruct((2 * NHAT, D), jnp.float32),
        scratch_types=[
            pltpu.VMEM((CPP, 128), jnp.int32),
            pltpu.VMEM((CPP, 128), jnp.int32),
            pltpu.VMEM((KC, D), jnp.float32),
            pltpu.VMEM((KC, D), jnp.float32),
            pltpu.VMEM((IDR, 128), jnp.int32),
            pltpu.VMEM_SHARED((NHAT, D), jnp.float32),
            pltpu.SemaphoreType.DMA,
            pltpu.SemaphoreType.DMA,
        ],
    )
    def mp(y_hbm, src_hbm, dst_hbm, out_hbm, srcv, dstv, rowsA, rowsB, ids,
           acc_sh, semA, semB):
        c = lax.axis_index("c")
        s = lax.axis_index("s")
        wid = c * 16 + s

        _fill_ids(ids, s * RPT)
        _zero_rows(rowsA, 128, D)
        for j in range(IDR):
            pltpu.sync_copy(rowsA, acc_sh.at[ids.at[j]])
        plsc.subcore_barrier()

        def start(ci, buf, sem):
            return pltpu.async_copy(y_hbm.at[srcv.at[ci]], buf, sem)

        def wait(ci, buf, sem):
            pltpu.make_async_copy(y_hbm.at[srcv.at[ci]], buf, sem).wait()

        def scat(ci, buf):
            pltpu.sync_copy(buf, acc_sh.at[dstv.at[ci]], add=True)

        for ph in range(PH):
            base = wid * (EPW // 128) + ph * CPP
            pltpu.sync_copy(src_hbm.at[pl.ds(base, CPP)], srcv)
            pltpu.sync_copy(dst_hbm.at[pl.ds(base, CPP)], dstv)
            start(0, rowsA, semA)

            def pair(p, _):
                i0 = 2 * p
                start(i0 + 1, rowsB, semB)
                wait(i0, rowsA, semA)
                scat(i0, rowsA)

                @pl.when(p < CPP // 2 - 1)
                def _():
                    start(i0 + 2, rowsA, semA)

                wait(i0 + 1, rowsB, semB)
                scat(i0 + 1, rowsB)
                return _

            lax.fori_loop(0, CPP // 2, pair, None, unroll=False)

        plsc.subcore_barrier()
        for j in range(IDR):
            pltpu.sync_copy(acc_sh.at[ids.at[j]], rowsA)
            pltpu.sync_copy(
                rowsA, out_hbm.at[pl.ds(c * NHAT + s * RPT + j * 128, 128)])

    return mp


def _sc_mp128(y, srcp, dstp):
    return _make_sc_mp(D_H)(y, srcp, dstp).reshape(2, NHAT, D_H)


@functools.lru_cache(maxsize=None)
def _build_sc_decode_gather():
    KC = 128
    NCH = EPW // KC

    @functools.partial(
        pl.kernel,
        mesh=_sc_mesh(),
        out_type=jax.ShapeDtypeStruct((2 * EPAD, D_H), jnp.float32),
        scratch_types=[
            pltpu.VMEM((NCH, 128), jnp.int32),
            pltpu.VMEM((NCH, 128), jnp.int32),
            pltpu.VMEM((KC, D_H), jnp.float32),
            pltpu.VMEM((KC, D_H), jnp.float32),
            pltpu.VMEM((KC, D_H), jnp.float32),
            pltpu.VMEM((KC, D_H), jnp.float32),
            pltpu.SemaphoreType.DMA,
            pltpu.SemaphoreType.DMA,
        ],
    )
    def dec_kernel(z_hbm, e0_hbm, e1_hbm, out_hbm, e0v, e1v, r0A, r1A, r0B,
                   r1B, semA, semB):
        c = lax.axis_index("c")
        s = lax.axis_index("s")
        wid = c * 16 + s
        ibase = wid * (EPW // 128)
        pltpu.sync_copy(e0_hbm.at[pl.ds(ibase, NCH)], e0v)
        pltpu.sync_copy(e1_hbm.at[pl.ds(ibase, NCH)], e1v)

        def start(ci, b0, b1, sem):
            pltpu.async_copy(z_hbm.at[e0v.at[ci]], b0, sem)
            pltpu.async_copy(z_hbm.at[e1v.at[ci]], b1, sem)

        def finish(ci, b0, b1, sem):
            pltpu.make_async_copy(z_hbm.at[e0v.at[ci]], b0, sem).wait()
            pltpu.make_async_copy(z_hbm.at[e1v.at[ci]], b1, sem).wait()
            ebase = wid * EPW + ci * KC
            pltpu.sync_copy(b0, out_hbm.at[pl.ds(ebase, KC)])
            pltpu.sync_copy(b1, out_hbm.at[pl.ds(EPAD + ebase, KC)])

        start(0, r0A, r1A, semA)

        def pair(p, _):
            i0 = 2 * p
            start(i0 + 1, r0B, r1B, semB)
            finish(i0, r0A, r1A, semA)

            @pl.when(p < NCH // 2 - 1)
            def _():
                start(i0 + 2, r0A, r1A, semA)

            finish(i0 + 1, r0B, r1B, semB)
            return _

        lax.fori_loop(0, NCH // 2, pair, None, unroll=False)

    return dec_kernel


def _sc_decode_gather(z, e0p, e1p):
    return _build_sc_decode_gather()(z, e0p, e1p).reshape(2, EPAD, D_H)


def _y1_body(degp_ref, x_ref, w_ref, y_ref, dinv_ref):
    d = degp_ref[0, :, 0:1] + degp_ref[1, :, 0:1]
    dinv = lax.rsqrt(1.0 + d)
    dinv_ref[...] = dinv
    xw = jnp.dot(x_ref[...], w_ref[...], preferred_element_type=jnp.float32)
    y_ref[...] = xw * dinv


def _layer2_body(acc_ref, y1_ref, dinv_ref, b1_ref, w2_ref, o_ref):
    a = acc_ref[0] + acc_ref[1] + y1_ref[...]
    h = jnp.maximum(dinv_ref[...] * a + b1_ref[...], 0.0)
    hw = jnp.dot(h, w2_ref[...], preferred_element_type=jnp.float32)
    o_ref[...] = hw * dinv_ref[...]


def _z_body(acc_ref, y2_ref, dinv_ref, b2_ref, o_ref):
    a = acc_ref[0] + acc_ref[1] + y2_ref[...]
    o_ref[...] = dinv_ref[...] * a + b2_ref[...]


def _decode_body(ef_ref, wa_ref, wb_ref, bm1_ref, wm2_ref, bm2_ref, o_ref):
    hs = jnp.dot(ef_ref[0], wa_ref[...], preferred_element_type=jnp.float32)
    hd = jnp.dot(ef_ref[1], wb_ref[...], preferred_element_type=jnp.float32)
    h = jnp.maximum(hs + hd + bm1_ref[...], 0.0)
    o_ref[...] = jnp.dot(h, wm2_ref[...],
                         preferred_element_type=jnp.float32) + bm2_ref[...]


_NB = NHAT // 1024
_EB = 2048
_NEB = EPAD // _EB


def kernel(x, edge_index, edge_label_index, W1, b1, W2, b2, Wm1, bm1, Wm2,
           bm2):
    f32 = jnp.float32
    src = edge_index[0].astype(jnp.int32)
    dst = edge_index[1].astype(jnp.int32)
    e0 = edge_label_index[0].astype(jnp.int32)
    e1 = edge_label_index[1].astype(jnp.int32)

    npad = EPAD - E
    spread = jnp.arange(npad, dtype=jnp.int32)
    srcp = jnp.concatenate([src, spread % N]).reshape(EPAD // 128, 128)
    dstp = jnp.concatenate([dst, N + spread % (NHAT - N)])
    dstp = dstp.reshape(EPAD // 128, 128)
    e0p = jnp.concatenate([e0, spread % N]).reshape(EPAD // 128, 128)
    e1p = jnp.concatenate([e1, spread % N]).reshape(EPAD // 128, 128)

    xp = jnp.pad(x, ((0, NHAT - N), (0, 0)))
    b1r = b1.reshape(1, D_H)
    W2p = jnp.pad(W2, ((0, 0), (0, D_H - D_OUT)))
    b2r = jnp.pad(b2, (0, D_H - D_OUT)).reshape(1, D_H)
    Wm1a = jnp.pad(Wm1[:D_OUT], ((0, D_H - D_OUT), (0, 0)))
    Wm1b = jnp.pad(Wm1[D_OUT:], ((0, D_H - D_OUT), (0, 0)))
    bm1r = bm1.reshape(1, D_H)
    bm2r = bm2.reshape(1, 1)

    degp = _sc_degree(dstp)

    y1, dinv = pl.pallas_call(
        _y1_body,
        grid=(_NB,),
        out_shape=(jax.ShapeDtypeStruct((NHAT, D_H), f32),
                   jax.ShapeDtypeStruct((NHAT, 1), f32)),
        in_specs=[
            pl.BlockSpec((2, 1024, D_H), lambda i: (0, i, 0)),
            pl.BlockSpec((1024, D_IN), lambda i: (i, 0)),
            pl.BlockSpec((D_IN, D_H), lambda i: (0, 0)),
        ],
        out_specs=[pl.BlockSpec((1024, D_H), lambda i: (i, 0)),
                   pl.BlockSpec((1024, 1), lambda i: (i, 0))],
    )(degp, xp, W1)

    acc1 = _sc_mp128(y1, srcp, dstp)

    y2 = pl.pallas_call(
        _layer2_body,
        grid=(_NB,),
        out_shape=jax.ShapeDtypeStruct((NHAT, D_H), f32),
        in_specs=[
            pl.BlockSpec((2, 1024, D_H), lambda i: (0, i, 0)),
            pl.BlockSpec((1024, D_H), lambda i: (i, 0)),
            pl.BlockSpec((1024, 1), lambda i: (i, 0)),
            pl.BlockSpec((1, D_H), lambda i: (0, 0)),
            pl.BlockSpec((D_H, D_H), lambda i: (0, 0)),
        ],
        out_specs=pl.BlockSpec((1024, D_H), lambda i: (i, 0)),
    )(acc1, y1, dinv, b1r, W2p)

    acc2 = _sc_mp128(y2, srcp, dstp)

    z = pl.pallas_call(
        _z_body,
        grid=(_NB,),
        out_shape=jax.ShapeDtypeStruct((NHAT, D_H), f32),
        in_specs=[
            pl.BlockSpec((2, 1024, D_H), lambda i: (0, i, 0)),
            pl.BlockSpec((1024, D_H), lambda i: (i, 0)),
            pl.BlockSpec((1024, 1), lambda i: (i, 0)),
            pl.BlockSpec((1, D_H), lambda i: (0, 0)),
        ],
        out_specs=pl.BlockSpec((1024, D_H), lambda i: (i, 0)),
    )(acc2, y2, dinv, b2r)

    ef = _sc_decode_gather(z, e0p, e1p)

    dec = pl.pallas_call(
        _decode_body,
        grid=(_NEB,),
        out_shape=jax.ShapeDtypeStruct((EPAD, 1), f32),
        in_specs=[
            pl.BlockSpec((2, _EB, D_H), lambda i: (0, i, 0)),
            pl.BlockSpec((D_H, D_H), lambda i: (0, 0)),
            pl.BlockSpec((D_H, D_H), lambda i: (0, 0)),
            pl.BlockSpec((1, D_H), lambda i: (0, 0)),
            pl.BlockSpec((D_H, 1), lambda i: (0, 0)),
            pl.BlockSpec((1, 1), lambda i: (0, 0)),
        ],
        out_specs=pl.BlockSpec((_EB, 1), lambda i: (i, 0)),
    )(ef, Wm1a, Wm1b, bm1r, Wm2, bm2r)

    return dec[:E, 0]

# --- scband reference (transcript-rebuilt; emitter-appended) ---
"""Pipeline reference for scband-gcn-mlp-31172872634622 (READ-ONLY COPY).

The authoritative reference and input builder live on the scoring server;
editing this copy changes nothing except your own understanding.
"""

import jax, jax.numpy as jnp
import numpy as np

N = 10000
E = 320000
D_IN = 128
D_H = 128
D_OUT = 64

def setup_inputs(seed: int = 0) -> dict:
    key = jax.random.key(seed)
    ks = jax.random.split(key, 12)
    x = jax.random.normal(ks[0], (N, D_IN), dtype=jnp.float32)
    edge_index = jax.random.randint(ks[1], (2, E), 0, N)
    edge_label_index = jax.random.randint(ks[2], (2, E), 0, N)
    W1 = jax.random.normal(ks[3], (D_IN, D_H), dtype=jnp.float32) * (1.0 / np.sqrt(D_IN))
    b1 = jnp.zeros((D_H,), dtype=jnp.float32)
    W2 = jax.random.normal(ks[4], (D_H, D_OUT), dtype=jnp.float32) * (1.0 / np.sqrt(D_H))
    b2 = jnp.zeros((D_OUT,), dtype=jnp.float32)
    Wm1 = jax.random.normal(ks[5], (2 * D_OUT, D_H), dtype=jnp.float32) * (1.0 / np.sqrt(2 * D_OUT))
    bm1 = jnp.zeros((D_H,), dtype=jnp.float32)
    Wm2 = jax.random.normal(ks[6], (D_H, 1), dtype=jnp.float32) * (1.0 / np.sqrt(D_H))
    bm2 = jnp.zeros((1,), dtype=jnp.float32)
    return {"x": x, "edge_index": edge_index, "edge_label_index": edge_label_index,
            "W1": W1, "b1": b1, "W2": W2, "b2": b2,
            "Wm1": Wm1, "bm1": bm1, "Wm2": Wm2, "bm2": bm2}

def _gcn_conv(x, edge_index, W, b):
    # PyG GCNConv: add self-loops, symmetric normalization D^-1/2 (A+I) D^-1/2, then XW + b
    xw = x @ W
    loop = jnp.arange(N, dtype=edge_index.dtype)
    src = jnp.concatenate([edge_index[0], loop])
    dst = jnp.concatenate([edge_index[1], loop])
    deg = jax.ops.segment_sum(jnp.ones_like(dst, dtype=x.dtype), dst, num_segments=N)
    dinv = jnp.where(deg > 0, deg ** -0.5, 0.0)
    norm = dinv[src] * dinv[dst]
    msg = xw[src] * norm[:, None]
    out = jax.ops.segment_sum(msg, dst, num_segments=N)
    return out + b

def reference(x, edge_index, edge_label_index, W1, b1, W2, b2, Wm1, bm1, Wm2, bm2):
    # encode (eval mode: dropout is identity)
    h = jax.nn.relu(_gcn_conv(x, edge_index, W1, b1))
    z = _gcn_conv(h, edge_index, W2, b2)
    # decode
    s = z[edge_label_index[0]]
    d = z[edge_label_index[1]]
    ef = jnp.concatenate([s, d], axis=-1)
    h2 = jax.nn.relu(ef @ Wm1 + bm1)
    out = (h2 @ Wm2 + bm2).reshape(-1)
    return out

if __name__ == "__main__":
    import jax
    _d = setup_inputs()
    print(jax.jit(kernel)(*tuple(_d.values())))

</pallas_src>

<mosaic_0001>
#map = affine_map<(d0, d1) -> (0, 0)>
module attributes {stable_mosaic.version = 14 : i64} {
  func.func @dec_kernel(%arg0: i32, %arg1: i32, %arg2: memref<10240x128xf32, #tpu.memory_space<hbm>>, %arg3: memref<2560x128xi32, #tpu.memory_space<hbm>>, %arg4: memref<2560x128xi32, #tpu.memory_space<hbm>>, %arg5: memref<655360x128xf32, #tpu.memory_space<hbm>>, %arg6: memref<80x128xi32, #tpu.memory_space<vmem>>, %arg7: memref<80x128xi32, #tpu.memory_space<vmem>>, %arg8: memref<128x128xf32, #tpu.memory_space<vmem>>, %arg9: memref<128x128xf32, #tpu.memory_space<vmem>>, %arg10: memref<128x128xf32, #tpu.memory_space<vmem>>, %arg11: memref<128x128xf32, #tpu.memory_space<vmem>>, %arg12: memref<!tpu.dma_semaphore, #tpu.memory_space<semaphore_mem>>, %arg13: memref<!tpu.dma_semaphore, #tpu.memory_space<semaphore_mem>>) attributes {dimension_semantics = [#tpu.dimension_semantics<core_parallel>, #tpu.dimension_semantics<subcore_parallel>], iteration_bounds = array<i64: 2, 16>, scalar_prefetch = 0 : i64, scratch_operands = 8 : i64, tpu.core_type = #tpu.core_type<sc_vector_subcore>, window_params = [{transform_indices = #map}, {transform_indices = #map}, {transform_indices = #map}, {transform_indices = #map}]} {
    %mul3A = arith.constant 16 : i32
    %mul3A_0 = arith.muli %arg0, %mul3A : i32
    %add3A = arith.addi %mul3A_0, %arg1 : i32
    %mul3A_1 = arith.constant 80 : i32
    %mul3A_2 = arith.muli %add3A, %mul3A_1 : i32
    "tpu.region"() ({
      %run_scoped3A = tpu.sem_alloc : memref<!tpu.dma_semaphore, #tpu.memory_space<semaphore_mem>>
      %dma_start3A_20 = arith.constant 0 : i32
      %dma_start3A_21 = tpu.memref_slice %arg3[%mul3A_2, %dma_start3A_20] : memref<2560x128xi32, #tpu.memory_space<hbm>> -> memref<80x128xi32, #tpu.memory_space<hbm>>
      %dma_start3A_22 = arith.constant 0 : i32
      %dma_start3A_23 = tpu.memref_slice %arg3[%mul3A_2, %dma_start3A_22] : memref<2560x128xi32, #tpu.memory_space<hbm>> -> memref<80x128xi32, #tpu.memory_space<hbm>>
      tpu.enqueue_dma source(%dma_start3A_23 : memref<80x128xi32, #tpu.memory_space<hbm>>) target(%arg6 : memref<80x128xi32, #tpu.memory_space<vmem>>) target_semaphore(%run_scoped3A : memref<!tpu.dma_semaphore, #tpu.memory_space<semaphore_mem>>)
      %dma_wait3A = arith.constant 0 : i32
      %dma_wait3A_24 = tpu.memref_slice %arg3[%mul3A_2, %dma_wait3A] : memref<2560x128xi32, #tpu.memory_space<hbm>> -> memref<80x128xi32, #tpu.memory_space<hbm>>
      %dma_wait3A_25 = arith.constant 0 : i32
      %dma_wait3A_26 = tpu.memref_slice %arg3[%mul3A_2, %dma_wait3A_25] : memref<2560x128xi32, #tpu.memory_space<hbm>> -> memref<80x128xi32, #tpu.memory_space<hbm>>
      tpu.wait_dma2 semaphore(%run_scoped3A : memref<!tpu.dma_semaphore, #tpu.memory_space<semaphore_mem>>) src(%dma_wait3A_26 : memref<80x128xi32, #tpu.memory_space<hbm>>) dst(%arg6 : memref<80x128xi32, #tpu.memory_space<vmem>>)
      tpu.yield
    }) : () -> ()
    "tpu.region"() ({
      %run_scoped3A = tpu.sem_alloc : memref<!tpu.dma_semaphore, #tpu.memory_space<semaphore_mem>>
      %dma_start3A_20 = arith.constant 0 : i32
      %dma_start3A_21 = tpu.memref_slice %arg4[%mul3A_2, %dma_start3A_20] : memref<2560x128xi32, #tpu.memory_space<hbm>> -> memref<80x128xi32, #tpu.memory_space<hbm>>
      %dma_start3A_22 = arith.constant 0 : i32
      %dma_start3A_23 = tpu.memref_slice %arg4[%mul3A_2, %dma_start3A_22] : memref<2560x128xi32, #tpu.memory_space<hbm>> -> memref<80x128xi32, #tpu.memory_space<hbm>>
      tpu.enqueue_dma source(%dma_start3A_23 : memref<80x128xi32, #tpu.memory_space<hbm>>) target(%arg7 : memref<80x128xi32, #tpu.memory_space<vmem>>) target_semaphore(%run_scoped3A : memref<!tpu.dma_semaphore, #tpu.memory_space<semaphore_mem>>)
      %dma_wait3A = arith.constant 0 : i32
      %dma_wait3A_24 = tpu.memref_slice %arg4[%mul3A_2, %dma_wait3A] : memref<2560x128xi32, #tpu.memory_space<hbm>> -> memref<80x128xi32, #tpu.memory_space<hbm>>
      %dma_wait3A_25 = arith.constant 0 : i32
      %dma_wait3A_26 = tpu.memref_slice %arg4[%mul3A_2, %dma_wait3A_25] : memref<2560x128xi32, #tpu.memory_space<hbm>> -> memref<80x128xi32, #tpu.memory_space<hbm>>
      tpu.wait_dma2 semaphore(%run_scoped3A : memref<!tpu.dma_semaphore, #tpu.memory_space<semaphore_mem>>) src(%dma_wait3A_26 : memref<80x128xi32, #tpu.memory_space<hbm>>) dst(%arg7 : memref<80x128xi32, #tpu.memory_space<vmem>>)
      tpu.yield
    }) : () -> ()
    %dma_start3A = arith.constant 0 : i32
    %dma_start3A_3 = arith.constant 0 : i32
    %dma_start3A_4 = tpu.memref_slice %arg6[%dma_start3A, %dma_start3A_3] : memref<80x128xi32, #tpu.memory_space<vmem>> -> memref<1x128xi32, #tpu.memory_space<vmem>>
    %dma_start3A_5 = tpu.memref_squeeze %dma_start3A_4 : memref<1x128xi32, #tpu.memory_space<vmem>> -> memref<128xi32, #tpu.memory_space<vmem>>
    %dma_start3A_6 = arith.constant 0 : i32
    %dma_start3A_7 = arith.constant 0 : i32
    %dma_start3A_8 = tpu.memref_slice %arg2[%dma_start3A_6, %dma_start3A_7] : memref<10240x128xf32, #tpu.memory_space<hbm>> -> memref<10240x128xf32, #tpu.memory_space<hbm>>
    tpu.enqueue_indirect_dma source(%dma_start3A_8 : memref<10240x128xf32, #tpu.memory_space<hbm>>) target(%arg8 : memref<128x128xf32, #tpu.memory_space<vmem>>) offsets(%dma_start3A_5 : memref<128xi32, #tpu.memory_space<vmem>>) semaphore(%arg12 : memref<!tpu.dma_semaphore, #tpu.memory_space<semaphore_mem>>)
    %dma_start3A_9 = arith.constant 0 : i32
    %dma_start3A_10 = arith.constant 0 : i32
    %dma_start3A_11 = tpu.memref_slice %arg7[%dma_start3A_9, %dma_start3A_10] : memref<80x128xi32, #tpu.memory_space<vmem>> -> memref<1x128xi32, #tpu.memory_space<vmem>>
    %dma_start3A_12 = tpu.memref_squeeze %dma_start3A_11 : memref<1x128xi32, #tpu.memory_space<vmem>> -> memref<128xi32, #tpu.memory_space<vmem>>
    %dma_start3A_13 = arith.constant 0 : i32
    %dma_start3A_14 = arith.constant 0 : i32
    %dma_start3A_15 = tpu.memref_slice %arg2[%dma_start3A_13, %dma_start3A_14] : memref<10240x128xf32, #tpu.memory_space<hbm>> -> memref<10240x128xf32, #tpu.memory_space<hbm>>
    tpu.enqueue_indirect_dma source(%dma_start3A_15 : memref<10240x128xf32, #tpu.memory_space<hbm>>) target(%arg9 : memref<128x128xf32, #tpu.memory_space<vmem>>) offsets(%dma_start3A_12 : memref<128xi32, #tpu.memory_space<vmem>>) semaphore(%arg12 : memref<!tpu.dma_semaphore, #tpu.memory_space<semaphore_mem>>)
    %scan3A = arith.constant 0 : i32
    %scan3A_16 = arith.constant 40 : i32
    %scan3A_17 = arith.addi %scan3A, %scan3A_16 : i32
    %scan3A_18 = arith.constant 1 : i32
    scf.for %scan3A_20 = %scan3A to %scan3A_17 step %scan3A_18  : i32 {
      %mul3A_21 = arith.constant 2 : i32
      %mul3A_22 = arith.muli %mul3A_21, %scan3A_20 : i32
      %add3A_23 = arith.constant 1 : i32
      %add3A_24 = arith.addi %mul3A_22, %add3A_23 : i32
      %dma_start3A_25 = arith.constant 0 : i32
      %dma_start3A_26 = tpu.memref_slice %arg6[%add3A_24, %dma_start3A_25] : memref<80x128xi32, #tpu.memory_space<vmem>> -> memref<1x128xi32, #tpu.memory_space<vmem>>
      %dma_start3A_27 = tpu.memref_squeeze %dma_start3A_26 : memref<1x128xi32, #tpu.memory_space<vmem>> -> memref<128xi32, #tpu.memory_space<vmem>>
      %dma_start3A_28 = arith.constant 0 : i32
      %dma_start3A_29 = arith.constant 0 : i32
      %dma_start3A_30 = tpu.memref_slice %arg2[%dma_start3A_28, %dma_start3A_29] : memref<10240x128xf32, #tpu.memory_space<hbm>> -> memref<10240x128xf32, #tpu.memory_space<hbm>>
      tpu.enqueue_indirect_dma source(%dma_start3A_30 : memref<10240x128xf32, #tpu.memory_space<hbm>>) target(%arg10 : memref<128x128xf32, #tpu.memory_space<vmem>>) offsets(%dma_start3A_27 : memref<128xi32, #tpu.memory_space<vmem>>) semaphore(%arg13 : memref<!tpu.dma_semaphore, #tpu.memory_space<semaphore_mem>>)
      %dma_start3A_31 = arith.constant 0 : i32
      %dma_start3A_32 = tpu.memref_slice %arg7[%add3A_24, %dma_start3A_31] : memref<80x128xi32, #tpu.memory_space<vmem>> -> memref<1x128xi32, #tpu.memory_space<vmem>>
      %dma_start3A_33 = tpu.memref_squeeze %dma_start3A_32 : memref<1x128xi32, #tpu.memory_space<vmem>> -> memref<128xi32, #tpu.memory_space<vmem>>
      %dma_start3A_34 = arith.constant 0 : i32
      %dma_start3A_35 = arith.constant 0 : i32
      %dma_start3A_36 = tpu.memref_slice %arg2[%dma_start3A_34, %dma_start3A_35] : memref<10240x128xf32, #tpu.memory_space<hbm>> -> memref<10240x128xf32, #tpu.memory_space<hbm>>
      tpu.enqueue_indirect_dma source(%dma_start3A_36 : memref<10240x128xf32, #tpu.memory_space<hbm>>) target(%arg11 : memref<128x128xf32, #tpu.memory_space<vmem>>) offsets(%dma_start3A_33 : memref<128xi32, #tpu.memory_space<vmem>>) semaphore(%arg13 : memref<!tpu.dma_semaphore, #tpu.memory_space<semaphore_mem>>)
      %dma_wait3A = arith.constant 0 : i32
      %dma_wait3A_37 = tpu.memref_slice %arg6[%mul3A_22, %dma_wait3A] : memref<80x128xi32, #tpu.memory_space<vmem>> -> memref<1x128xi32, #tpu.memory_space<vmem>>
      %dma_wait3A_38 = tpu.memref_squeeze %dma_wait3A_37 : memref<1x128xi32, #tpu.memory_space<vmem>> -> memref<128xi32, #tpu.memory_space<vmem>>
      %dma_wait3A_39 = arith.constant 0 : i32
      %dma_wait3A_40 = arith.constant 0 : i32
      %dma_wait3A_41 = tpu.memref_slice %arg2[%dma_wait3A_39, %dma_wait3A_40] : memref<10240x128xf32, #tpu.memory_space<hbm>> -> memref<10240x128xf32, #tpu.memory_space<hbm>>
      tpu.wait_indirect_dma semaphore(%arg12 : memref<!tpu.dma_semaphore, #tpu.memory_space<semaphore_mem>>) src(%dma_wait3A_41 : memref<10240x128xf32, #tpu.memory_space<hbm>>) dst(%arg8 : memref<128x128xf32, #tpu.memory_space<vmem>>)
      %dma_wait3A_42 = arith.constant 0 : i32
      %dma_wait3A_43 = tpu.memref_slice %arg7[%mul3A_22, %dma_wait3A_42] : memref<80x128xi32, #tpu.memory_space<vmem>> -> memref<1x128xi32, #tpu.memory_space<vmem>>
      %dma_wait3A_44 = tpu.memref_squeeze %dma_wait3A_43 : memref<1x128xi32, #tpu.memory_space<vmem>> -> memref<128xi32, #tpu.memory_space<vmem>>
      %dma_wait3A_45 = arith.constant 0 : i32
      %dma_wait3A_46 = arith.constant 0 : i32
      %dma_wait3A_47 = tpu.memref_slice %arg2[%dma_wait3A_45, %dma_wait3A_46] : memref<10240x128xf32, #tpu.memory_space<hbm>> -> memref<10240x128xf32, #tpu.memory_space<hbm>>
      tpu.wait_indirect_dma semaphore(%arg12 : memref<!tpu.dma_semaphore, #tpu.memory_space<semaphore_mem>>) src(%dma_wait3A_47 : memref<10240x128xf32, #tpu.memory_space<hbm>>) dst(%arg9 : memref<128x128xf32, #tpu.memory_space<vmem>>)
      %mul3A_48 = arith.constant 10240 : i32
      %mul3A_49 = arith.muli %add3A, %mul3A_48 : i32
      %mul3A_50 = arith.constant 128 : i32
      %mul3A_51 = arith.muli %mul3A_22, %mul3A_50 : i32
      %add3A_52 = arith.addi %mul3A_49, %mul3A_51 : i32
      "tpu.region"() ({
        %run_scoped3A = tpu.sem_alloc : memref<!tpu.dma_semaphore, #tpu.memory_space<semaphore_mem>>
        %dma_start3A_78 = arith.constant 0 : i32
        %dma_start3A_79 = tpu.memref_slice %arg5[%add3A_52, %dma_start3A_78] : memref<655360x128xf32, #tpu.memory_space<hbm>> -> memref<128x128xf32, #tpu.memory_space<hbm>>
        %dma_start3A_80 = arith.constant 0 : i32
        %dma_start3A_81 = tpu.memref_slice %arg5[%add3A_52, %dma_start3A_80] : memref<655360x128xf32, #tpu.memory_space<hbm>> -> memref<128x128xf32, #tpu.memory_space<hbm>>
        tpu.enqueue_dma source(%arg8 : memref<128x128xf32, #tpu.memory_space<vmem>>) target(%dma_start3A_81 : memref<128x128xf32, #tpu.memory_space<hbm>>) target_semaphore(%run_scoped3A : memref<!tpu.dma_semaphore, #tpu.memory_space<semaphore_mem>>)
        %dma_wait3A_82 = arith.constant 0 : i32
        %dma_wait3A_83 = tpu.memref_slice %arg5[%add3A_52, %dma_wait3A_82] : memref<655360x128xf32, #tpu.memory_space<hbm>> -> memref<128x128xf32, #tpu.memory_space<hbm>>
        %dma_wait3A_84 = arith.constant 0 : i32
        %dma_wait3A_85 = tpu.memref_slice %arg5[%add3A_52, %dma_wait3A_84] : memref<655360x128xf32, #tpu.memory_space<hbm>> -> memref<128x128xf32, #tpu.memory_space<hbm>>
        tpu.wait_dma2 semaphore(%run_scoped3A : memref<!tpu.dma_semaphore, #tpu.memory_space<semaphore_mem>>) src(%arg8 : memref<128x128xf32, #tpu.memory_space<vmem>>) dst(%dma_wait3A_85 : memref<128x128xf32, #tpu.memory_space<hbm>>)
        tpu.yield
      }) : () -> ()
      %add3A_53 = arith.constant 327680 : i32
      %add3A_54 = arith.addi %add3A_53, %add3A_52 : i32
      "tpu.region"() ({
        %run_scoped3A = tpu.sem_alloc : memref<!tpu.dma_semaphore, #tpu.memory_space<semaphore_mem>>
        %dma_start3A_78 = arith.constant 0 : i32
        %dma_start3A_79 = tpu.memref_slice %arg5[%add3A_54, %dma_start3A_78] : memref<655360x128xf32, #tpu.memory_space<hbm>> -> memref<128x128xf32, #tpu.memory_space<hbm>>
        %dma_start3A_80 = arith.constant 0 : i32
        %dma_start3A_81 = tpu.memref_slice %arg5[%add3A_54, %dma_start3A_80] : memref<655360x128xf32, #tpu.memory_space<hbm>> -> memref<128x128xf32, #tpu.memory_space<hbm>>
        tpu.enqueue_dma source(%arg9 : memref<128x128xf32, #tpu.memory_space<vmem>>) target(%dma_start3A_81 : memref<128x128xf32, #tpu.memory_space<hbm>>) target_semaphore(%run_scoped3A : memref<!tpu.dma_semaphore, #tpu.memory_space<semaphore_mem>>)
        %dma_wait3A_82 = arith.constant 0 : i32
        %dma_wait3A_83 = tpu.memref_slice %arg5[%add3A_54, %dma_wait3A_82] : memref<655360x128xf32, #tpu.memory_space<hbm>> -> memref<128x128xf32, #tpu.memory_space<hbm>>
        %dma_wait3A_84 = arith.constant 0 : i32
        %dma_wait3A_85 = tpu.memref_slice %arg5[%add3A_54, %dma_wait3A_84] : memref<655360x128xf32, #tpu.memory_space<hbm>> -> memref<128x128xf32, #tpu.memory_space<hbm>>
        tpu.wait_dma2 semaphore(%run_scoped3A : memref<!tpu.dma_semaphore, #tpu.memory_space<semaphore_mem>>) src(%arg9 : memref<128x128xf32, #tpu.memory_space<vmem>>) dst(%dma_wait3A_85 : memref<128x128xf32, #tpu.memory_space<hbm>>)
        tpu.yield
      }) : () -> ()
      %lt3A = arith.constant 39 : i32
      %lt3A_55 = arith.cmpi slt, %scan3A_20, %lt3A : i32
      %convert_element_type3A = arith.extui %lt3A_55 : i1 to i32
      %cond3A = arith.constant 0 : i32
      %cond3A_56 = arith.cmpi ne, %convert_element_type3A, %cond3A : i32
      scf.if %cond3A_56 {
        %add3A_78 = arith.constant 2 : i32
        %add3A_79 = arith.addi %mul3A_22, %add3A_78 : i32
        %dma_start3A_80 = arith.constant 0 : i32
        %dma_start3A_81 = tpu.memref_slice %arg6[%add3A_79, %dma_start3A_80] : memref<80x128xi32, #tpu.memory_space<vmem>> -> memref<1x128xi32, #tpu.memory_space<vmem>>
        %dma_start3A_82 = tpu.memref_squeeze %dma_start3A_81 : memref<1x128xi32, #tpu.memory_space<vmem>> -> memref<128xi32, #tpu.memory_space<vmem>>
        %dma_start3A_83 = arith.constant 0 : i32
        %dma_start3A_84 = arith.constant 0 : i32
        %dma_start3A_85 = tpu.memref_slice %arg2[%dma_start3A_83, %dma_start3A_84] : memref<10240x128xf32, #tpu.memory_space<hbm>> -> memref<10240x128xf32, #tpu.memory_space<hbm>>
        tpu.enqueue_indirect_dma source(%dma_start3A_85 : memref<10240x128xf32, #tpu.memory_space<hbm>>) target(%arg8 : memref<128x128xf32, #tpu.memory_space<vmem>>) offsets(%dma_start3A_82 : memref<128xi32, #tpu.memory_space<vmem>>) semaphore(%arg12 : memref<!tpu.dma_semaphore, #tpu.memory_space<semaphore_mem>>)
        %dma_start3A_86 = arith.constant 0 : i32
        %dma_start3A_87 = tpu.memref_slice %arg7[%add3A_79, %dma_start3A_86] : memref<80x128xi32, #tpu.memory_space<vmem>> -> memref<1x128xi32, #tpu.memory_space<vmem>>
        %dma_start3A_88 = tpu.memref_squeeze %dma_start3A_87 : memref<1x128xi32, #tpu.memory_space<vmem>> -> memref<128xi32, #tpu.memory_space<vmem>>
        %dma_start3A_89 = arith.constant 0 : i32
        %dma_start3A_90 = arith.constant 0 : i32
        %dma_start3A_91 = tpu.memref_slice %arg2[%dma_start3A_89, %dma_start3A_90] : memref<10240x128xf32, #tpu.memory_space<hbm>> -> memref<10240x128xf32, #tpu.memory_space<hbm>>
        tpu.enqueue_indirect_dma source(%dma_start3A_91 : memref<10240x128xf32, #tpu.memory_space<hbm>>) target(%arg9 : memref<128x128xf32, #tpu.memory_space<vmem>>) offsets(%dma_start3A_88 : memref<128xi32, #tpu.memory_space<vmem>>) semaphore(%arg12 : memref<!tpu.dma_semaphore, #tpu.memory_space<semaphore_mem>>)
      } else {
      }
      %add3A_57 = arith.constant 1 : i32
      %add3A_58 = arith.addi %mul3A_22, %add3A_57 : i32
      %dma_wait3A_59 = arith.constant 0 : i32
      %dma_wait3A_60 = tpu.memref_slice %arg6[%add3A_58, %dma_wait3A_59] : memref<80x128xi32, #tpu.memory_space<vmem>> -> memref<1x128xi32, #tpu.memory_space<vmem>>
      %dma_wait3A_61 = tpu.memref_squeeze %dma_wait3A_60 : memref<1x128xi32, #tpu.memory_space<vmem>> -> memref<128xi32, #tpu.memory_space<vmem>>
      %dma_wait3A_62 = arith.constant 0 : i32
      %dma_wait3A_63 = arith.constant 0 : i32
      %dma_wait3A_64 = tpu.memref_slice %arg2[%dma_wait3A_62, %dma_wait3A_63] : memref<10240x128xf32, #tpu.memory_space<hbm>> -> memref<10240x128xf32, #tpu.memory_space<hbm>>
      tpu.wait_indirect_dma semaphore(%arg13 : memref<!tpu.dma_semaphore, #tpu.memory_space<semaphore_mem>>) src(%dma_wait3A_64 : memref<10240x128xf32, #tpu.memory_space<hbm>>) dst(%arg10 : memref<128x128xf32, #tpu.memory_space<vmem>>)
      %dma_wait3A_65 = arith.constant 0 : i32
      %dma_wait3A_66 = tpu.memref_slice %arg7[%add3A_58, %dma_wait3A_65] : memref<80x128xi32, #tpu.memory_space<vmem>> -> memref<1x128xi32, #tpu.memory_space<vmem>>
      %dma_wait3A_67 = tpu.memref_squeeze %dma_wait3A_66 : memref<1x128xi32, #tpu.memory_space<vmem>> -> memref<128xi32, #tpu.memory_space<vmem>>
      %dma_wait3A_68 = arith.constant 0 : i32
      %dma_wait3A_69 = arith.constant 0 : i32
      %dma_wait3A_70 = tpu.memref_slice %arg2[%dma_wait3A_68, %dma_wait3A_69] : memref<10240x128xf32, #tpu.memory_space<hbm>> -> memref<10240x128xf32, #tpu.memory_space<hbm>>
      tpu.wait_indirect_dma semaphore(%arg13 : memref<!tpu.dma_semaphore, #tpu.memory_space<semaphore_mem>>) src(%dma_wait3A_70 : memref<10240x128xf32, #tpu.memory_space<hbm>>) dst(%arg11 : memref<128x128xf32, #tpu.memory_space<vmem>>)
      %mul3A_71 = arith.constant 10240 : i32
      %mul3A_72 = arith.muli %add3A, %mul3A_71 : i32
      %mul3A_73 = arith.constant 128 : i32
      %mul3A_74 = arith.muli %add3A_58, %mul3A_73 : i32
      %add3A_75 = arith.addi %mul3A_72, %mul3A_74 : i32
      "tpu.region"() ({
        %run_scoped3A = tpu.sem_alloc : memref<!tpu.dma_semaphore, #tpu.memory_space<semaphore_mem>>
        %dma_start3A_78 = arith.constant 0 : i32
        %dma_start3A_79 = tpu.memref_slice %arg5[%add3A_75, %dma_start3A_78] : memref<655360x128xf32, #tpu.memory_space<hbm>> -> memref<128x128xf32, #tpu.memory_space<hbm>>
        %dma_start3A_80 = arith.constant 0 : i32
        %dma_start3A_81 = tpu.memref_slice %arg5[%add3A_75, %dma_start3A_80] : memref<655360x128xf32, #tpu.memory_space<hbm>> -> memref<128x128xf32, #tpu.memory_space<hbm>>
        tpu.enqueue_dma source(%arg10 : memref<128x128xf32, #tpu.memory_space<vmem>>) target(%dma_start3A_81 : memref<128x128xf32, #tpu.memory_space<hbm>>) target_semaphore(%run_scoped3A : memref<!tpu.dma_semaphore, #tpu.memory_space<semaphore_mem>>)
        %dma_wait3A_82 = arith.constant 0 : i32
        %dma_wait3A_83 = tpu.memref_slice %arg5[%add3A_75, %dma_wait3A_82] : memref<655360x128xf32, #tpu.memory_space<hbm>> -> memref<128x128xf32, #tpu.memory_space<hbm>>
        %dma_wait3A_84 = arith.constant 0 : i32
        %dma_wait3A_85 = tpu.memref_slice %arg5[%add3A_75, %dma_wait3A_84] : memref<655360x128xf32, #tpu.memory_space<hbm>> -> memref<128x128xf32, #tpu.memory_space<hbm>>
        tpu.wait_dma2 semaphore(%run_scoped3A : memref<!tpu.dma_semaphore, #tpu.memory_space<semaphore_mem>>) src(%arg10 : memref<128x128xf32, #tpu.memory_space<vmem>>) dst(%dma_wait3A_85 : memref<128x128xf32, #tpu.memory_space<hbm>>)
        tpu.yield
      }) : () -> ()
      %add3A_76 = arith.constant 327680 : i32
      %add3A_77 = arith.addi %add3A_76, %add3A_75 : i32
      "tpu.region"() ({
        %run_scoped3A = tpu.sem_alloc : memref<!tpu.dma_semaphore, #tpu.memory_space<semaphore_mem>>
        %dma_start3A_78 = arith.constant 0 : i32
        %dma_start3A_79 = tpu.memref_slice %arg5[%add3A_77, %dma_start3A_78] : memref<655360x128xf32, #tpu.memory_space<hbm>> -> memref<128x128xf32, #tpu.memory_space<hbm>>
        %dma_start3A_80 = arith.constant 0 : i32
        %dma_start3A_81 = tpu.memref_slice %arg5[%add3A_77, %dma_start3A_80] : memref<655360x128xf32, #tpu.memory_space<hbm>> -> memref<128x128xf32, #tpu.memory_space<hbm>>
        tpu.enqueue_dma source(%arg11 : memref<128x128xf32, #tpu.memory_space<vmem>>) target(%dma_start3A_81 : memref<128x128xf32, #tpu.memory_space<hbm>>) target_semaphore(%run_scoped3A : memref<!tpu.dma_semaphore, #tpu.memory_space<semaphore_mem>>)
        %dma_wait3A_82 = arith.constant 0 : i32
        %dma_wait3A_83 = tpu.memref_slice %arg5[%add3A_77, %dma_wait3A_82] : memref<655360x128xf32, #tpu.memory_space<hbm>> -> memref<128x128xf32, #tpu.memory_space<hbm>>
        %dma_wait3A_84 = arith.constant 0 : i32
        %dma_wait3A_85 = tpu.memref_slice %arg5[%add3A_77, %dma_wait3A_84] : memref<655360x128xf32, #tpu.memory_space<hbm>> -> memref<128x128xf32, #tpu.memory_space<hbm>>
        tpu.wait_dma2 semaphore(%run_scoped3A : memref<!tpu.dma_semaphore, #tpu.memory_space<semaphore_mem>>) src(%arg11 : memref<128x128xf32, #tpu.memory_space<vmem>>) dst(%dma_wait3A_85 : memref<128x128xf32, #tpu.memory_space<hbm>>)
        tpu.yield
      }) : () -> ()
    }
    %scan3A_19 = arith.constant 40 : i32
    return
  }
}

#map = affine_map<(d0, d1) -> (0, 0)>
module attributes {stable_mosaic.version = 14 : i64} {
  func.func @deg_kernel(%arg0: i32, %arg1: i32, %arg2: memref<2560x128xi32, #tpu.memory_space<hbm>>, %arg3: memref<20480x128xf32, #tpu.memory_space<hbm>>, %arg4: memref<80x128xi32, #tpu.memory_space<vmem>>, %arg5: memref<128x128xf32, #tpu.memory_space<vmem>>, %arg6: memref<5x128xi32, #tpu.memory_space<vmem>>, %arg7: memref<10240x128xf32, #tpu.memory_space<vmem_shared>>, %arg8: memref<!tpu.dma_semaphore, #tpu.memory_space<semaphore_mem>>) attributes {dimension_semantics = [#tpu.dimension_semantics<core_parallel>, #tpu.dimension_semantics<subcore_parallel>], iteration_bounds = array<i64: 2, 16>, scalar_prefetch = 0 : i64, scratch_operands = 5 : i64, tpu.core_type = #tpu.core_type<sc_vector_subcore>, window_params = [{transform_indices = #map}, {transform_indices = #map}]} {
    %mul3A = arith.constant 16 : i32
    %mul3A_0 = arith.muli %arg0, %mul3A : i32
    %add3A = arith.addi %mul3A_0, %arg1 : i32
    %mul3A_1 = arith.constant 640 : i32
    %mul3A_2 = arith.muli %arg1, %mul3A_1 : i32
    %iota3A = tpu.iota {dimensions = array<i32: 0>} : vector<16xi32>
    %scan3A = arith.constant 0 : i32
    %scan3A_3 = arith.constant 5 : i32
    %scan3A_4 = arith.addi %scan3A, %scan3A_3 : i32
    %scan3A_5 = arith.constant 1 : i32
    scf.for %scan3A_72 = %scan3A to %scan3A_4 step %scan3A_5  : i32 {
      %mul3A_73 = arith.constant 128 : i32
      %mul3A_74 = arith.muli %scan3A_72, %mul3A_73 : i32
      %add3A_75 = arith.addi %mul3A_2, %mul3A_74 : i32
      %add3A_76 = arith.constant 0 : i32
      %add3A_77 = arith.addi %add3A_75, %add3A_76 : i32
      %add3A_78 = vector.broadcast %add3A_77 : i32 to vector<16xi32>
      %add3A_79 = arith.addi %add3A_78, %iota3A : vector<16xi32>
      %swap3A = arith.index_cast %scan3A_72 : i32 to index
      %swap3A_80 = arith.constant 0 : index
      %swap3A_81 = tpu.vector_load %arg6[%swap3A, %swap3A_80] {strides = array<i32>} : memref<5x128xi32, #tpu.memory_space<vmem>>, vector<1x16xi32>,
      %swap3A_82 = vector.shape_cast %swap3A_81 : vector<1x16xi32> to vector<16xi32>
      %swap3A_83 = vector.shape_cast %add3A_79 : vector<16xi32> to vector<1x16xi32>
      tpu.vector_store %arg6[%swap3A, %swap3A_80], %swap3A_83 {strides = array<i32>} : memref<5x128xi32, #tpu.memory_space<vmem>>, vector<1x16xi32>,
      %mul3A_84 = arith.constant 128 : i32
      %mul3A_85 = arith.muli %scan3A_72, %mul3A_84 : i32
      %add3A_86 = arith.addi %mul3A_2, %mul3A_85 : i32
      %add3A_87 = arith.constant 16 : i32
      %add3A_88 = arith.addi %add3A_86, %add3A_87 : i32
      %add3A_89 = vector.broadcast %add3A_88 : i32 to vector<16xi32>
      %add3A_90 = arith.addi %add3A_89, %iota3A : vector<16xi32>
      %swap3A_91 = arith.index_cast %scan3A_72 : i32 to index
      %swap3A_92 = arith.constant 16 : index
      %swap3A_93 = tpu.vector_load %arg6[%swap3A_91, %swap3A_92] {strides = array<i32>} : memref<5x128xi32, #tpu.memory_space<vmem>>, vector<1x16xi32>,
      %swap3A_94 = vector.shape_cast %swap3A_93 : vector<1x16xi32> to vector<16xi32>
      %swap3A_95 = vector.shape_cast %add3A_90 : vector<16xi32> to vector<1x16xi32>
      tpu.vector_store %arg6[%swap3A_91, %swap3A_92], %swap3A_95 {strides = array<i32>} : memref<5x128xi32, #tpu.memory_space<vmem>>, vector<1x16xi32>,
      %mul3A_96 = arith.constant 128 : i32
      %mul3A_97 = arith.muli %scan3A_72, %mul3A_96 : i32
      %add3A_98 = arith.addi %mul3A_2, %mul3A_97 : i32
      %add3A_99 = arith.constant 32 : i32
      %add3A_100 = arith.addi %add3A_98, %add3A_99 : i32
      %add3A_101 = vector.broadcast %add3A_100 : i32 to vector<16xi32>
      %add3A_102 = arith.addi %add3A_101, %iota3A : vector<16xi32>
      %swap3A_103 = arith.index_cast %scan3A_72 : i32 to index
      %swap3A_104 = arith.constant 32 : index
      %swap3A_105 = tpu.vector_load %arg6[%swap3A_103, %swap3A_104] {strides = array<i32>} : memref<5x128xi32, #tpu.memory_space<vmem>>, vector<1x16xi32>,
      %swap3A_106 = vector.shape_cast %swap3A_105 : vector<1x16xi32> to vector<16xi32>
      %swap3A_107 = vector.shape_cast %add3A_102 : vector<16xi32> to vector<1x16xi32>
      tpu.vector_store %arg6[%swap3A_103, %swap3A_104], %swap3A_107 {strides = array<i32>} : memref<5x128xi32, #tpu.memory_space<vmem>>, vector<1x16xi32>,
      %mul3A_108 = arith.constant 128 : i32
      %mul3A_109 = arith.muli %scan3A_72, %mul3A_108 : i32
      %add3A_110 = arith.addi %mul3A_2, %mul3A_109 : i32
      %add3A_111 = arith.constant 48 : i32
      %add3A_112 = arith.addi %add3A_110, %add3A_111 : i32
      %add3A_113 = vector.broadcast %add3A_112 : i32 to vector<16xi32>
      %add3A_114 = arith.addi %add3A_113, %iota3A : vector<16xi32>
      %swap3A_115 = arith.index_cast %scan3A_72 : i32 to index
      %swap3A_116 = arith.constant 48 : index
      %swap3A_117 = tpu.vector_load %arg6[%swap3A_115, %swap3A_116] {strides = array<i32>} : memref<5x128xi32, #tpu.memory_space<vmem>>, vector<1x16xi32>,
      %swap3A_118 = vector.shape_cast %swap3A_117 : vector<1x16xi32> to vector<16xi32>
      %swap3A_119 = vector.shape_cast %add3A_114 : vector<16xi32> to vector<1x16xi32>
      tpu.vector_store %arg6[%swap3A_115, %swap3A_116], %swap3A_119 {strides = array<i32>} : memref<5x128xi32, #tpu.memory_space<vmem>>, vector<1x16xi32>,
      %mul3A_120 = arith.constant 128 : i32
      %mul3A_121 = arith.muli %scan3A_72, %mul3A_120 : i32
      %add3A_122 = arith.addi %mul3A_2, %mul3A_121 : i32
      %add3A_123 = arith.constant 64 : i32
      %add3A_124 = arith.addi %add3A_122, %add3A_123 : i32
      %add3A_125 = vector.broadcast %add3A_124 : i32 to vector<16xi32>
      %add3A_126 = arith.addi %add3A_125, %iota3A : vector<16xi32>
      %swap3A_127 = arith.index_cast %scan3A_72 : i32 to index
      %swap3A_128 = arith.constant 64 : index
      %swap3A_129 = tpu.vector_load %arg6[%swap3A_127, %swap3A_128] {strides = array<i32>} : memref<5x128xi32, #tpu.memory_space<vmem>>, vector<1x16xi32>,
      %swap3A_130 = vector.shape_cast %swap3A_129 : vector<1x16xi32> to vector<16xi32>
      %swap3A_131 = vector.shape_cast %add3A_126 : vector<16xi32> to vector<1x16xi32>
      tpu.vector_store %arg6[%swap3A_127, %swap3A_128], %swap3A_131 {strides = array<i32>} : memref<5x128xi32, #tpu.memory_space<vmem>>, vector<1x16xi32>,
      %mul3A_132 = arith.constant 128 : i32
      %mul3A_133 = arith.muli %scan3A_72, %mul3A_132 : i32
      %add3A_134 = arith.addi %mul3A_2, %mul3A_133 : i32
      %add3A_135 = arith.constant 80 : i32
      %add3A_136 = arith.addi %add3A_134, %add3A_135 : i32
      %add3A_137 = vector.broadcast %add3A_136 : i32 to vector<16xi32>
      %add3A_138 = arith.addi %add3A_137, %iota3A : vector<16xi32>
      %swap3A_139 = arith.index_cast %scan3A_72 : i32 to index
      %swap3A_140 = arith.constant 80 : index
      %swap3A_141 = tpu.vector_load %arg6[%swap3A_139, %swap3A_140] {strides = array<i32>} : memref<5x128xi32, #tpu.memory_space<vmem>>, vector<1x16xi32>,
      %swap3A_142 = vector.shape_cast %swap3A_141 : vector<1x16xi32> to vector<16xi32>
      %swap3A_143 = vector.shape_cast %add3A_138 : vector<16xi32> to vector<1x16xi32>
      tpu.vector_store %arg6[%swap3A_139, %swap3A_140], %swap3A_143 {strides = array<i32>} : memref<5x128xi32, #tpu.memory_space<vmem>>, vector<1x16xi32>,
      %mul3A_144 = arith.constant 128 : i32
      %mul3A_145 = arith.muli %scan3A_72, %mul3A_144 : i32
      %add3A_146 = arith.addi %mul3A_2, %mul3A_145 : i32
      %add3A_147 = arith.constant 96 : i32
      %add3A_148 = arith.addi %add3A_146, %add3A_147 : i32
      %add3A_149 = vector.broadcast %add3A_148 : i32 to vector<16xi32>
      %add3A_150 = arith.addi %add3A_149, %iota3A : vector<16xi32>
      %swap3A_151 = arith.index_cast %scan3A_72 : i32 to index
      %swap3A_152 = arith.constant 96 : index
      %swap3A_153 = tpu.vector_load %arg6[%swap3A_151, %swap3A_152] {strides = array<i32>} : memref<5x128xi32, #tpu.memory_space<vmem>>, vector<1x16xi32>,
      %swap3A_154 = vector.shape_cast %swap3A_153 : vector<1x16xi32> to vector<16xi32>
      %swap3A_155 = vector.shape_cast %add3A_150 : vector<16xi32> to vector<1x16xi32>
      tpu.vector_store %arg6[%swap3A_151, %swap3A_152], %swap3A_155 {strides = array<i32>} : memref<5x128xi32, #tpu.memory_space<vmem>>, vector<1x16xi32>,
      %mul3A_156 = arith.constant 128 : i32
      %mul3A_157 = arith.muli %scan3A_72, %mul3A_156 : i32
      %add3A_158 = arith.addi %mul3A_2, %mul3A_157 : i32
      %add3A_159 = arith.constant 112 : i32
      %add3A_160 = arith.addi %add3A_158, %add3A_159 : i32
      %add3A_161 = vector.broadcast %add3A_160 : i32 to vector<16xi32>
      %add3A_162 = arith.addi %add3A_161, %iota3A : vector<16xi32>
      %swap3A_163 = arith.index_cast %scan3A_72 : i32 to index
      %swap3A_164 = arith.constant 112 : index
      %swap3A_165 = tpu.vector_load %arg6[%swap3A_163, %swap3A_164] {strides = array<i32>} : memref<5x128xi32, #tpu.memory_space<vmem>>, vector<1x16xi32>,
      %swap3A_166 = vector.shape_cast %swap3A_165 : vector<1x16xi32> to vector<16xi32>
      %swap3A_167 = vector.shape_cast %add3A_162 : vector<16xi32> to vector<1x16xi32>
      tpu.vector_store %arg6[%swap3A_163, %swap3A_164], %swap3A_167 {strides = array<i32>} : memref<5x128xi32, #tpu.memory_space<vmem>>, vector<1x16xi32>,
    }
    %scan3A_6 = arith.constant 5 : i32
    %mul3A_7 = arith.constant 80 : i32
    %mul3A_8 = arith.muli %add3A, %mul3A_7 : i32
    "tpu.region"() ({
      %run_scoped3A_72 = tpu.sem_alloc : memref<!tpu.dma_semaphore, #tpu.memory_space<semaphore_mem>>
      %dma_start3A = arith.constant 0 : i32
      %dma_start3A_73 = tpu.memref_slice %arg2[%mul3A_8, %dma_start3A] : memref<2560x128xi32, #tpu.memory_space<hbm>> -> memref<80x128xi32, #tpu.memory_space<hbm>>
      %dma_start3A_74 = arith.constant 0 : i32
      %dma_start3A_75 = tpu.memref_slice %arg2[%mul3A_8, %dma_start3A_74] : memref<2560x128xi32, #tpu.memory_space<hbm>> -> memref<80x128xi32, #tpu.memory_space<hbm>>
      tpu.enqueue_dma source(%dma_start3A_75 : memref<80x128xi32, #tpu.memory_space<hbm>>) target(%arg4 : memref<80x128xi32, #tpu.memory_space<vmem>>) target_semaphore(%run_scoped3A_72 : memref<!tpu.dma_semaphore, #tpu.memory_space<semaphore_mem>>)
      %dma_wait3A = arith.constant 0 : i32
      %dma_wait3A_76 = tpu.memref_slice %arg2[%mul3A_8, %dma_wait3A] : memref<2560x128xi32, #tpu.memory_space<hbm>> -> memref<80x128xi32, #tpu.memory_space<hbm>>
      %dma_wait3A_77 = arith.constant 0 : i32
      %dma_wait3A_78 = tpu.memref_slice %arg2[%mul3A_8, %dma_wait3A_77] : memref<2560x128xi32, #tpu.memory_space<hbm>> -> memref<80x128xi32, #tpu.memory_space<hbm>>
      tpu.wait_dma2 semaphore(%run_scoped3A_72 : memref<!tpu.dma_semaphore, #tpu.memory_space<semaphore_mem>>) src(%dma_wait3A_78 : memref<80x128xi32, #tpu.memory_space<hbm>>) dst(%arg4 : memref<80x128xi32, #tpu.memory_space<vmem>>)
      tpu.yield
    }) : () -> ()
    %broadcast_in_dim3A = arith.constant 0.000000e+00 : f32
    %broadcast_in_dim3A_9 = vector.broadcast %broadcast_in_dim3A : f32 to vector<16xf32>
    %scan3A_10 = arith.constant 0 : i32
    %scan3A_11 = arith.constant 128 : i32
    %scan3A_12 = arith.addi %scan3A_10, %scan3A_11 : i32
    %scan3A_13 = arith.constant 1 : i32
    scf.for %scan3A_72 = %scan3A_10 to %scan3A_12 step %scan3A_13  : i32 {
      %swap3A = arith.index_cast %scan3A_72 : i32 to index
      %swap3A_73 = arith.constant 0 : index
      %swap3A_74 = tpu.vector_load %arg5[%swap3A, %swap3A_73] {strides = array<i32>} : memref<128x128xf32, #tpu.memory_space<vmem>>, vector<1x16xf32>,
      %swap3A_75 = vector.shape_cast %swap3A_74 : vector<1x16xf32> to vector<16xf32>
      %swap3A_76 = vector.shape_cast %broadcast_in_dim3A_9 : vector<16xf32> to vector<1x16xf32>
      tpu.vector_store %arg5[%swap3A, %swap3A_73], %swap3A_76 {strides = array<i32>} : memref<128x128xf32, #tpu.memory_space<vmem>>, vector<1x16xf32>,
      %swap3A_77 = arith.index_cast %scan3A_72 : i32 to index
      %swap3A_78 = arith.constant 16 : index
      %swap3A_79 = tpu.vector_load %arg5[%swap3A_77, %swap3A_78] {strides = array<i32>} : memref<128x128xf32, #tpu.memory_space<vmem>>, vector<1x16xf32>,
      %swap3A_80 = vector.shape_cast %swap3A_79 : vector<1x16xf32> to vector<16xf32>
      %swap3A_81 = vector.shape_cast %broadcast_in_dim3A_9 : vector<16xf32> to vector<1x16xf32>
      tpu.vector_store %arg5[%swap3A_77, %swap3A_78], %swap3A_81 {strides = array<i32>} : memref<128x128xf32, #tpu.memory_space<vmem>>, vector<1x16xf32>,
      %swap3A_82 = arith.index_cast %scan3A_72 : i32 to index
      %swap3A_83 = arith.constant 32 : index
      %swap3A_84 = tpu.vector_load %arg5[%swap3A_82, %swap3A_83] {strides = array<i32>} : memref<128x128xf32, #tpu.memory_space<vmem>>, vector<1x16xf32>,
      %swap3A_85 = vector.shape_cast %swap3A_84 : vector<1x16xf32> to vector<16xf32>
      %swap3A_86 = vector.shape_cast %broadcast_in_dim3A_9 : vector<16xf32> to vector<1x16xf32>
      tpu.vector_store %arg5[%swap3A_82, %swap3A_83], %swap3A_86 {strides = array<i32>} : memref<128x128xf32, #tpu.memory_space<vmem>>, vector<1x16xf32>,
      %swap3A_87 = arith.index_cast %scan3A_72 : i32 to index
      %swap3A_88 = arith.constant 48 : index
      %swap3A_89 = tpu.vector_load %arg5[%swap3A_87, %swap3A_88] {strides = array<i32>} : memref<128x128xf32, #tpu.memory_space<vmem>>, vector<1x16xf32>,
      %swap3A_90 = vector.shape_cast %swap3A_89 : vector<1x16xf32> to vector<16xf32>
      %swap3A_91 = vector.shape_cast %broadcast_in_dim3A_9 : vector<16xf32> to vector<1x16xf32>
      tpu.vector_store %arg5[%swap3A_87, %swap3A_88], %swap3A_91 {strides = array<i32>} : memref<128x128xf32, #tpu.memory_space<vmem>>, vector<1x16xf32>,
      %swap3A_92 = arith.index_cast %scan3A_72 : i32 to index
      %swap3A_93 = arith.constant 64 : index
      %swap3A_94 = tpu.vector_load %arg5[%swap3A_92, %swap3A_93] {strides = array<i32>} : memref<128x128xf32, #tpu.memory_space<vmem>>, vector<1x16xf32>,
      %swap3A_95 = vector.shape_cast %swap3A_94 : vector<1x16xf32> to vector<16xf32>
      %swap3A_96 = vector.shape_cast %broadcast_in_dim3A_9 : vector<16xf32> to vector<1x16xf32>
      tpu.vector_store %arg5[%swap3A_92, %swap3A_93], %swap3A_96 {strides = array<i32>} : memref<128x128xf32, #tpu.memory_space<vmem>>, vector<1x16xf32>,
      %swap3A_97 = arith.index_cast %scan3A_72 : i32 to index
      %swap3A_98 = arith.constant 80 : index
      %swap3A_99 = tpu.vector_load %arg5[%swap3A_97, %swap3A_98] {strides = array<i32>} : memref<128x128xf32, #tpu.memory_space<vmem>>, vector<1x16xf32>,
      %swap3A_100 = vector.shape_cast %swap3A_99 : vector<1x16xf32> to vector<16xf32>
      %swap3A_101 = vector.shape_cast %broadcast_in_dim3A_9 : vector<16xf32> to vector<1x16xf32>
      tpu.vector_store %arg5[%swap3A_97, %swap3A_98], %swap3A_101 {strides = array<i32>} : memref<128x128xf32, #tpu.memory_space<vmem>>, vector<1x16xf32>,
      %swap3A_102 = arith.index_cast %scan3A_72 : i32 to index
      %swap3A_103 = arith.constant 96 : index
      %swap3A_104 = tpu.vector_load %arg5[%swap3A_102, %swap3A_103] {strides = array<i32>} : memref<128x128xf32, #tpu.memory_space<vmem>>, vector<1x16xf32>,
      %swap3A_105 = vector.shape_cast %swap3A_104 : vector<1x16xf32> to vector<16xf32>
      %swap3A_106 = vector.shape_cast %broadcast_in_dim3A_9 : vector<16xf32> to vector<1x16xf32>
      tpu.vector_store %arg5[%swap3A_102, %swap3A_103], %swap3A_106 {strides = array<i32>} : memref<128x128xf32, #tpu.memory_space<vmem>>, vector<1x16xf32>,
      %swap3A_107 = arith.index_cast %scan3A_72 : i32 to index
      %swap3A_108 = arith.constant 112 : index
      %swap3A_109 = tpu.vector_load %arg5[%swap3A_107, %swap3A_108] {strides = array<i32>} : memref<128x128xf32, #tpu.memory_space<vmem>>, vector<1x16xf32>,
      %swap3A_110 = vector.shape_cast %swap3A_109 : vector<1x16xf32> to vector<16xf32>
      %swap3A_111 = vector.shape_cast %broadcast_in_dim3A_9 : vector<16xf32> to vector<1x16xf32>
      tpu.vector_store %arg5[%swap3A_107, %swap3A_108], %swap3A_111 {strides = array<i32>} : memref<128x128xf32, #tpu.memory_space<vmem>>, vector<1x16xf32>,
    }
    %scan3A_14 = arith.constant 128 : i32
    %run_scoped3A = arith.constant 0 : i32
    "tpu.region"() ({
      %run_scoped3A_72 = tpu.sem_alloc : memref<!tpu.dma_semaphore, #tpu.memory_space<semaphore_mem>>
      %dma_start3A = arith.constant 0 : i32
      %dma_start3A_73 = tpu.memref_slice %arg6[%run_scoped3A, %dma_start3A] : memref<5x128xi32, #tpu.memory_space<vmem>> -> memref<1x128xi32, #tpu.memory_space<vmem>>
      %dma_start3A_74 = tpu.memref_squeeze %dma_start3A_73 : memref<1x128xi32, #tpu.memory_space<vmem>> -> memref<128xi32, #tpu.memory_space<vmem>>
      %dma_start3A_75 = arith.constant 0 : i32
      %dma_start3A_76 = arith.constant 0 : i32
      %dma_start3A_77 = tpu.memref_slice %arg7[%dma_start3A_75, %dma_start3A_76] : memref<10240x128xf32, #tpu.memory_space<vmem_shared>> -> memref<10240x128xf32, #tpu.memory_space<vmem_shared>>
      tpu.enqueue_indirect_dma source(%arg5 : memref<128x128xf32, #tpu.memory_space<vmem>>) target(%dma_start3A_77 : memref<10240x128xf32, #tpu.memory_space<vmem_shared>>) offsets(%dma_start3A_74 : memref<128xi32, #tpu.memory_space<vmem>>) semaphore(%run_scoped3A_72 : memref<!tpu.dma_semaphore, #tpu.memory_space<semaphore_mem>>)
      %dma_wait3A = arith.constant 0 : i32
      %dma_wait3A_78 = tpu.memref_slice %arg6[%run_scoped3A, %dma_wait3A] : memref<5x128xi32, #tpu.memory_space<vmem>> -> memref<1x128xi32, #tpu.memory_space<vmem>>
      %dma_wait3A_79 = tpu.memref_squeeze %dma_wait3A_78 : memref<1x128xi32, #tpu.memory_space<vmem>> -> memref<128xi32, #tpu.memory_space<vmem>>
      %dma_wait3A_80 = arith.constant 0 : i32
      %dma_wait3A_81 = arith.constant 0 : i32
      %dma_wait3A_82 = tpu.memref_slice %arg7[%dma_wait3A_80, %dma_wait3A_81] : memref<10240x128xf32, #tpu.memory_space<vmem_shared>> -> memref<10240x128xf32, #tpu.memory_space<vmem_shared>>
      tpu.wait_indirect_dma semaphore(%run_scoped3A_72 : memref<!tpu.dma_semaphore, #tpu.memory_space<semaphore_mem>>) src(%arg5 : memref<128x128xf32, #tpu.memory_space<vmem>>) dst(%dma_wait3A_82 : memref<10240x128xf32, #tpu.memory_space<vmem_shared>>)
      tpu.yield
    }) : () -> ()
    %run_scoped3A_15 = arith.constant 1 : i32
    "tpu.region"() ({
      %run_scoped3A_72 = tpu.sem_alloc : memref<!tpu.dma_semaphore, #tpu.memory_space<semaphore_mem>>
      %dma_start3A = arith.constant 0 : i32
      %dma_start3A_73 = tpu.memref_slice %arg6[%run_scoped3A_15, %dma_start3A] : memref<5x128xi32, #tpu.memory_space<vmem>> -> memref<1x128xi32, #tpu.memory_space<vmem>>
      %dma_start3A_74 = tpu.memref_squeeze %dma_start3A_73 : memref<1x128xi32, #tpu.memory_space<vmem>> -> memref<128xi32, #tpu.memory_space<vmem>>
      %dma_start3A_75 = arith.constant 0 : i32
      %dma_start3A_76 = arith.constant 0 : i32
      %dma_start3A_77 = tpu.memref_slice %arg7[%dma_start3A_75, %dma_start3A_76] : memref<10240x128xf32, #tpu.memory_space<vmem_shared>> -> memref<10240x128xf32, #tpu.memory_space<vmem_shared>>
      tpu.enqueue_indirect_dma source(%arg5 : memref<128x128xf32, #tpu.memory_space<vmem>>) target(%dma_start3A_77 : memref<10240x128xf32, #tpu.memory_space<vmem_shared>>) offsets(%dma_start3A_74 : memref<128xi32, #tpu.memory_space<vmem>>) semaphore(%run_scoped3A_72 : memref<!tpu.dma_semaphore, #tpu.memory_space<semaphore_mem>>)
      %dma_wait3A = arith.constant 0 : i32
      %dma_wait3A_78 = tpu.memref_slice %arg6[%run_scoped3A_15, %dma_wait3A] : memref<5x128xi32, #tpu.memory_space<vmem>> -> memref<1x128xi32, #tpu.memory_space<vmem>>
      %dma_wait3A_79 = tpu.memref_squeeze %dma_wait3A_78 : memref<1x128xi32, #tpu.memory_space<vmem>> -> memref<128xi32, #tpu.memory_space<vmem>>
      %dma_wait3A_80 = arith.constant 0 : i32
      %dma_wait3A_81 = arith.constant 0 : i32
      %dma_wait3A_82 = tpu.memref_slice %arg7[%dma_wait3A_80, %dma_wait3A_81] : memref<10240x128xf32, #tpu.memory_space<vmem_shared>> -> memref<10240x128xf32, #tpu.memory_space<vmem_shared>>
      tpu.wait_indirect_dma semaphore(%run_scoped3A_72 : memref<!tpu.dma_semaphore, #tpu.memory_space<semaphore_mem>>) src(%arg5 : memref<128x128xf32, #tpu.memory_space<vmem>>) dst(%dma_wait3A_82 : memref<10240x128xf32, #tpu.memory_space<vmem_shared>>)
      tpu.yield
    }) : () -> ()
    %run_scoped3A_16 = arith.constant 2 : i32
    "tpu.region"() ({
      %run_scoped3A_72 = tpu.sem_alloc : memref<!tpu.dma_semaphore, #tpu.memory_space<semaphore_mem>>
      %dma_start3A = arith.constant 0 : i32
      %dma_start3A_73 = tpu.memref_slice %arg6[%run_scoped3A_16, %dma_start3A] : memref<5x128xi32, #tpu.memory_space<vmem>> -> memref<1x128xi32, #tpu.memory_space<vmem>>
      %dma_start3A_74 = tpu.memref_squeeze %dma_start3A_73 : memref<1x128xi32, #tpu.memory_space<vmem>> -> memref<128xi32, #tpu.memory_space<vmem>>
      %dma_start3A_75 = arith.constant 0 : i32
      %dma_start3A_76 = arith.constant 0 : i32
      %dma_start3A_77 = tpu.memref_slice %arg7[%dma_start3A_75, %dma_start3A_76] : memref<10240x128xf32, #tpu.memory_space<vmem_shared>> -> memref<10240x128xf32, #tpu.memory_space<vmem_shared>>
      tpu.enqueue_indirect_dma source(%arg5 : memref<128x128xf32, #tpu.memory_space<vmem>>) target(%dma_start3A_77 : memref<10240x128xf32, #tpu.memory_space<vmem_shared>>) offsets(%dma_start3A_74 : memref<128xi32, #tpu.memory_space<vmem>>) semaphore(%run_scoped3A_72 : memref<!tpu.dma_semaphore, #tpu.memory_space<semaphore_mem>>)
      %dma_wait3A = arith.constant 0 : i32
      %dma_wait3A_78 = tpu.memref_slice %arg6[%run_scoped3A_16, %dma_wait3A] : memref<5x128xi32, #tpu.memory_space<vmem>> -> memref<1x128xi32, #tpu.memory_space<vmem>>
      %dma_wait3A_79 = tpu.memref_squeeze %dma_wait3A_78 : memref<1x128xi32, #tpu.memory_space<vmem>> -> memref<128xi32, #tpu.memory_space<vmem>>
      %dma_wait3A_80 = arith.constant 0 : i32
      %dma_wait3A_81 = arith.constant 0 : i32
      %dma_wait3A_82 = tpu.memref_slice %arg7[%dma_wait3A_80, %dma_wait3A_81] : memref<10240x128xf32, #tpu.memory_space<vmem_shared>> -> memref<10240x128xf32, #tpu.memory_space<vmem_shared>>
      tpu.wait_indirect_dma semaphore(%run_scoped3A_72 : memref<!tpu.dma_semaphore, #tpu.memory_space<semaphore_mem>>) src(%arg5 : memref<128x128xf32, #tpu.memory_space<vmem>>) dst(%dma_wait3A_82 : memref<10240x128xf32, #tpu.memory_space<vmem_shared>>)
      tpu.yield
    }) : () -> ()
    %run_scoped3A_17 = arith.constant 3 : i32
    "tpu.region"() ({
      %run_scoped3A_72 = tpu.sem_alloc : memref<!tpu.dma_semaphore, #tpu.memory_space<semaphore_mem>>
      %dma_start3A = arith.constant 0 : i32
      %dma_start3A_73 = tpu.memref_slice %arg6[%run_scoped3A_17, %dma_start3A] : memref<5x128xi32, #tpu.memory_space<vmem>> -> memref<1x128xi32, #tpu.memory_space<vmem>>
      %dma_start3A_74 = tpu.memref_squeeze %dma_start3A_73 : memref<1x128xi32, #tpu.memory_space<vmem>> -> memref<128xi32, #tpu.memory_space<vmem>>
      %dma_start3A_75 = arith.constant 0 : i32
      %dma_start3A_76 = arith.constant 0 : i32
      %dma_start3A_77 = tpu.memref_slice %arg7[%dma_start3A_75, %dma_start3A_76] : memref<10240x128xf32, #tpu.memory_space<vmem_shared>> -> memref<10240x128xf32, #tpu.memory_space<vmem_shared>>
      tpu.enqueue_indirect_dma source(%arg5 : memref<128x128xf32, #tpu.memory_space<vmem>>) target(%dma_start3A_77 : memref<10240x128xf32, #tpu.memory_space<vmem_shared>>) offsets(%dma_start3A_74 : memref<128xi32, #tpu.memory_space<vmem>>) semaphore(%run_scoped3A_72 : memref<!tpu.dma_semaphore, #tpu.memory_space<semaphore_mem>>)
      %dma_wait3A = arith.constant 0 : i32
      %dma_wait3A_78 = tpu.memref_slice %arg6[%run_scoped3A_17, %dma_wait3A] : memref<5x128xi32, #tpu.memory_space<vmem>> -> memref<1x128xi32, #tpu.memory_space<vmem>>
      %dma_wait3A_79 = tpu.memref_squeeze %dma_wait3A_78 : memref<1x128xi32, #tpu.memory_space<vmem>> -> memref<128xi32, #tpu.memory_space<vmem>>
      %dma_wait3A_80 = arith.constant 0 : i32
      %dma_wait3A_81 = arith.constant 0 : i32
      %dma_wait3A_82 = tpu.memref_slice %arg7[%dma_wait3A_80, %dma_wait3A_81] : memref<10240x128xf32, #tpu.memory_space<vmem_shared>> -> memref<10240x128xf32, #tpu.memory_space<vmem_shared>>
      tpu.wait_indirect_dma semaphore(%run_scoped3A_72 : memref<!tpu.dma_semaphore, #tpu.memory_space<semaphore_mem>>) src(%arg5 : memref<128x128xf32, #tpu.memory_space<vmem>>) dst(%dma_wait3A_82 : memref<10240x128xf32, #tpu.memory_space<vmem_shared>>)
      tpu.yield
    }) : () -> ()
    %run_scoped3A_18 = arith.constant 4 : i32
    "tpu.region"() ({
      %run_scoped3A_72 = tpu.sem_alloc : memref<!tpu.dma_semaphore, #tpu.memory_space<semaphore_mem>>
      %dma_start3A = arith.constant 0 : i32
      %dma_start3A_73 = tpu.memref_slice %arg6[%run_scoped3A_18, %dma_start3A] : memref<5x128xi32, #tpu.memory_space<vmem>> -> memref<1x128xi32, #tpu.memory_space<vmem>>
      %dma_start3A_74 = tpu.memref_squeeze %dma_start3A_73 : memref<1x128xi32, #tpu.memory_space<vmem>> -> memref<128xi32, #tpu.memory_space<vmem>>
      %dma_start3A_75 = arith.constant 0 : i32
      %dma_start3A_76 = arith.constant 0 : i32
      %dma_start3A_77 = tpu.memref_slice %arg7[%dma_start3A_75, %dma_start3A_76] : memref<10240x128xf32, #tpu.memory_space<vmem_shared>> -> memref<10240x128xf32, #tpu.memory_space<vmem_shared>>
      tpu.enqueue_indirect_dma source(%arg5 : memref<128x128xf32, #tpu.memory_space<vmem>>) target(%dma_start3A_77 : memref<10240x128xf32, #tpu.memory_space<vmem_shared>>) offsets(%dma_start3A_74 : memref<128xi32, #tpu.memory_space<vmem>>) semaphore(%run_scoped3A_72 : memref<!tpu.dma_semaphore, #tpu.memory_space<semaphore_mem>>)
      %dma_wait3A = arith.constant 0 : i32
      %dma_wait3A_78 = tpu.memref_slice %arg6[%run_scoped3A_18, %dma_wait3A] : memref<5x128xi32, #tpu.memory_space<vmem>> -> memref<1x128xi32, #tpu.memory_space<vmem>>
      %dma_wait3A_79 = tpu.memref_squeeze %dma_wait3A_78 : memref<1x128xi32, #tpu.memory_space<vmem>> -> memref<128xi32, #tpu.memory_space<vmem>>
      %dma_wait3A_80 = arith.constant 0 : i32
      %dma_wait3A_81 = arith.constant 0 : i32
      %dma_wait3A_82 = tpu.memref_slice %arg7[%dma_wait3A_80, %dma_wait3A_81] : memref<10240x128xf32, #tpu.memory_space<vmem_shared>> -> memref<10240x128xf32, #tpu.memory_space<vmem_shared>>
      tpu.wait_indirect_dma semaphore(%run_scoped3A_72 : memref<!tpu.dma_semaphore, #tpu.memory_space<semaphore_mem>>) src(%arg5 : memref<128x128xf32, #tpu.memory_space<vmem>>) dst(%dma_wait3A_82 : memref<10240x128xf32, #tpu.memory_space<vmem_shared>>)
      tpu.yield
    }) : () -> ()
    %broadcast_in_dim3A_19 = arith.constant 1.000000e+00 : f32
    %broadcast_in_dim3A_20 = vector.broadcast %broadcast_in_dim3A_19 : f32 to vector<16xf32>
    %scan3A_21 = arith.constant 0 : i32
    %scan3A_22 = arith.constant 128 : i32
    %scan3A_23 = arith.addi %scan3A_21, %scan3A_22 : i32
    %scan3A_24 = arith.constant 1 : i32
    scf.for %scan3A_72 = %scan3A_21 to %scan3A_23 step %scan3A_24  : i32 {
      %swap3A = arith.index_cast %scan3A_72 : i32 to index
      %swap3A_73 = arith.constant 0 : index
      %swap3A_74 = tpu.vector_load %arg5[%swap3A, %swap3A_73] {strides = array<i32>} : memref<128x128xf32, #tpu.memory_space<vmem>>, vector<1x16xf32>,
      %swap3A_75 = vector.shape_cast %swap3A_74 : vector<1x16xf32> to vector<16xf32>
      %swap3A_76 = vector.shape_cast %broadcast_in_dim3A_20 : vector<16xf32> to vector<1x16xf32>
      tpu.vector_store %arg5[%swap3A, %swap3A_73], %swap3A_76 {strides = array<i32>} : memref<128x128xf32, #tpu.memory_space<vmem>>, vector<1x16xf32>,
      %swap3A_77 = arith.index_cast %scan3A_72 : i32 to index
      %swap3A_78 = arith.constant 16 : index
      %swap3A_79 = tpu.vector_load %arg5[%swap3A_77, %swap3A_78] {strides = array<i32>} : memref<128x128xf32, #tpu.memory_space<vmem>>, vector<1x16xf32>,
      %swap3A_80 = vector.shape_cast %swap3A_79 : vector<1x16xf32> to vector<16xf32>
      %swap3A_81 = vector.shape_cast %broadcast_in_dim3A_20 : vector<16xf32> to vector<1x16xf32>
      tpu.vector_store %arg5[%swap3A_77, %swap3A_78], %swap3A_81 {strides = array<i32>} : memref<128x128xf32, #tpu.memory_space<vmem>>, vector<1x16xf32>,
      %swap3A_82 = arith.index_cast %scan3A_72 : i32 to index
      %swap3A_83 = arith.constant 32 : index
      %swap3A_84 = tpu.vector_load %arg5[%swap3A_82, %swap3A_83] {strides = array<i32>} : memref<128x128xf32, #tpu.memory_space<vmem>>, vector<1x16xf32>,
      %swap3A_85 = vector.shape_cast %swap3A_84 : vector<1x16xf32> to vector<16xf32>
      %swap3A_86 = vector.shape_cast %broadcast_in_dim3A_20 : vector<16xf32> to vector<1x16xf32>
      tpu.vector_store %arg5[%swap3A_82, %swap3A_83], %swap3A_86 {strides = array<i32>} : memref<128x128xf32, #tpu.memory_space<vmem>>, vector<1x16xf32>,
      %swap3A_87 = arith.index_cast %scan3A_72 : i32 to index
      %swap3A_88 = arith.constant 48 : index
      %swap3A_89 = tpu.vector_load %arg5[%swap3A_87, %swap3A_88] {strides = array<i32>} : memref<128x128xf32, #tpu.memory_space<vmem>>, vector<1x16xf32>,
      %swap3A_90 = vector.shape_cast %swap3A_89 : vector<1x16xf32> to vector<16xf32>
      %swap3A_91 = vector.shape_cast %broadcast_in_dim3A_20 : vector<16xf32> to vector<1x16xf32>
      tpu.vector_store %arg5[%swap3A_87, %swap3A_88], %swap3A_91 {strides = array<i32>} : memref<128x128xf32, #tpu.memory_space<vmem>>, vector<1x16xf32>,
      %swap3A_92 = arith.index_cast %scan3A_72 : i32 to index
      %swap3A_93 = arith.constant 64 : index
      %swap3A_94 = tpu.vector_load %arg5[%swap3A_92, %swap3A_93] {strides = array<i32>} : memref<128x128xf32, #tpu.memory_space<vmem>>, vector<1x16xf32>,
      %swap3A_95 = vector.shape_cast %swap3A_94 : vector<1x16xf32> to vector<16xf32>
      %swap3A_96 = vector.shape_cast %broadcast_in_dim3A_20 : vector<16xf32> to vector<1x16xf32>
      tpu.vector_store %arg5[%swap3A_92, %swap3A_93], %swap3A_96 {strides = array<i32>} : memref<128x128xf32, #tpu.memory_space<vmem>>, vector<1x16xf32>,
      %swap3A_97 = arith.index_cast %scan3A_72 : i32 to index
      %swap3A_98 = arith.constant 80 : index
      %swap3A_99 = tpu.vector_load %arg5[%swap3A_97, %swap3A_98] {strides = array<i32>} : memref<128x128xf32, #tpu.memory_space<vmem>>, vector<1x16xf32>,
      %swap3A_100 = vector.shape_cast %swap3A_99 : vector<1x16xf32> to vector<16xf32>
      %swap3A_101 = vector.shape_cast %broadcast_in_dim3A_20 : vector<16xf32> to vector<1x16xf32>
      tpu.vector_store %arg5[%swap3A_97, %swap3A_98], %swap3A_101 {strides = array<i32>} : memref<128x128xf32, #tpu.memory_space<vmem>>, vector<1x16xf32>,
      %swap3A_102 = arith.index_cast %scan3A_72 : i32 to index
      %swap3A_103 = arith.constant 96 : index
      %swap3A_104 = tpu.vector_load %arg5[%swap3A_102, %swap3A_103] {strides = array<i32>} : memref<128x128xf32, #tpu.memory_space<vmem>>, vector<1x16xf32>,
      %swap3A_105 = vector.shape_cast %swap3A_104 : vector<1x16xf32> to vector<16xf32>
      %swap3A_106 = vector.shape_cast %broadcast_in_dim3A_20 : vector<16xf32> to vector<1x16xf32>
      tpu.vector_store %arg5[%swap3A_102, %swap3A_103], %swap3A_106 {strides = array<i32>} : memref<128x128xf32, #tpu.memory_space<vmem>>, vector<1x16xf32>,
      %swap3A_107 = arith.index_cast %scan3A_72 : i32 to index
      %swap3A_108 = arith.constant 112 : index
      %swap3A_109 = tpu.vector_load %arg5[%swap3A_107, %swap3A_108] {strides = array<i32>} : memref<128x128xf32, #tpu.memory_space<vmem>>, vector<1x16xf32>,
      %swap3A_110 = vector.shape_cast %swap3A_109 : vector<1x16xf32> to vector<16xf32>
      %swap3A_111 = vector.shape_cast %broadcast_in_dim3A_20 : vector<16xf32> to vector<1x16xf32>
      tpu.vector_store %arg5[%swap3A_107, %swap3A_108], %swap3A_111 {strides = array<i32>} : memref<128x128xf32, #tpu.memory_space<vmem>>, vector<1x16xf32>,
    }
    %scan3A_25 = arith.constant 128 : i32
    %barrier3A = arith.constant 0 : index
    tpu.barrier barrier_id(%barrier3A)
    %scan3A_26 = arith.constant 0 : i32
    %scan3A_27 = arith.constant 20 : i32
    %scan3A_28 = arith.addi %scan3A_26, %scan3A_27 : i32
    %scan3A_29 = arith.constant 1 : i32
    scf.for %scan3A_72 = %scan3A_26 to %scan3A_28 step %scan3A_29  : i32 {
      %mul3A_73 = arith.constant 4 : i32
      %mul3A_74 = arith.muli %scan3A_72, %mul3A_73 : i32
      %add3A_75 = arith.constant 0 : i32
      %add3A_76 = arith.addi %mul3A_74, %add3A_75 : i32
      %dma_start3A = arith.constant 0 : i32
      %dma_start3A_77 = tpu.memref_slice %arg4[%add3A_76, %dma_start3A] : memref<80x128xi32, #tpu.memory_space<vmem>> -> memref<1x128xi32, #tpu.memory_space<vmem>>
      %dma_start3A_78 = tpu.memref_squeeze %dma_start3A_77 : memref<1x128xi32, #tpu.memory_space<vmem>> -> memref<128xi32, #tpu.memory_space<vmem>>
      %dma_start3A_79 = arith.constant 0 : i32
      %dma_start3A_80 = arith.constant 0 : i32
      %dma_start3A_81 = tpu.memref_slice %arg7[%dma_start3A_79, %dma_start3A_80] : memref<10240x128xf32, #tpu.memory_space<vmem_shared>> -> memref<10240x128xf32, #tpu.memory_space<vmem_shared>>
      tpu.enqueue_indirect_dma source(%arg5 : memref<128x128xf32, #tpu.memory_space<vmem>>) target(%dma_start3A_81 : memref<10240x128xf32, #tpu.memory_space<vmem_shared>>) offsets(%dma_start3A_78 : memref<128xi32, #tpu.memory_space<vmem>>) semaphore(%arg8 : memref<!tpu.dma_semaphore, #tpu.memory_space<semaphore_mem>>) {add = true}
      %mul3A_82 = arith.constant 4 : i32
      %mul3A_83 = arith.muli %scan3A_72, %mul3A_82 : i32
      %add3A_84 = arith.constant 1 : i32
      %add3A_85 = arith.addi %mul3A_83, %add3A_84 : i32
      %dma_start3A_86 = arith.constant 0 : i32
      %dma_start3A_87 = tpu.memref_slice %arg4[%add3A_85, %dma_start3A_86] : memref<80x128xi32, #tpu.memory_space<vmem>> -> memref<1x128xi32, #tpu.memory_space<vmem>>
      %dma_start3A_88 = tpu.memref_squeeze %dma_start3A_87 : memref<1x128xi32, #tpu.memory_space<vmem>> -> memref<128xi32, #tpu.memory_space<vmem>>
      %dma_start3A_89 = arith.constant 0 : i32
      %dma_start3A_90 = arith.constant 0 : i32
      %dma_start3A_91 = tpu.memref_slice %arg7[%dma_start3A_89, %dma_start3A_90] : memref<10240x128xf32, #tpu.memory_space<vmem_shared>> -> memref<10240x128xf32, #tpu.memory_space<vmem_shared>>
      tpu.enqueue_indirect_dma source(%arg5 : memref<128x128xf32, #tpu.memory_space<vmem>>) target(%dma_start3A_91 : memref<10240x128xf32, #tpu.memory_space<vmem_shared>>) offsets(%dma_start3A_88 : memref<128xi32, #tpu.memory_space<vmem>>) semaphore(%arg8 : memref<!tpu.dma_semaphore, #tpu.memory_space<semaphore_mem>>) {add = true}
      %mul3A_92 = arith.constant 4 : i32
      %mul3A_93 = arith.muli %scan3A_72, %mul3A_92 : i32
      %add3A_94 = arith.constant 2 : i32
      %add3A_95 = arith.addi %mul3A_93, %add3A_94 : i32
      %dma_start3A_96 = arith.constant 0 : i32
      %dma_start3A_97 = tpu.memref_slice %arg4[%add3A_95, %dma_start3A_96] : memref<80x128xi32, #tpu.memory_space<vmem>> -> memref<1x128xi32, #tpu.memory_space<vmem>>
      %dma_start3A_98 = tpu.memref_squeeze %dma_start3A_97 : memref<1x128xi32, #tpu.memory_space<vmem>> -> memref<128xi32, #tpu.memory_space<vmem>>
      %dma_start3A_99 = arith.constant 0 : i32
      %dma_start3A_100 = arith.constant 0 : i32
      %dma_start3A_101 = tpu.memref_slice %arg7[%dma_start3A_99, %dma_start3A_100] : memref<10240x128xf32, #tpu.memory_space<vmem_shared>> -> memref<10240x128xf32, #tpu.memory_space<vmem_shared>>
      tpu.enqueue_indirect_dma source(%arg5 : memref<128x128xf32, #tpu.memory_space<vmem>>) target(%dma_start3A_101 : memref<10240x128xf32, #tpu.memory_space<vmem_shared>>) offsets(%dma_start3A_98 : memref<128xi32, #tpu.memory_space<vmem>>) semaphore(%arg8 : memref<!tpu.dma_semaphore, #tpu.memory_space<semaphore_mem>>) {add = true}
      %mul3A_102 = arith.constant 4 : i32
      %mul3A_103 = arith.muli %scan3A_72, %mul3A_102 : i32
      %add3A_104 = arith.constant 3 : i32
      %add3A_105 = arith.addi %mul3A_103, %add3A_104 : i32
      %dma_start3A_106 = arith.constant 0 : i32
      %dma_start3A_107 = tpu.memref_slice %arg4[%add3A_105, %dma_start3A_106] : memref<80x128xi32, #tpu.memory_space<vmem>> -> memref<1x128xi32, #tpu.memory_space<vmem>>
      %dma_start3A_108 = tpu.memref_squeeze %dma_start3A_107 : memref<1x128xi32, #tpu.memory_space<vmem>> -> memref<128xi32, #tpu.memory_space<vmem>>
      %dma_start3A_109 = arith.constant 0 : i32
      %dma_start3A_110 = arith.constant 0 : i32
      %dma_start3A_111 = tpu.memref_slice %arg7[%dma_start3A_109, %dma_start3A_110] : memref<10240x128xf32, #tpu.memory_space<vmem_shared>> -> memref<10240x128xf32, #tpu.memory_space<vmem_shared>>
      tpu.enqueue_indirect_dma source(%arg5 : memref<128x128xf32, #tpu.memory_space<vmem>>) target(%dma_start3A_111 : memref<10240x128xf32, #tpu.memory_space<vmem_shared>>) offsets(%dma_start3A_108 : memref<128xi32, #tpu.memory_space<vmem>>) semaphore(%arg8 : memref<!tpu.dma_semaphore, #tpu.memory_space<semaphore_mem>>) {add = true}
      %dma_wait3A = arith.constant 0 : i32
      %dma_wait3A_112 = tpu.memref_slice %arg4[%add3A_76, %dma_wait3A] : memref<80x128xi32, #tpu.memory_space<vmem>> -> memref<1x128xi32, #tpu.memory_space<vmem>>
      %dma_wait3A_113 = tpu.memref_squeeze %dma_wait3A_112 : memref<1x128xi32, #tpu.memory_space<vmem>> -> memref<128xi32, #tpu.memory_space<vmem>>
      %dma_wait3A_114 = arith.constant 0 : i32
      %dma_wait3A_115 = arith.constant 0 : i32
      %dma_wait3A_116 = tpu.memref_slice %arg7[%dma_wait3A_114, %dma_wait3A_115] : memref<10240x128xf32, #tpu.memory_space<vmem_shared>> -> memref<10240x128xf32, #tpu.memory_space<vmem_shared>>
      tpu.wait_indirect_dma semaphore(%arg8 : memref<!tpu.dma_semaphore, #tpu.memory_space<semaphore_mem>>) src(%arg5 : memref<128x128xf32, #tpu.memory_space<vmem>>) dst(%dma_wait3A_116 : memref<10240x128xf32, #tpu.memory_space<vmem_shared>>)
      %dma_wait3A_117 = arith.constant 0 : i32
      %dma_wait3A_118 = tpu.memref_slice %arg4[%add3A_85, %dma_wait3A_117] : memref<80x128xi32, #tpu.memory_space<vmem>> -> memref<1x128xi32, #tpu.memory_space<vmem>>
      %dma_wait3A_119 = tpu.memref_squeeze %dma_wait3A_118 : memref<1x128xi32, #tpu.memory_space<vmem>> -> memref<128xi32, #tpu.memory_space<vmem>>
      %dma_wait3A_120 = arith.constant 0 : i32
      %dma_wait3A_121 = arith.constant 0 : i32
      %dma_wait3A_122 = tpu.memref_slice %arg7[%dma_wait3A_120, %dma_wait3A_121] : memref<10240x128xf32, #tpu.memory_space<vmem_shared>> -> memref<10240x128xf32, #tpu.memory_space<vmem_shared>>
      tpu.wait_indirect_dma semaphore(%arg8 : memref<!tpu.dma_semaphore, #tpu.memory_space<semaphore_mem>>) src(%arg5 : memref<128x128xf32, #tpu.memory_space<vmem>>) dst(%dma_wait3A_122 : memref<10240x128xf32, #tpu.memory_space<vmem_shared>>)
      %dma_wait3A_123 = arith.constant 0 : i32
      %dma_wait3A_124 = tpu.memref_slice %arg4[%add3A_95, %dma_wait3A_123] : memref<80x128xi32, #tpu.memory_space<vmem>> -> memref<1x128xi32, #tpu.memory_space<vmem>>
      %dma_wait3A_125 = tpu.memref_squeeze %dma_wait3A_124 : memref<1x128xi32, #tpu.memory_space<vmem>> -> memref<128xi32, #tpu.memory_space<vmem>>
      %dma_wait3A_126 = arith.constant 0 : i32
      %dma_wait3A_127 = arith.constant 0 : i32
      %dma_wait3A_128 = tpu.memref_slice %arg7[%dma_wait3A_126, %dma_wait3A_127] : memref<10240x128xf32, #tpu.memory_space<vmem_shared>> -> memref<10240x128xf32, #tpu.memory_space<vmem_shared>>
      tpu.wait_indirect_dma semaphore(%arg8 : memref<!tpu.dma_semaphore, #tpu.memory_space<semaphore_mem>>) src(%arg5 : memref<128x128xf32, #tpu.memory_space<vmem>>) dst(%dma_wait3A_128 : memref<10240x128xf32, #tpu.memory_space<vmem_shared>>)
      %dma_wait3A_129 = arith.constant 0 : i32
      %dma_wait3A_130 = tpu.memref_slice %arg4[%add3A_105, %dma_wait3A_129] : memref<80x128xi32, #tpu.memory_space<vmem>> -> memref<1x128xi32, #tpu.memory_space<vmem>>
      %dma_wait3A_131 = tpu.memref_squeeze %dma_wait3A_130 : memref<1x128xi32, #tpu.memory_space<vmem>> -> memref<128xi32, #tpu.memory_space<vmem>>
      %dma_wait3A_132 = arith.constant 0 : i32
      %dma_wait3A_133 = arith.constant 0 : i32
      %dma_wait3A_134 = tpu.memref_slice %arg7[%dma_wait3A_132, %dma_wait3A_133] : memref<10240x128xf32, #tpu.memory_space<vmem_shared>> -> memref<10240x128xf32, #tpu.memory_space<vmem_shared>>
      tpu.wait_indirect_dma semaphore(%arg8 : memref<!tpu.dma_semaphore, #tpu.memory_space<semaphore_mem>>) src(%arg5 : memref<128x128xf32, #tpu.memory_space<vmem>>) dst(%dma_wait3A_134 : memref<10240x128xf32, #tpu.memory_space<vmem_shared>>)
    }
    %scan3A_30 = arith.constant 20 : i32
    %barrier3A_31 = arith.constant 0 : index
    tpu.barrier barrier_id(%barrier3A_31)
    %run_scoped3A_32 = arith.constant 0 : i32
    "tpu.region"() ({
      %run_scoped3A_72 = tpu.sem_alloc : memref<!tpu.dma_semaphore, #tpu.memory_space<semaphore_mem>>
      %dma_start3A = arith.constant 0 : i32
      %dma_start3A_73 = tpu.memref_slice %arg6[%run_scoped3A_32, %dma_start3A] : memref<5x128xi32, #tpu.memory_space<vmem>> -> memref<1x128xi32, #tpu.memory_space<vmem>>
      %dma_start3A_74 = tpu.memref_squeeze %dma_start3A_73 : memref<1x128xi32, #tpu.memory_space<vmem>> -> memref<128xi32, #tpu.memory_space<vmem>>
      %dma_start3A_75 = arith.constant 0 : i32
      %dma_start3A_76 = arith.constant 0 : i32
      %dma_start3A_77 = tpu.memref_slice %arg7[%dma_start3A_75, %dma_start3A_76] : memref<10240x128xf32, #tpu.memory_space<vmem_shared>> -> memref<10240x128xf32, #tpu.memory_space<vmem_shared>>
      tpu.enqueue_indirect_dma source(%dma_start3A_77 : memref<10240x128xf32, #tpu.memory_space<vmem_shared>>) target(%arg5 : memref<128x128xf32, #tpu.memory_space<vmem>>) offsets(%dma_start3A_74 : memref<128xi32, #tpu.memory_space<vmem>>) semaphore(%run_scoped3A_72 : memref<!tpu.dma_semaphore, #tpu.memory_space<semaphore_mem>>)
      %dma_wait3A = arith.constant 0 : i32
      %dma_wait3A_78 = tpu.memref_slice %arg6[%run_scoped3A_32, %dma_wait3A] : memref<5x128xi32, #tpu.memory_space<vmem>> -> memref<1x128xi32, #tpu.memory_space<vmem>>
      %dma_wait3A_79 = tpu.memref_squeeze %dma_wait3A_78 : memref<1x128xi32, #tpu.memory_space<vmem>> -> memref<128xi32, #tpu.memory_space<vmem>>
      %dma_wait3A_80 = arith.constant 0 : i32
      %dma_wait3A_81 = arith.constant 0 : i32
      %dma_wait3A_82 = tpu.memref_slice %arg7[%dma_wait3A_80, %dma_wait3A_81] : memref<10240x128xf32, #tpu.memory_space<vmem_shared>> -> memref<10240x128xf32, #tpu.memory_space<vmem_shared>>
      tpu.wait_indirect_dma semaphore(%run_scoped3A_72 : memref<!tpu.dma_semaphore, #tpu.memory_space<semaphore_mem>>) src(%dma_wait3A_82 : memref<10240x128xf32, #tpu.memory_space<vmem_shared>>) dst(%arg5 : memref<128x128xf32, #tpu.memory_space<vmem>>)
      tpu.yield
    }) : () -> ()
    %mul3A_33 = arith.constant 10240 : i32
    %mul3A_34 = arith.muli %arg0, %mul3A_33 : i32
    %mul3A_35 = arith.constant 640 : i32
    %mul3A_36 = arith.muli %arg1, %mul3A_35 : i32
    %add3A_37 = arith.addi %mul3A_34, %mul3A_36 : i32
    %add3A_38 = arith.constant 0 : i32
    %add3A_39 = arith.addi %add3A_37, %add3A_38 : i32
    "tpu.region"() ({
      %run_scoped3A_72 = tpu.sem_alloc : memref<!tpu.dma_semaphore, #tpu.memory_space<semaphore_mem>>
      %dma_start3A = arith.constant 0 : i32
      %dma_start3A_73 = tpu.memref_slice %arg3[%add3A_39, %dma_start3A] : memref<20480x128xf32, #tpu.memory_space<hbm>> -> memref<128x128xf32, #tpu.memory_space<hbm>>
      %dma_start3A_74 = arith.constant 0 : i32
      %dma_start3A_75 = tpu.memref_slice %arg3[%add3A_39, %dma_start3A_74] : memref<20480x128xf32, #tpu.memory_space<hbm>> -> memref<128x128xf32, #tpu.memory_space<hbm>>
      tpu.enqueue_dma source(%arg5 : memref<128x128xf32, #tpu.memory_space<vmem>>) target(%dma_start3A_75 : memref<128x128xf32, #tpu.memory_space<hbm>>) target_semaphore(%run_scoped3A_72 : memref<!tpu.dma_semaphore, #tpu.memory_space<semaphore_mem>>)
      %dma_wait3A = arith.constant 0 : i32
      %dma_wait3A_76 = tpu.memref_slice %arg3[%add3A_39, %dma_wait3A] : memref<20480x128xf32, #tpu.memory_space<hbm>> -> memref<128x128xf32, #tpu.memory_space<hbm>>
      %dma_wait3A_77 = arith.constant 0 : i32
      %dma_wait3A_78 = tpu.memref_slice %arg3[%add3A_39, %dma_wait3A_77] : memref<20480x128xf32, #tpu.memory_space<hbm>> -> memref<128x128xf32, #tpu.memory_space<hbm>>
      tpu.wait_dma2 semaphore(%run_scoped3A_72 : memref<!tpu.dma_semaphore, #tpu.memory_space<semaphore_mem>>) src(%arg5 : memref<128x128xf32, #tpu.memory_space<vmem>>) dst(%dma_wait3A_78 : memref<128x128xf32, #tpu.memory_space<hbm>>)
      tpu.yield
    }) : () -> ()
    %run_scoped3A_40 = arith.constant 1 : i32
    "tpu.region"() ({
      %run_scoped3A_72 = tpu.sem_alloc : memref<!tpu.dma_semaphore, #tpu.memory_space<semaphore_mem>>
      %dma_start3A = arith.constant 0 : i32
      %dma_start3A_73 = tpu.memref_slice %arg6[%run_scoped3A_40, %dma_start3A] : memref<5x128xi32, #tpu.memory_space<vmem>> -> memref<1x128xi32, #tpu.memory_space<vmem>>
      %dma_start3A_74 = tpu.memref_squeeze %dma_start3A_73 : memref<1x128xi32, #tpu.memory_space<vmem>> -> memref<128xi32, #tpu.memory_space<vmem>>
      %dma_start3A_75 = arith.constant 0 : i32
      %dma_start3A_76 = arith.constant 0 : i32
      %dma_start3A_77 = tpu.memref_slice %arg7[%dma_start3A_75, %dma_start3A_76] : memref<10240x128xf32, #tpu.memory_space<vmem_shared>> -> memref<10240x128xf32, #tpu.memory_space<vmem_shared>>
      tpu.enqueue_indirect_dma source(%dma_start3A_77 : memref<10240x128xf32, #tpu.memory_space<vmem_shared>>) target(%arg5 : memref<128x128xf32, #tpu.memory_space<vmem>>) offsets(%dma_start3A_74 : memref<128xi32, #tpu.memory_space<vmem>>) semaphore(%run_scoped3A_72 : memref<!tpu.dma_semaphore, #tpu.memory_space<semaphore_mem>>)
      %dma_wait3A = arith.constant 0 : i32
      %dma_wait3A_78 = tpu.memref_slice %arg6[%run_scoped3A_40, %dma_wait3A] : memref<5x128xi32, #tpu.memory_space<vmem>> -> memref<1x128xi32, #tpu.memory_space<vmem>>
      %dma_wait3A_79 = tpu.memref_squeeze %dma_wait3A_78 : memref<1x128xi32, #tpu.memory_space<vmem>> -> memref<128xi32, #tpu.memory_space<vmem>>
      %dma_wait3A_80 = arith.constant 0 : i32
      %dma_wait3A_81 = arith.constant 0 : i32
      %dma_wait3A_82 = tpu.memref_slice %arg7[%dma_wait3A_80, %dma_wait3A_81] : memref<10240x128xf32, #tpu.memory_space<vmem_shared>> -> memref<10240x128xf32, #tpu.memory_space<vmem_shared>>
      tpu.wait_indirect_dma semaphore(%run_scoped3A_72 : memref<!tpu.dma_semaphore, #tpu.memory_space<semaphore_mem>>) src(%dma_wait3A_82 : memref<10240x128xf32, #tpu.memory_space<vmem_shared>>) dst(%arg5 : memref<128x128xf32, #tpu.memory_space<vmem>>)
      tpu.yield
    }) : () -> ()
    %mul3A_41 = arith.constant 10240 : i32
    %mul3A_42 = arith.muli %arg0, %mul3A_41 : i32
    %mul3A_43 = arith.constant 640 : i32
    %mul3A_44 = arith.muli %arg1, %mul3A_43 : i32
    %add3A_45 = arith.addi %mul3A_42, %mul3A_44 : i32
    %add3A_46 = arith.constant 128 : i32
    %add3A_47 = arith.addi %add3A_45, %add3A_46 : i32
    "tpu.region"() ({
      %run_scoped3A_72 = tpu.sem_alloc : memref<!tpu.dma_semaphore, #tpu.memory_space<semaphore_mem>>
      %dma_start3A = arith.constant 0 : i32
      %dma_start3A_73 = tpu.memref_slice %arg3[%add3A_47, %dma_start3A] : memref<20480x128xf32, #tpu.memory_space<hbm>> -> memref<128x128xf32, #tpu.memory_space<hbm>>
      %dma_start3A_74 = arith.constant 0 : i32
      %dma_start3A_75 = tpu.memref_slice %arg3[%add3A_47, %dma_start3A_74] : memref<20480x128xf32, #tpu.memory_space<hbm>> -> memref<128x128xf32, #tpu.memory_space<hbm>>
      tpu.enqueue_dma source(%arg5 : memref<128x128xf32, #tpu.memory_space<vmem>>) target(%dma_start3A_75 : memref<128x128xf32, #tpu.memory_space<hbm>>) target_semaphore(%run_scoped3A_72 : memref<!tpu.dma_semaphore, #tpu.memory_space<semaphore_mem>>)
      %dma_wait3A = arith.constant 0 : i32
      %dma_wait3A_76 = tpu.memref_slice %arg3[%add3A_47, %dma_wait3A] : memref<20480x128xf32, #tpu.memory_space<hbm>> -> memref<128x128xf32, #tpu.memory_space<hbm>>
      %dma_wait3A_77 = arith.constant 0 : i32
      %dma_wait3A_78 = tpu.memref_slice %arg3[%add3A_47, %dma_wait3A_77] : memref<20480x128xf32, #tpu.memory_space<hbm>> -> memref<128x128xf32, #tpu.memory_space<hbm>>
      tpu.wait_dma2 semaphore(%run_scoped3A_72 : memref<!tpu.dma_semaphore, #tpu.memory_space<semaphore_mem>>) src(%arg5 : memref<128x128xf32, #tpu.memory_space<vmem>>) dst(%dma_wait3A_78 : memref<128x128xf32, #tpu.memory_space<hbm>>)
      tpu.yield
    }) : () -> ()
    %run_scoped3A_48 = arith.constant 2 : i32
    "tpu.region"() ({
      %run_scoped3A_72 = tpu.sem_alloc : memref<!tpu.dma_semaphore, #tpu.memory_space<semaphore_mem>>
      %dma_start3A = arith.constant 0 : i32
      %dma_start3A_73 = tpu.memref_slice %arg6[%run_scoped3A_48, %dma_start3A] : memref<5x128xi32, #tpu.memory_space<vmem>> -> memref<1x128xi32, #tpu.memory_space<vmem>>
      %dma_start3A_74 = tpu.memref_squeeze %dma_start3A_73 : memref<1x128xi32, #tpu.memory_space<vmem>> -> memref<128xi32, #tpu.memory_space<vmem>>
      %dma_start3A_75 = arith.constant 0 : i32
      %dma_start3A_76 = arith.constant 0 : i32
      %dma_start3A_77 = tpu.memref_slice %arg7[%dma_start3A_75, %dma_start3A_76] : memref<10240x128xf32, #tpu.memory_space<vmem_shared>> -> memref<10240x128xf32, #tpu.memory_space<vmem_shared>>
      tpu.enqueue_indirect_dma source(%dma_start3A_77 : memref<10240x128xf32, #tpu.memory_space<vmem_shared>>) target(%arg5 : memref<128x128xf32, #tpu.memory_space<vmem>>) offsets(%dma_start3A_74 : memref<128xi32, #tpu.memory_space<vmem>>) semaphore(%run_scoped3A_72 : memref<!tpu.dma_semaphore, #tpu.memory_space<semaphore_mem>>)
      %dma_wait3A = arith.constant 0 : i32
      %dma_wait3A_78 = tpu.memref_slice %arg6[%run_scoped3A_48, %dma_wait3A] : memref<5x128xi32, #tpu.memory_space<vmem>> -> memref<1x128xi32, #tpu.memory_space<vmem>>
      %dma_wait3A_79 = tpu.memref_squeeze %dma_wait3A_78 : memref<1x128xi32, #tpu.memory_space<vmem>> -> memref<128xi32, #tpu.memory_space<vmem>>
      %dma_wait3A_80 = arith.constant 0 : i32
      %dma_wait3A_81 = arith.constant 0 : i32
      %dma_wait3A_82 = tpu.memref_slice %arg7[%dma_wait3A_80, %dma_wait3A_81] : memref<10240x128xf32, #tpu.memory_space<vmem_shared>> -> memref<10240x128xf32, #tpu.memory_space<vmem_shared>>
      tpu.wait_indirect_dma semaphore(%run_scoped3A_72 : memref<!tpu.dma_semaphore, #tpu.memory_space<semaphore_mem>>) src(%dma_wait3A_82 : memref<10240x128xf32, #tpu.memory_space<vmem_shared>>) dst(%arg5 : memref<128x128xf32, #tpu.memory_space<vmem>>)
      tpu.yield
    }) : () -> ()
    %mul3A_49 = arith.constant 10240 : i32
    %mul3A_50 = arith.muli %arg0, %mul3A_49 : i32
    %mul3A_51 = arith.constant 640 : i32
    %mul3A_52 = arith.muli %arg1, %mul3A_51 : i32
    %add3A_53 = arith.addi %mul3A_50, %mul3A_52 : i32
    %add3A_54 = arith.constant 256 : i32
    %add3A_55 = arith.addi %add3A_53, %add3A_54 : i32
    "tpu.region"() ({
      %run_scoped3A_72 = tpu.sem_alloc : memref<!tpu.dma_semaphore, #tpu.memory_space<semaphore_mem>>
      %dma_start3A = arith.constant 0 : i32
      %dma_start3A_73 = tpu.memref_slice %arg3[%add3A_55, %dma_start3A] : memref<20480x128xf32, #tpu.memory_space<hbm>> -> memref<128x128xf32, #tpu.memory_space<hbm>>
      %dma_start3A_74 = arith.constant 0 : i32
      %dma_start3A_75 = tpu.memref_slice %arg3[%add3A_55, %dma_start3A_74] : memref<20480x128xf32, #tpu.memory_space<hbm>> -> memref<128x128xf32, #tpu.memory_space<hbm>>
      tpu.enqueue_dma source(%arg5 : memref<128x128xf32, #tpu.memory_space<vmem>>) target(%dma_start3A_75 : memref<128x128xf32, #tpu.memory_space<hbm>>) target_semaphore(%run_scoped3A_72 : memref<!tpu.dma_semaphore, #tpu.memory_space<semaphore_mem>>)
      %dma_wait3A = arith.constant 0 : i32
      %dma_wait3A_76 = tpu.memref_slice %arg3[%add3A_55, %dma_wait3A] : memref<20480x128xf32, #tpu.memory_space<hbm>> -> memref<128x128xf32, #tpu.memory_space<hbm>>
      %dma_wait3A_77 = arith.constant 0 : i32
      %dma_wait3A_78 = tpu.memref_slice %arg3[%add3A_55, %dma_wait3A_77] : memref<20480x128xf32, #tpu.memory_space<hbm>> -> memref<128x128xf32, #tpu.memory_space<hbm>>
      tpu.wait_dma2 semaphore(%run_scoped3A_72 : memref<!tpu.dma_semaphore, #tpu.memory_space<semaphore_mem>>) src(%arg5 : memref<128x128xf32, #tpu.memory_space<vmem>>) dst(%dma_wait3A_78 : memref<128x128xf32, #tpu.memory_space<hbm>>)
      tpu.yield
    }) : () -> ()
    %run_scoped3A_56 = arith.constant 3 : i32
    "tpu.region"() ({
      %run_scoped3A_72 = tpu.sem_alloc : memref<!tpu.dma_semaphore, #tpu.memory_space<semaphore_mem>>
      %dma_start3A = arith.constant 0 : i32
      %dma_start3A_73 = tpu.memref_slice %arg6[%run_scoped3A_56, %dma_start3A] : memref<5x128xi32, #tpu.memory_space<vmem>> -> memref<1x128xi32, #tpu.memory_space<vmem>>
      %dma_start3A_74 = tpu.memref_squeeze %dma_start3A_73 : memref<1x128xi32, #tpu.memory_space<vmem>> -> memref<128xi32, #tpu.memory_space<vmem>>
      %dma_start3A_75 = arith.constant 0 : i32
      %dma_start3A_76 = arith.constant 0 : i32
      %dma_start3A_77 = tpu.memref_slice %arg7[%dma_start3A_75, %dma_start3A_76] : memref<10240x128xf32, #tpu.memory_space<vmem_shared>> -> memref<10240x128xf32, #tpu.memory_space<vmem_shared>>
      tpu.enqueue_indirect_dma source(%dma_start3A_77 : memref<10240x128xf32, #tpu.memory_space<vmem_shared>>) target(%arg5 : memref<128x128xf32, #tpu.memory_space<vmem>>) offsets(%dma_start3A_74 : memref<128xi32, #tpu.memory_space<vmem>>) semaphore(%run_scoped3A_72 : memref<!tpu.dma_semaphore, #tpu.memory_space<semaphore_mem>>)
      %dma_wait3A = arith.constant 0 : i32
      %dma_wait3A_78 = tpu.memref_slice %arg6[%run_scoped3A_56, %dma_wait3A] : memref<5x128xi32, #tpu.memory_space<vmem>> -> memref<1x128xi32, #tpu.memory_space<vmem>>
      %dma_wait3A_79 = tpu.memref_squeeze %dma_wait3A_78 : memref<1x128xi32, #tpu.memory_space<vmem>> -> memref<128xi32, #tpu.memory_space<vmem>>
      %dma_wait3A_80 = arith.constant 0 : i32
      %dma_wait3A_81 = arith.constant 0 : i32
      %dma_wait3A_82 = tpu.memref_slice %arg7[%dma_wait3A_80, %dma_wait3A_81] : memref<10240x128xf32, #tpu.memory_space<vmem_shared>> -> memref<10240x128xf32, #tpu.memory_space<vmem_shared>>
      tpu.wait_indirect_dma semaphore(%run_scoped3A_72 : memref<!tpu.dma_semaphore, #tpu.memory_space<semaphore_mem>>) src(%dma_wait3A_82 : memref<10240x128xf32, #tpu.memory_space<vmem_shared>>) dst(%arg5 : memref<128x128xf32, #tpu.memory_space<vmem>>)
      tpu.yield
    }) : () -> ()
    %mul3A_57 = arith.constant 10240 : i32
    %mul3A_58 = arith.muli %arg0, %mul3A_57 : i32
    %mul3A_59 = arith.constant 640 : i32
    %mul3A_60 = arith.muli %arg1, %mul3A_59 : i32
    %add3A_61 = arith.addi %mul3A_58, %mul3A_60 : i32
    %add3A_62 = arith.constant 384 : i32
    %add3A_63 = arith.addi %add3A_61, %add3A_62 : i32
    "tpu.region"() ({
      %run_scoped3A_72 = tpu.sem_alloc : memref<!tpu.dma_semaphore, #tpu.memory_space<semaphore_mem>>
      %dma_start3A = arith.constant 0 : i32
      %dma_start3A_73 = tpu.memref_slice %arg3[%add3A_63, %dma_start3A] : memref<20480x128xf32, #tpu.memory_space<hbm>> -> memref<128x128xf32, #tpu.memory_space<hbm>>
      %dma_start3A_74 = arith.constant 0 : i32
      %dma_start3A_75 = tpu.memref_slice %arg3[%add3A_63, %dma_start3A_74] : memref<20480x128xf32, #tpu.memory_space<hbm>> -> memref<128x128xf32, #tpu.memory_space<hbm>>
      tpu.enqueue_dma source(%arg5 : memref<128x128xf32, #tpu.memory_space<vmem>>) target(%dma_start3A_75 : memref<128x128xf32, #tpu.memory_space<hbm>>) target_semaphore(%run_scoped3A_72 : memref<!tpu.dma_semaphore, #tpu.memory_space<semaphore_mem>>)
      %dma_wait3A = arith.constant 0 : i32
      %dma_wait3A_76 = tpu.memref_slice %arg3[%add3A_63, %dma_wait3A] : memref<20480x128xf32, #tpu.memory_space<hbm>> -> memref<128x128xf32, #tpu.memory_space<hbm>>
      %dma_wait3A_77 = arith.constant 0 : i32
      %dma_wait3A_78 = tpu.memref_slice %arg3[%add3A_63, %dma_wait3A_77] : memref<20480x128xf32, #tpu.memory_space<hbm>> -> memref<128x128xf32, #tpu.memory_space<hbm>>
      tpu.wait_dma2 semaphore(%run_scoped3A_72 : memref<!tpu.dma_semaphore, #tpu.memory_space<semaphore_mem>>) src(%arg5 : memref<128x128xf32, #tpu.memory_space<vmem>>) dst(%dma_wait3A_78 : memref<128x128xf32, #tpu.memory_space<hbm>>)
      tpu.yield
    }) : () -> ()
    %run_scoped3A_64 = arith.constant 4 : i32
    "tpu.region"() ({
      %run_scoped3A_72 = tpu.sem_alloc : memref<!tpu.dma_semaphore, #tpu.memory_space<semaphore_mem>>
      %dma_start3A = arith.constant 0 : i32
      %dma_start3A_73 = tpu.memref_slice %arg6[%run_scoped3A_64, %dma_start3A] : memref<5x128xi32, #tpu.memory_space<vmem>> -> memref<1x128xi32, #tpu.memory_space<vmem>>
      %dma_start3A_74 = tpu.memref_squeeze %dma_start3A_73 : memref<1x128xi32, #tpu.memory_space<vmem>> -> memref<128xi32, #tpu.memory_space<vmem>>
      %dma_start3A_75 = arith.constant 0 : i32
      %dma_start3A_76 = arith.constant 0 : i32
      %dma_start3A_77 = tpu.memref_slice %arg7[%dma_start3A_75, %dma_start3A_76] : memref<10240x128xf32, #tpu.memory_space<vmem_shared>> -> memref<10240x128xf32, #tpu.memory_space<vmem_shared>>
      tpu.enqueue_indirect_dma source(%dma_start3A_77 : memref<10240x128xf32, #tpu.memory_space<vmem_shared>>) target(%arg5 : memref<128x128xf32, #tpu.memory_space<vmem>>) offsets(%dma_start3A_74 : memref<128xi32, #tpu.memory_space<vmem>>) semaphore(%run_scoped3A_72 : memref<!tpu.dma_semaphore, #tpu.memory_space<semaphore_mem>>)
      %dma_wait3A = arith.constant 0 : i32
      %dma_wait3A_78 = tpu.memref_slice %arg6[%run_scoped3A_64, %dma_wait3A] : memref<5x128xi32, #tpu.memory_space<vmem>> -> memref<1x128xi32, #tpu.memory_space<vmem>>
      %dma_wait3A_79 = tpu.memref_squeeze %dma_wait3A_78 : memref<1x128xi32, #tpu.memory_space<vmem>> -> memref<128xi32, #tpu.memory_space<vmem>>
      %dma_wait3A_80 = arith.constant 0 : i32
      %dma_wait3A_81 = arith.constant 0 : i32
      %dma_wait3A_82 = tpu.memref_slice %arg7[%dma_wait3A_80, %dma_wait3A_81] : memref<10240x128xf32, #tpu.memory_space<vmem_shared>> -> memref<10240x128xf32, #tpu.memory_space<vmem_shared>>
      tpu.wait_indirect_dma semaphore(%run_scoped3A_72 : memref<!tpu.dma_semaphore, #tpu.memory_space<semaphore_mem>>) src(%dma_wait3A_82 : memref<10240x128xf32, #tpu.memory_space<vmem_shared>>) dst(%arg5 : memref<128x128xf32, #tpu.memory_space<vmem>>)
      tpu.yield
    }) : () -> ()
    %mul3A_65 = arith.constant 10240 : i32
    %mul3A_66 = arith.muli %arg0, %mul3A_65 : i32
    %mul3A_67 = arith.constant 640 : i32
    %mul3A_68 = arith.muli %arg1, %mul3A_67 : i32
    %add3A_69 = arith.addi %mul3A_66, %mul3A_68 : i32
    %add3A_70 = arith.constant 512 : i32
    %add3A_71 = arith.addi %add3A_69, %add3A_70 : i32
    "tpu.region"() ({
      %run_scoped3A_72 = tpu.sem_alloc : memref<!tpu.dma_semaphore, #tpu.memory_space<semaphore_mem>>
      %dma_start3A = arith.constant 0 : i32
      %dma_start3A_73 = tpu.memref_slice %arg3[%add3A_71, %dma_start3A] : memref<20480x128xf32, #tpu.memory_space<hbm>> -> memref<128x128xf32, #tpu.memory_space<hbm>>
      %dma_start3A_74 = arith.constant 0 : i32
      %dma_start3A_75 = tpu.memref_slice %arg3[%add3A_71, %dma_start3A_74] : memref<20480x128xf32, #tpu.memory_space<hbm>> -> memref<128x128xf32, #tpu.memory_space<hbm>>
      tpu.enqueue_dma source(%arg5 : memref<128x128xf32, #tpu.memory_space<vmem>>) target(%dma_start3A_75 : memref<128x128xf32, #tpu.memory_space<hbm>>) target_semaphore(%run_scoped3A_72 : memref<!tpu.dma_semaphore, #tpu.memory_space<semaphore_mem>>)
      %dma_wait3A = arith.constant 0 : i32
      %dma_wait3A_76 = tpu.memref_slice %arg3[%add3A_71, %dma_wait3A] : memref<20480x128xf32, #tpu.memory_space<hbm>> -> memref<128x128xf32, #tpu.memory_space<hbm>>
      %dma_wait3A_77 = arith.constant 0 : i32
      %dma_wait3A_78 = tpu.memref_slice %arg3[%add3A_71, %dma_wait3A_77] : memref<20480x128xf32, #tpu.memory_space<hbm>> -> memref<128x128xf32, #tpu.memory_space<hbm>>
      tpu.wait_dma2 semaphore(%run_scoped3A_72 : memref<!tpu.dma_semaphore, #tpu.memory_space<semaphore_mem>>) src(%arg5 : memref<128x128xf32, #tpu.memory_space<vmem>>) dst(%dma_wait3A_78 : memref<128x128xf32, #tpu.memory_space<hbm>>)
      tpu.yield
    }) : () -> ()
    return
  }
}

#map = affine_map<(d0, d1) -> (0, 0)>
module attributes {stable_mosaic.version = 14 : i64} {
  func.func @mp(%arg0: i32, %arg1: i32, %arg2: memref<10240x128xf32, #tpu.memory_space<hbm>>, %arg3: memref<2560x128xi32, #tpu.memory_space<hbm>>, %arg4: memref<2560x128xi32, #tpu.memory_space<hbm>>, %arg5: memref<20480x128xf32, #tpu.memory_space<hbm>>, %arg6: memref<40x128xi32, #tpu.memory_space<vmem>>, %arg7: memref<40x128xi32, #tpu.memory_space<vmem>>, %arg8: memref<128x128xf32, #tpu.memory_space<vmem>>, %arg9: memref<128x128xf32, #tpu.memory_space<vmem>>, %arg10: memref<5x128xi32, #tpu.memory_space<vmem>>, %arg11: memref<10240x128xf32, #tpu.memory_space<vmem_shared>>, %arg12: memref<!tpu.dma_semaphore, #tpu.memory_space<semaphore_mem>>, %arg13: memref<!tpu.dma_semaphore, #tpu.memory_space<semaphore_mem>>) attributes {dimension_semantics = [#tpu.dimension_semantics<core_parallel>, #tpu.dimension_semantics<subcore_parallel>], iteration_bounds = array<i64: 2, 16>, scalar_prefetch = 0 : i64, scratch_operands = 8 : i64, tpu.core_type = #tpu.core_type<sc_vector_subcore>, window_params = [{transform_indices = #map}, {transform_indices = #map}, {transform_indices = #map}, {transform_indices = #map}]} {
    %mul3A = arith.constant 16 : i32
    %mul3A_0 = arith.muli %arg0, %mul3A : i32
    %add3A = arith.addi %mul3A_0, %arg1 : i32
    %mul3A_1 = arith.constant 640 : i32
    %mul3A_2 = arith.muli %arg1, %mul3A_1 : i32
    %iota3A = tpu.iota {dimensions = array<i32: 0>} : vector<16xi32>
    %scan3A = arith.constant 0 : i32
    %scan3A_3 = arith.constant 5 : i32
    %scan3A_4 = arith.addi %scan3A, %scan3A_3 : i32
    %scan3A_5 = arith.constant 1 : i32
    scf.for %scan3A_89 = %scan3A to %scan3A_4 step %scan3A_5  : i32 {
      %mul3A_90 = arith.constant 128 : i32
      %mul3A_91 = arith.muli %scan3A_89, %mul3A_90 : i32
      %add3A_92 = arith.addi %mul3A_2, %mul3A_91 : i32
      %add3A_93 = arith.constant 0 : i32
      %add3A_94 = arith.addi %add3A_92, %add3A_93 : i32
      %add3A_95 = vector.broadcast %add3A_94 : i32 to vector<16xi32>
      %add3A_96 = arith.addi %add3A_95, %iota3A : vector<16xi32>
      %swap3A = arith.index_cast %scan3A_89 : i32 to index
      %swap3A_97 = arith.constant 0 : index
      %swap3A_98 = tpu.vector_load %arg10[%swap3A, %swap3A_97] {strides = array<i32>} : memref<5x128xi32, #tpu.memory_space<vmem>>, vector<1x16xi32>,
      %swap3A_99 = vector.shape_cast %swap3A_98 : vector<1x16xi32> to vector<16xi32>
      %swap3A_100 = vector.shape_cast %add3A_96 : vector<16xi32> to vector<1x16xi32>
      tpu.vector_store %arg10[%swap3A, %swap3A_97], %swap3A_100 {strides = array<i32>} : memref<5x128xi32, #tpu.memory_space<vmem>>, vector<1x16xi32>,
      %mul3A_101 = arith.constant 128 : i32
      %mul3A_102 = arith.muli %scan3A_89, %mul3A_101 : i32
      %add3A_103 = arith.addi %mul3A_2, %mul3A_102 : i32
      %add3A_104 = arith.constant 16 : i32
      %add3A_105 = arith.addi %add3A_103, %add3A_104 : i32
      %add3A_106 = vector.broadcast %add3A_105 : i32 to vector<16xi32>
      %add3A_107 = arith.addi %add3A_106, %iota3A : vector<16xi32>
      %swap3A_108 = arith.index_cast %scan3A_89 : i32 to index
      %swap3A_109 = arith.constant 16 : index
      %swap3A_110 = tpu.vector_load %arg10[%swap3A_108, %swap3A_109] {strides = array<i32>} : memref<5x128xi32, #tpu.memory_space<vmem>>, vector<1x16xi32>,
      %swap3A_111 = vector.shape_cast %swap3A_110 : vector<1x16xi32> to vector<16xi32>
      %swap3A_112 = vector.shape_cast %add3A_107 : vector<16xi32> to vector<1x16xi32>
      tpu.vector_store %arg10[%swap3A_108, %swap3A_109], %swap3A_112 {strides = array<i32>} : memref<5x128xi32, #tpu.memory_space<vmem>>, vector<1x16xi32>,
      %mul3A_113 = arith.constant 128 : i32
      %mul3A_114 = arith.muli %scan3A_89, %mul3A_113 : i32
      %add3A_115 = arith.addi %mul3A_2, %mul3A_114 : i32
      %add3A_116 = arith.constant 32 : i32
      %add3A_117 = arith.addi %add3A_115, %add3A_116 : i32
      %add3A_118 = vector.broadcast %add3A_117 : i32 to vector<16xi32>
      %add3A_119 = arith.addi %add3A_118, %iota3A : vector<16xi32>
      %swap3A_120 = arith.index_cast %scan3A_89 : i32 to index
      %swap3A_121 = arith.constant 32 : index
      %swap3A_122 = tpu.vector_load %arg10[%swap3A_120, %swap3A_121] {strides = array<i32>} : memref<5x128xi32, #tpu.memory_space<vmem>>, vector<1x16xi32>,
      %swap3A_123 = vector.shape_cast %swap3A_122 : vector<1x16xi32> to vector<16xi32>
      %swap3A_124 = vector.shape_cast %add3A_119 : vector<16xi32> to vector<1x16xi32>
      tpu.vector_store %arg10[%swap3A_120, %swap3A_121], %swap3A_124 {strides = array<i32>} : memref<5x128xi32, #tpu.memory_space<vmem>>, vector<1x16xi32>,
      %mul3A_125 = arith.constant 128 : i32
      %mul3A_126 = arith.muli %scan3A_89, %mul3A_125 : i32
      %add3A_127 = arith.addi %mul3A_2, %mul3A_126 : i32
      %add3A_128 = arith.constant 48 : i32
      %add3A_129 = arith.addi %add3A_127, %add3A_128 : i32
      %add3A_130 = vector.broadcast %add3A_129 : i32 to vector<16xi32>
      %add3A_131 = arith.addi %add3A_130, %iota3A : vector<16xi32>
      %swap3A_132 = arith.index_cast %scan3A_89 : i32 to index
      %swap3A_133 = arith.constant 48 : index
      %swap3A_134 = tpu.vector_load %arg10[%swap3A_132, %swap3A_133] {strides = array<i32>} : memref<5x128xi32, #tpu.memory_space<vmem>>, vector<1x16xi32>,
      %swap3A_135 = vector.shape_cast %swap3A_134 : vector<1x16xi32> to vector<16xi32>
      %swap3A_136 = vector.shape_cast %add3A_131 : vector<16xi32> to vector<1x16xi32>
      tpu.vector_store %arg10[%swap3A_132, %swap3A_133], %swap3A_136 {strides = array<i32>} : memref<5x128xi32, #tpu.memory_space<vmem>>, vector<1x16xi32>,
      %mul3A_137 = arith.constant 128 : i32
      %mul3A_138 = arith.muli %scan3A_89, %mul3A_137 : i32
      %add3A_139 = arith.addi %mul3A_2, %mul3A_138 : i32
      %add3A_140 = arith.constant 64 : i32
      %add3A_141 = arith.addi %add3A_139, %add3A_140 : i32
      %add3A_142 = vector.broadcast %add3A_141 : i32 to vector<16xi32>
      %add3A_143 = arith.addi %add3A_142, %iota3A : vector<16xi32>
      %swap3A_144 = arith.index_cast %scan3A_89 : i32 to index
      %swap3A_145 = arith.constant 64 : index
      %swap3A_146 = tpu.vector_load %arg10[%swap3A_144, %swap3A_145] {strides = array<i32>} : memref<5x128xi32, #tpu.memory_space<vmem>>, vector<1x16xi32>,
      %swap3A_147 = vector.shape_cast %swap3A_146 : vector<1x16xi32> to vector<16xi32>
      %swap3A_148 = vector.shape_cast %add3A_143 : vector<16xi32> to vector<1x16xi32>
      tpu.vector_store %arg10[%swap3A_144, %swap3A_145], %swap3A_148 {strides = array<i32>} : memref<5x128xi32, #tpu.memory_space<vmem>>, vector<1x16xi32>,
      %mul3A_149 = arith.constant 128 : i32
      %mul3A_150 = arith.muli %scan3A_89, %mul3A_149 : i32
      %add3A_151 = arith.addi %mul3A_2, %mul3A_150 : i32
      %add3A_152 = arith.constant 80 : i32
      %add3A_153 = arith.addi %add3A_151, %add3A_152 : i32
      %add3A_154 = vector.broadcast %add3A_153 : i32 to vector<16xi32>
      %add3A_155 = arith.addi %add3A_154, %iota3A : vector<16xi32>
      %swap3A_156 = arith.index_cast %scan3A_89 : i32 to index
      %swap3A_157 = arith.constant 80 : index
      %swap3A_158 = tpu.vector_load %arg10[%swap3A_156, %swap3A_157] {strides = array<i32>} : memref<5x128xi32, #tpu.memory_space<vmem>>, vector<1x16xi32>,
      %swap3A_159 = vector.shape_cast %swap3A_158 : vector<1x16xi32> to vector<16xi32>
      %swap3A_160 = vector.shape_cast %add3A_155 : vector<16xi32> to vector<1x16xi32>
      tpu.vector_store %arg10[%swap3A_156, %swap3A_157], %swap3A_160 {strides = array<i32>} : memref<5x128xi32, #tpu.memory_space<vmem>>, vector<1x16xi32>,
      %mul3A_161 = arith.constant 128 : i32
      %mul3A_162 = arith.muli %scan3A_89, %mul3A_161 : i32
      %add3A_163 = arith.addi %mul3A_2, %mul3A_162 : i32
      %add3A_164 = arith.constant 96 : i32
      %add3A_165 = arith.addi %add3A_163, %add3A_164 : i32
      %add3A_166 = vector.broadcast %add3A_165 : i32 to vector<16xi32>
      %add3A_167 = arith.addi %add3A_166, %iota3A : vector<16xi32>
      %swap3A_168 = arith.index_cast %scan3A_89 : i32 to index
      %swap3A_169 = arith.constant 96 : index
      %swap3A_170 = tpu.vector_load %arg10[%swap3A_168, %swap3A_169] {strides = array<i32>} : memref<5x128xi32, #tpu.memory_space<vmem>>, vector<1x16xi32>,
      %swap3A_171 = vector.shape_cast %swap3A_170 : vector<1x16xi32> to vector<16xi32>
      %swap3A_172 = vector.shape_cast %add3A_167 : vector<16xi32> to vector<1x16xi32>
      tpu.vector_store %arg10[%swap3A_168, %swap3A_169], %swap3A_172 {strides = array<i32>} : memref<5x128xi32, #tpu.memory_space<vmem>>, vector<1x16xi32>,
      %mul3A_173 = arith.constant 128 : i32
      %mul3A_174 = arith.muli %scan3A_89, %mul3A_173 : i32
      %add3A_175 = arith.addi %mul3A_2, %mul3A_174 : i32
      %add3A_176 = arith.constant 112 : i32
      %add3A_177 = arith.addi %add3A_175, %add3A_176 : i32
      %add3A_178 = vector.broadcast %add3A_177 : i32 to vector<16xi32>
      %add3A_179 = arith.addi %add3A_178, %iota3A : vector<16xi32>
      %swap3A_180 = arith.index_cast %scan3A_89 : i32 to index
      %swap3A_181 = arith.constant 112 : index
      %swap3A_182 = tpu.vector_load %arg10[%swap3A_180, %swap3A_181] {strides = array<i32>} : memref<5x128xi32, #tpu.memory_space<vmem>>, vector<1x16xi32>,
      %swap3A_183 = vector.shape_cast %swap3A_182 : vector<1x16xi32> to vector<16xi32>
      %swap3A_184 = vector.shape_cast %add3A_179 : vector<16xi32> to vector<1x16xi32>
      tpu.vector_store %arg10[%swap3A_180, %swap3A_181], %swap3A_184 {strides = array<i32>} : memref<5x128xi32, #tpu.memory_space<vmem>>, vector<1x16xi32>,
    }
    %scan3A_6 = arith.constant 5 : i32
    %broadcast_in_dim3A = arith.constant 0.000000e+00 : f32
    %broadcast_in_dim3A_7 = vector.broadcast %broadcast_in_dim3A : f32 to vector<16xf32>
    %scan3A_8 = arith.constant 0 : i32
    %scan3A_9 = arith.constant 128 : i32
    %scan3A_10 = arith.addi %scan3A_8, %scan3A_9 : i32
    %scan3A_11 = arith.constant 1 : i32
    scf.for %scan3A_89 = %scan3A_8 to %scan3A_10 step %scan3A_11  : i32 {
      %swap3A = arith.index_cast %scan3A_89 : i32 to index
      %swap3A_90 = arith.constant 0 : index
      %swap3A_91 = tpu.vector_load %arg8[%swap3A, %swap3A_90] {strides = array<i32>} : memref<128x128xf32, #tpu.memory_space<vmem>>, vector<1x16xf32>,
      %swap3A_92 = vector.shape_cast %swap3A_91 : vector<1x16xf32> to vector<16xf32>
      %swap3A_93 = vector.shape_cast %broadcast_in_dim3A_7 : vector<16xf32> to vector<1x16xf32>
      tpu.vector_store %arg8[%swap3A, %swap3A_90], %swap3A_93 {strides = array<i32>} : memref<128x128xf32, #tpu.memory_space<vmem>>, vector<1x16xf32>,
      %swap3A_94 = arith.index_cast %scan3A_89 : i32 to index
      %swap3A_95 = arith.constant 16 : index
      %swap3A_96 = tpu.vector_load %arg8[%swap3A_94, %swap3A_95] {strides = array<i32>} : memref<128x128xf32, #tpu.memory_space<vmem>>, vector<1x16xf32>,
      %swap3A_97 = vector.shape_cast %swap3A_96 : vector<1x16xf32> to vector<16xf32>
      %swap3A_98 = vector.shape_cast %broadcast_in_dim3A_7 : vector<16xf32> to vector<1x16xf32>
      tpu.vector_store %arg8[%swap3A_94, %swap3A_95], %swap3A_98 {strides = array<i32>} : memref<128x128xf32, #tpu.memory_space<vmem>>, vector<1x16xf32>,
      %swap3A_99 = arith.index_cast %scan3A_89 : i32 to index
      %swap3A_100 = arith.constant 32 : index
      %swap3A_101 = tpu.vector_load %arg8[%swap3A_99, %swap3A_100] {strides = array<i32>} : memref<128x128xf32, #tpu.memory_space<vmem>>, vector<1x16xf32>,
      %swap3A_102 = vector.shape_cast %swap3A_101 : vector<1x16xf32> to vector<16xf32>
      %swap3A_103 = vector.shape_cast %broadcast_in_dim3A_7 : vector<16xf32> to vector<1x16xf32>
      tpu.vector_store %arg8[%swap3A_99, %swap3A_100], %swap3A_103 {strides = array<i32>} : memref<128x128xf32, #tpu.memory_space<vmem>>, vector<1x16xf32>,
      %swap3A_104 = arith.index_cast %scan3A_89 : i32 to index
      %swap3A_105 = arith.constant 48 : index
      %swap3A_106 = tpu.vector_load %arg8[%swap3A_104, %swap3A_105] {strides = array<i32>} : memref<128x128xf32, #tpu.memory_space<vmem>>, vector<1x16xf32>,
      %swap3A_107 = vector.shape_cast %swap3A_106 : vector<1x16xf32> to vector<16xf32>
      %swap3A_108 = vector.shape_cast %broadcast_in_dim3A_7 : vector<16xf32> to vector<1x16xf32>
      tpu.vector_store %arg8[%swap3A_104, %swap3A_105], %swap3A_108 {strides = array<i32>} : memref<128x128xf32, #tpu.memory_space<vmem>>, vector<1x16xf32>,
      %swap3A_109 = arith.index_cast %scan3A_89 : i32 to index
      %swap3A_110 = arith.constant 64 : index
      %swap3A_111 = tpu.vector_load %arg8[%swap3A_109, %swap3A_110] {strides = array<i32>} : memref<128x128xf32, #tpu.memory_space<vmem>>, vector<1x16xf32>,
      %swap3A_112 = vector.shape_cast %swap3A_111 : vector<1x16xf32> to vector<16xf32>
      %swap3A_113 = vector.shape_cast %broadcast_in_dim3A_7 : vector<16xf32> to vector<1x16xf32>
      tpu.vector_store %arg8[%swap3A_109, %swap3A_110], %swap3A_113 {strides = array<i32>} : memref<128x128xf32, #tpu.memory_space<vmem>>, vector<1x16xf32>,
      %swap3A_114 = arith.index_cast %scan3A_89 : i32 to index
      %swap3A_115 = arith.constant 80 : index
      %swap3A_116 = tpu.vector_load %arg8[%swap3A_114, %swap3A_115] {strides = array<i32>} : memref<128x128xf32, #tpu.memory_space<vmem>>, vector<1x16xf32>,
      %swap3A_117 = vector.shape_cast %swap3A_116 : vector<1x16xf32> to vector<16xf32>
      %swap3A_118 = vector.shape_cast %broadcast_in_dim3A_7 : vector<16xf32> to vector<1x16xf32>
      tpu.vector_store %arg8[%swap3A_114, %swap3A_115], %swap3A_118 {strides = array<i32>} : memref<128x128xf32, #tpu.memory_space<vmem>>, vector<1x16xf32>,
      %swap3A_119 = arith.index_cast %scan3A_89 : i32 to index
      %swap3A_120 = arith.constant 96 : index
      %swap3A_121 = tpu.vector_load %arg8[%swap3A_119, %swap3A_120] {strides = array<i32>} : memref<128x128xf32, #tpu.memory_space<vmem>>, vector<1x16xf32>,
      %swap3A_122 = vector.shape_cast %swap3A_121 : vector<1x16xf32> to vector<16xf32>
      %swap3A_123 = vector.shape_cast %broadcast_in_dim3A_7 : vector<16xf32> to vector<1x16xf32>
      tpu.vector_store %arg8[%swap3A_119, %swap3A_120], %swap3A_123 {strides = array<i32>} : memref<128x128xf32, #tpu.memory_space<vmem>>, vector<1x16xf32>,
      %swap3A_124 = arith.index_cast %scan3A_89 : i32 to index
      %swap3A_125 = arith.constant 112 : index
      %swap3A_126 = tpu.vector_load %arg8[%swap3A_124, %swap3A_125] {strides = array<i32>} : memref<128x128xf32, #tpu.memory_space<vmem>>, vector<1x16xf32>,
      %swap3A_127 = vector.shape_cast %swap3A_126 : vector<1x16xf32> to vector<16xf32>
      %swap3A_128 = vector.shape_cast %broadcast_in_dim3A_7 : vector<16xf32> to vector<1x16xf32>
      tpu.vector_store %arg8[%swap3A_124, %swap3A_125], %swap3A_128 {strides = array<i32>} : memref<128x128xf32, #tpu.memory_space<vmem>>, vector<1x16xf32>,
    }
    %scan3A_12 = arith.constant 128 : i32
    %run_scoped3A = arith.constant 0 : i32
    "tpu.region"() ({
      %run_scoped3A_89 = tpu.sem_alloc : memref<!tpu.dma_semaphore, #tpu.memory_space<semaphore_mem>>
      %dma_start3A_90 = arith.constant 0 : i32
      %dma_start3A_91 = tpu.memref_slice %arg10[%run_scoped3A, %dma_start3A_90] : memref<5x128xi32, #tpu.memory_space<vmem>> -> memref<1x128xi32, #tpu.memory_space<vmem>>
      %dma_start3A_92 = tpu.memref_squeeze %dma_start3A_91 : memref<1x128xi32, #tpu.memory_space<vmem>> -> memref<128xi32, #tpu.memory_space<vmem>>
      %dma_start3A_93 = arith.constant 0 : i32
      %dma_start3A_94 = arith.constant 0 : i32
      %dma_start3A_95 = tpu.memref_slice %arg11[%dma_start3A_93, %dma_start3A_94] : memref<10240x128xf32, #tpu.memory_space<vmem_shared>> -> memref<10240x128xf32, #tpu.memory_space<vmem_shared>>
      tpu.enqueue_indirect_dma source(%arg8 : memref<128x128xf32, #tpu.memory_space<vmem>>) target(%dma_start3A_95 : memref<10240x128xf32, #tpu.memory_space<vmem_shared>>) offsets(%dma_start3A_92 : memref<128xi32, #tpu.memory_space<vmem>>) semaphore(%run_scoped3A_89 : memref<!tpu.dma_semaphore, #tpu.memory_space<semaphore_mem>>)
      %dma_wait3A = arith.constant 0 : i32
      %dma_wait3A_96 = tpu.memref_slice %arg10[%run_scoped3A, %dma_wait3A] : memref<5x128xi32, #tpu.memory_space<vmem>> -> memref<1x128xi32, #tpu.memory_space<vmem>>
      %dma_wait3A_97 = tpu.memref_squeeze %dma_wait3A_96 : memref<1x128xi32, #tpu.memory_space<vmem>> -> memref<128xi32, #tpu.memory_space<vmem>>
      %dma_wait3A_98 = arith.constant 0 : i32
      %dma_wait3A_99 = arith.constant 0 : i32
      %dma_wait3A_100 = tpu.memref_slice %arg11[%dma_wait3A_98, %dma_wait3A_99] : memref<10240x128xf32, #tpu.memory_space<vmem_shared>> -> memref<10240x128xf32, #tpu.memory_space<vmem_shared>>
      tpu.wait_indirect_dma semaphore(%run_scoped3A_89 : memref<!tpu.dma_semaphore, #tpu.memory_space<semaphore_mem>>) src(%arg8 : memref<128x128xf32, #tpu.memory_space<vmem>>) dst(%dma_wait3A_100 : memref<10240x128xf32, #tpu.memory_space<vmem_shared>>)
      tpu.yield
    }) : () -> ()
    %run_scoped3A_13 = arith.constant 1 : i32
    "tpu.region"() ({
      %run_scoped3A_89 = tpu.sem_alloc : memref<!tpu.dma_semaphore, #tpu.memory_space<semaphore_mem>>
      %dma_start3A_90 = arith.constant 0 : i32
      %dma_start3A_91 = tpu.memref_slice %arg10[%run_scoped3A_13, %dma_start3A_90] : memref<5x128xi32, #tpu.memory_space<vmem>> -> memref<1x128xi32, #tpu.memory_space<vmem>>
      %dma_start3A_92 = tpu.memref_squeeze %dma_start3A_91 : memref<1x128xi32, #tpu.memory_space<vmem>> -> memref<128xi32, #tpu.memory_space<vmem>>
      %dma_start3A_93 = arith.constant 0 : i32
      %dma_start3A_94 = arith.constant 0 : i32
      %dma_start3A_95 = tpu.memref_slice %arg11[%dma_start3A_93, %dma_start3A_94] : memref<10240x128xf32, #tpu.memory_space<vmem_shared>> -> memref<10240x128xf32, #tpu.memory_space<vmem_shared>>
      tpu.enqueue_indirect_dma source(%arg8 : memref<128x128xf32, #tpu.memory_space<vmem>>) target(%dma_start3A_95 : memref<10240x128xf32, #tpu.memory_space<vmem_shared>>) offsets(%dma_start3A_92 : memref<128xi32, #tpu.memory_space<vmem>>) semaphore(%run_scoped3A_89 : memref<!tpu.dma_semaphore, #tpu.memory_space<semaphore_mem>>)
      %dma_wait3A = arith.constant 0 : i32
      %dma_wait3A_96 = tpu.memref_slice %arg10[%run_scoped3A_13, %dma_wait3A] : memref<5x128xi32, #tpu.memory_space<vmem>> -> memref<1x128xi32, #tpu.memory_space<vmem>>
      %dma_wait3A_97 = tpu.memref_squeeze %dma_wait3A_96 : memref<1x128xi32, #tpu.memory_space<vmem>> -> memref<128xi32, #tpu.memory_space<vmem>>
      %dma_wait3A_98 = arith.constant 0 : i32
      %dma_wait3A_99 = arith.constant 0 : i32
      %dma_wait3A_100 = tpu.memref_slice %arg11[%dma_wait3A_98, %dma_wait3A_99] : memref<10240x128xf32, #tpu.memory_space<vmem_shared>> -> memref<10240x128xf32, #tpu.memory_space<vmem_shared>>
      tpu.wait_indirect_dma semaphore(%run_scoped3A_89 : memref<!tpu.dma_semaphore, #tpu.memory_space<semaphore_mem>>) src(%arg8 : memref<128x128xf32, #tpu.memory_space<vmem>>) dst(%dma_wait3A_100 : memref<10240x128xf32, #tpu.memory_space<vmem_shared>>)
      tpu.yield
    }) : () -> ()
    %run_scoped3A_14 = arith.constant 2 : i32
    "tpu.region"() ({
      %run_scoped3A_89 = tpu.sem_alloc : memref<!tpu.dma_semaphore, #tpu.memory_space<semaphore_mem>>
      %dma_start3A_90 = arith.constant 0 : i32
      %dma_start3A_91 = tpu.memref_slice %arg10[%run_scoped3A_14, %dma_start3A_90] : memref<5x128xi32, #tpu.memory_space<vmem>> -> memref<1x128xi32, #tpu.memory_space<vmem>>
      %dma_start3A_92 = tpu.memref_squeeze %dma_start3A_91 : memref<1x128xi32, #tpu.memory_space<vmem>> -> memref<128xi32, #tpu.memory_space<vmem>>
      %dma_start3A_93 = arith.constant 0 : i32
      %dma_start3A_94 = arith.constant 0 : i32
      %dma_start3A_95 = tpu.memref_slice %arg11[%dma_start3A_93, %dma_start3A_94] : memref<10240x128xf32, #tpu.memory_space<vmem_shared>> -> memref<10240x128xf32, #tpu.memory_space<vmem_shared>>
      tpu.enqueue_indirect_dma source(%arg8 : memref<128x128xf32, #tpu.memory_space<vmem>>) target(%dma_start3A_95 : memref<10240x128xf32, #tpu.memory_space<vmem_shared>>) offsets(%dma_start3A_92 : memref<128xi32, #tpu.memory_space<vmem>>) semaphore(%run_scoped3A_89 : memref<!tpu.dma_semaphore, #tpu.memory_space<semaphore_mem>>)
      %dma_wait3A = arith.constant 0 : i32
      %dma_wait3A_96 = tpu.memref_slice %arg10[%run_scoped3A_14, %dma_wait3A] : memref<5x128xi32, #tpu.memory_space<vmem>> -> memref<1x128xi32, #tpu.memory_space<vmem>>
      %dma_wait3A_97 = tpu.memref_squeeze %dma_wait3A_96 : memref<1x128xi32, #tpu.memory_space<vmem>> -> memref<128xi32, #tpu.memory_space<vmem>>
      %dma_wait3A_98 = arith.constant 0 : i32
      %dma_wait3A_99 = arith.constant 0 : i32
      %dma_wait3A_100 = tpu.memref_slice %arg11[%dma_wait3A_98, %dma_wait3A_99] : memref<10240x128xf32, #tpu.memory_space<vmem_shared>> -> memref<10240x128xf32, #tpu.memory_space<vmem_shared>>
      tpu.wait_indirect_dma semaphore(%run_scoped3A_89 : memref<!tpu.dma_semaphore, #tpu.memory_space<semaphore_mem>>) src(%arg8 : memref<128x128xf32, #tpu.memory_space<vmem>>) dst(%dma_wait3A_100 : memref<10240x128xf32, #tpu.memory_space<vmem_shared>>)
      tpu.yield
    }) : () -> ()
    %run_scoped3A_15 = arith.constant 3 : i32
    "tpu.region"() ({
      %run_scoped3A_89 = tpu.sem_alloc : memref<!tpu.dma_semaphore, #tpu.memory_space<semaphore_mem>>
      %dma_start3A_90 = arith.constant 0 : i32
      %dma_start3A_91 = tpu.memref_slice %arg10[%run_scoped3A_15, %dma_start3A_90] : memref<5x128xi32, #tpu.memory_space<vmem>> -> memref<1x128xi32, #tpu.memory_space<vmem>>
      %dma_start3A_92 = tpu.memref_squeeze %dma_start3A_91 : memref<1x128xi32, #tpu.memory_space<vmem>> -> memref<128xi32, #tpu.memory_space<vmem>>
      %dma_start3A_93 = arith.constant 0 : i32
      %dma_start3A_94 = arith.constant 0 : i32
      %dma_start3A_95 = tpu.memref_slice %arg11[%dma_start3A_93, %dma_start3A_94] : memref<10240x128xf32, #tpu.memory_space<vmem_shared>> -> memref<10240x128xf32, #tpu.memory_space<vmem_shared>>
      tpu.enqueue_indirect_dma source(%arg8 : memref<128x128xf32, #tpu.memory_space<vmem>>) target(%dma_start3A_95 : memref<10240x128xf32, #tpu.memory_space<vmem_shared>>) offsets(%dma_start3A_92 : memref<128xi32, #tpu.memory_space<vmem>>) semaphore(%run_scoped3A_89 : memref<!tpu.dma_semaphore, #tpu.memory_space<semaphore_mem>>)
      %dma_wait3A = arith.constant 0 : i32
      %dma_wait3A_96 = tpu.memref_slice %arg10[%run_scoped3A_15, %dma_wait3A] : memref<5x128xi32, #tpu.memory_space<vmem>> -> memref<1x128xi32, #tpu.memory_space<vmem>>
      %dma_wait3A_97 = tpu.memref_squeeze %dma_wait3A_96 : memref<1x128xi32, #tpu.memory_space<vmem>> -> memref<128xi32, #tpu.memory_space<vmem>>
      %dma_wait3A_98 = arith.constant 0 : i32
      %dma_wait3A_99 = arith.constant 0 : i32
      %dma_wait3A_100 = tpu.memref_slice %arg11[%dma_wait3A_98, %dma_wait3A_99] : memref<10240x128xf32, #tpu.memory_space<vmem_shared>> -> memref<10240x128xf32, #tpu.memory_space<vmem_shared>>
      tpu.wait_indirect_dma semaphore(%run_scoped3A_89 : memref<!tpu.dma_semaphore, #tpu.memory_space<semaphore_mem>>) src(%arg8 : memref<128x128xf32, #tpu.memory_space<vmem>>) dst(%dma_wait3A_100 : memref<10240x128xf32, #tpu.memory_space<vmem_shared>>)
      tpu.yield
    }) : () -> ()
    %run_scoped3A_16 = arith.constant 4 : i32
    "tpu.region"() ({
      %run_scoped3A_89 = tpu.sem_alloc : memref<!tpu.dma_semaphore, #tpu.memory_space<semaphore_mem>>
      %dma_start3A_90 = arith.constant 0 : i32
      %dma_start3A_91 = tpu.memref_slice %arg10[%run_scoped3A_16, %dma_start3A_90] : memref<5x128xi32, #tpu.memory_space<vmem>> -> memref<1x128xi32, #tpu.memory_space<vmem>>
      %dma_start3A_92 = tpu.memref_squeeze %dma_start3A_91 : memref<1x128xi32, #tpu.memory_space<vmem>> -> memref<128xi32, #tpu.memory_space<vmem>>
      %dma_start3A_93 = arith.constant 0 : i32
      %dma_start3A_94 = arith.constant 0 : i32
      %dma_start3A_95 = tpu.memref_slice %arg11[%dma_start3A_93, %dma_start3A_94] : memref<10240x128xf32, #tpu.memory_space<vmem_shared>> -> memref<10240x128xf32, #tpu.memory_space<vmem_shared>>
      tpu.enqueue_indirect_dma source(%arg8 : memref<128x128xf32, #tpu.memory_space<vmem>>) target(%dma_start3A_95 : memref<10240x128xf32, #tpu.memory_space<vmem_shared>>) offsets(%dma_start3A_92 : memref<128xi32, #tpu.memory_space<vmem>>) semaphore(%run_scoped3A_89 : memref<!tpu.dma_semaphore, #tpu.memory_space<semaphore_mem>>)
      %dma_wait3A = arith.constant 0 : i32
      %dma_wait3A_96 = tpu.memref_slice %arg10[%run_scoped3A_16, %dma_wait3A] : memref<5x128xi32, #tpu.memory_space<vmem>> -> memref<1x128xi32, #tpu.memory_space<vmem>>
      %dma_wait3A_97 = tpu.memref_squeeze %dma_wait3A_96 : memref<1x128xi32, #tpu.memory_space<vmem>> -> memref<128xi32, #tpu.memory_space<vmem>>
      %dma_wait3A_98 = arith.constant 0 : i32
      %dma_wait3A_99 = arith.constant 0 : i32
      %dma_wait3A_100 = tpu.memref_slice %arg11[%dma_wait3A_98, %dma_wait3A_99] : memref<10240x128xf32, #tpu.memory_space<vmem_shared>> -> memref<10240x128xf32, #tpu.memory_space<vmem_shared>>
      tpu.wait_indirect_dma semaphore(%run_scoped3A_89 : memref<!tpu.dma_semaphore, #tpu.memory_space<semaphore_mem>>) src(%arg8 : memref<128x128xf32, #tpu.memory_space<vmem>>) dst(%dma_wait3A_100 : memref<10240x128xf32, #tpu.memory_space<vmem_shared>>)
      tpu.yield
    }) : () -> ()
    %barrier3A = arith.constant 0 : index
    tpu.barrier barrier_id(%barrier3A)
    %mul3A_17 = arith.constant 80 : i32
    %mul3A_18 = arith.muli %add3A, %mul3A_17 : i32
    %add3A_19 = arith.constant 0 : i32
    %add3A_20 = arith.addi %mul3A_18, %add3A_19 : i32
    "tpu.region"() ({
      %run_scoped3A_89 = tpu.sem_alloc : memref<!tpu.dma_semaphore, #tpu.memory_space<semaphore_mem>>
      %dma_start3A_90 = arith.constant 0 : i32
      %dma_start3A_91 = tpu.memref_slice %arg3[%add3A_20, %dma_start3A_90] : memref<2560x128xi32, #tpu.memory_space<hbm>> -> memref<40x128xi32, #tpu.memory_space<hbm>>
      %dma_start3A_92 = arith.constant 0 : i32
      %dma_start3A_93 = tpu.memref_slice %arg3[%add3A_20, %dma_start3A_92] : memref<2560x128xi32, #tpu.memory_space<hbm>> -> memref<40x128xi32, #tpu.memory_space<hbm>>
      tpu.enqueue_dma source(%dma_start3A_93 : memref<40x128xi32, #tpu.memory_space<hbm>>) target(%arg6 : memref<40x128xi32, #tpu.memory_space<vmem>>) target_semaphore(%run_scoped3A_89 : memref<!tpu.dma_semaphore, #tpu.memory_space<semaphore_mem>>)
      %dma_wait3A = arith.constant 0 : i32
      %dma_wait3A_94 = tpu.memref_slice %arg3[%add3A_20, %dma_wait3A] : memref<2560x128xi32, #tpu.memory_space<hbm>> -> memref<40x128xi32, #tpu.memory_space<hbm>>
      %dma_wait3A_95 = arith.constant 0 : i32
      %dma_wait3A_96 = tpu.memref_slice %arg3[%add3A_20, %dma_wait3A_95] : memref<2560x128xi32, #tpu.memory_space<hbm>> -> memref<40x128xi32, #tpu.memory_space<hbm>>
      tpu.wait_dma2 semaphore(%run_scoped3A_89 : memref<!tpu.dma_semaphore, #tpu.memory_space<semaphore_mem>>) src(%dma_wait3A_96 : memref<40x128xi32, #tpu.memory_space<hbm>>) dst(%arg6 : memref<40x128xi32, #tpu.memory_space<vmem>>)
      tpu.yield
    }) : () -> ()
    "tpu.region"() ({
      %run_scoped3A_89 = tpu.sem_alloc : memref<!tpu.dma_semaphore, #tpu.memory_space<semaphore_mem>>
      %dma_start3A_90 = arith.constant 0 : i32
      %dma_start3A_91 = tpu.memref_slice %arg4[%add3A_20, %dma_start3A_90] : memref<2560x128xi32, #tpu.memory_space<hbm>> -> memref<40x128xi32, #tpu.memory_space<hbm>>
      %dma_start3A_92 = arith.constant 0 : i32
      %dma_start3A_93 = tpu.memref_slice %arg4[%add3A_20, %dma_start3A_92] : memref<2560x128xi32, #tpu.memory_space<hbm>> -> memref<40x128xi32, #tpu.memory_space<hbm>>
      tpu.enqueue_dma source(%dma_start3A_93 : memref<40x128xi32, #tpu.memory_space<hbm>>) target(%arg7 : memref<40x128xi32, #tpu.memory_space<vmem>>) target_semaphore(%run_scoped3A_89 : memref<!tpu.dma_semaphore, #tpu.memory_space<semaphore_mem>>)
      %dma_wait3A = arith.constant 0 : i32
      %dma_wait3A_94 = tpu.memref_slice %arg4[%add3A_20, %dma_wait3A] : memref<2560x128xi32, #tpu.memory_space<hbm>> -> memref<40x128xi32, #tpu.memory_space<hbm>>
      %dma_wait3A_95 = arith.constant 0 : i32
      %dma_wait3A_96 = tpu.memref_slice %arg4[%add3A_20, %dma_wait3A_95] : memref<2560x128xi32, #tpu.memory_space<hbm>> -> memref<40x128xi32, #tpu.memory_space<hbm>>
      tpu.wait_dma2 semaphore(%run_scoped3A_89 : memref<!tpu.dma_semaphore, #tpu.memory_space<semaphore_mem>>) src(%dma_wait3A_96 : memref<40x128xi32, #tpu.memory_space<hbm>>) dst(%arg7 : memref<40x128xi32, #tpu.memory_space<vmem>>)
      tpu.yield
    }) : () -> ()
    %dma_start3A = arith.constant 0 : i32
    %dma_start3A_21 = arith.constant 0 : i32
    %dma_start3A_22 = tpu.memref_slice %arg6[%dma_start3A, %dma_start3A_21] : memref<40x128xi32, #tpu.memory_space<vmem>> -> memref<1x128xi32, #tpu.memory_space<vmem>>
    %dma_start3A_23 = tpu.memref_squeeze %dma_start3A_22 : memref<1x128xi32, #tpu.memory_space<vmem>> -> memref<128xi32, #tpu.memory_space<vmem>>
    %dma_start3A_24 = arith.constant 0 : i32
    %dma_start3A_25 = arith.constant 0 : i32
    %dma_start3A_26 = tpu.memref_slice %arg2[%dma_start3A_24, %dma_start3A_25] : memref<10240x128xf32, #tpu.memory_space<hbm>> -> memref<10240x128xf32, #tpu.memory_space<hbm>>
    tpu.enqueue_indirect_dma source(%dma_start3A_26 : memref<10240x128xf32, #tpu.memory_space<hbm>>) target(%arg8 : memref<128x128xf32, #tpu.memory_space<vmem>>) offsets(%dma_start3A_23 : memref<128xi32, #tpu.memory_space<vmem>>) semaphore(%arg12 : memref<!tpu.dma_semaphore, #tpu.memory_space<semaphore_mem>>)
    %scan3A_27 = arith.constant 0 : i32
    %scan3A_28 = arith.constant 20 : i32
    %scan3A_29 = arith.addi %scan3A_27, %scan3A_28 : i32
    %scan3A_30 = arith.constant 1 : i32
    scf.for %scan3A_89 = %scan3A_27 to %scan3A_29 step %scan3A_30  : i32 {
      %mul3A_90 = arith.constant 2 : i32
      %mul3A_91 = arith.muli %mul3A_90, %scan3A_89 : i32
      %add3A_92 = arith.constant 1 : i32
      %add3A_93 = arith.addi %mul3A_91, %add3A_92 : i32
      %dma_start3A_94 = arith.constant 0 : i32
      %dma_start3A_95 = tpu.memref_slice %arg6[%add3A_93, %dma_start3A_94] : memref<40x128xi32, #tpu.memory_space<vmem>> -> memref<1x128xi32, #tpu.memory_space<vmem>>
      %dma_start3A_96 = tpu.memref_squeeze %dma_start3A_95 : memref<1x128xi32, #tpu.memory_space<vmem>> -> memref<128xi32, #tpu.memory_space<vmem>>
      %dma_start3A_97 = arith.constant 0 : i32
      %dma_start3A_98 = arith.constant 0 : i32
      %dma_start3A_99 = tpu.memref_slice %arg2[%dma_start3A_97, %dma_start3A_98] : memref<10240x128xf32, #tpu.memory_space<hbm>> -> memref<10240x128xf32, #tpu.memory_space<hbm>>
      tpu.enqueue_indirect_dma source(%dma_start3A_99 : memref<10240x128xf32, #tpu.memory_space<hbm>>) target(%arg9 : memref<128x128xf32, #tpu.memory_space<vmem>>) offsets(%dma_start3A_96 : memref<128xi32, #tpu.memory_space<vmem>>) semaphore(%arg13 : memref<!tpu.dma_semaphore, #tpu.memory_space<semaphore_mem>>)
      %dma_wait3A = arith.constant 0 : i32
      %dma_wait3A_100 = tpu.memref_slice %arg6[%mul3A_91, %dma_wait3A] : memref<40x128xi32, #tpu.memory_space<vmem>> -> memref<1x128xi32, #tpu.memory_space<vmem>>
      %dma_wait3A_101 = tpu.memref_squeeze %dma_wait3A_100 : memref<1x128xi32, #tpu.memory_space<vmem>> -> memref<128xi32, #tpu.memory_space<vmem>>
      %dma_wait3A_102 = arith.constant 0 : i32
      %dma_wait3A_103 = arith.constant 0 : i32
      %dma_wait3A_104 = tpu.memref_slice %arg2[%dma_wait3A_102, %dma_wait3A_103] : memref<10240x128xf32, #tpu.memory_space<hbm>> -> memref<10240x128xf32, #tpu.memory_space<hbm>>
      tpu.wait_indirect_dma semaphore(%arg12 : memref<!tpu.dma_semaphore, #tpu.memory_space<semaphore_mem>>) src(%dma_wait3A_104 : memref<10240x128xf32, #tpu.memory_space<hbm>>) dst(%arg8 : memref<128x128xf32, #tpu.memory_space<vmem>>)
      "tpu.region"() ({
        %run_scoped3A_117 = tpu.sem_alloc : memref<!tpu.dma_semaphore, #tpu.memory_space<semaphore_mem>>
        %dma_start3A_118 = arith.constant 0 : i32
        %dma_start3A_119 = tpu.memref_slice %arg7[%mul3A_91, %dma_start3A_118] : memref<40x128xi32, #tpu.memory_space<vmem>> -> memref<1x128xi32, #tpu.memory_space<vmem>>
        %dma_start3A_120 = tpu.memref_squeeze %dma_start3A_119 : memref<1x128xi32, #tpu.memory_space<vmem>> -> memref<128xi32, #tpu.memory_space<vmem>>
        %dma_start3A_121 = arith.constant 0 : i32
        %dma_start3A_122 = arith.constant 0 : i32
        %dma_start3A_123 = tpu.memref_slice %arg11[%dma_start3A_121, %dma_start3A_122] : memref<10240x128xf32, #tpu.memory_space<vmem_shared>> -> memref<10240x128xf32, #tpu.memory_space<vmem_shared>>
        tpu.enqueue_indirect_dma source(%arg8 : memref<128x128xf32, #tpu.memory_space<vmem>>) target(%dma_start3A_123 : memref<10240x128xf32, #tpu.memory_space<vmem_shared>>) offsets(%dma_start3A_120 : memref<128xi32, #tpu.memory_space<vmem>>) semaphore(%run_scoped3A_117 : memref<!tpu.dma_semaphore, #tpu.memory_space<semaphore_mem>>) {add = true}
        %dma_wait3A_124 = arith.constant 0 : i32
        %dma_wait3A_125 = tpu.memref_slice %arg7[%mul3A_91, %dma_wait3A_124] : memref<40x128xi32, #tpu.memory_space<vmem>> -> memref<1x128xi32, #tpu.memory_space<vmem>>
        %dma_wait3A_126 = tpu.memref_squeeze %dma_wait3A_125 : memref<1x128xi32, #tpu.memory_space<vmem>> -> memref<128xi32, #tpu.memory_space<vmem>>
        %dma_wait3A_127 = arith.constant 0 : i32
        %dma_wait3A_128 = arith.constant 0 : i32
        %dma_wait3A_129 = tpu.memref_slice %arg11[%dma_wait3A_127, %dma_wait3A_128] : memref<10240x128xf32, #tpu.memory_space<vmem_shared>> -> memref<10240x128xf32, #tpu.memory_space<vmem_shared>>
        tpu.wait_indirect_dma semaphore(%run_scoped3A_117 : memref<!tpu.dma_semaphore, #tpu.memory_space<semaphore_mem>>) src(%arg8 : memref<128x128xf32, #tpu.memory_space<vmem>>) dst(%dma_wait3A_129 : memref<10240x128xf32, #tpu.memory_space<vmem_shared>>)
        tpu.yield
      }) : () -> ()
      %lt3A = arith.constant 19 : i32
      %lt3A_105 = arith.cmpi slt, %scan3A_89, %lt3A : i32
      %convert_element_type3A = arith.extui %lt3A_105 : i1 to i32
      %cond3A = arith.constant 0 : i32
      %cond3A_106 = arith.cmpi ne, %convert_element_type3A, %cond3A : i32
      scf.if %cond3A_106 {
        %add3A_117 = arith.constant 2 : i32
        %add3A_118 = arith.addi %mul3A_91, %add3A_117 : i32
        %dma_start3A_119 = arith.constant 0 : i32
        %dma_start3A_120 = tpu.memref_slice %arg6[%add3A_118, %dma_start3A_119] : memref<40x128xi32, #tpu.memory_space<vmem>> -> memref<1x128xi32, #tpu.memory_space<vmem>>
        %dma_start3A_121 = tpu.memref_squeeze %dma_start3A_120 : memref<1x128xi32, #tpu.memory_space<vmem>> -> memref<128xi32, #tpu.memory_space<vmem>>
        %dma_start3A_122 = arith.constant 0 : i32
        %dma_start3A_123 = arith.constant 0 : i32
        %dma_start3A_124 = tpu.memref_slice %arg2[%dma_start3A_122, %dma_start3A_123] : memref<10240x128xf32, #tpu.memory_space<hbm>> -> memref<10240x128xf32, #tpu.memory_space<hbm>>
        tpu.enqueue_indirect_dma source(%dma_start3A_124 : memref<10240x128xf32, #tpu.memory_space<hbm>>) target(%arg8 : memref<128x128xf32, #tpu.memory_space<vmem>>) offsets(%dma_start3A_121 : memref<128xi32, #tpu.memory_space<vmem>>) semaphore(%arg12 : memref<!tpu.dma_semaphore, #tpu.memory_space<semaphore_mem>>)
      } else {
      }
      %add3A_107 = arith.constant 1 : i32
      %add3A_108 = arith.addi %mul3A_91, %add3A_107 : i32
      %dma_wait3A_109 = arith.constant 0 : i32
      %dma_wait3A_110 = tpu.memref_slice %arg6[%add3A_108, %dma_wait3A_109] : memref<40x128xi32, #tpu.memory_space<vmem>> -> memref<1x128xi32, #tpu.memory_space<vmem>>
      %dma_wait3A_111 = tpu.memref_squeeze %dma_wait3A_110 : memref<1x128xi32, #tpu.memory_space<vmem>> -> memref<128xi32, #tpu.memory_space<vmem>>
      %dma_wait3A_112 = arith.constant 0 : i32
      %dma_wait3A_113 = arith.constant 0 : i32
      %dma_wait3A_114 = tpu.memref_slice %arg2[%dma_wait3A_112, %dma_wait3A_113] : memref<10240x128xf32, #tpu.memory_space<hbm>> -> memref<10240x128xf32, #tpu.memory_space<hbm>>
      tpu.wait_indirect_dma semaphore(%arg13 : memref<!tpu.dma_semaphore, #tpu.memory_space<semaphore_mem>>) src(%dma_wait3A_114 : memref<10240x128xf32, #tpu.memory_space<hbm>>) dst(%arg9 : memref<128x128xf32, #tpu.memory_space<vmem>>)
      %add3A_115 = arith.constant 1 : i32
      %add3A_116 = arith.addi %mul3A_91, %add3A_115 : i32
      "tpu.region"() ({
        %run_scoped3A_117 = tpu.sem_alloc : memref<!tpu.dma_semaphore, #tpu.memory_space<semaphore_mem>>
        %dma_start3A_118 = arith.constant 0 : i32
        %dma_start3A_119 = tpu.memref_slice %arg7[%add3A_116, %dma_start3A_118] : memref<40x128xi32, #tpu.memory_space<vmem>> -> memref<1x128xi32, #tpu.memory_space<vmem>>
        %dma_start3A_120 = tpu.memref_squeeze %dma_start3A_119 : memref<1x128xi32, #tpu.memory_space<vmem>> -> memref<128xi32, #tpu.memory_space<vmem>>
        %dma_start3A_121 = arith.constant 0 : i32
        %dma_start3A_122 = arith.constant 0 : i32
        %dma_start3A_123 = tpu.memref_slice %arg11[%dma_start3A_121, %dma_start3A_122] : memref<10240x128xf32, #tpu.memory_space<vmem_shared>> -> memref<10240x128xf32, #tpu.memory_space<vmem_shared>>
        tpu.enqueue_indirect_dma source(%arg9 : memref<128x128xf32, #tpu.memory_space<vmem>>) target(%dma_start3A_123 : memref<10240x128xf32, #tpu.memory_space<vmem_shared>>) offsets(%dma_start3A_120 : memref<128xi32, #tpu.memory_space<vmem>>) semaphore(%run_scoped3A_117 : memref<!tpu.dma_semaphore, #tpu.memory_space<semaphore_mem>>) {add = true}
        %dma_wait3A_124 = arith.constant 0 : i32
        %dma_wait3A_125 = tpu.memref_slice %arg7[%add3A_116, %dma_wait3A_124] : memref<40x128xi32, #tpu.memory_space<vmem>> -> memref<1x128xi32, #tpu.memory_space<vmem>>
        %dma_wait3A_126 = tpu.memref_squeeze %dma_wait3A_125 : memref<1x128xi32, #tpu.memory_space<vmem>> -> memref<128xi32, #tpu.memory_space<vmem>>
        %dma_wait3A_127 = arith.constant 0 : i32
        %dma_wait3A_128 = arith.constant 0 : i32
        %dma_wait3A_129 = tpu.memref_slice %arg11[%dma_wait3A_127, %dma_wait3A_128] : memref<10240x128xf32, #tpu.memory_space<vmem_shared>> -> memref<10240x128xf32, #tpu.memory_space<vmem_shared>>
        tpu.wait_indirect_dma semaphore(%run_scoped3A_117 : memref<!tpu.dma_semaphore, #tpu.memory_space<semaphore_mem>>) src(%arg9 : memref<128x128xf32, #tpu.memory_space<vmem>>) dst(%dma_wait3A_129 : memref<10240x128xf32, #tpu.memory_space<vmem_shared>>)
        tpu.yield
      }) : () -> ()
    }
    %scan3A_31 = arith.constant 20 : i32
    %mul3A_32 = arith.constant 80 : i32
    %mul3A_33 = arith.muli %add3A, %mul3A_32 : i32
    %add3A_34 = arith.constant 40 : i32
    %add3A_35 = arith.addi %mul3A_33, %add3A_34 : i32
    "tpu.region"() ({
      %run_scoped3A_89 = tpu.sem_alloc : memref<!tpu.dma_semaphore, #tpu.memory_space<semaphore_mem>>
      %dma_start3A_90 = arith.constant 0 : i32
      %dma_start3A_91 = tpu.memref_slice %arg3[%add3A_35, %dma_start3A_90] : memref<2560x128xi32, #tpu.memory_space<hbm>> -> memref<40x128xi32, #tpu.memory_space<hbm>>
      %dma_start3A_92 = arith.constant 0 : i32
      %dma_start3A_93 = tpu.memref_slice %arg3[%add3A_35, %dma_start3A_92] : memref<2560x128xi32, #tpu.memory_space<hbm>> -> memref<40x128xi32, #tpu.memory_space<hbm>>
      tpu.enqueue_dma source(%dma_start3A_93 : memref<40x128xi32, #tpu.memory_space<hbm>>) target(%arg6 : memref<40x128xi32, #tpu.memory_space<vmem>>) target_semaphore(%run_scoped3A_89 : memref<!tpu.dma_semaphore, #tpu.memory_space<semaphore_mem>>)
      %dma_wait3A = arith.constant 0 : i32
      %dma_wait3A_94 = tpu.memref_slice %arg3[%add3A_35, %dma_wait3A] : memref<2560x128xi32, #tpu.memory_space<hbm>> -> memref<40x128xi32, #tpu.memory_space<hbm>>
      %dma_wait3A_95 = arith.constant 0 : i32
      %dma_wait3A_96 = tpu.memref_slice %arg3[%add3A_35, %dma_wait3A_95] : memref<2560x128xi32, #tpu.memory_space<hbm>> -> memref<40x128xi32, #tpu.memory_space<hbm>>
      tpu.wait_dma2 semaphore(%run_scoped3A_89 : memref<!tpu.dma_semaphore, #tpu.memory_space<semaphore_mem>>) src(%dma_wait3A_96 : memref<40x128xi32, #tpu.memory_space<hbm>>) dst(%arg6 : memref<40x128xi32, #tpu.memory_space<vmem>>)
      tpu.yield
    }) : () -> ()
    "tpu.region"() ({
      %run_scoped3A_89 = tpu.sem_alloc : memref<!tpu.dma_semaphore, #tpu.memory_space<semaphore_mem>>
      %dma_start3A_90 = arith.constant 0 : i32
      %dma_start3A_91 = tpu.memref_slice %arg4[%add3A_35, %dma_start3A_90] : memref<2560x128xi32, #tpu.memory_space<hbm>> -> memref<40x128xi32, #tpu.memory_space<hbm>>
      %dma_start3A_92 = arith.constant 0 : i32
      %dma_start3A_93 = tpu.memref_slice %arg4[%add3A_35, %dma_start3A_92] : memref<2560x128xi32, #tpu.memory_space<hbm>> -> memref<40x128xi32, #tpu.memory_space<hbm>>
      tpu.enqueue_dma source(%dma_start3A_93 : memref<40x128xi32, #tpu.memory_space<hbm>>) target(%arg7 : memref<40x128xi32, #tpu.memory_space<vmem>>) target_semaphore(%run_scoped3A_89 : memref<!tpu.dma_semaphore, #tpu.memory_space<semaphore_mem>>)
      %dma_wait3A = arith.constant 0 : i32
      %dma_wait3A_94 = tpu.memref_slice %arg4[%add3A_35, %dma_wait3A] : memref<2560x128xi32, #tpu.memory_space<hbm>> -> memref<40x128xi32, #tpu.memory_space<hbm>>
      %dma_wait3A_95 = arith.constant 0 : i32
      %dma_wait3A_96 = tpu.memref_slice %arg4[%add3A_35, %dma_wait3A_95] : memref<2560x128xi32, #tpu.memory_space<hbm>> -> memref<40x128xi32, #tpu.memory_space<hbm>>
      tpu.wait_dma2 semaphore(%run_scoped3A_89 : memref<!tpu.dma_semaphore, #tpu.memory_space<semaphore_mem>>) src(%dma_wait3A_96 : memref<40x128xi32, #tpu.memory_space<hbm>>) dst(%arg7 : memref<40x128xi32, #tpu.memory_space<vmem>>)
      tpu.yield
    }) : () -> ()
    %dma_start3A_36 = arith.constant 0 : i32
    %dma_start3A_37 = arith.constant 0 : i32
    %dma_start3A_38 = tpu.memref_slice %arg6[%dma_start3A_36, %dma_start3A_37] : memref<40x128xi32, #tpu.memory_space<vmem>> -> memref<1x128xi32, #tpu.memory_space<vmem>>
    %dma_start3A_39 = tpu.memref_squeeze %dma_start3A_38 : memref<1x128xi32, #tpu.memory_space<vmem>> -> memref<128xi32, #tpu.memory_space<vmem>>
    %dma_start3A_40 = arith.constant 0 : i32
    %dma_start3A_41 = arith.constant 0 : i32
    %dma_start3A_42 = tpu.memref_slice %arg2[%dma_start3A_40, %dma_start3A_41] : memref<10240x128xf32, #tpu.memory_space<hbm>> -> memref<10240x128xf32, #tpu.memory_space<hbm>>
    tpu.enqueue_indirect_dma source(%dma_start3A_42 : memref<10240x128xf32, #tpu.memory_space<hbm>>) target(%arg8 : memref<128x128xf32, #tpu.memory_space<vmem>>) offsets(%dma_start3A_39 : memref<128xi32, #tpu.memory_space<vmem>>) semaphore(%arg12 : memref<!tpu.dma_semaphore, #tpu.memory_space<semaphore_mem>>)
    %scan3A_43 = arith.constant 0 : i32
    %scan3A_44 = arith.constant 20 : i32
    %scan3A_45 = arith.addi %scan3A_43, %scan3A_44 : i32
    %scan3A_46 = arith.constant 1 : i32
    scf.for %scan3A_89 = %scan3A_43 to %scan3A_45 step %scan3A_46  : i32 {
      %mul3A_90 = arith.constant 2 : i32
      %mul3A_91 = arith.muli %mul3A_90, %scan3A_89 : i32
      %add3A_92 = arith.constant 1 : i32
      %add3A_93 = arith.addi %mul3A_91, %add3A_92 : i32
      %dma_start3A_94 = arith.constant 0 : i32
      %dma_start3A_95 = tpu.memref_slice %arg6[%add3A_93, %dma_start3A_94] : memref<40x128xi32, #tpu.memory_space<vmem>> -> memref<1x128xi32, #tpu.memory_space<vmem>>
      %dma_start3A_96 = tpu.memref_squeeze %dma_start3A_95 : memref<1x128xi32, #tpu.memory_space<vmem>> -> memref<128xi32, #tpu.memory_space<vmem>>
      %dma_start3A_97 = arith.constant 0 : i32
      %dma_start3A_98 = arith.constant 0 : i32
      %dma_start3A_99 = tpu.memref_slice %arg2[%dma_start3A_97, %dma_start3A_98] : memref<10240x128xf32, #tpu.memory_space<hbm>> -> memref<10240x128xf32, #tpu.memory_space<hbm>>
      tpu.enqueue_indirect_dma source(%dma_start3A_99 : memref<10240x128xf32, #tpu.memory_space<hbm>>) target(%arg9 : memref<128x128xf32, #tpu.memory_space<vmem>>) offsets(%dma_start3A_96 : memref<128xi32, #tpu.memory_space<vmem>>) semaphore(%arg13 : memref<!tpu.dma_semaphore, #tpu.memory_space<semaphore_mem>>)
      %dma_wait3A = arith.constant 0 : i32
      %dma_wait3A_100 = tpu.memref_slice %arg6[%mul3A_91, %dma_wait3A] : memref<40x128xi32, #tpu.memory_space<vmem>> -> memref<1x128xi32, #tpu.memory_space<vmem>>
      %dma_wait3A_101 = tpu.memref_squeeze %dma_wait3A_100 : memref<1x128xi32, #tpu.memory_space<vmem>> -> memref<128xi32, #tpu.memory_space<vmem>>
      %dma_wait3A_102 = arith.constant 0 : i32
      %dma_wait3A_103 = arith.constant 0 : i32
      %dma_wait3A_104 = tpu.memref_slice %arg2[%dma_wait3A_102, %dma_wait3A_103] : memref<10240x128xf32, #tpu.memory_space<hbm>> -> memref<10240x128xf32, #tpu.memory_space<hbm>>
      tpu.wait_indirect_dma semaphore(%arg12 : memref<!tpu.dma_semaphore, #tpu.memory_space<semaphore_mem>>) src(%dma_wait3A_104 : memref<10240x128xf32, #tpu.memory_space<hbm>>) dst(%arg8 : memref<128x128xf32, #tpu.memory_space<vmem>>)
      "tpu.region"() ({
        %run_scoped3A_117 = tpu.sem_alloc : memref<!tpu.dma_semaphore, #tpu.memory_space<semaphore_mem>>
        %dma_start3A_118 = arith.constant 0 : i32
        %dma_start3A_119 = tpu.memref_slice %arg7[%mul3A_91, %dma_start3A_118] : memref<40x128xi32, #tpu.memory_space<vmem>> -> memref<1x128xi32, #tpu.memory_space<vmem>>
        %dma_start3A_120 = tpu.memref_squeeze %dma_start3A_119 : memref<1x128xi32, #tpu.memory_space<vmem>> -> memref<128xi32, #tpu.memory_space<vmem>>
        %dma_start3A_121 = arith.constant 0 : i32
        %dma_start3A_122 = arith.constant 0 : i32
        %dma_start3A_123 = tpu.memref_slice %arg11[%dma_start3A_121, %dma_start3A_122] : memref<10240x128xf32, #tpu.memory_space<vmem_shared>> -> memref<10240x128xf32, #tpu.memory_space<vmem_shared>>
        tpu.enqueue_indirect_dma source(%arg8 : memref<128x128xf32, #tpu.memory_space<vmem>>) target(%dma_start3A_123 : memref<10240x128xf32, #tpu.memory_space<vmem_shared>>) offsets(%dma_start3A_120 : memref<128xi32, #tpu.memory_space<vmem>>) semaphore(%run_scoped3A_117 : memref<!tpu.dma_semaphore, #tpu.memory_space<semaphore_mem>>) {add = true}
        %dma_wait3A_124 = arith.constant 0 : i32
        %dma_wait3A_125 = tpu.memref_slice %arg7[%mul3A_91, %dma_wait3A_124] : memref<40x128xi32, #tpu.memory_space<vmem>> -> memref<1x128xi32, #tpu.memory_space<vmem>>
        %dma_wait3A_126 = tpu.memref_squeeze %dma_wait3A_125 : memref<1x128xi32, #tpu.memory_space<vmem>> -> memref<128xi32, #tpu.memory_space<vmem>>
        %dma_wait3A_127 = arith.constant 0 : i32
        %dma_wait3A_128 = arith.constant 0 : i32
        %dma_wait3A_129 = tpu.memref_slice %arg11[%dma_wait3A_127, %dma_wait3A_128] : memref<10240x128xf32, #tpu.memory_space<vmem_shared>> -> memref<10240x128xf32, #tpu.memory_space<vmem_shared>>
        tpu.wait_indirect_dma semaphore(%run_scoped3A_117 : memref<!tpu.dma_semaphore, #tpu.memory_space<semaphore_mem>>) src(%arg8 : memref<128x128xf32, #tpu.memory_space<vmem>>) dst(%dma_wait3A_129 : memref<10240x128xf32, #tpu.memory_space<vmem_shared>>)
        tpu.yield
      }) : () -> ()
      %lt3A = arith.constant 19 : i32
      %lt3A_105 = arith.cmpi slt, %scan3A_89, %lt3A : i32
      %convert_element_type3A = arith.extui %lt3A_105 : i1 to i32
      %cond3A = arith.constant 0 : i32
      %cond3A_106 = arith.cmpi ne, %convert_element_type3A, %cond3A : i32
      scf.if %cond3A_106 {
        %add3A_117 = arith.constant 2 : i32
        %add3A_118 = arith.addi %mul3A_91, %add3A_117 : i32
        %dma_start3A_119 = arith.constant 0 : i32
        %dma_start3A_120 = tpu.memref_slice %arg6[%add3A_118, %dma_start3A_119] : memref<40x128xi32, #tpu.memory_space<vmem>> -> memref<1x128xi32, #tpu.memory_space<vmem>>
        %dma_start3A_121 = tpu.memref_squeeze %dma_start3A_120 : memref<1x128xi32, #tpu.memory_space<vmem>> -> memref<128xi32, #tpu.memory_space<vmem>>
        %dma_start3A_122 = arith.constant 0 : i32
        %dma_start3A_123 = arith.constant 0 : i32
        %dma_start3A_124 = tpu.memref_slice %arg2[%dma_start3A_122, %dma_start3A_123] : memref<10240x128xf32, #tpu.memory_space<hbm>> -> memref<10240x128xf32, #tpu.memory_space<hbm>>
        tpu.enqueue_indirect_dma source(%dma_start3A_124 : memref<10240x128xf32, #tpu.memory_space<hbm>>) target(%arg8 : memref<128x128xf32, #tpu.memory_space<vmem>>) offsets(%dma_start3A_121 : memref<128xi32, #tpu.memory_space<vmem>>) semaphore(%arg12 : memref<!tpu.dma_semaphore, #tpu.memory_space<semaphore_mem>>)
      } else {
      }
      %add3A_107 = arith.constant 1 : i32
      %add3A_108 = arith.addi %mul3A_91, %add3A_107 : i32
      %dma_wait3A_109 = arith.constant 0 : i32
      %dma_wait3A_110 = tpu.memref_slice %arg6[%add3A_108, %dma_wait3A_109] : memref<40x128xi32, #tpu.memory_space<vmem>> -> memref<1x128xi32, #tpu.memory_space<vmem>>
      %dma_wait3A_111 = tpu.memref_squeeze %dma_wait3A_110 : memref<1x128xi32, #tpu.memory_space<vmem>> -> memref<128xi32, #tpu.memory_space<vmem>>
      %dma_wait3A_112 = arith.constant 0 : i32
      %dma_wait3A_113 = arith.constant 0 : i32
      %dma_wait3A_114 = tpu.memref_slice %arg2[%dma_wait3A_112, %dma_wait3A_113] : memref<10240x128xf32, #tpu.memory_space<hbm>> -> memref<10240x128xf32, #tpu.memory_space<hbm>>
      tpu.wait_indirect_dma semaphore(%arg13 : memref<!tpu.dma_semaphore, #tpu.memory_space<semaphore_mem>>) src(%dma_wait3A_114 : memref<10240x128xf32, #tpu.memory_space<hbm>>) dst(%arg9 : memref<128x128xf32, #tpu.memory_space<vmem>>)
      %add3A_115 = arith.constant 1 : i32
      %add3A_116 = arith.addi %mul3A_91, %add3A_115 : i32
      "tpu.region"() ({
        %run_scoped3A_117 = tpu.sem_alloc : memref<!tpu.dma_semaphore, #tpu.memory_space<semaphore_mem>>
        %dma_start3A_118 = arith.constant 0 : i32
        %dma_start3A_119 = tpu.memref_slice %arg7[%add3A_116, %dma_start3A_118] : memref<40x128xi32, #tpu.memory_space<vmem>> -> memref<1x128xi32, #tpu.memory_space<vmem>>
        %dma_start3A_120 = tpu.memref_squeeze %dma_start3A_119 : memref<1x128xi32, #tpu.memory_space<vmem>> -> memref<128xi32, #tpu.memory_space<vmem>>
        %dma_start3A_121 = arith.constant 0 : i32
        %dma_start3A_122 = arith.constant 0 : i32
        %dma_start3A_123 = tpu.memref_slice %arg11[%dma_start3A_121, %dma_start3A_122] : memref<10240x128xf32, #tpu.memory_space<vmem_shared>> -> memref<10240x128xf32, #tpu.memory_space<vmem_shared>>
        tpu.enqueue_indirect_dma source(%arg9 : memref<128x128xf32, #tpu.memory_space<vmem>>) target(%dma_start3A_123 : memref<10240x128xf32, #tpu.memory_space<vmem_shared>>) offsets(%dma_start3A_120 : memref<128xi32, #tpu.memory_space<vmem>>) semaphore(%run_scoped3A_117 : memref<!tpu.dma_semaphore, #tpu.memory_space<semaphore_mem>>) {add = true}
        %dma_wait3A_124 = arith.constant 0 : i32
        %dma_wait3A_125 = tpu.memref_slice %arg7[%add3A_116, %dma_wait3A_124] : memref<40x128xi32, #tpu.memory_space<vmem>> -> memref<1x128xi32, #tpu.memory_space<vmem>>
        %dma_wait3A_126 = tpu.memref_squeeze %dma_wait3A_125 : memref<1x128xi32, #tpu.memory_space<vmem>> -> memref<128xi32, #tpu.memory_space<vmem>>
        %dma_wait3A_127 = arith.constant 0 : i32
        %dma_wait3A_128 = arith.constant 0 : i32
        %dma_wait3A_129 = tpu.memref_slice %arg11[%dma_wait3A_127, %dma_wait3A_128] : memref<10240x128xf32, #tpu.memory_space<vmem_shared>> -> memref<10240x128xf32, #tpu.memory_space<vmem_shared>>
        tpu.wait_indirect_dma semaphore(%run_scoped3A_117 : memref<!tpu.dma_semaphore, #tpu.memory_space<semaphore_mem>>) src(%arg9 : memref<128x128xf32, #tpu.memory_space<vmem>>) dst(%dma_wait3A_129 : memref<10240x128xf32, #tpu.memory_space<vmem_shared>>)
        tpu.yield
      }) : () -> ()
    }
    %scan3A_47 = arith.constant 20 : i32
    %barrier3A_48 = arith.constant 0 : index
    tpu.barrier barrier_id(%barrier3A_48)
    %run_scoped3A_49 = arith.constant 0 : i32
    "tpu.region"() ({
      %run_scoped3A_89 = tpu.sem_alloc : memref<!tpu.dma_semaphore, #tpu.memory_space<semaphore_mem>>
      %dma_start3A_90 = arith.constant 0 : i32
      %dma_start3A_91 = tpu.memref_slice %arg10[%run_scoped3A_49, %dma_start3A_90] : memref<5x128xi32, #tpu.memory_space<vmem>> -> memref<1x128xi32, #tpu.memory_space<vmem>>
      %dma_start3A_92 = tpu.memref_squeeze %dma_start3A_91 : memref<1x128xi32, #tpu.memory_space<vmem>> -> memref<128xi32, #tpu.memory_space<vmem>>
      %dma_start3A_93 = arith.constant 0 : i32
      %dma_start3A_94 = arith.constant 0 : i32
      %dma_start3A_95 = tpu.memref_slice %arg11[%dma_start3A_93, %dma_start3A_94] : memref<10240x128xf32, #tpu.memory_space<vmem_shared>> -> memref<10240x128xf32, #tpu.memory_space<vmem_shared>>
      tpu.enqueue_indirect_dma source(%dma_start3A_95 : memref<10240x128xf32, #tpu.memory_space<vmem_shared>>) target(%arg8 : memref<128x128xf32, #tpu.memory_space<vmem>>) offsets(%dma_start3A_92 : memref<128xi32, #tpu.memory_space<vmem>>) semaphore(%run_scoped3A_89 : memref<!tpu.dma_semaphore, #tpu.memory_space<semaphore_mem>>)
      %dma_wait3A = arith.constant 0 : i32
      %dma_wait3A_96 = tpu.memref_slice %arg10[%run_scoped3A_49, %dma_wait3A] : memref<5x128xi32, #tpu.memory_space<vmem>> -> memref<1x128xi32, #tpu.memory_space<vmem>>
      %dma_wait3A_97 = tpu.memref_squeeze %dma_wait3A_96 : memref<1x128xi32, #tpu.memory_space<vmem>> -> memref<128xi32, #tpu.memory_space<vmem>>
      %dma_wait3A_98 = arith.constant 0 : i32
      %dma_wait3A_99 = arith.constant 0 : i32
      %dma_wait3A_100 = tpu.memref_slice %arg11[%dma_wait3A_98, %dma_wait3A_99] : memref<10240x128xf32, #tpu.memory_space<vmem_shared>> -> memref<10240x128xf32, #tpu.memory_space<vmem_shared>>
      tpu.wait_indirect_dma semaphore(%run_scoped3A_89 : memref<!tpu.dma_semaphore, #tpu.memory_space<semaphore_mem>>) src(%dma_wait3A_100 : memref<10240x128xf32, #tpu.memory_space<vmem_shared>>) dst(%arg8 : memref<128x128xf32, #tpu.memory_space<vmem>>)
      tpu.yield
    }) : () -> ()
    %mul3A_50 = arith.constant 10240 : i32
    %mul3A_51 = arith.muli %arg0, %mul3A_50 : i32
    %mul3A_52 = arith.constant 640 : i32
    %mul3A_53 = arith.muli %arg1, %mul3A_52 : i32
    %add3A_54 = arith.addi %mul3A_51, %mul3A_53 : i32
    %add3A_55 = arith.constant 0 : i32
    %add3A_56 = arith.addi %add3A_54, %add3A_55 : i32
    "tpu.region"() ({
      %run_scoped3A_89 = tpu.sem_alloc : memref<!tpu.dma_semaphore, #tpu.memory_space<semaphore_mem>>
      %dma_start3A_90 = arith.constant 0 : i32
      %dma_start3A_91 = tpu.memref_slice %arg5[%add3A_56, %dma_start3A_90] : memref<20480x128xf32, #tpu.memory_space<hbm>> -> memref<128x128xf32, #tpu.memory_space<hbm>>
      %dma_start3A_92 = arith.constant 0 : i32
      %dma_start3A_93 = tpu.memref_slice %arg5[%add3A_56, %dma_start3A_92] : memref<20480x128xf32, #tpu.memory_space<hbm>> -> memref<128x128xf32, #tpu.memory_space<hbm>>
      tpu.enqueue_dma source(%arg8 : memref<128x128xf32, #tpu.memory_space<vmem>>) target(%dma_start3A_93 : memref<128x128xf32, #tpu.memory_space<hbm>>) target_semaphore(%run_scoped3A_89 : memref<!tpu.dma_semaphore, #tpu.memory_space<semaphore_mem>>)
      %dma_wait3A = arith.constant 0 : i32
      %dma_wait3A_94 = tpu.memref_slice %arg5[%add3A_56, %dma_wait3A] : memref<20480x128xf32, #tpu.memory_space<hbm>> -> memref<128x128xf32, #tpu.memory_space<hbm>>
      %dma_wait3A_95 = arith.constant 0 : i32
      %dma_wait3A_96 = tpu.memref_slice %arg5[%add3A_56, %dma_wait3A_95] : memref<20480x128xf32, #tpu.memory_space<hbm>> -> memref<128x128xf32, #tpu.memory_space<hbm>>
      tpu.wait_dma2 semaphore(%run_scoped3A_89 : memref<!tpu.dma_semaphore, #tpu.memory_space<semaphore_mem>>) src(%arg8 : memref<128x128xf32, #tpu.memory_space<vmem>>) dst(%dma_wait3A_96 : memref<128x128xf32, #tpu.memory_space<hbm>>)
      tpu.yield
    }) : () -> ()
    %run_scoped3A_57 = arith.constant 1 : i32
    "tpu.region"() ({
      %run_scoped3A_89 = tpu.sem_alloc : memref<!tpu.dma_semaphore, #tpu.memory_space<semaphore_mem>>
      %dma_start3A_90 = arith.constant 0 : i32
      %dma_start3A_91 = tpu.memref_slice %arg10[%run_scoped3A_57, %dma_start3A_90] : memref<5x128xi32, #tpu.memory_space<vmem>> -> memref<1x128xi32, #tpu.memory_space<vmem>>
      %dma_start3A_92 = tpu.memref_squeeze %dma_start3A_91 : memref<1x128xi32, #tpu.memory_space<vmem>> -> memref<128xi32, #tpu.memory_space<vmem>>
      %dma_start3A_93 = arith.constant 0 : i32
      %dma_start3A_94 = arith.constant 0 : i32
      %dma_start3A_95 = tpu.memref_slice %arg11[%dma_start3A_93, %dma_start3A_94] : memref<10240x128xf32, #tpu.memory_space<vmem_shared>> -> memref<10240x128xf32, #tpu.memory_space<vmem_shared>>
      tpu.enqueue_indirect_dma source(%dma_start3A_95 : memref<10240x128xf32, #tpu.memory_space<vmem_shared>>) target(%arg8 : memref<128x128xf32, #tpu.memory_space<vmem>>) offsets(%dma_start3A_92 : memref<128xi32, #tpu.memory_space<vmem>>) semaphore(%run_scoped3A_89 : memref<!tpu.dma_semaphore, #tpu.memory_space<semaphore_mem>>)
      %dma_wait3A = arith.constant 0 : i32
      %dma_wait3A_96 = tpu.memref_slice %arg10[%run_scoped3A_57, %dma_wait3A] : memref<5x128xi32, #tpu.memory_space<vmem>> -> memref<1x128xi32, #tpu.memory_space<vmem>>
      %dma_wait3A_97 = tpu.memref_squeeze %dma_wait3A_96 : memref<1x128xi32, #tpu.memory_space<vmem>> -> memref<128xi32, #tpu.memory_space<vmem>>
      %dma_wait3A_98 = arith.constant 0 : i32
      %dma_wait3A_99 = arith.constant 0 : i32
      %dma_wait3A_100 = tpu.memref_slice %arg11[%dma_wait3A_98, %dma_wait3A_99] : memref<10240x128xf32, #tpu.memory_space<vmem_shared>> -> memref<10240x128xf32, #tpu.memory_space<vmem_shared>>
      tpu.wait_indirect_dma semaphore(%run_scoped3A_89 : memref<!tpu.dma_semaphore, #tpu.memory_space<semaphore_mem>>) src(%dma_wait3A_100 : memref<10240x128xf32, #tpu.memory_space<vmem_shared>>) dst(%arg8 : memref<128x128xf32, #tpu.memory_space<vmem>>)
      tpu.yield
    }) : () -> ()
    %mul3A_58 = arith.constant 10240 : i32
    %mul3A_59 = arith.muli %arg0, %mul3A_58 : i32
    %mul3A_60 = arith.constant 640 : i32
    %mul3A_61 = arith.muli %arg1, %mul3A_60 : i32
    %add3A_62 = arith.addi %mul3A_59, %mul3A_61 : i32
    %add3A_63 = arith.constant 128 : i32
    %add3A_64 = arith.addi %add3A_62, %add3A_63 : i32
    "tpu.region"() ({
      %run_scoped3A_89 = tpu.sem_alloc : memref<!tpu.dma_semaphore, #tpu.memory_space<semaphore_mem>>
      %dma_start3A_90 = arith.constant 0 : i32
      %dma_start3A_91 = tpu.memref_slice %arg5[%add3A_64, %dma_start3A_90] : memref<20480x128xf32, #tpu.memory_space<hbm>> -> memref<128x128xf32, #tpu.memory_space<hbm>>
      %dma_start3A_92 = arith.constant 0 : i32
      %dma_start3A_93 = tpu.memref_slice %arg5[%add3A_64, %dma_start3A_92] : memref<20480x128xf32, #tpu.memory_space<hbm>> -> memref<128x128xf32, #tpu.memory_space<hbm>>
      tpu.enqueue_dma source(%arg8 : memref<128x128xf32, #tpu.memory_space<vmem>>) target(%dma_start3A_93 : memref<128x128xf32, #tpu.memory_space<hbm>>) target_semaphore(%run_scoped3A_89 : memref<!tpu.dma_semaphore, #tpu.memory_space<semaphore_mem>>)
      %dma_wait3A = arith.constant 0 : i32
      %dma_wait3A_94 = tpu.memref_slice %arg5[%add3A_64, %dma_wait3A] : memref<20480x128xf32, #tpu.memory_space<hbm>> -> memref<128x128xf32, #tpu.memory_space<hbm>>
      %dma_wait3A_95 = arith.constant 0 : i32
      %dma_wait3A_96 = tpu.memref_slice %arg5[%add3A_64, %dma_wait3A_95] : memref<20480x128xf32, #tpu.memory_space<hbm>> -> memref<128x128xf32, #tpu.memory_space<hbm>>
      tpu.wait_dma2 semaphore(%run_scoped3A_89 : memref<!tpu.dma_semaphore, #tpu.memory_space<semaphore_mem>>) src(%arg8 : memref<128x128xf32, #tpu.memory_space<vmem>>) dst(%dma_wait3A_96 : memref<128x128xf32, #tpu.memory_space<hbm>>)
      tpu.yield
    }) : () -> ()
    %run_scoped3A_65 = arith.constant 2 : i32
    "tpu.region"() ({
      %run_scoped3A_89 = tpu.sem_alloc : memref<!tpu.dma_semaphore, #tpu.memory_space<semaphore_mem>>
      %dma_start3A_90 = arith.constant 0 : i32
      %dma_start3A_91 = tpu.memref_slice %arg10[%run_scoped3A_65, %dma_start3A_90] : memref<5x128xi32, #tpu.memory_space<vmem>> -> memref<1x128xi32, #tpu.memory_space<vmem>>
      %dma_start3A_92 = tpu.memref_squeeze %dma_start3A_91 : memref<1x128xi32, #tpu.memory_space<vmem>> -> memref<128xi32, #tpu.memory_space<vmem>>
      %dma_start3A_93 = arith.constant 0 : i32
      %dma_start3A_94 = arith.constant 0 : i32
      %dma_start3A_95 = tpu.memref_slice %arg11[%dma_start3A_93, %dma_start3A_94] : memref<10240x128xf32, #tpu.memory_space<vmem_shared>> -> memref<10240x128xf32, #tpu.memory_space<vmem_shared>>
      tpu.enqueue_indirect_dma source(%dma_start3A_95 : memref<10240x128xf32, #tpu.memory_space<vmem_shared>>) target(%arg8 : memref<128x128xf32, #tpu.memory_space<vmem>>) offsets(%dma_start3A_92 : memref<128xi32, #tpu.memory_space<vmem>>) semaphore(%run_scoped3A_89 : memref<!tpu.dma_semaphore, #tpu.memory_space<semaphore_mem>>)
      %dma_wait3A = arith.constant 0 : i32
      %dma_wait3A_96 = tpu.memref_slice %arg10[%run_scoped3A_65, %dma_wait3A] : memref<5x128xi32, #tpu.memory_space<vmem>> -> memref<1x128xi32, #tpu.memory_space<vmem>>
      %dma_wait3A_97 = tpu.memref_squeeze %dma_wait3A_96 : memref<1x128xi32, #tpu.memory_space<vmem>> -> memref<128xi32, #tpu.memory_space<vmem>>
      %dma_wait3A_98 = arith.constant 0 : i32
      %dma_wait3A_99 = arith.constant 0 : i32
      %dma_wait3A_100 = tpu.memref_slice %arg11[%dma_wait3A_98, %dma_wait3A_99] : memref<10240x128xf32, #tpu.memory_space<vmem_shared>> -> memref<10240x128xf32, #tpu.memory_space<vmem_shared>>
      tpu.wait_indirect_dma semaphore(%run_scoped3A_89 : memref<!tpu.dma_semaphore, #tpu.memory_space<semaphore_mem>>) src(%dma_wait3A_100 : memref<10240x128xf32, #tpu.memory_space<vmem_shared>>) dst(%arg8 : memref<128x128xf32, #tpu.memory_space<vmem>>)
      tpu.yield
    }) : () -> ()
    %mul3A_66 = arith.constant 10240 : i32
    %mul3A_67 = arith.muli %arg0, %mul3A_66 : i32
    %mul3A_68 = arith.constant 640 : i32
    %mul3A_69 = arith.muli %arg1, %mul3A_68 : i32
    %add3A_70 = arith.addi %mul3A_67, %mul3A_69 : i32
    %add3A_71 = arith.constant 256 : i32
    %add3A_72 = arith.addi %add3A_70, %add3A_71 : i32
    "tpu.region"() ({
      %run_scoped3A_89 = tpu.sem_alloc : memref<!tpu.dma_semaphore, #tpu.memory_space<semaphore_mem>>
      %dma_start3A_90 = arith.constant 0 : i32
      %dma_start3A_91 = tpu.memref_slice %arg5[%add3A_72, %dma_start3A_90] : memref<20480x128xf32, #tpu.memory_space<hbm>> -> memref<128x128xf32, #tpu.memory_space<hbm>>
      %dma_start3A_92 = arith.constant 0 : i32
      %dma_start3A_93 = tpu.memref_slice %arg5[%add3A_72, %dma_start3A_92] : memref<20480x128xf32, #tpu.memory_space<hbm>> -> memref<128x128xf32, #tpu.memory_space<hbm>>
      tpu.enqueue_dma source(%arg8 : memref<128x128xf32, #tpu.memory_space<vmem>>) target(%dma_start3A_93 : memref<128x128xf32, #tpu.memory_space<hbm>>) target_semaphore(%run_scoped3A_89 : memref<!tpu.dma_semaphore, #tpu.memory_space<semaphore_mem>>)
      %dma_wait3A = arith.constant 0 : i32
      %dma_wait3A_94 = tpu.memref_slice %arg5[%add3A_72, %dma_wait3A] : memref<20480x128xf32, #tpu.memory_space<hbm>> -> memref<128x128xf32, #tpu.memory_space<hbm>>
      %dma_wait3A_95 = arith.constant 0 : i32
      %dma_wait3A_96 = tpu.memref_slice %arg5[%add3A_72, %dma_wait3A_95] : memref<20480x128xf32, #tpu.memory_space<hbm>> -> memref<128x128xf32, #tpu.memory_space<hbm>>
      tpu.wait_dma2 semaphore(%run_scoped3A_89 : memref<!tpu.dma_semaphore, #tpu.memory_space<semaphore_mem>>) src(%arg8 : memref<128x128xf32, #tpu.memory_space<vmem>>) dst(%dma_wait3A_96 : memref<128x128xf32, #tpu.memory_space<hbm>>)
      tpu.yield
    }) : () -> ()
    %run_scoped3A_73 = arith.constant 3 : i32
    "tpu.region"() ({
      %run_scoped3A_89 = tpu.sem_alloc : memref<!tpu.dma_semaphore, #tpu.memory_space<semaphore_mem>>
      %dma_start3A_90 = arith.constant 0 : i32
      %dma_start3A_91 = tpu.memref_slice %arg10[%run_scoped3A_73, %dma_start3A_90] : memref<5x128xi32, #tpu.memory_space<vmem>> -> memref<1x128xi32, #tpu.memory_space<vmem>>
      %dma_start3A_92 = tpu.memref_squeeze %dma_start3A_91 : memref<1x128xi32, #tpu.memory_space<vmem>> -> memref<128xi32, #tpu.memory_space<vmem>>
      %dma_start3A_93 = arith.constant 0 : i32
      %dma_start3A_94 = arith.constant 0 : i32
      %dma_start3A_95 = tpu.memref_slice %arg11[%dma_start3A_93, %dma_start3A_94] : memref<10240x128xf32, #tpu.memory_space<vmem_shared>> -> memref<10240x128xf32, #tpu.memory_space<vmem_shared>>
      tpu.enqueue_indirect_dma source(%dma_start3A_95 : memref<10240x128xf32, #tpu.memory_space<vmem_shared>>) target(%arg8 : memref<128x128xf32, #tpu.memory_space<vmem>>) offsets(%dma_start3A_92 : memref<128xi32, #tpu.memory_space<vmem>>) semaphore(%run_scoped3A_89 : memref<!tpu.dma_semaphore, #tpu.memory_space<semaphore_mem>>)
      %dma_wait3A = arith.constant 0 : i32
      %dma_wait3A_96 = tpu.memref_slice %arg10[%run_scoped3A_73, %dma_wait3A] : memref<5x128xi32, #tpu.memory_space<vmem>> -> memref<1x128xi32, #tpu.memory_space<vmem>>
      %dma_wait3A_97 = tpu.memref_squeeze %dma_wait3A_96 : memref<1x128xi32, #tpu.memory_space<vmem>> -> memref<128xi32, #tpu.memory_space<vmem>>
      %dma_wait3A_98 = arith.constant 0 : i32
      %dma_wait3A_99 = arith.constant 0 : i32
      %dma_wait3A_100 = tpu.memref_slice %arg11[%dma_wait3A_98, %dma_wait3A_99] : memref<10240x128xf32, #tpu.memory_space<vmem_shared>> -> memref<10240x128xf32, #tpu.memory_space<vmem_shared>>
      tpu.wait_indirect_dma semaphore(%run_scoped3A_89 : memref<!tpu.dma_semaphore, #tpu.memory_space<semaphore_mem>>) src(%dma_wait3A_100 : memref<10240x128xf32, #tpu.memory_space<vmem_shared>>) dst(%arg8 : memref<128x128xf32, #tpu.memory_space<vmem>>)
      tpu.yield
    }) : () -> ()
    %mul3A_74 = arith.constant 10240 : i32
    %mul3A_75 = arith.muli %arg0, %mul3A_74 : i32
    %mul3A_76 = arith.constant 640 : i32
    %mul3A_77 = arith.muli %arg1, %mul3A_76 : i32
    %add3A_78 = arith.addi %mul3A_75, %mul3A_77 : i32
    %add3A_79 = arith.constant 384 : i32
    %add3A_80 = arith.addi %add3A_78, %add3A_79 : i32
    "tpu.region"() ({
      %run_scoped3A_89 = tpu.sem_alloc : memref<!tpu.dma_semaphore, #tpu.memory_space<semaphore_mem>>
      %dma_start3A_90 = arith.constant 0 : i32
      %dma_start3A_91 = tpu.memref_slice %arg5[%add3A_80, %dma_start3A_90] : memref<20480x128xf32, #tpu.memory_space<hbm>> -> memref<128x128xf32, #tpu.memory_space<hbm>>
      %dma_start3A_92 = arith.constant 0 : i32
      %dma_start3A_93 = tpu.memref_slice %arg5[%add3A_80, %dma_start3A_92] : memref<20480x128xf32, #tpu.memory_space<hbm>> -> memref<128x128xf32, #tpu.memory_space<hbm>>
      tpu.enqueue_dma source(%arg8 : memref<128x128xf32, #tpu.memory_space<vmem>>) target(%dma_start3A_93 : memref<128x128xf32, #tpu.memory_space<hbm>>) target_semaphore(%run_scoped3A_89 : memref<!tpu.dma_semaphore, #tpu.memory_space<semaphore_mem>>)
      %dma_wait3A = arith.constant 0 : i32
      %dma_wait3A_94 = tpu.memref_slice %arg5[%add3A_80, %dma_wait3A] : memref<20480x128xf32, #tpu.memory_space<hbm>> -> memref<128x128xf32, #tpu.memory_space<hbm>>
      %dma_wait3A_95 = arith.constant 0 : i32
      %dma_wait3A_96 = tpu.memref_slice %arg5[%add3A_80, %dma_wait3A_95] : memref<20480x128xf32, #tpu.memory_space<hbm>> -> memref<128x128xf32, #tpu.memory_space<hbm>>
      tpu.wait_dma2 semaphore(%run_scoped3A_89 : memref<!tpu.dma_semaphore, #tpu.memory_space<semaphore_mem>>) src(%arg8 : memref<128x128xf32, #tpu.memory_space<vmem>>) dst(%dma_wait3A_96 : memref<128x128xf32, #tpu.memory_space<hbm>>)
      tpu.yield
    }) : () -> ()
    %run_scoped3A_81 = arith.constant 4 : i32
    "tpu.region"() ({
      %run_scoped3A_89 = tpu.sem_alloc : memref<!tpu.dma_semaphore, #tpu.memory_space<semaphore_mem>>
      %dma_start3A_90 = arith.constant 0 : i32
      %dma_start3A_91 = tpu.memref_slice %arg10[%run_scoped3A_81, %dma_start3A_90] : memref<5x128xi32, #tpu.memory_space<vmem>> -> memref<1x128xi32, #tpu.memory_space<vmem>>
      %dma_start3A_92 = tpu.memref_squeeze %dma_start3A_91 : memref<1x128xi32, #tpu.memory_space<vmem>> -> memref<128xi32, #tpu.memory_space<vmem>>
      %dma_start3A_93 = arith.constant 0 : i32
      %dma_start3A_94 = arith.constant 0 : i32
      %dma_start3A_95 = tpu.memref_slice %arg11[%dma_start3A_93, %dma_start3A_94] : memref<10240x128xf32, #tpu.memory_space<vmem_shared>> -> memref<10240x128xf32, #tpu.memory_space<vmem_shared>>
      tpu.enqueue_indirect_dma source(%dma_start3A_95 : memref<10240x128xf32, #tpu.memory_space<vmem_shared>>) target(%arg8 : memref<128x128xf32, #tpu.memory_space<vmem>>) offsets(%dma_start3A_92 : memref<128xi32, #tpu.memory_space<vmem>>) semaphore(%run_scoped3A_89 : memref<!tpu.dma_semaphore, #tpu.memory_space<semaphore_mem>>)
      %dma_wait3A = arith.constant 0 : i32
      %dma_wait3A_96 = tpu.memref_slice %arg10[%run_scoped3A_81, %dma_wait3A] : memref<5x128xi32, #tpu.memory_space<vmem>> -> memref<1x128xi32, #tpu.memory_space<vmem>>
      %dma_wait3A_97 = tpu.memref_squeeze %dma_wait3A_96 : memref<1x128xi32, #tpu.memory_space<vmem>> -> memref<128xi32, #tpu.memory_space<vmem>>
      %dma_wait3A_98 = arith.constant 0 : i32
      %dma_wait3A_99 = arith.constant 0 : i32
      %dma_wait3A_100 = tpu.memref_slice %arg11[%dma_wait3A_98, %dma_wait3A_99] : memref<10240x128xf32, #tpu.memory_space<vmem_shared>> -> memref<10240x128xf32, #tpu.memory_space<vmem_shared>>
      tpu.wait_indirect_dma semaphore(%run_scoped3A_89 : memref<!tpu.dma_semaphore, #tpu.memory_space<semaphore_mem>>) src(%dma_wait3A_100 : memref<10240x128xf32, #tpu.memory_space<vmem_shared>>) dst(%arg8 : memref<128x128xf32, #tpu.memory_space<vmem>>)
      tpu.yield
    }) : () -> ()
    %mul3A_82 = arith.constant 10240 : i32
    %mul3A_83 = arith.muli %arg0, %mul3A_82 : i32
    %mul3A_84 = arith.constant 640 : i32
    %mul3A_85 = arith.muli %arg1, %mul3A_84 : i32
    %add3A_86 = arith.addi %mul3A_83, %mul3A_85 : i32
    %add3A_87 = arith.constant 512 : i32
    %add3A_88 = arith.addi %add3A_86, %add3A_87 : i32
    "tpu.region"() ({
      %run_scoped3A_89 = tpu.sem_alloc : memref<!tpu.dma_semaphore, #tpu.memory_space<semaphore_mem>>
      %dma_start3A_90 = arith.constant 0 : i32
      %dma_start3A_91 = tpu.memref_slice %arg5[%add3A_88, %dma_start3A_90] : memref<20480x128xf32, #tpu.memory_space<hbm>> -> memref<128x128xf32, #tpu.memory_space<hbm>>
      %dma_start3A_92 = arith.constant 0 : i32
      %dma_start3A_93 = tpu.memref_slice %arg5[%add3A_88, %dma_start3A_92] : memref<20480x128xf32, #tpu.memory_space<hbm>> -> memref<128x128xf32, #tpu.memory_space<hbm>>
      tpu.enqueue_dma source(%arg8 : memref<128x128xf32, #tpu.memory_space<vmem>>) target(%dma_start3A_93 : memref<128x128xf32, #tpu.memory_space<hbm>>) target_semaphore(%run_scoped3A_89 : memref<!tpu.dma_semaphore, #tpu.memory_space<semaphore_mem>>)
      %dma_wait3A = arith.constant 0 : i32
      %dma_wait3A_94 = tpu.memref_slice %arg5[%add3A_88, %dma_wait3A] : memref<20480x128xf32, #tpu.memory_space<hbm>> -> memref<128x128xf32, #tpu.memory_space<hbm>>
      %dma_wait3A_95 = arith.constant 0 : i32
      %dma_wait3A_96 = tpu.memref_slice %arg5[%add3A_88, %dma_wait3A_95] : memref<20480x128xf32, #tpu.memory_space<hbm>> -> memref<128x128xf32, #tpu.memory_space<hbm>>
      tpu.wait_dma2 semaphore(%run_scoped3A_89 : memref<!tpu.dma_semaphore, #tpu.memory_space<semaphore_mem>>) src(%arg8 : memref<128x128xf32, #tpu.memory_space<vmem>>) dst(%dma_wait3A_96 : memref<128x128xf32, #tpu.memory_space<hbm>>)
      tpu.yield
    }) : () -> ()
    return
  }
}

#map = affine_map<(d0, d1) -> (0, 0)>
module attributes {stable_mosaic.version = 14 : i64} {
  func.func @mp(%arg0: i32, %arg1: i32, %arg2: memref<10240x128xf32, #tpu.memory_space<hbm>>, %arg3: memref<2560x128xi32, #tpu.memory_space<hbm>>, %arg4: memref<2560x128xi32, #tpu.memory_space<hbm>>, %arg5: memref<20480x128xf32, #tpu.memory_space<hbm>>, %arg6: memref<40x128xi32, #tpu.memory_space<vmem>>, %arg7: memref<40x128xi32, #tpu.memory_space<vmem>>, %arg8: memref<128x128xf32, #tpu.memory_space<vmem>>, %arg9: memref<128x128xf32, #tpu.memory_space<vmem>>, %arg10: memref<5x128xi32, #tpu.memory_space<vmem>>, %arg11: memref<10240x128xf32, #tpu.memory_space<vmem_shared>>, %arg12: memref<!tpu.dma_semaphore, #tpu.memory_space<semaphore_mem>>, %arg13: memref<!tpu.dma_semaphore, #tpu.memory_space<semaphore_mem>>) attributes {dimension_semantics = [#tpu.dimension_semantics<core_parallel>, #tpu.dimension_semantics<subcore_parallel>], iteration_bounds = array<i64: 2, 16>, scalar_prefetch = 0 : i64, scratch_operands = 8 : i64, tpu.core_type = #tpu.core_type<sc_vector_subcore>, window_params = [{transform_indices = #map}, {transform_indices = #map}, {transform_indices = #map}, {transform_indices = #map}]} {
    %mul3A = arith.constant 16 : i32
    %mul3A_0 = arith.muli %arg0, %mul3A : i32
    %add3A = arith.addi %mul3A_0, %arg1 : i32
    %mul3A_1 = arith.constant 640 : i32
    %mul3A_2 = arith.muli %arg1, %mul3A_1 : i32
    %iota3A = tpu.iota {dimensions = array<i32: 0>} : vector<16xi32>
    %scan3A = arith.constant 0 : i32
    %scan3A_3 = arith.constant 5 : i32
    %scan3A_4 = arith.addi %scan3A, %scan3A_3 : i32
    %scan3A_5 = arith.constant 1 : i32
    scf.for %scan3A_89 = %scan3A to %scan3A_4 step %scan3A_5  : i32 {
      %mul3A_90 = arith.constant 128 : i32
      %mul3A_91 = arith.muli %scan3A_89, %mul3A_90 : i32
      %add3A_92 = arith.addi %mul3A_2, %mul3A_91 : i32
      %add3A_93 = arith.constant 0 : i32
      %add3A_94 = arith.addi %add3A_92, %add3A_93 : i32
      %add3A_95 = vector.broadcast %add3A_94 : i32 to vector<16xi32>
      %add3A_96 = arith.addi %add3A_95, %iota3A : vector<16xi32>
      %swap3A = arith.index_cast %scan3A_89 : i32 to index
      %swap3A_97 = arith.constant 0 : index
      %swap3A_98 = tpu.vector_load %arg10[%swap3A, %swap3A_97] {strides = array<i32>} : memref<5x128xi32, #tpu.memory_space<vmem>>, vector<1x16xi32>,
      %swap3A_99 = vector.shape_cast %swap3A_98 : vector<1x16xi32> to vector<16xi32>
      %swap3A_100 = vector.shape_cast %add3A_96 : vector<16xi32> to vector<1x16xi32>
      tpu.vector_store %arg10[%swap3A, %swap3A_97], %swap3A_100 {strides = array<i32>} : memref<5x128xi32, #tpu.memory_space<vmem>>, vector<1x16xi32>,
      %mul3A_101 = arith.constant 128 : i32
      %mul3A_102 = arith.muli %scan3A_89, %mul3A_101 : i32
      %add3A_103 = arith.addi %mul3A_2, %mul3A_102 : i32
      %add3A_104 = arith.constant 16 : i32
      %add3A_105 = arith.addi %add3A_103, %add3A_104 : i32
      %add3A_106 = vector.broadcast %add3A_105 : i32 to vector<16xi32>
      %add3A_107 = arith.addi %add3A_106, %iota3A : vector<16xi32>
      %swap3A_108 = arith.index_cast %scan3A_89 : i32 to index
      %swap3A_109 = arith.constant 16 : index
      %swap3A_110 = tpu.vector_load %arg10[%swap3A_108, %swap3A_109] {strides = array<i32>} : memref<5x128xi32, #tpu.memory_space<vmem>>, vector<1x16xi32>,
      %swap3A_111 = vector.shape_cast %swap3A_110 : vector<1x16xi32> to vector<16xi32>
      %swap3A_112 = vector.shape_cast %add3A_107 : vector<16xi32> to vector<1x16xi32>
      tpu.vector_store %arg10[%swap3A_108, %swap3A_109], %swap3A_112 {strides = array<i32>} : memref<5x128xi32, #tpu.memory_space<vmem>>, vector<1x16xi32>,
      %mul3A_113 = arith.constant 128 : i32
      %mul3A_114 = arith.muli %scan3A_89, %mul3A_113 : i32
      %add3A_115 = arith.addi %mul3A_2, %mul3A_114 : i32
      %add3A_116 = arith.constant 32 : i32
      %add3A_117 = arith.addi %add3A_115, %add3A_116 : i32
      %add3A_118 = vector.broadcast %add3A_117 : i32 to vector<16xi32>
      %add3A_119 = arith.addi %add3A_118, %iota3A : vector<16xi32>
      %swap3A_120 = arith.index_cast %scan3A_89 : i32 to index
      %swap3A_121 = arith.constant 32 : index
      %swap3A_122 = tpu.vector_load %arg10[%swap3A_120, %swap3A_121] {strides = array<i32>} : memref<5x128xi32, #tpu.memory_space<vmem>>, vector<1x16xi32>,
      %swap3A_123 = vector.shape_cast %swap3A_122 : vector<1x16xi32> to vector<16xi32>
      %swap3A_124 = vector.shape_cast %add3A_119 : vector<16xi32> to vector<1x16xi32>
      tpu.vector_store %arg10[%swap3A_120, %swap3A_121], %swap3A_124 {strides = array<i32>} : memref<5x128xi32, #tpu.memory_space<vmem>>, vector<1x16xi32>,
      %mul3A_125 = arith.constant 128 : i32
      %mul3A_126 = arith.muli %scan3A_89, %mul3A_125 : i32
      %add3A_127 = arith.addi %mul3A_2, %mul3A_126 : i32
      %add3A_128 = arith.constant 48 : i32
      %add3A_129 = arith.addi %add3A_127, %add3A_128 : i32
      %add3A_130 = vector.broadcast %add3A_129 : i32 to vector<16xi32>
      %add3A_131 = arith.addi %add3A_130, %iota3A : vector<16xi32>
      %swap3A_132 = arith.index_cast %scan3A_89 : i32 to index
      %swap3A_133 = arith.constant 48 : index
      %swap3A_134 = tpu.vector_load %arg10[%swap3A_132, %swap3A_133] {strides = array<i32>} : memref<5x128xi32, #tpu.memory_space<vmem>>, vector<1x16xi32>,
      %swap3A_135 = vector.shape_cast %swap3A_134 : vector<1x16xi32> to vector<16xi32>
      %swap3A_136 = vector.shape_cast %add3A_131 : vector<16xi32> to vector<1x16xi32>
      tpu.vector_store %arg10[%swap3A_132, %swap3A_133], %swap3A_136 {strides = array<i32>} : memref<5x128xi32, #tpu.memory_space<vmem>>, vector<1x16xi32>,
      %mul3A_137 = arith.constant 128 : i32
      %mul3A_138 = arith.muli %scan3A_89, %mul3A_137 : i32
      %add3A_139 = arith.addi %mul3A_2, %mul3A_138 : i32
      %add3A_140 = arith.constant 64 : i32
      %add3A_141 = arith.addi %add3A_139, %add3A_140 : i32
      %add3A_142 = vector.broadcast %add3A_141 : i32 to vector<16xi32>
      %add3A_143 = arith.addi %add3A_142, %iota3A : vector<16xi32>
      %swap3A_144 = arith.index_cast %scan3A_89 : i32 to index
      %swap3A_145 = arith.constant 64 : index
      %swap3A_146 = tpu.vector_load %arg10[%swap3A_144, %swap3A_145] {strides = array<i32>} : memref<5x128xi32, #tpu.memory_space<vmem>>, vector<1x16xi32>,
      %swap3A_147 = vector.shape_cast %swap3A_146 : vector<1x16xi32> to vector<16xi32>
      %swap3A_148 = vector.shape_cast %add3A_143 : vector<16xi32> to vector<1x16xi32>
      tpu.vector_store %arg10[%swap3A_144, %swap3A_145], %swap3A_148 {strides = array<i32>} : memref<5x128xi32, #tpu.memory_space<vmem>>, vector<1x16xi32>,
      %mul3A_149 = arith.constant 128 : i32
      %mul3A_150 = arith.muli %scan3A_89, %mul3A_149 : i32
      %add3A_151 = arith.addi %mul3A_2, %mul3A_150 : i32
      %add3A_152 = arith.constant 80 : i32
      %add3A_153 = arith.addi %add3A_151, %add3A_152 : i32
      %add3A_154 = vector.broadcast %add3A_153 : i32 to vector<16xi32>
      %add3A_155 = arith.addi %add3A_154, %iota3A : vector<16xi32>
      %swap3A_156 = arith.index_cast %scan3A_89 : i32 to index
      %swap3A_157 = arith.constant 80 : index
      %swap3A_158 = tpu.vector_load %arg10[%swap3A_156, %swap3A_157] {strides = array<i32>} : memref<5x128xi32, #tpu.memory_space<vmem>>, vector<1x16xi32>,
      %swap3A_159 = vector.shape_cast %swap3A_158 : vector<1x16xi32> to vector<16xi32>
      %swap3A_160 = vector.shape_cast %add3A_155 : vector<16xi32> to vector<1x16xi32>
      tpu.vector_store %arg10[%swap3A_156, %swap3A_157], %swap3A_160 {strides = array<i32>} : memref<5x128xi32, #tpu.memory_space<vmem>>, vector<1x16xi32>,
      %mul3A_161 = arith.constant 128 : i32
      %mul3A_162 = arith.muli %scan3A_89, %mul3A_161 : i32
      %add3A_163 = arith.addi %mul3A_2, %mul3A_162 : i32
      %add3A_164 = arith.constant 96 : i32
      %add3A_165 = arith.addi %add3A_163, %add3A_164 : i32
      %add3A_166 = vector.broadcast %add3A_165 : i32 to vector<16xi32>
      %add3A_167 = arith.addi %add3A_166, %iota3A : vector<16xi32>
      %swap3A_168 = arith.index_cast %scan3A_89 : i32 to index
      %swap3A_169 = arith.constant 96 : index
      %swap3A_170 = tpu.vector_load %arg10[%swap3A_168, %swap3A_169] {strides = array<i32>} : memref<5x128xi32, #tpu.memory_space<vmem>>, vector<1x16xi32>,
      %swap3A_171 = vector.shape_cast %swap3A_170 : vector<1x16xi32> to vector<16xi32>
      %swap3A_172 = vector.shape_cast %add3A_167 : vector<16xi32> to vector<1x16xi32>
      tpu.vector_store %arg10[%swap3A_168, %swap3A_169], %swap3A_172 {strides = array<i32>} : memref<5x128xi32, #tpu.memory_space<vmem>>, vector<1x16xi32>,
      %mul3A_173 = arith.constant 128 : i32
      %mul3A_174 = arith.muli %scan3A_89, %mul3A_173 : i32
      %add3A_175 = arith.addi %mul3A_2, %mul3A_174 : i32
      %add3A_176 = arith.constant 112 : i32
      %add3A_177 = arith.addi %add3A_175, %add3A_176 : i32
      %add3A_178 = vector.broadcast %add3A_177 : i32 to vector<16xi32>
      %add3A_179 = arith.addi %add3A_178, %iota3A : vector<16xi32>
      %swap3A_180 = arith.index_cast %scan3A_89 : i32 to index
      %swap3A_181 = arith.constant 112 : index
      %swap3A_182 = tpu.vector_load %arg10[%swap3A_180, %swap3A_181] {strides = array<i32>} : memref<5x128xi32, #tpu.memory_space<vmem>>, vector<1x16xi32>,
      %swap3A_183 = vector.shape_cast %swap3A_182 : vector<1x16xi32> to vector<16xi32>
      %swap3A_184 = vector.shape_cast %add3A_179 : vector<16xi32> to vector<1x16xi32>
      tpu.vector_store %arg10[%swap3A_180, %swap3A_181], %swap3A_184 {strides = array<i32>} : memref<5x128xi32, #tpu.memory_space<vmem>>, vector<1x16xi32>,
    }
    %scan3A_6 = arith.constant 5 : i32
    %broadcast_in_dim3A = arith.constant 0.000000e+00 : f32
    %broadcast_in_dim3A_7 = vector.broadcast %broadcast_in_dim3A : f32 to vector<16xf32>
    %scan3A_8 = arith.constant 0 : i32
    %scan3A_9 = arith.constant 128 : i32
    %scan3A_10 = arith.addi %scan3A_8, %scan3A_9 : i32
    %scan3A_11 = arith.constant 1 : i32
    scf.for %scan3A_89 = %scan3A_8 to %scan3A_10 step %scan3A_11  : i32 {
      %swap3A = arith.index_cast %scan3A_89 : i32 to index
      %swap3A_90 = arith.constant 0 : index
      %swap3A_91 = tpu.vector_load %arg8[%swap3A, %swap3A_90] {strides = array<i32>} : memref<128x128xf32, #tpu.memory_space<vmem>>, vector<1x16xf32>,
      %swap3A_92 = vector.shape_cast %swap3A_91 : vector<1x16xf32> to vector<16xf32>
      %swap3A_93 = vector.shape_cast %broadcast_in_dim3A_7 : vector<16xf32> to vector<1x16xf32>
      tpu.vector_store %arg8[%swap3A, %swap3A_90], %swap3A_93 {strides = array<i32>} : memref<128x128xf32, #tpu.memory_space<vmem>>, vector<1x16xf32>,
      %swap3A_94 = arith.index_cast %scan3A_89 : i32 to index
      %swap3A_95 = arith.constant 16 : index
      %swap3A_96 = tpu.vector_load %arg8[%swap3A_94, %swap3A_95] {strides = array<i32>} : memref<128x128xf32, #tpu.memory_space<vmem>>, vector<1x16xf32>,
      %swap3A_97 = vector.shape_cast %swap3A_96 : vector<1x16xf32> to vector<16xf32>
      %swap3A_98 = vector.shape_cast %broadcast_in_dim3A_7 : vector<16xf32> to vector<1x16xf32>
      tpu.vector_store %arg8[%swap3A_94, %swap3A_95], %swap3A_98 {strides = array<i32>} : memref<128x128xf32, #tpu.memory_space<vmem>>, vector<1x16xf32>,
      %swap3A_99 = arith.index_cast %scan3A_89 : i32 to index
      %swap3A_100 = arith.constant 32 : index
      %swap3A_101 = tpu.vector_load %arg8[%swap3A_99, %swap3A_100] {strides = array<i32>} : memref<128x128xf32, #tpu.memory_space<vmem>>, vector<1x16xf32>,
      %swap3A_102 = vector.shape_cast %swap3A_101 : vector<1x16xf32> to vector<16xf32>
      %swap3A_103 = vector.shape_cast %broadcast_in_dim3A_7 : vector<16xf32> to vector<1x16xf32>
      tpu.vector_store %arg8[%swap3A_99, %swap3A_100], %swap3A_103 {strides = array<i32>} : memref<128x128xf32, #tpu.memory_space<vmem>>, vector<1x16xf32>,
      %swap3A_104 = arith.index_cast %scan3A_89 : i32 to index
      %swap3A_105 = arith.constant 48 : index
      %swap3A_106 = tpu.vector_load %arg8[%swap3A_104, %swap3A_105] {strides = array<i32>} : memref<128x128xf32, #tpu.memory_space<vmem>>, vector<1x16xf32>,
      %swap3A_107 = vector.shape_cast %swap3A_106 : vector<1x16xf32> to vector<16xf32>
      %swap3A_108 = vector.shape_cast %broadcast_in_dim3A_7 : vector<16xf32> to vector<1x16xf32>
      tpu.vector_store %arg8[%swap3A_104, %swap3A_105], %swap3A_108 {strides = array<i32>} : memref<128x128xf32, #tpu.memory_space<vmem>>, vector<1x16xf32>,
      %swap3A_109 = arith.index_cast %scan3A_89 : i32 to index
      %swap3A_110 = arith.constant 64 : index
      %swap3A_111 = tpu.vector_load %arg8[%swap3A_109, %swap3A_110] {strides = array<i32>} : memref<128x128xf32, #tpu.memory_space<vmem>>, vector<1x16xf32>,
      %swap3A_112 = vector.shape_cast %swap3A_111 : vector<1x16xf32> to vector<16xf32>
      %swap3A_113 = vector.shape_cast %broadcast_in_dim3A_7 : vector<16xf32> to vector<1x16xf32>
      tpu.vector_store %arg8[%swap3A_109, %swap3A_110], %swap3A_113 {strides = array<i32>} : memref<128x128xf32, #tpu.memory_space<vmem>>, vector<1x16xf32>,
      %swap3A_114 = arith.index_cast %scan3A_89 : i32 to index
      %swap3A_115 = arith.constant 80 : index
      %swap3A_116 = tpu.vector_load %arg8[%swap3A_114, %swap3A_115] {strides = array<i32>} : memref<128x128xf32, #tpu.memory_space<vmem>>, vector<1x16xf32>,
      %swap3A_117 = vector.shape_cast %swap3A_116 : vector<1x16xf32> to vector<16xf32>
      %swap3A_118 = vector.shape_cast %broadcast_in_dim3A_7 : vector<16xf32> to vector<1x16xf32>
      tpu.vector_store %arg8[%swap3A_114, %swap3A_115], %swap3A_118 {strides = array<i32>} : memref<128x128xf32, #tpu.memory_space<vmem>>, vector<1x16xf32>,
      %swap3A_119 = arith.index_cast %scan3A_89 : i32 to index
      %swap3A_120 = arith.constant 96 : index
      %swap3A_121 = tpu.vector_load %arg8[%swap3A_119, %swap3A_120] {strides = array<i32>} : memref<128x128xf32, #tpu.memory_space<vmem>>, vector<1x16xf32>,
      %swap3A_122 = vector.shape_cast %swap3A_121 : vector<1x16xf32> to vector<16xf32>
      %swap3A_123 = vector.shape_cast %broadcast_in_dim3A_7 : vector<16xf32> to vector<1x16xf32>
      tpu.vector_store %arg8[%swap3A_119, %swap3A_120], %swap3A_123 {strides = array<i32>} : memref<128x128xf32, #tpu.memory_space<vmem>>, vector<1x16xf32>,
      %swap3A_124 = arith.index_cast %scan3A_89 : i32 to index
      %swap3A_125 = arith.constant 112 : index
      %swap3A_126 = tpu.vector_load %arg8[%swap3A_124, %swap3A_125] {strides = array<i32>} : memref<128x128xf32, #tpu.memory_space<vmem>>, vector<1x16xf32>,
      %swap3A_127 = vector.shape_cast %swap3A_126 : vector<1x16xf32> to vector<16xf32>
      %swap3A_128 = vector.shape_cast %broadcast_in_dim3A_7 : vector<16xf32> to vector<1x16xf32>
      tpu.vector_store %arg8[%swap3A_124, %swap3A_125], %swap3A_128 {strides = array<i32>} : memref<128x128xf32, #tpu.memory_space<vmem>>, vector<1x16xf32>,
    }
    %scan3A_12 = arith.constant 128 : i32
    %run_scoped3A = arith.constant 0 : i32
    "tpu.region"() ({
      %run_scoped3A_89 = tpu.sem_alloc : memref<!tpu.dma_semaphore, #tpu.memory_space<semaphore_mem>>
      %dma_start3A_90 = arith.constant 0 : i32
      %dma_start3A_91 = tpu.memref_slice %arg10[%run_scoped3A, %dma_start3A_90] : memref<5x128xi32, #tpu.memory_space<vmem>> -> memref<1x128xi32, #tpu.memory_space<vmem>>
      %dma_start3A_92 = tpu.memref_squeeze %dma_start3A_91 : memref<1x128xi32, #tpu.memory_space<vmem>> -> memref<128xi32, #tpu.memory_space<vmem>>
      %dma_start3A_93 = arith.constant 0 : i32
      %dma_start3A_94 = arith.constant 0 : i32
      %dma_start3A_95 = tpu.memref_slice %arg11[%dma_start3A_93, %dma_start3A_94] : memref<10240x128xf32, #tpu.memory_space<vmem_shared>> -> memref<10240x128xf32, #tpu.memory_space<vmem_shared>>
      tpu.enqueue_indirect_dma source(%arg8 : memref<128x128xf32, #tpu.memory_space<vmem>>) target(%dma_start3A_95 : memref<10240x128xf32, #tpu.memory_space<vmem_shared>>) offsets(%dma_start3A_92 : memref<128xi32, #tpu.memory_space<vmem>>) semaphore(%run_scoped3A_89 : memref<!tpu.dma_semaphore, #tpu.memory_space<semaphore_mem>>)
      %dma_wait3A = arith.constant 0 : i32
      %dma_wait3A_96 = tpu.memref_slice %arg10[%run_scoped3A, %dma_wait3A] : memref<5x128xi32, #tpu.memory_space<vmem>> -> memref<1x128xi32, #tpu.memory_space<vmem>>
      %dma_wait3A_97 = tpu.memref_squeeze %dma_wait3A_96 : memref<1x128xi32, #tpu.memory_space<vmem>> -> memref<128xi32, #tpu.memory_space<vmem>>
      %dma_wait3A_98 = arith.constant 0 : i32
      %dma_wait3A_99 = arith.constant 0 : i32
      %dma_wait3A_100 = tpu.memref_slice %arg11[%dma_wait3A_98, %dma_wait3A_99] : memref<10240x128xf32, #tpu.memory_space<vmem_shared>> -> memref<10240x128xf32, #tpu.memory_space<vmem_shared>>
      tpu.wait_indirect_dma semaphore(%run_scoped3A_89 : memref<!tpu.dma_semaphore, #tpu.memory_space<semaphore_mem>>) src(%arg8 : memref<128x128xf32, #tpu.memory_space<vmem>>) dst(%dma_wait3A_100 : memref<10240x128xf32, #tpu.memory_space<vmem_shared>>)
      tpu.yield
    }) : () -> ()
    %run_scoped3A_13 = arith.constant 1 : i32
    "tpu.region"() ({
      %run_scoped3A_89 = tpu.sem_alloc : memref<!tpu.dma_semaphore, #tpu.memory_space<semaphore_mem>>
      %dma_start3A_90 = arith.constant 0 : i32
      %dma_start3A_91 = tpu.memref_slice %arg10[%run_scoped3A_13, %dma_start3A_90] : memref<5x128xi32, #tpu.memory_space<vmem>> -> memref<1x128xi32, #tpu.memory_space<vmem>>
      %dma_start3A_92 = tpu.memref_squeeze %dma_start3A_91 : memref<1x128xi32, #tpu.memory_space<vmem>> -> memref<128xi32, #tpu.memory_space<vmem>>
      %dma_start3A_93 = arith.constant 0 : i32
      %dma_start3A_94 = arith.constant 0 : i32
      %dma_start3A_95 = tpu.memref_slice %arg11[%dma_start3A_93, %dma_start3A_94] : memref<10240x128xf32, #tpu.memory_space<vmem_shared>> -> memref<10240x128xf32, #tpu.memory_space<vmem_shared>>
      tpu.enqueue_indirect_dma source(%arg8 : memref<128x128xf32, #tpu.memory_space<vmem>>) target(%dma_start3A_95 : memref<10240x128xf32, #tpu.memory_space<vmem_shared>>) offsets(%dma_start3A_92 : memref<128xi32, #tpu.memory_space<vmem>>) semaphore(%run_scoped3A_89 : memref<!tpu.dma_semaphore, #tpu.memory_space<semaphore_mem>>)
      %dma_wait3A = arith.constant 0 : i32
      %dma_wait3A_96 = tpu.memref_slice %arg10[%run_scoped3A_13, %dma_wait3A] : memref<5x128xi32, #tpu.memory_space<vmem>> -> memref<1x128xi32, #tpu.memory_space<vmem>>
      %dma_wait3A_97 = tpu.memref_squeeze %dma_wait3A_96 : memref<1x128xi32, #tpu.memory_space<vmem>> -> memref<128xi32, #tpu.memory_space<vmem>>
      %dma_wait3A_98 = arith.constant 0 : i32
      %dma_wait3A_99 = arith.constant 0 : i32
      %dma_wait3A_100 = tpu.memref_slice %arg11[%dma_wait3A_98, %dma_wait3A_99] : memref<10240x128xf32, #tpu.memory_space<vmem_shared>> -> memref<10240x128xf32, #tpu.memory_space<vmem_shared>>
      tpu.wait_indirect_dma semaphore(%run_scoped3A_89 : memref<!tpu.dma_semaphore, #tpu.memory_space<semaphore_mem>>) src(%arg8 : memref<128x128xf32, #tpu.memory_space<vmem>>) dst(%dma_wait3A_100 : memref<10240x128xf32, #tpu.memory_space<vmem_shared>>)
      tpu.yield
    }) : () -> ()
    %run_scoped3A_14 = arith.constant 2 : i32
    "tpu.region"() ({
      %run_scoped3A_89 = tpu.sem_alloc : memref<!tpu.dma_semaphore, #tpu.memory_space<semaphore_mem>>
      %dma_start3A_90 = arith.constant 0 : i32
      %dma_start3A_91 = tpu.memref_slice %arg10[%run_scoped3A_14, %dma_start3A_90] : memref<5x128xi32, #tpu.memory_space<vmem>> -> memref<1x128xi32, #tpu.memory_space<vmem>>
      %dma_start3A_92 = tpu.memref_squeeze %dma_start3A_91 : memref<1x128xi32, #tpu.memory_space<vmem>> -> memref<128xi32, #tpu.memory_space<vmem>>
      %dma_start3A_93 = arith.constant 0 : i32
      %dma_start3A_94 = arith.constant 0 : i32
      %dma_start3A_95 = tpu.memref_slice %arg11[%dma_start3A_93, %dma_start3A_94] : memref<10240x128xf32, #tpu.memory_space<vmem_shared>> -> memref<10240x128xf32, #tpu.memory_space<vmem_shared>>
      tpu.enqueue_indirect_dma source(%arg8 : memref<128x128xf32, #tpu.memory_space<vmem>>) target(%dma_start3A_95 : memref<10240x128xf32, #tpu.memory_space<vmem_shared>>) offsets(%dma_start3A_92 : memref<128xi32, #tpu.memory_space<vmem>>) semaphore(%run_scoped3A_89 : memref<!tpu.dma_semaphore, #tpu.memory_space<semaphore_mem>>)
      %dma_wait3A = arith.constant 0 : i32
      %dma_wait3A_96 = tpu.memref_slice %arg10[%run_scoped3A_14, %dma_wait3A] : memref<5x128xi32, #tpu.memory_space<vmem>> -> memref<1x128xi32, #tpu.memory_space<vmem>>
      %dma_wait3A_97 = tpu.memref_squeeze %dma_wait3A_96 : memref<1x128xi32, #tpu.memory_space<vmem>> -> memref<128xi32, #tpu.memory_space<vmem>>
      %dma_wait3A_98 = arith.constant 0 : i32
      %dma_wait3A_99 = arith.constant 0 : i32
      %dma_wait3A_100 = tpu.memref_slice %arg11[%dma_wait3A_98, %dma_wait3A_99] : memref<10240x128xf32, #tpu.memory_space<vmem_shared>> -> memref<10240x128xf32, #tpu.memory_space<vmem_shared>>
      tpu.wait_indirect_dma semaphore(%run_scoped3A_89 : memref<!tpu.dma_semaphore, #tpu.memory_space<semaphore_mem>>) src(%arg8 : memref<128x128xf32, #tpu.memory_space<vmem>>) dst(%dma_wait3A_100 : memref<10240x128xf32, #tpu.memory_space<vmem_shared>>)
      tpu.yield
    }) : () -> ()
    %run_scoped3A_15 = arith.constant 3 : i32
    "tpu.region"() ({
      %run_scoped3A_89 = tpu.sem_alloc : memref<!tpu.dma_semaphore, #tpu.memory_space<semaphore_mem>>
      %dma_start3A_90 = arith.constant 0 : i32
      %dma_start3A_91 = tpu.memref_slice %arg10[%run_scoped3A_15, %dma_start3A_90] : memref<5x128xi32, #tpu.memory_space<vmem>> -> memref<1x128xi32, #tpu.memory_space<vmem>>
      %dma_start3A_92 = tpu.memref_squeeze %dma_start3A_91 : memref<1x128xi32, #tpu.memory_space<vmem>> -> memref<128xi32, #tpu.memory_space<vmem>>
      %dma_start3A_93 = arith.constant 0 : i32
      %dma_start3A_94 = arith.constant 0 : i32
      %dma_start3A_95 = tpu.memref_slice %arg11[%dma_start3A_93, %dma_start3A_94] : memref<10240x128xf32, #tpu.memory_space<vmem_shared>> -> memref<10240x128xf32, #tpu.memory_space<vmem_shared>>
      tpu.enqueue_indirect_dma source(%arg8 : memref<128x128xf32, #tpu.memory_space<vmem>>) target(%dma_start3A_95 : memref<10240x128xf32, #tpu.memory_space<vmem_shared>>) offsets(%dma_start3A_92 : memref<128xi32, #tpu.memory_space<vmem>>) semaphore(%run_scoped3A_89 : memref<!tpu.dma_semaphore, #tpu.memory_space<semaphore_mem>>)
      %dma_wait3A = arith.constant 0 : i32
      %dma_wait3A_96 = tpu.memref_slice %arg10[%run_scoped3A_15, %dma_wait3A] : memref<5x128xi32, #tpu.memory_space<vmem>> -> memref<1x128xi32, #tpu.memory_space<vmem>>
      %dma_wait3A_97 = tpu.memref_squeeze %dma_wait3A_96 : memref<1x128xi32, #tpu.memory_space<vmem>> -> memref<128xi32, #tpu.memory_space<vmem>>
      %dma_wait3A_98 = arith.constant 0 : i32
      %dma_wait3A_99 = arith.constant 0 : i32
      %dma_wait3A_100 = tpu.memref_slice %arg11[%dma_wait3A_98, %dma_wait3A_99] : memref<10240x128xf32, #tpu.memory_space<vmem_shared>> -> memref<10240x128xf32, #tpu.memory_space<vmem_shared>>
      tpu.wait_indirect_dma semaphore(%run_scoped3A_89 : memref<!tpu.dma_semaphore, #tpu.memory_space<semaphore_mem>>) src(%arg8 : memref<128x128xf32, #tpu.memory_space<vmem>>) dst(%dma_wait3A_100 : memref<10240x128xf32, #tpu.memory_space<vmem_shared>>)
      tpu.yield
    }) : () -> ()
    %run_scoped3A_16 = arith.constant 4 : i32
    "tpu.region"() ({
      %run_scoped3A_89 = tpu.sem_alloc : memref<!tpu.dma_semaphore, #tpu.memory_space<semaphore_mem>>
      %dma_start3A_90 = arith.constant 0 : i32
      %dma_start3A_91 = tpu.memref_slice %arg10[%run_scoped3A_16, %dma_start3A_90] : memref<5x128xi32, #tpu.memory_space<vmem>> -> memref<1x128xi32, #tpu.memory_space<vmem>>
      %dma_start3A_92 = tpu.memref_squeeze %dma_start3A_91 : memref<1x128xi32, #tpu.memory_space<vmem>> -> memref<128xi32, #tpu.memory_space<vmem>>
      %dma_start3A_93 = arith.constant 0 : i32
      %dma_start3A_94 = arith.constant 0 : i32
      %dma_start3A_95 = tpu.memref_slice %arg11[%dma_start3A_93, %dma_start3A_94] : memref<10240x128xf32, #tpu.memory_space<vmem_shared>> -> memref<10240x128xf32, #tpu.memory_space<vmem_shared>>
      tpu.enqueue_indirect_dma source(%arg8 : memref<128x128xf32, #tpu.memory_space<vmem>>) target(%dma_start3A_95 : memref<10240x128xf32, #tpu.memory_space<vmem_shared>>) offsets(%dma_start3A_92 : memref<128xi32, #tpu.memory_space<vmem>>) semaphore(%run_scoped3A_89 : memref<!tpu.dma_semaphore, #tpu.memory_space<semaphore_mem>>)
      %dma_wait3A = arith.constant 0 : i32
      %dma_wait3A_96 = tpu.memref_slice %arg10[%run_scoped3A_16, %dma_wait3A] : memref<5x128xi32, #tpu.memory_space<vmem>> -> memref<1x128xi32, #tpu.memory_space<vmem>>
      %dma_wait3A_97 = tpu.memref_squeeze %dma_wait3A_96 : memref<1x128xi32, #tpu.memory_space<vmem>> -> memref<128xi32, #tpu.memory_space<vmem>>
      %dma_wait3A_98 = arith.constant 0 : i32
      %dma_wait3A_99 = arith.constant 0 : i32
      %dma_wait3A_100 = tpu.memref_slice %arg11[%dma_wait3A_98, %dma_wait3A_99] : memref<10240x128xf32, #tpu.memory_space<vmem_shared>> -> memref<10240x128xf32, #tpu.memory_space<vmem_shared>>
      tpu.wait_indirect_dma semaphore(%run_scoped3A_89 : memref<!tpu.dma_semaphore, #tpu.memory_space<semaphore_mem>>) src(%arg8 : memref<128x128xf32, #tpu.memory_space<vmem>>) dst(%dma_wait3A_100 : memref<10240x128xf32, #tpu.memory_space<vmem_shared>>)
      tpu.yield
    }) : () -> ()
    %barrier3A = arith.constant 0 : index
    tpu.barrier barrier_id(%barrier3A)
    %mul3A_17 = arith.constant 80 : i32
    %mul3A_18 = arith.muli %add3A, %mul3A_17 : i32
    %add3A_19 = arith.constant 0 : i32
    %add3A_20 = arith.addi %mul3A_18, %add3A_19 : i32
    "tpu.region"() ({
      %run_scoped3A_89 = tpu.sem_alloc : memref<!tpu.dma_semaphore, #tpu.memory_space<semaphore_mem>>
      %dma_start3A_90 = arith.constant 0 : i32
      %dma_start3A_91 = tpu.memref_slice %arg3[%add3A_20, %dma_start3A_90] : memref<2560x128xi32, #tpu.memory_space<hbm>> -> memref<40x128xi32, #tpu.memory_space<hbm>>
      %dma_start3A_92 = arith.constant 0 : i32
      %dma_start3A_93 = tpu.memref_slice %arg3[%add3A_20, %dma_start3A_92] : memref<2560x128xi32, #tpu.memory_space<hbm>> -> memref<40x128xi32, #tpu.memory_space<hbm>>
      tpu.enqueue_dma source(%dma_start3A_93 : memref<40x128xi32, #tpu.memory_space<hbm>>) target(%arg6 : memref<40x128xi32, #tpu.memory_space<vmem>>) target_semaphore(%run_scoped3A_89 : memref<!tpu.dma_semaphore, #tpu.memory_space<semaphore_mem>>)
      %dma_wait3A = arith.constant 0 : i32
      %dma_wait3A_94 = tpu.memref_slice %arg3[%add3A_20, %dma_wait3A] : memref<2560x128xi32, #tpu.memory_space<hbm>> -> memref<40x128xi32, #tpu.memory_space<hbm>>
      %dma_wait3A_95 = arith.constant 0 : i32
      %dma_wait3A_96 = tpu.memref_slice %arg3[%add3A_20, %dma_wait3A_95] : memref<2560x128xi32, #tpu.memory_space<hbm>> -> memref<40x128xi32, #tpu.memory_space<hbm>>
      tpu.wait_dma2 semaphore(%run_scoped3A_89 : memref<!tpu.dma_semaphore, #tpu.memory_space<semaphore_mem>>) src(%dma_wait3A_96 : memref<40x128xi32, #tpu.memory_space<hbm>>) dst(%arg6 : memref<40x128xi32, #tpu.memory_space<vmem>>)
      tpu.yield
    }) : () -> ()
    "tpu.region"() ({
      %run_scoped3A_89 = tpu.sem_alloc : memref<!tpu.dma_semaphore, #tpu.memory_space<semaphore_mem>>
      %dma_start3A_90 = arith.constant 0 : i32
      %dma_start3A_91 = tpu.memref_slice %arg4[%add3A_20, %dma_start3A_90] : memref<2560x128xi32, #tpu.memory_space<hbm>> -> memref<40x128xi32, #tpu.memory_space<hbm>>
      %dma_start3A_92 = arith.constant 0 : i32
      %dma_start3A_93 = tpu.memref_slice %arg4[%add3A_20, %dma_start3A_92] : memref<2560x128xi32, #tpu.memory_space<hbm>> -> memref<40x128xi32, #tpu.memory_space<hbm>>
      tpu.enqueue_dma source(%dma_start3A_93 : memref<40x128xi32, #tpu.memory_space<hbm>>) target(%arg7 : memref<40x128xi32, #tpu.memory_space<vmem>>) target_semaphore(%run_scoped3A_89 : memref<!tpu.dma_semaphore, #tpu.memory_space<semaphore_mem>>)
      %dma_wait3A = arith.constant 0 : i32
      %dma_wait3A_94 = tpu.memref_slice %arg4[%add3A_20, %dma_wait3A] : memref<2560x128xi32, #tpu.memory_space<hbm>> -> memref<40x128xi32, #tpu.memory_space<hbm>>
      %dma_wait3A_95 = arith.constant 0 : i32
      %dma_wait3A_96 = tpu.memref_slice %arg4[%add3A_20, %dma_wait3A_95] : memref<2560x128xi32, #tpu.memory_space<hbm>> -> memref<40x128xi32, #tpu.memory_space<hbm>>
      tpu.wait_dma2 semaphore(%run_scoped3A_89 : memref<!tpu.dma_semaphore, #tpu.memory_space<semaphore_mem>>) src(%dma_wait3A_96 : memref<40x128xi32, #tpu.memory_space<hbm>>) dst(%arg7 : memref<40x128xi32, #tpu.memory_space<vmem>>)
      tpu.yield
    }) : () -> ()
    %dma_start3A = arith.constant 0 : i32
    %dma_start3A_21 = arith.constant 0 : i32
    %dma_start3A_22 = tpu.memref_slice %arg6[%dma_start3A, %dma_start3A_21] : memref<40x128xi32, #tpu.memory_space<vmem>> -> memref<1x128xi32, #tpu.memory_space<vmem>>
    %dma_start3A_23 = tpu.memref_squeeze %dma_start3A_22 : memref<1x128xi32, #tpu.memory_space<vmem>> -> memref<128xi32, #tpu.memory_space<vmem>>
    %dma_start3A_24 = arith.constant 0 : i32
    %dma_start3A_25 = arith.constant 0 : i32
    %dma_start3A_26 = tpu.memref_slice %arg2[%dma_start3A_24, %dma_start3A_25] : memref<10240x128xf32, #tpu.memory_space<hbm>> -> memref<10240x128xf32, #tpu.memory_space<hbm>>
    tpu.enqueue_indirect_dma source(%dma_start3A_26 : memref<10240x128xf32, #tpu.memory_space<hbm>>) target(%arg8 : memref<128x128xf32, #tpu.memory_space<vmem>>) offsets(%dma_start3A_23 : memref<128xi32, #tpu.memory_space<vmem>>) semaphore(%arg12 : memref<!tpu.dma_semaphore, #tpu.memory_space<semaphore_mem>>)
    %scan3A_27 = arith.constant 0 : i32
    %scan3A_28 = arith.constant 20 : i32
    %scan3A_29 = arith.addi %scan3A_27, %scan3A_28 : i32
    %scan3A_30 = arith.constant 1 : i32
    scf.for %scan3A_89 = %scan3A_27 to %scan3A_29 step %scan3A_30  : i32 {
      %mul3A_90 = arith.constant 2 : i32
      %mul3A_91 = arith.muli %mul3A_90, %scan3A_89 : i32
      %add3A_92 = arith.constant 1 : i32
      %add3A_93 = arith.addi %mul3A_91, %add3A_92 : i32
      %dma_start3A_94 = arith.constant 0 : i32
      %dma_start3A_95 = tpu.memref_slice %arg6[%add3A_93, %dma_start3A_94] : memref<40x128xi32, #tpu.memory_space<vmem>> -> memref<1x128xi32, #tpu.memory_space<vmem>>
      %dma_start3A_96 = tpu.memref_squeeze %dma_start3A_95 : memref<1x128xi32, #tpu.memory_space<vmem>> -> memref<128xi32, #tpu.memory_space<vmem>>
      %dma_start3A_97 = arith.constant 0 : i32
      %dma_start3A_98 = arith.constant 0 : i32
      %dma_start3A_99 = tpu.memref_slice %arg2[%dma_start3A_97, %dma_start3A_98] : memref<10240x128xf32, #tpu.memory_space<hbm>> -> memref<10240x128xf32, #tpu.memory_space<hbm>>
      tpu.enqueue_indirect_dma source(%dma_start3A_99 : memref<10240x128xf32, #tpu.memory_space<hbm>>) target(%arg9 : memref<128x128xf32, #tpu.memory_space<vmem>>) offsets(%dma_start3A_96 : memref<128xi32, #tpu.memory_space<vmem>>) semaphore(%arg13 : memref<!tpu.dma_semaphore, #tpu.memory_space<semaphore_mem>>)
      %dma_wait3A = arith.constant 0 : i32
      %dma_wait3A_100 = tpu.memref_slice %arg6[%mul3A_91, %dma_wait3A] : memref<40x128xi32, #tpu.memory_space<vmem>> -> memref<1x128xi32, #tpu.memory_space<vmem>>
      %dma_wait3A_101 = tpu.memref_squeeze %dma_wait3A_100 : memref<1x128xi32, #tpu.memory_space<vmem>> -> memref<128xi32, #tpu.memory_space<vmem>>
      %dma_wait3A_102 = arith.constant 0 : i32
      %dma_wait3A_103 = arith.constant 0 : i32
      %dma_wait3A_104 = tpu.memref_slice %arg2[%dma_wait3A_102, %dma_wait3A_103] : memref<10240x128xf32, #tpu.memory_space<hbm>> -> memref<10240x128xf32, #tpu.memory_space<hbm>>
      tpu.wait_indirect_dma semaphore(%arg12 : memref<!tpu.dma_semaphore, #tpu.memory_space<semaphore_mem>>) src(%dma_wait3A_104 : memref<10240x128xf32, #tpu.memory_space<hbm>>) dst(%arg8 : memref<128x128xf32, #tpu.memory_space<vmem>>)
      "tpu.region"() ({
        %run_scoped3A_117 = tpu.sem_alloc : memref<!tpu.dma_semaphore, #tpu.memory_space<semaphore_mem>>
        %dma_start3A_118 = arith.constant 0 : i32
        %dma_start3A_119 = tpu.memref_slice %arg7[%mul3A_91, %dma_start3A_118] : memref<40x128xi32, #tpu.memory_space<vmem>> -> memref<1x128xi32, #tpu.memory_space<vmem>>
        %dma_start3A_120 = tpu.memref_squeeze %dma_start3A_119 : memref<1x128xi32, #tpu.memory_space<vmem>> -> memref<128xi32, #tpu.memory_space<vmem>>
        %dma_start3A_121 = arith.constant 0 : i32
        %dma_start3A_122 = arith.constant 0 : i32
        %dma_start3A_123 = tpu.memref_slice %arg11[%dma_start3A_121, %dma_start3A_122] : memref<10240x128xf32, #tpu.memory_space<vmem_shared>> -> memref<10240x128xf32, #tpu.memory_space<vmem_shared>>
        tpu.enqueue_indirect_dma source(%arg8 : memref<128x128xf32, #tpu.memory_space<vmem>>) target(%dma_start3A_123 : memref<10240x128xf32, #tpu.memory_space<vmem_shared>>) offsets(%dma_start3A_120 : memref<128xi32, #tpu.memory_space<vmem>>) semaphore(%run_scoped3A_117 : memref<!tpu.dma_semaphore, #tpu.memory_space<semaphore_mem>>) {add = true}
        %dma_wait3A_124 = arith.constant 0 : i32
        %dma_wait3A_125 = tpu.memref_slice %arg7[%mul3A_91, %dma_wait3A_124] : memref<40x128xi32, #tpu.memory_space<vmem>> -> memref<1x128xi32, #tpu.memory_space<vmem>>
        %dma_wait3A_126 = tpu.memref_squeeze %dma_wait3A_125 : memref<1x128xi32, #tpu.memory_space<vmem>> -> memref<128xi32, #tpu.memory_space<vmem>>
        %dma_wait3A_127 = arith.constant 0 : i32
        %dma_wait3A_128 = arith.constant 0 : i32
        %dma_wait3A_129 = tpu.memref_slice %arg11[%dma_wait3A_127, %dma_wait3A_128] : memref<10240x128xf32, #tpu.memory_space<vmem_shared>> -> memref<10240x128xf32, #tpu.memory_space<vmem_shared>>
        tpu.wait_indirect_dma semaphore(%run_scoped3A_117 : memref<!tpu.dma_semaphore, #tpu.memory_space<semaphore_mem>>) src(%arg8 : memref<128x128xf32, #tpu.memory_space<vmem>>) dst(%dma_wait3A_129 : memref<10240x128xf32, #tpu.memory_space<vmem_shared>>)
        tpu.yield
      }) : () -> ()
      %lt3A = arith.constant 19 : i32
      %lt3A_105 = arith.cmpi slt, %scan3A_89, %lt3A : i32
      %convert_element_type3A = arith.extui %lt3A_105 : i1 to i32
      %cond3A = arith.constant 0 : i32
      %cond3A_106 = arith.cmpi ne, %convert_element_type3A, %cond3A : i32
      scf.if %cond3A_106 {
        %add3A_117 = arith.constant 2 : i32
        %add3A_118 = arith.addi %mul3A_91, %add3A_117 : i32
        %dma_start3A_119 = arith.constant 0 : i32
        %dma_start3A_120 = tpu.memref_slice %arg6[%add3A_118, %dma_start3A_119] : memref<40x128xi32, #tpu.memory_space<vmem>> -> memref<1x128xi32, #tpu.memory_space<vmem>>
        %dma_start3A_121 = tpu.memref_squeeze %dma_start3A_120 : memref<1x128xi32, #tpu.memory_space<vmem>> -> memref<128xi32, #tpu.memory_space<vmem>>
        %dma_start3A_122 = arith.constant 0 : i32
        %dma_start3A_123 = arith.constant 0 : i32
        %dma_start3A_124 = tpu.memref_slice %arg2[%dma_start3A_122, %dma_start3A_123] : memref<10240x128xf32, #tpu.memory_space<hbm>> -> memref<10240x128xf32, #tpu.memory_space<hbm>>
        tpu.enqueue_indirect_dma source(%dma_start3A_124 : memref<10240x128xf32, #tpu.memory_space<hbm>>) target(%arg8 : memref<128x128xf32, #tpu.memory_space<vmem>>) offsets(%dma_start3A_121 : memref<128xi32, #tpu.memory_space<vmem>>) semaphore(%arg12 : memref<!tpu.dma_semaphore, #tpu.memory_space<semaphore_mem>>)
      } else {
      }
      %add3A_107 = arith.constant 1 : i32
      %add3A_108 = arith.addi %mul3A_91, %add3A_107 : i32
      %dma_wait3A_109 = arith.constant 0 : i32
      %dma_wait3A_110 = tpu.memref_slice %arg6[%add3A_108, %dma_wait3A_109] : memref<40x128xi32, #tpu.memory_space<vmem>> -> memref<1x128xi32, #tpu.memory_space<vmem>>
      %dma_wait3A_111 = tpu.memref_squeeze %dma_wait3A_110 : memref<1x128xi32, #tpu.memory_space<vmem>> -> memref<128xi32, #tpu.memory_space<vmem>>
      %dma_wait3A_112 = arith.constant 0 : i32
      %dma_wait3A_113 = arith.constant 0 : i32
      %dma_wait3A_114 = tpu.memref_slice %arg2[%dma_wait3A_112, %dma_wait3A_113] : memref<10240x128xf32, #tpu.memory_space<hbm>> -> memref<10240x128xf32, #tpu.memory_space<hbm>>
      tpu.wait_indirect_dma semaphore(%arg13 : memref<!tpu.dma_semaphore, #tpu.memory_space<semaphore_mem>>) src(%dma_wait3A_114 : memref<10240x128xf32, #tpu.memory_space<hbm>>) dst(%arg9 : memref<128x128xf32, #tpu.memory_space<vmem>>)
      %add3A_115 = arith.constant 1 : i32
      %add3A_116 = arith.addi %mul3A_91, %add3A_115 : i32
      "tpu.region"() ({
        %run_scoped3A_117 = tpu.sem_alloc : memref<!tpu.dma_semaphore, #tpu.memory_space<semaphore_mem>>
        %dma_start3A_118 = arith.constant 0 : i32
        %dma_start3A_119 = tpu.memref_slice %arg7[%add3A_116, %dma_start3A_118] : memref<40x128xi32, #tpu.memory_space<vmem>> -> memref<1x128xi32, #tpu.memory_space<vmem>>
        %dma_start3A_120 = tpu.memref_squeeze %dma_start3A_119 : memref<1x128xi32, #tpu.memory_space<vmem>> -> memref<128xi32, #tpu.memory_space<vmem>>
        %dma_start3A_121 = arith.constant 0 : i32
        %dma_start3A_122 = arith.constant 0 : i32
        %dma_start3A_123 = tpu.memref_slice %arg11[%dma_start3A_121, %dma_start3A_122] : memref<10240x128xf32, #tpu.memory_space<vmem_shared>> -> memref<10240x128xf32, #tpu.memory_space<vmem_shared>>
        tpu.enqueue_indirect_dma source(%arg9 : memref<128x128xf32, #tpu.memory_space<vmem>>) target(%dma_start3A_123 : memref<10240x128xf32, #tpu.memory_space<vmem_shared>>) offsets(%dma_start3A_120 : memref<128xi32, #tpu.memory_space<vmem>>) semaphore(%run_scoped3A_117 : memref<!tpu.dma_semaphore, #tpu.memory_space<semaphore_mem>>) {add = true}
        %dma_wait3A_124 = arith.constant 0 : i32
        %dma_wait3A_125 = tpu.memref_slice %arg7[%add3A_116, %dma_wait3A_124] : memref<40x128xi32, #tpu.memory_space<vmem>> -> memref<1x128xi32, #tpu.memory_space<vmem>>
        %dma_wait3A_126 = tpu.memref_squeeze %dma_wait3A_125 : memref<1x128xi32, #tpu.memory_space<vmem>> -> memref<128xi32, #tpu.memory_space<vmem>>
        %dma_wait3A_127 = arith.constant 0 : i32
        %dma_wait3A_128 = arith.constant 0 : i32
        %dma_wait3A_129 = tpu.memref_slice %arg11[%dma_wait3A_127, %dma_wait3A_128] : memref<10240x128xf32, #tpu.memory_space<vmem_shared>> -> memref<10240x128xf32, #tpu.memory_space<vmem_shared>>
        tpu.wait_indirect_dma semaphore(%run_scoped3A_117 : memref<!tpu.dma_semaphore, #tpu.memory_space<semaphore_mem>>) src(%arg9 : memref<128x128xf32, #tpu.memory_space<vmem>>) dst(%dma_wait3A_129 : memref<10240x128xf32, #tpu.memory_space<vmem_shared>>)
        tpu.yield
      }) : () -> ()
    }
    %scan3A_31 = arith.constant 20 : i32
    %mul3A_32 = arith.constant 80 : i32
    %mul3A_33 = arith.muli %add3A, %mul3A_32 : i32
    %add3A_34 = arith.constant 40 : i32
    %add3A_35 = arith.addi %mul3A_33, %add3A_34 : i32
    "tpu.region"() ({
      %run_scoped3A_89 = tpu.sem_alloc : memref<!tpu.dma_semaphore, #tpu.memory_space<semaphore_mem>>
      %dma_start3A_90 = arith.constant 0 : i32
      %dma_start3A_91 = tpu.memref_slice %arg3[%add3A_35, %dma_start3A_90] : memref<2560x128xi32, #tpu.memory_space<hbm>> -> memref<40x128xi32, #tpu.memory_space<hbm>>
      %dma_start3A_92 = arith.constant 0 : i32
      %dma_start3A_93 = tpu.memref_slice %arg3[%add3A_35, %dma_start3A_92] : memref<2560x128xi32, #tpu.memory_space<hbm>> -> memref<40x128xi32, #tpu.memory_space<hbm>>
      tpu.enqueue_dma source(%dma_start3A_93 : memref<40x128xi32, #tpu.memory_space<hbm>>) target(%arg6 : memref<40x128xi32, #tpu.memory_space<vmem>>) target_semaphore(%run_scoped3A_89 : memref<!tpu.dma_semaphore, #tpu.memory_space<semaphore_mem>>)
      %dma_wait3A = arith.constant 0 : i32
      %dma_wait3A_94 = tpu.memref_slice %arg3[%add3A_35, %dma_wait3A] : memref<2560x128xi32, #tpu.memory_space<hbm>> -> memref<40x128xi32, #tpu.memory_space<hbm>>
      %dma_wait3A_95 = arith.constant 0 : i32
      %dma_wait3A_96 = tpu.memref_slice %arg3[%add3A_35, %dma_wait3A_95] : memref<2560x128xi32, #tpu.memory_space<hbm>> -> memref<40x128xi32, #tpu.memory_space<hbm>>
      tpu.wait_dma2 semaphore(%run_scoped3A_89 : memref<!tpu.dma_semaphore, #tpu.memory_space<semaphore_mem>>) src(%dma_wait3A_96 : memref<40x128xi32, #tpu.memory_space<hbm>>) dst(%arg6 : memref<40x128xi32, #tpu.memory_space<vmem>>)
      tpu.yield
    }) : () -> ()
    "tpu.region"() ({
      %run_scoped3A_89 = tpu.sem_alloc : memref<!tpu.dma_semaphore, #tpu.memory_space<semaphore_mem>>
      %dma_start3A_90 = arith.constant 0 : i32
      %dma_start3A_91 = tpu.memref_slice %arg4[%add3A_35, %dma_start3A_90] : memref<2560x128xi32, #tpu.memory_space<hbm>> -> memref<40x128xi32, #tpu.memory_space<hbm>>
      %dma_start3A_92 = arith.constant 0 : i32
      %dma_start3A_93 = tpu.memref_slice %arg4[%add3A_35, %dma_start3A_92] : memref<2560x128xi32, #tpu.memory_space<hbm>> -> memref<40x128xi32, #tpu.memory_space<hbm>>
      tpu.enqueue_dma source(%dma_start3A_93 : memref<40x128xi32, #tpu.memory_space<hbm>>) target(%arg7 : memref<40x128xi32, #tpu.memory_space<vmem>>) target_semaphore(%run_scoped3A_89 : memref<!tpu.dma_semaphore, #tpu.memory_space<semaphore_mem>>)
      %dma_wait3A = arith.constant 0 : i32
      %dma_wait3A_94 = tpu.memref_slice %arg4[%add3A_35, %dma_wait3A] : memref<2560x128xi32, #tpu.memory_space<hbm>> -> memref<40x128xi32, #tpu.memory_space<hbm>>
      %dma_wait3A_95 = arith.constant 0 : i32
      %dma_wait3A_96 = tpu.memref_slice %arg4[%add3A_35, %dma_wait3A_95] : memref<2560x128xi32, #tpu.memory_space<hbm>> -> memref<40x128xi32, #tpu.memory_space<hbm>>
      tpu.wait_dma2 semaphore(%run_scoped3A_89 : memref<!tpu.dma_semaphore, #tpu.memory_space<semaphore_mem>>) src(%dma_wait3A_96 : memref<40x128xi32, #tpu.memory_space<hbm>>) dst(%arg7 : memref<40x128xi32, #tpu.memory_space<vmem>>)
      tpu.yield
    }) : () -> ()
    %dma_start3A_36 = arith.constant 0 : i32
    %dma_start3A_37 = arith.constant 0 : i32
    %dma_start3A_38 = tpu.memref_slice %arg6[%dma_start3A_36, %dma_start3A_37] : memref<40x128xi32, #tpu.memory_space<vmem>> -> memref<1x128xi32, #tpu.memory_space<vmem>>
    %dma_start3A_39 = tpu.memref_squeeze %dma_start3A_38 : memref<1x128xi32, #tpu.memory_space<vmem>> -> memref<128xi32, #tpu.memory_space<vmem>>
    %dma_start3A_40 = arith.constant 0 : i32
    %dma_start3A_41 = arith.constant 0 : i32
    %dma_start3A_42 = tpu.memref_slice %arg2[%dma_start3A_40, %dma_start3A_41] : memref<10240x128xf32, #tpu.memory_space<hbm>> -> memref<10240x128xf32, #tpu.memory_space<hbm>>
    tpu.enqueue_indirect_dma source(%dma_start3A_42 : memref<10240x128xf32, #tpu.memory_space<hbm>>) target(%arg8 : memref<128x128xf32, #tpu.memory_space<vmem>>) offsets(%dma_start3A_39 : memref<128xi32, #tpu.memory_space<vmem>>) semaphore(%arg12 : memref<!tpu.dma_semaphore, #tpu.memory_space<semaphore_mem>>)
    %scan3A_43 = arith.constant 0 : i32
    %scan3A_44 = arith.constant 20 : i32
    %scan3A_45 = arith.addi %scan3A_43, %scan3A_44 : i32
    %scan3A_46 = arith.constant 1 : i32
    scf.for %scan3A_89 = %scan3A_43 to %scan3A_45 step %scan3A_46  : i32 {
      %mul3A_90 = arith.constant 2 : i32
      %mul3A_91 = arith.muli %mul3A_90, %scan3A_89 : i32
      %add3A_92 = arith.constant 1 : i32
      %add3A_93 = arith.addi %mul3A_91, %add3A_92 : i32
      %dma_start3A_94 = arith.constant 0 : i32
      %dma_start3A_95 = tpu.memref_slice %arg6[%add3A_93, %dma_start3A_94] : memref<40x128xi32, #tpu.memory_space<vmem>> -> memref<1x128xi32, #tpu.memory_space<vmem>>
      %dma_start3A_96 = tpu.memref_squeeze %dma_start3A_95 : memref<1x128xi32, #tpu.memory_space<vmem>> -> memref<128xi32, #tpu.memory_space<vmem>>
      %dma_start3A_97 = arith.constant 0 : i32
      %dma_start3A_98 = arith.constant 0 : i32
      %dma_start3A_99 = tpu.memref_slice %arg2[%dma_start3A_97, %dma_start3A_98] : memref<10240x128xf32, #tpu.memory_space<hbm>> -> memref<10240x128xf32, #tpu.memory_space<hbm>>
      tpu.enqueue_indirect_dma source(%dma_start3A_99 : memref<10240x128xf32, #tpu.memory_space<hbm>>) target(%arg9 : memref<128x128xf32, #tpu.memory_space<vmem>>) offsets(%dma_start3A_96 : memref<128xi32, #tpu.memory_space<vmem>>) semaphore(%arg13 : memref<!tpu.dma_semaphore, #tpu.memory_space<semaphore_mem>>)
      %dma_wait3A = arith.constant 0 : i32
      %dma_wait3A_100 = tpu.memref_slice %arg6[%mul3A_91, %dma_wait3A] : memref<40x128xi32, #tpu.memory_space<vmem>> -> memref<1x128xi32, #tpu.memory_space<vmem>>
      %dma_wait3A_101 = tpu.memref_squeeze %dma_wait3A_100 : memref<1x128xi32, #tpu.memory_space<vmem>> -> memref<128xi32, #tpu.memory_space<vmem>>
      %dma_wait3A_102 = arith.constant 0 : i32
      %dma_wait3A_103 = arith.constant 0 : i32
      %dma_wait3A_104 = tpu.memref_slice %arg2[%dma_wait3A_102, %dma_wait3A_103] : memref<10240x128xf32, #tpu.memory_space<hbm>> -> memref<10240x128xf32, #tpu.memory_space<hbm>>
      tpu.wait_indirect_dma semaphore(%arg12 : memref<!tpu.dma_semaphore, #tpu.memory_space<semaphore_mem>>) src(%dma_wait3A_104 : memref<10240x128xf32, #tpu.memory_space<hbm>>) dst(%arg8 : memref<128x128xf32, #tpu.memory_space<vmem>>)
      "tpu.region"() ({
        %run_scoped3A_117 = tpu.sem_alloc : memref<!tpu.dma_semaphore, #tpu.memory_space<semaphore_mem>>
        %dma_start3A_118 = arith.constant 0 : i32
        %dma_start3A_119 = tpu.memref_slice %arg7[%mul3A_91, %dma_start3A_118] : memref<40x128xi32, #tpu.memory_space<vmem>> -> memref<1x128xi32, #tpu.memory_space<vmem>>
        %dma_start3A_120 = tpu.memref_squeeze %dma_start3A_119 : memref<1x128xi32, #tpu.memory_space<vmem>> -> memref<128xi32, #tpu.memory_space<vmem>>
        %dma_start3A_121 = arith.constant 0 : i32
        %dma_start3A_122 = arith.constant 0 : i32
        %dma_start3A_123 = tpu.memref_slice %arg11[%dma_start3A_121, %dma_start3A_122] : memref<10240x128xf32, #tpu.memory_space<vmem_shared>> -> memref<10240x128xf32, #tpu.memory_space<vmem_shared>>
        tpu.enqueue_indirect_dma source(%arg8 : memref<128x128xf32, #tpu.memory_space<vmem>>) target(%dma_start3A_123 : memref<10240x128xf32, #tpu.memory_space<vmem_shared>>) offsets(%dma_start3A_120 : memref<128xi32, #tpu.memory_space<vmem>>) semaphore(%run_scoped3A_117 : memref<!tpu.dma_semaphore, #tpu.memory_space<semaphore_mem>>) {add = true}
        %dma_wait3A_124 = arith.constant 0 : i32
        %dma_wait3A_125 = tpu.memref_slice %arg7[%mul3A_91, %dma_wait3A_124] : memref<40x128xi32, #tpu.memory_space<vmem>> -> memref<1x128xi32, #tpu.memory_space<vmem>>
        %dma_wait3A_126 = tpu.memref_squeeze %dma_wait3A_125 : memref<1x128xi32, #tpu.memory_space<vmem>> -> memref<128xi32, #tpu.memory_space<vmem>>
        %dma_wait3A_127 = arith.constant 0 : i32
        %dma_wait3A_128 = arith.constant 0 : i32
        %dma_wait3A_129 = tpu.memref_slice %arg11[%dma_wait3A_127, %dma_wait3A_128] : memref<10240x128xf32, #tpu.memory_space<vmem_shared>> -> memref<10240x128xf32, #tpu.memory_space<vmem_shared>>
        tpu.wait_indirect_dma semaphore(%run_scoped3A_117 : memref<!tpu.dma_semaphore, #tpu.memory_space<semaphore_mem>>) src(%arg8 : memref<128x128xf32, #tpu.memory_space<vmem>>) dst(%dma_wait3A_129 : memref<10240x128xf32, #tpu.memory_space<vmem_shared>>)
        tpu.yield
      }) : () -> ()
      %lt3A = arith.constant 19 : i32
      %lt3A_105 = arith.cmpi slt, %scan3A_89, %lt3A : i32
      %convert_element_type3A = arith.extui %lt3A_105 : i1 to i32
      %cond3A = arith.constant 0 : i32
      %cond3A_106 = arith.cmpi ne, %convert_element_type3A, %cond3A : i32
      scf.if %cond3A_106 {
        %add3A_117 = arith.constant 2 : i32
        %add3A_118 = arith.addi %mul3A_91, %add3A_117 : i32
        %dma_start3A_119 = arith.constant 0 : i32
        %dma_start3A_120 = tpu.memref_slice %arg6[%add3A_118, %dma_start3A_119] : memref<40x128xi32, #tpu.memory_space<vmem>> -> memref<1x128xi32, #tpu.memory_space<vmem>>
        %dma_start3A_121 = tpu.memref_squeeze %dma_start3A_120 : memref<1x128xi32, #tpu.memory_space<vmem>> -> memref<128xi32, #tpu.memory_space<vmem>>
        %dma_start3A_122 = arith.constant 0 : i32
        %dma_start3A_123 = arith.constant 0 : i32
        %dma_start3A_124 = tpu.memref_slice %arg2[%dma_start3A_122, %dma_start3A_123] : memref<10240x128xf32, #tpu.memory_space<hbm>> -> memref<10240x128xf32, #tpu.memory_space<hbm>>
        tpu.enqueue_indirect_dma source(%dma_start3A_124 : memref<10240x128xf32, #tpu.memory_space<hbm>>) target(%arg8 : memref<128x128xf32, #tpu.memory_space<vmem>>) offsets(%dma_start3A_121 : memref<128xi32, #tpu.memory_space<vmem>>) semaphore(%arg12 : memref<!tpu.dma_semaphore, #tpu.memory_space<semaphore_mem>>)
      } else {
      }
      %add3A_107 = arith.constant 1 : i32
      %add3A_108 = arith.addi %mul3A_91, %add3A_107 : i32
      %dma_wait3A_109 = arith.constant 0 : i32
      %dma_wait3A_110 = tpu.memref_slice %arg6[%add3A_108, %dma_wait3A_109] : memref<40x128xi32, #tpu.memory_space<vmem>> -> memref<1x128xi32, #tpu.memory_space<vmem>>
      %dma_wait3A_111 = tpu.memref_squeeze %dma_wait3A_110 : memref<1x128xi32, #tpu.memory_space<vmem>> -> memref<128xi32, #tpu.memory_space<vmem>>
      %dma_wait3A_112 = arith.constant 0 : i32
      %dma_wait3A_113 = arith.constant 0 : i32
      %dma_wait3A_114 = tpu.memref_slice %arg2[%dma_wait3A_112, %dma_wait3A_113] : memref<10240x128xf32, #tpu.memory_space<hbm>> -> memref<10240x128xf32, #tpu.memory_space<hbm>>
      tpu.wait_indirect_dma semaphore(%arg13 : memref<!tpu.dma_semaphore, #tpu.memory_space<semaphore_mem>>) src(%dma_wait3A_114 : memref<10240x128xf32, #tpu.memory_space<hbm>>) dst(%arg9 : memref<128x128xf32, #tpu.memory_space<vmem>>)
      %add3A_115 = arith.constant 1 : i32
      %add3A_116 = arith.addi %mul3A_91, %add3A_115 : i32
      "tpu.region"() ({
        %run_scoped3A_117 = tpu.sem_alloc : memref<!tpu.dma_semaphore, #tpu.memory_space<semaphore_mem>>
        %dma_start3A_118 = arith.constant 0 : i32
        %dma_start3A_119 = tpu.memref_slice %arg7[%add3A_116, %dma_start3A_118] : memref<40x128xi32, #tpu.memory_space<vmem>> -> memref<1x128xi32, #tpu.memory_space<vmem>>
        %dma_start3A_120 = tpu.memref_squeeze %dma_start3A_119 : memref<1x128xi32, #tpu.memory_space<vmem>> -> memref<128xi32, #tpu.memory_space<vmem>>
        %dma_start3A_121 = arith.constant 0 : i32
        %dma_start3A_122 = arith.constant 0 : i32
        %dma_start3A_123 = tpu.memref_slice %arg11[%dma_start3A_121, %dma_start3A_122] : memref<10240x128xf32, #tpu.memory_space<vmem_shared>> -> memref<10240x128xf32, #tpu.memory_space<vmem_shared>>
        tpu.enqueue_indirect_dma source(%arg9 : memref<128x128xf32, #tpu.memory_space<vmem>>) target(%dma_start3A_123 : memref<10240x128xf32, #tpu.memory_space<vmem_shared>>) offsets(%dma_start3A_120 : memref<128xi32, #tpu.memory_space<vmem>>) semaphore(%run_scoped3A_117 : memref<!tpu.dma_semaphore, #tpu.memory_space<semaphore_mem>>) {add = true}
        %dma_wait3A_124 = arith.constant 0 : i32
        %dma_wait3A_125 = tpu.memref_slice %arg7[%add3A_116, %dma_wait3A_124] : memref<40x128xi32, #tpu.memory_space<vmem>> -> memref<1x128xi32, #tpu.memory_space<vmem>>
        %dma_wait3A_126 = tpu.memref_squeeze %dma_wait3A_125 : memref<1x128xi32, #tpu.memory_space<vmem>> -> memref<128xi32, #tpu.memory_space<vmem>>
        %dma_wait3A_127 = arith.constant 0 : i32
        %dma_wait3A_128 = arith.constant 0 : i32
        %dma_wait3A_129 = tpu.memref_slice %arg11[%dma_wait3A_127, %dma_wait3A_128] : memref<10240x128xf32, #tpu.memory_space<vmem_shared>> -> memref<10240x128xf32, #tpu.memory_space<vmem_shared>>
        tpu.wait_indirect_dma semaphore(%run_scoped3A_117 : memref<!tpu.dma_semaphore, #tpu.memory_space<semaphore_mem>>) src(%arg9 : memref<128x128xf32, #tpu.memory_space<vmem>>) dst(%dma_wait3A_129 : memref<10240x128xf32, #tpu.memory_space<vmem_shared>>)
        tpu.yield
      }) : () -> ()
    }
    %scan3A_47 = arith.constant 20 : i32
    %barrier3A_48 = arith.constant 0 : index
    tpu.barrier barrier_id(%barrier3A_48)
    %run_scoped3A_49 = arith.constant 0 : i32
    "tpu.region"() ({
      %run_scoped3A_89 = tpu.sem_alloc : memref<!tpu.dma_semaphore, #tpu.memory_space<semaphore_mem>>
      %dma_start3A_90 = arith.constant 0 : i32
      %dma_start3A_91 = tpu.memref_slice %arg10[%run_scoped3A_49, %dma_start3A_90] : memref<5x128xi32, #tpu.memory_space<vmem>> -> memref<1x128xi32, #tpu.memory_space<vmem>>
      %dma_start3A_92 = tpu.memref_squeeze %dma_start3A_91 : memref<1x128xi32, #tpu.memory_space<vmem>> -> memref<128xi32, #tpu.memory_space<vmem>>
      %dma_start3A_93 = arith.constant 0 : i32
      %dma_start3A_94 = arith.constant 0 : i32
      %dma_start3A_95 = tpu.memref_slice %arg11[%dma_start3A_93, %dma_start3A_94] : memref<10240x128xf32, #tpu.memory_space<vmem_shared>> -> memref<10240x128xf32, #tpu.memory_space<vmem_shared>>
      tpu.enqueue_indirect_dma source(%dma_start3A_95 : memref<10240x128xf32, #tpu.memory_space<vmem_shared>>) target(%arg8 : memref<128x128xf32, #tpu.memory_space<vmem>>) offsets(%dma_start3A_92 : memref<128xi32, #tpu.memory_space<vmem>>) semaphore(%run_scoped3A_89 : memref<!tpu.dma_semaphore, #tpu.memory_space<semaphore_mem>>)
      %dma_wait3A = arith.constant 0 : i32
      %dma_wait3A_96 = tpu.memref_slice %arg10[%run_scoped3A_49, %dma_wait3A] : memref<5x128xi32, #tpu.memory_space<vmem>> -> memref<1x128xi32, #tpu.memory_space<vmem>>
      %dma_wait3A_97 = tpu.memref_squeeze %dma_wait3A_96 : memref<1x128xi32, #tpu.memory_space<vmem>> -> memref<128xi32, #tpu.memory_space<vmem>>
      %dma_wait3A_98 = arith.constant 0 : i32
      %dma_wait3A_99 = arith.constant 0 : i32
      %dma_wait3A_100 = tpu.memref_slice %arg11[%dma_wait3A_98, %dma_wait3A_99] : memref<10240x128xf32, #tpu.memory_space<vmem_shared>> -> memref<10240x128xf32, #tpu.memory_space<vmem_shared>>
      tpu.wait_indirect_dma semaphore(%run_scoped3A_89 : memref<!tpu.dma_semaphore, #tpu.memory_space<semaphore_mem>>) src(%dma_wait3A_100 : memref<10240x128xf32, #tpu.memory_space<vmem_shared>>) dst(%arg8 : memref<128x128xf32, #tpu.memory_space<vmem>>)
      tpu.yield
    }) : () -> ()
    %mul3A_50 = arith.constant 10240 : i32
    %mul3A_51 = arith.muli %arg0, %mul3A_50 : i32
    %mul3A_52 = arith.constant 640 : i32
    %mul3A_53 = arith.muli %arg1, %mul3A_52 : i32
    %add3A_54 = arith.addi %mul3A_51, %mul3A_53 : i32
    %add3A_55 = arith.constant 0 : i32
    %add3A_56 = arith.addi %add3A_54, %add3A_55 : i32
    "tpu.region"() ({
      %run_scoped3A_89 = tpu.sem_alloc : memref<!tpu.dma_semaphore, #tpu.memory_space<semaphore_mem>>
      %dma_start3A_90 = arith.constant 0 : i32
      %dma_start3A_91 = tpu.memref_slice %arg5[%add3A_56, %dma_start3A_90] : memref<20480x128xf32, #tpu.memory_space<hbm>> -> memref<128x128xf32, #tpu.memory_space<hbm>>
      %dma_start3A_92 = arith.constant 0 : i32
      %dma_start3A_93 = tpu.memref_slice %arg5[%add3A_56, %dma_start3A_92] : memref<20480x128xf32, #tpu.memory_space<hbm>> -> memref<128x128xf32, #tpu.memory_space<hbm>>
      tpu.enqueue_dma source(%arg8 : memref<128x128xf32, #tpu.memory_space<vmem>>) target(%dma_start3A_93 : memref<128x128xf32, #tpu.memory_space<hbm>>) target_semaphore(%run_scoped3A_89 : memref<!tpu.dma_semaphore, #tpu.memory_space<semaphore_mem>>)
      %dma_wait3A = arith.constant 0 : i32
      %dma_wait3A_94 = tpu.memref_slice %arg5[%add3A_56, %dma_wait3A] : memref<20480x128xf32, #tpu.memory_space<hbm>> -> memref<128x128xf32, #tpu.memory_space<hbm>>
      %dma_wait3A_95 = arith.constant 0 : i32
      %dma_wait3A_96 = tpu.memref_slice %arg5[%add3A_56, %dma_wait3A_95] : memref<20480x128xf32, #tpu.memory_space<hbm>> -> memref<128x128xf32, #tpu.memory_space<hbm>>
      tpu.wait_dma2 semaphore(%run_scoped3A_89 : memref<!tpu.dma_semaphore, #tpu.memory_space<semaphore_mem>>) src(%arg8 : memref<128x128xf32, #tpu.memory_space<vmem>>) dst(%dma_wait3A_96 : memref<128x128xf32, #tpu.memory_space<hbm>>)
      tpu.yield
    }) : () -> ()
    %run_scoped3A_57 = arith.constant 1 : i32
    "tpu.region"() ({
      %run_scoped3A_89 = tpu.sem_alloc : memref<!tpu.dma_semaphore, #tpu.memory_space<semaphore_mem>>
      %dma_start3A_90 = arith.constant 0 : i32
      %dma_start3A_91 = tpu.memref_slice %arg10[%run_scoped3A_57, %dma_start3A_90] : memref<5x128xi32, #tpu.memory_space<vmem>> -> memref<1x128xi32, #tpu.memory_space<vmem>>
      %dma_start3A_92 = tpu.memref_squeeze %dma_start3A_91 : memref<1x128xi32, #tpu.memory_space<vmem>> -> memref<128xi32, #tpu.memory_space<vmem>>
      %dma_start3A_93 = arith.constant 0 : i32
      %dma_start3A_94 = arith.constant 0 : i32
      %dma_start3A_95 = tpu.memref_slice %arg11[%dma_start3A_93, %dma_start3A_94] : memref<10240x128xf32, #tpu.memory_space<vmem_shared>> -> memref<10240x128xf32, #tpu.memory_space<vmem_shared>>
      tpu.enqueue_indirect_dma source(%dma_start3A_95 : memref<10240x128xf32, #tpu.memory_space<vmem_shared>>) target(%arg8 : memref<128x128xf32, #tpu.memory_space<vmem>>) offsets(%dma_start3A_92 : memref<128xi32, #tpu.memory_space<vmem>>) semaphore(%run_scoped3A_89 : memref<!tpu.dma_semaphore, #tpu.memory_space<semaphore_mem>>)
      %dma_wait3A = arith.constant 0 : i32
      %dma_wait3A_96 = tpu.memref_slice %arg10[%run_scoped3A_57, %dma_wait3A] : memref<5x128xi32, #tpu.memory_space<vmem>> -> memref<1x128xi32, #tpu.memory_space<vmem>>
      %dma_wait3A_97 = tpu.memref_squeeze %dma_wait3A_96 : memref<1x128xi32, #tpu.memory_space<vmem>> -> memref<128xi32, #tpu.memory_space<vmem>>
      %dma_wait3A_98 = arith.constant 0 : i32
      %dma_wait3A_99 = arith.constant 0 : i32
      %dma_wait3A_100 = tpu.memref_slice %arg11[%dma_wait3A_98, %dma_wait3A_99] : memref<10240x128xf32, #tpu.memory_space<vmem_shared>> -> memref<10240x128xf32, #tpu.memory_space<vmem_shared>>
      tpu.wait_indirect_dma semaphore(%run_scoped3A_89 : memref<!tpu.dma_semaphore, #tpu.memory_space<semaphore_mem>>) src(%dma_wait3A_100 : memref<10240x128xf32, #tpu.memory_space<vmem_shared>>) dst(%arg8 : memref<128x128xf32, #tpu.memory_space<vmem>>)
      tpu.yield
    }) : () -> ()
    %mul3A_58 = arith.constant 10240 : i32
    %mul3A_59 = arith.muli %arg0, %mul3A_58 : i32
    %mul3A_60 = arith.constant 640 : i32
    %mul3A_61 = arith.muli %arg1, %mul3A_60 : i32
    %add3A_62 = arith.addi %mul3A_59, %mul3A_61 : i32
    %add3A_63 = arith.constant 128 : i32
    %add3A_64 = arith.addi %add3A_62, %add3A_63 : i32
    "tpu.region"() ({
      %run_scoped3A_89 = tpu.sem_alloc : memref<!tpu.dma_semaphore, #tpu.memory_space<semaphore_mem>>
      %dma_start3A_90 = arith.constant 0 : i32
      %dma_start3A_91 = tpu.memref_slice %arg5[%add3A_64, %dma_start3A_90] : memref<20480x128xf32, #tpu.memory_space<hbm>> -> memref<128x128xf32, #tpu.memory_space<hbm>>
      %dma_start3A_92 = arith.constant 0 : i32
      %dma_start3A_93 = tpu.memref_slice %arg5[%add3A_64, %dma_start3A_92] : memref<20480x128xf32, #tpu.memory_space<hbm>> -> memref<128x128xf32, #tpu.memory_space<hbm>>
      tpu.enqueue_dma source(%arg8 : memref<128x128xf32, #tpu.memory_space<vmem>>) target(%dma_start3A_93 : memref<128x128xf32, #tpu.memory_space<hbm>>) target_semaphore(%run_scoped3A_89 : memref<!tpu.dma_semaphore, #tpu.memory_space<semaphore_mem>>)
      %dma_wait3A = arith.constant 0 : i32
      %dma_wait3A_94 = tpu.memref_slice %arg5[%add3A_64, %dma_wait3A] : memref<20480x128xf32, #tpu.memory_space<hbm>> -> memref<128x128xf32, #tpu.memory_space<hbm>>
      %dma_wait3A_95 = arith.constant 0 : i32
      %dma_wait3A_96 = tpu.memref_slice %arg5[%add3A_64, %dma_wait3A_95] : memref<20480x128xf32, #tpu.memory_space<hbm>> -> memref<128x128xf32, #tpu.memory_space<hbm>>
      tpu.wait_dma2 semaphore(%run_scoped3A_89 : memref<!tpu.dma_semaphore, #tpu.memory_space<semaphore_mem>>) src(%arg8 : memref<128x128xf32, #tpu.memory_space<vmem>>) dst(%dma_wait3A_96 : memref<128x128xf32, #tpu.memory_space<hbm>>)
      tpu.yield
    }) : () -> ()
    %run_scoped3A_65 = arith.constant 2 : i32
    "tpu.region"() ({
      %run_scoped3A_89 = tpu.sem_alloc : memref<!tpu.dma_semaphore, #tpu.memory_space<semaphore_mem>>
      %dma_start3A_90 = arith.constant 0 : i32
      %dma_start3A_91 = tpu.memref_slice %arg10[%run_scoped3A_65, %dma_start3A_90] : memref<5x128xi32, #tpu.memory_space<vmem>> -> memref<1x128xi32, #tpu.memory_space<vmem>>
      %dma_start3A_92 = tpu.memref_squeeze %dma_start3A_91 : memref<1x128xi32, #tpu.memory_space<vmem>> -> memref<128xi32, #tpu.memory_space<vmem>>
      %dma_start3A_93 = arith.constant 0 : i32
      %dma_start3A_94 = arith.constant 0 : i32
      %dma_start3A_95 = tpu.memref_slice %arg11[%dma_start3A_93, %dma_start3A_94] : memref<10240x128xf32, #tpu.memory_space<vmem_shared>> -> memref<10240x128xf32, #tpu.memory_space<vmem_shared>>
      tpu.enqueue_indirect_dma source(%dma_start3A_95 : memref<10240x128xf32, #tpu.memory_space<vmem_shared>>) target(%arg8 : memref<128x128xf32, #tpu.memory_space<vmem>>) offsets(%dma_start3A_92 : memref<128xi32, #tpu.memory_space<vmem>>) semaphore(%run_scoped3A_89 : memref<!tpu.dma_semaphore, #tpu.memory_space<semaphore_mem>>)
      %dma_wait3A = arith.constant 0 : i32
      %dma_wait3A_96 = tpu.memref_slice %arg10[%run_scoped3A_65, %dma_wait3A] : memref<5x128xi32, #tpu.memory_space<vmem>> -> memref<1x128xi32, #tpu.memory_space<vmem>>
      %dma_wait3A_97 = tpu.memref_squeeze %dma_wait3A_96 : memref<1x128xi32, #tpu.memory_space<vmem>> -> memref<128xi32, #tpu.memory_space<vmem>>
      %dma_wait3A_98 = arith.constant 0 : i32
      %dma_wait3A_99 = arith.constant 0 : i32
      %dma_wait3A_100 = tpu.memref_slice %arg11[%dma_wait3A_98, %dma_wait3A_99] : memref<10240x128xf32, #tpu.memory_space<vmem_shared>> -> memref<10240x128xf32, #tpu.memory_space<vmem_shared>>
      tpu.wait_indirect_dma semaphore(%run_scoped3A_89 : memref<!tpu.dma_semaphore, #tpu.memory_space<semaphore_mem>>) src(%dma_wait3A_100 : memref<10240x128xf32, #tpu.memory_space<vmem_shared>>) dst(%arg8 : memref<128x128xf32, #tpu.memory_space<vmem>>)
      tpu.yield
    }) : () -> ()
    %mul3A_66 = arith.constant 10240 : i32
    %mul3A_67 = arith.muli %arg0, %mul3A_66 : i32
    %mul3A_68 = arith.constant 640 : i32
    %mul3A_69 = arith.muli %arg1, %mul3A_68 : i32
    %add3A_70 = arith.addi %mul3A_67, %mul3A_69 : i32
    %add3A_71 = arith.constant 256 : i32
    %add3A_72 = arith.addi %add3A_70, %add3A_71 : i32
    "tpu.region"() ({
      %run_scoped3A_89 = tpu.sem_alloc : memref<!tpu.dma_semaphore, #tpu.memory_space<semaphore_mem>>
      %dma_start3A_90 = arith.constant 0 : i32
      %dma_start3A_91 = tpu.memref_slice %arg5[%add3A_72, %dma_start3A_90] : memref<20480x128xf32, #tpu.memory_space<hbm>> -> memref<128x128xf32, #tpu.memory_space<hbm>>
      %dma_start3A_92 = arith.constant 0 : i32
      %dma_start3A_93 = tpu.memref_slice %arg5[%add3A_72, %dma_start3A_92] : memref<20480x128xf32, #tpu.memory_space<hbm>> -> memref<128x128xf32, #tpu.memory_space<hbm>>
      tpu.enqueue_dma source(%arg8 : memref<128x128xf32, #tpu.memory_space<vmem>>) target(%dma_start3A_93 : memref<128x128xf32, #tpu.memory_space<hbm>>) target_semaphore(%run_scoped3A_89 : memref<!tpu.dma_semaphore, #tpu.memory_space<semaphore_mem>>)
      %dma_wait3A = arith.constant 0 : i32
      %dma_wait3A_94 = tpu.memref_slice %arg5[%add3A_72, %dma_wait3A] : memref<20480x128xf32, #tpu.memory_space<hbm>> -> memref<128x128xf32, #tpu.memory_space<hbm>>
      %dma_wait3A_95 = arith.constant 0 : i32
      %dma_wait3A_96 = tpu.memref_slice %arg5[%add3A_72, %dma_wait3A_95] : memref<20480x128xf32, #tpu.memory_space<hbm>> -> memref<128x128xf32, #tpu.memory_space<hbm>>
      tpu.wait_dma2 semaphore(%run_scoped3A_89 : memref<!tpu.dma_semaphore, #tpu.memory_space<semaphore_mem>>) src(%arg8 : memref<128x128xf32, #tpu.memory_space<vmem>>) dst(%dma_wait3A_96 : memref<128x128xf32, #tpu.memory_space<hbm>>)
      tpu.yield
    }) : () -> ()
    %run_scoped3A_73 = arith.constant 3 : i32
    "tpu.region"() ({
      %run_scoped3A_89 = tpu.sem_alloc : memref<!tpu.dma_semaphore, #tpu.memory_space<semaphore_mem>>
      %dma_start3A_90 = arith.constant 0 : i32
      %dma_start3A_91 = tpu.memref_slice %arg10[%run_scoped3A_73, %dma_start3A_90] : memref<5x128xi32, #tpu.memory_space<vmem>> -> memref<1x128xi32, #tpu.memory_space<vmem>>
      %dma_start3A_92 = tpu.memref_squeeze %dma_start3A_91 : memref<1x128xi32, #tpu.memory_space<vmem>> -> memref<128xi32, #tpu.memory_space<vmem>>
      %dma_start3A_93 = arith.constant 0 : i32
      %dma_start3A_94 = arith.constant 0 : i32
      %dma_start3A_95 = tpu.memref_slice %arg11[%dma_start3A_93, %dma_start3A_94] : memref<10240x128xf32, #tpu.memory_space<vmem_shared>> -> memref<10240x128xf32, #tpu.memory_space<vmem_shared>>
      tpu.enqueue_indirect_dma source(%dma_start3A_95 : memref<10240x128xf32, #tpu.memory_space<vmem_shared>>) target(%arg8 : memref<128x128xf32, #tpu.memory_space<vmem>>) offsets(%dma_start3A_92 : memref<128xi32, #tpu.memory_space<vmem>>) semaphore(%run_scoped3A_89 : memref<!tpu.dma_semaphore, #tpu.memory_space<semaphore_mem>>)
      %dma_wait3A = arith.constant 0 : i32
      %dma_wait3A_96 = tpu.memref_slice %arg10[%run_scoped3A_73, %dma_wait3A] : memref<5x128xi32, #tpu.memory_space<vmem>> -> memref<1x128xi32, #tpu.memory_space<vmem>>
      %dma_wait3A_97 = tpu.memref_squeeze %dma_wait3A_96 : memref<1x128xi32, #tpu.memory_space<vmem>> -> memref<128xi32, #tpu.memory_space<vmem>>
      %dma_wait3A_98 = arith.constant 0 : i32
      %dma_wait3A_99 = arith.constant 0 : i32
      %dma_wait3A_100 = tpu.memref_slice %arg11[%dma_wait3A_98, %dma_wait3A_99] : memref<10240x128xf32, #tpu.memory_space<vmem_shared>> -> memref<10240x128xf32, #tpu.memory_space<vmem_shared>>
      tpu.wait_indirect_dma semaphore(%run_scoped3A_89 : memref<!tpu.dma_semaphore, #tpu.memory_space<semaphore_mem>>) src(%dma_wait3A_100 : memref<10240x128xf32, #tpu.memory_space<vmem_shared>>) dst(%arg8 : memref<128x128xf32, #tpu.memory_space<vmem>>)
      tpu.yield
    }) : () -> ()
    %mul3A_74 = arith.constant 10240 : i32
    %mul3A_75 = arith.muli %arg0, %mul3A_74 : i32
    %mul3A_76 = arith.constant 640 : i32
    %mul3A_77 = arith.muli %arg1, %mul3A_76 : i32
    %add3A_78 = arith.addi %mul3A_75, %mul3A_77 : i32
    %add3A_79 = arith.constant 384 : i32
    %add3A_80 = arith.addi %add3A_78, %add3A_79 : i32
    "tpu.region"() ({
      %run_scoped3A_89 = tpu.sem_alloc : memref<!tpu.dma_semaphore, #tpu.memory_space<semaphore_mem>>
      %dma_start3A_90 = arith.constant 0 : i32
      %dma_start3A_91 = tpu.memref_slice %arg5[%add3A_80, %dma_start3A_90] : memref<20480x128xf32, #tpu.memory_space<hbm>> -> memref<128x128xf32, #tpu.memory_space<hbm>>
      %dma_start3A_92 = arith.constant 0 : i32
      %dma_start3A_93 = tpu.memref_slice %arg5[%add3A_80, %dma_start3A_92] : memref<20480x128xf32, #tpu.memory_space<hbm>> -> memref<128x128xf32, #tpu.memory_space<hbm>>
      tpu.enqueue_dma source(%arg8 : memref<128x128xf32, #tpu.memory_space<vmem>>) target(%dma_start3A_93 : memref<128x128xf32, #tpu.memory_space<hbm>>) target_semaphore(%run_scoped3A_89 : memref<!tpu.dma_semaphore, #tpu.memory_space<semaphore_mem>>)
      %dma_wait3A = arith.constant 0 : i32
      %dma_wait3A_94 = tpu.memref_slice %arg5[%add3A_80, %dma_wait3A] : memref<20480x128xf32, #tpu.memory_space<hbm>> -> memref<128x128xf32, #tpu.memory_space<hbm>>
      %dma_wait3A_95 = arith.constant 0 : i32
      %dma_wait3A_96 = tpu.memref_slice %arg5[%add3A_80, %dma_wait3A_95] : memref<20480x128xf32, #tpu.memory_space<hbm>> -> memref<128x128xf32, #tpu.memory_space<hbm>>
      tpu.wait_dma2 semaphore(%run_scoped3A_89 : memref<!tpu.dma_semaphore, #tpu.memory_space<semaphore_mem>>) src(%arg8 : memref<128x128xf32, #tpu.memory_space<vmem>>) dst(%dma_wait3A_96 : memref<128x128xf32, #tpu.memory_space<hbm>>)
      tpu.yield
    }) : () -> ()
    %run_scoped3A_81 = arith.constant 4 : i32
    "tpu.region"() ({
      %run_scoped3A_89 = tpu.sem_alloc : memref<!tpu.dma_semaphore, #tpu.memory_space<semaphore_mem>>
      %dma_start3A_90 = arith.constant 0 : i32
      %dma_start3A_91 = tpu.memref_slice %arg10[%run_scoped3A_81, %dma_start3A_90] : memref<5x128xi32, #tpu.memory_space<vmem>> -> memref<1x128xi32, #tpu.memory_space<vmem>>
      %dma_start3A_92 = tpu.memref_squeeze %dma_start3A_91 : memref<1x128xi32, #tpu.memory_space<vmem>> -> memref<128xi32, #tpu.memory_space<vmem>>
      %dma_start3A_93 = arith.constant 0 : i32
      %dma_start3A_94 = arith.constant 0 : i32
      %dma_start3A_95 = tpu.memref_slice %arg11[%dma_start3A_93, %dma_start3A_94] : memref<10240x128xf32, #tpu.memory_space<vmem_shared>> -> memref<10240x128xf32, #tpu.memory_space<vmem_shared>>
      tpu.enqueue_indirect_dma source(%dma_start3A_95 : memref<10240x128xf32, #tpu.memory_space<vmem_shared>>) target(%arg8 : memref<128x128xf32, #tpu.memory_space<vmem>>) offsets(%dma_start3A_92 : memref<128xi32, #tpu.memory_space<vmem>>) semaphore(%run_scoped3A_89 : memref<!tpu.dma_semaphore, #tpu.memory_space<semaphore_mem>>)
      %dma_wait3A = arith.constant 0 : i32
      %dma_wait3A_96 = tpu.memref_slice %arg10[%run_scoped3A_81, %dma_wait3A] : memref<5x128xi32, #tpu.memory_space<vmem>> -> memref<1x128xi32, #tpu.memory_space<vmem>>
      %dma_wait3A_97 = tpu.memref_squeeze %dma_wait3A_96 : memref<1x128xi32, #tpu.memory_space<vmem>> -> memref<128xi32, #tpu.memory_space<vmem>>
      %dma_wait3A_98 = arith.constant 0 : i32
      %dma_wait3A_99 = arith.constant 0 : i32
      %dma_wait3A_100 = tpu.memref_slice %arg11[%dma_wait3A_98, %dma_wait3A_99] : memref<10240x128xf32, #tpu.memory_space<vmem_shared>> -> memref<10240x128xf32, #tpu.memory_space<vmem_shared>>
      tpu.wait_indirect_dma semaphore(%run_scoped3A_89 : memref<!tpu.dma_semaphore, #tpu.memory_space<semaphore_mem>>) src(%dma_wait3A_100 : memref<10240x128xf32, #tpu.memory_space<vmem_shared>>) dst(%arg8 : memref<128x128xf32, #tpu.memory_space<vmem>>)
      tpu.yield
    }) : () -> ()
    %mul3A_82 = arith.constant 10240 : i32
    %mul3A_83 = arith.muli %arg0, %mul3A_82 : i32
    %mul3A_84 = arith.constant 640 : i32
    %mul3A_85 = arith.muli %arg1, %mul3A_84 : i32
    %add3A_86 = arith.addi %mul3A_83, %mul3A_85 : i32
    %add3A_87 = arith.constant 512 : i32
    %add3A_88 = arith.addi %add3A_86, %add3A_87 : i32
    "tpu.region"() ({
      %run_scoped3A_89 = tpu.sem_alloc : memref<!tpu.dma_semaphore, #tpu.memory_space<semaphore_mem>>
      %dma_start3A_90 = arith.constant 0 : i32
      %dma_start3A_91 = tpu.memref_slice %arg5[%add3A_88, %dma_start3A_90] : memref<20480x128xf32, #tpu.memory_space<hbm>> -> memref<128x128xf32, #tpu.memory_space<hbm>>
      %dma_start3A_92 = arith.constant 0 : i32
      %dma_start3A_93 = tpu.memref_slice %arg5[%add3A_88, %dma_start3A_92] : memref<20480x128xf32, #tpu.memory_space<hbm>> -> memref<128x128xf32, #tpu.memory_space<hbm>>
      tpu.enqueue_dma source(%arg8 : memref<128x128xf32, #tpu.memory_space<vmem>>) target(%dma_start3A_93 : memref<128x128xf32, #tpu.memory_space<hbm>>) target_semaphore(%run_scoped3A_89 : memref<!tpu.dma_semaphore, #tpu.memory_space<semaphore_mem>>)
      %dma_wait3A = arith.constant 0 : i32
      %dma_wait3A_94 = tpu.memref_slice %arg5[%add3A_88, %dma_wait3A] : memref<20480x128xf32, #tpu.memory_space<hbm>> -> memref<128x128xf32, #tpu.memory_space<hbm>>
      %dma_wait3A_95 = arith.constant 0 : i32
      %dma_wait3A_96 = tpu.memref_slice %arg5[%add3A_88, %dma_wait3A_95] : memref<20480x128xf32, #tpu.memory_space<hbm>> -> memref<128x128xf32, #tpu.memory_space<hbm>>
      tpu.wait_dma2 semaphore(%run_scoped3A_89 : memref<!tpu.dma_semaphore, #tpu.memory_space<semaphore_mem>>) src(%arg8 : memref<128x128xf32, #tpu.memory_space<vmem>>) dst(%dma_wait3A_96 : memref<128x128xf32, #tpu.memory_space<hbm>>)
      tpu.yield
    }) : () -> ()
    return
  }
}

module attributes {stable_mosaic.version = 14 : i64} {
  func.func @_y1_body(%arg0: i32, %arg1: memref<2x1024x128xf32, #tpu.memory_space<vmem>>, %arg2: memref<1024x128xf32, #tpu.memory_space<vmem>>, %arg3: memref<128x128xf32, #tpu.memory_space<vmem>>, %arg4: memref<1024x128xf32, #tpu.memory_space<vmem>>, %arg5: memref<1024x1xf32, #tpu.memory_space<vmem>>) attributes {dimension_semantics = [#tpu.dimension_semantics<arbitrary>], iteration_bounds = array<i64: 10>, scalar_prefetch = 0 : i64, scratch_operands = 0 : i64, tpu.core_type = #tpu.core_type<tc>, window_params = [{transform_indices = @transform_0, window_bounds = array<i64: 2, 1024, 128>}, {transform_indices = @transform_1, window_bounds = array<i64: 1024, 128>}, {pipeline_mode = #tpu.pipeline_mode<synchronous>, transform_indices = @transform_2, window_bounds = array<i64: 128, 128>}, {transform_indices = @transform_3, window_bounds = array<i64: 1024, 128>}, {transform_indices = @transform_4, window_bounds = array<i64: 1024, 1>}]} {
    %get3A = arith.constant 0 : index
    %get3A_0 = arith.constant 0 : index
    %get3A_1 = arith.constant 0 : index
    %get3A_2 = vector.load %arg1[%get3A, %get3A_0, %get3A_1] : memref<2x1024x128xf32, #tpu.memory_space<vmem>>, vector<1x1024x1xf32>
    %get3A_3 = vector.shape_cast %get3A_2 : vector<1x1024x1xf32> to vector<1024x1xf32>
    %get3A_4 = arith.constant 1 : index
    %get3A_5 = arith.constant 0 : index
    %get3A_6 = arith.constant 0 : index
    %get3A_7 = vector.load %arg1[%get3A_4, %get3A_5, %get3A_6] : memref<2x1024x128xf32, #tpu.memory_space<vmem>>, vector<1x1024x1xf32>
    %get3A_8 = vector.shape_cast %get3A_7 : vector<1x1024x1xf32> to vector<1024x1xf32>
    %add3A = arith.addf %get3A_3, %get3A_8 : vector<1024x1xf32>
    %add3A_9 = arith.constant 1.000000e+00 : f32
    %add3A_10 = vector.broadcast %add3A_9 : f32 to vector<1024x1xf32>
    %add3A_11 = arith.addf %add3A_10, %add3A : vector<1024x1xf32>
    %rsqrt3A = math.rsqrt %add3A_11 : vector<1024x1xf32>
    %swap3A = arith.constant 0 : index
    %swap3A_12 = arith.constant 0 : index
    %swap3A_13 = vector.load %arg5[%swap3A, %swap3A_12] : memref<1024x1xf32, #tpu.memory_space<vmem>>, vector<1024x1xf32>
    tpu.vector_store %arg5[%swap3A, %swap3A_12], %rsqrt3A {strides = array<i32>} : memref<1024x1xf32, #tpu.memory_space<vmem>>, vector<1024x1xf32>,
    %get3A_14 = arith.constant 0 : index
    %get3A_15 = arith.constant 0 : index
    %get3A_16 = vector.load %arg2[%get3A_14, %get3A_15] : memref<1024x128xf32, #tpu.memory_space<vmem>>, vector<1024x128xf32>
    %get3A_17 = arith.constant 0 : index
    %get3A_18 = arith.constant 0 : index
    %get3A_19 = vector.load %arg3[%get3A_17, %get3A_18] : memref<128x128xf32, #tpu.memory_space<vmem>>, vector<128x128xf32>
    %dot_general3A = arith.constant dense<0.000000e+00> : vector<1024x128xf32>
    %dot_general3A_20 = tpu.matmul %get3A_16, %get3A_19, %dot_general3A {dimension_numbers = #tpu.dot_dimension_numbers<[1], [0], [0], [1], [0, 0, 1, 1], [], []>, transpose_lhs_hint = false} : vector<1024x128xf32>, vector<128x128xf32>, vector<1024x128xf32> -> vector<1024x128xf32>
    %mul3A = vector.broadcast %rsqrt3A : vector<1024x1xf32> to vector<1024x128xf32>
    %mul3A_21 = arith.mulf %dot_general3A_20, %mul3A : vector<1024x128xf32>
    %swap3A_22 = arith.constant 0 : index
    %swap3A_23 = arith.constant 0 : index
    %swap3A_24 = vector.load %arg4[%swap3A_22, %swap3A_23] : memref<1024x128xf32, #tpu.memory_space<vmem>>, vector<1024x128xf32>
    tpu.vector_store %arg4[%swap3A_22, %swap3A_23], %mul3A_21 {strides = array<i32>} : memref<1024x128xf32, #tpu.memory_space<vmem>>, vector<1024x128xf32>,
    return
  }
  func.func @transform_0(%arg0: i32) -> (i32, i32, i32) {
    %c0_i32 = arith.constant 0 : i32
    %c0_i32_0 = arith.constant 0 : i32
    %c0_i32_1 = arith.constant 0 : i32
    return %c0_i32, %arg0, %c0_i32_0 : i32, i32, i32
  }
  func.func @transform_1(%arg0: i32) -> (i32, i32) {
    %c0_i32 = arith.constant 0 : i32
    %c0_i32_0 = arith.constant 0 : i32
    return %arg0, %c0_i32 : i32, i32
  }
  func.func @transform_2(%arg0: i32) -> (i32, i32) {
    %c0_i32 = arith.constant 0 : i32
    %c0_i32_0 = arith.constant 0 : i32
    %c0_i32_1 = arith.constant 0 : i32
    return %c0_i32, %c0_i32_0 : i32, i32
  }
  func.func @transform_3(%arg0: i32) -> (i32, i32) {
    %c0_i32 = arith.constant 0 : i32
    %c0_i32_0 = arith.constant 0 : i32
    return %arg0, %c0_i32 : i32, i32
  }
  func.func @transform_4(%arg0: i32) -> (i32, i32) {
    %c0_i32 = arith.constant 0 : i32
    %c0_i32_0 = arith.constant 0 : i32
    return %arg0, %c0_i32 : i32, i32
  }
}

module attributes {stable_mosaic.version = 14 : i64} {
  func.func @_layer2_body(%arg0: i32, %arg1: memref<2x1024x128xf32, #tpu.memory_space<vmem>>, %arg2: memref<1024x128xf32, #tpu.memory_space<vmem>>, %arg3: memref<1024x1xf32, #tpu.memory_space<vmem>>, %arg4: memref<1x128xf32, #tpu.memory_space<vmem>>, %arg5: memref<128x128xf32, #tpu.memory_space<vmem>>, %arg6: memref<1024x128xf32, #tpu.memory_space<vmem>>) attributes {dimension_semantics = [#tpu.dimension_semantics<arbitrary>], iteration_bounds = array<i64: 10>, scalar_prefetch = 0 : i64, scratch_operands = 0 : i64, tpu.core_type = #tpu.core_type<tc>, window_params = [{transform_indices = @transform_0, window_bounds = array<i64: 2, 1024, 128>}, {transform_indices = @transform_1, window_bounds = array<i64: 1024, 128>}, {transform_indices = @transform_2, window_bounds = array<i64: 1024, 1>}, {pipeline_mode = #tpu.pipeline_mode<synchronous>, transform_indices = @transform_3, window_bounds = array<i64: 1, 128>}, {pipeline_mode = #tpu.pipeline_mode<synchronous>, transform_indices = @transform_4, window_bounds = array<i64: 128, 128>}, {transform_indices = @transform_5, window_bounds = array<i64: 1024, 128>}]} {
    %get3A = arith.constant 0 : index
    %get3A_0 = arith.constant 0 : index
    %get3A_1 = arith.constant 0 : index
    %get3A_2 = vector.load %arg1[%get3A, %get3A_0, %get3A_1] : memref<2x1024x128xf32, #tpu.memory_space<vmem>>, vector<1x1024x128xf32>
    %get3A_3 = vector.shape_cast %get3A_2 : vector<1x1024x128xf32> to vector<1024x128xf32>
    %get3A_4 = arith.constant 1 : index
    %get3A_5 = arith.constant 0 : index
    %get3A_6 = arith.constant 0 : index
    %get3A_7 = vector.load %arg1[%get3A_4, %get3A_5, %get3A_6] : memref<2x1024x128xf32, #tpu.memory_space<vmem>>, vector<1x1024x128xf32>
    %get3A_8 = vector.shape_cast %get3A_7 : vector<1x1024x128xf32> to vector<1024x128xf32>
    %add3A = arith.addf %get3A_3, %get3A_8 : vector<1024x128xf32>
    %get3A_9 = arith.constant 0 : index
    %get3A_10 = arith.constant 0 : index
    %get3A_11 = vector.load %arg2[%get3A_9, %get3A_10] : memref<1024x128xf32, #tpu.memory_space<vmem>>, vector<1024x128xf32>
    %add3A_12 = arith.addf %add3A, %get3A_11 : vector<1024x128xf32>
    %get3A_13 = arith.constant 0 : index
    %get3A_14 = arith.constant 0 : index
    %get3A_15 = vector.load %arg3[%get3A_13, %get3A_14] : memref<1024x1xf32, #tpu.memory_space<vmem>>, vector<1024x1xf32>
    %mul3A = vector.broadcast %get3A_15 : vector<1024x1xf32> to vector<1024x128xf32>
    %mul3A_16 = arith.mulf %mul3A, %add3A_12 : vector<1024x128xf32>
    %get3A_17 = arith.constant 0 : index
    %get3A_18 = arith.constant 0 : index
    %get3A_19 = vector.load %arg4[%get3A_17, %get3A_18] : memref<1x128xf32, #tpu.memory_space<vmem>>, vector<1x128xf32>
    %add3A_20 = vector.broadcast %get3A_19 : vector<1x128xf32> to vector<1024x128xf32>
    %add3A_21 = arith.addf %mul3A_16, %add3A_20 : vector<1024x128xf32>
    %max3A = arith.constant 0.000000e+00 : f32
    %max3A_22 = vector.broadcast %max3A : f32 to vector<1024x128xf32>
    %max3A_23 = arith.maximumf %add3A_21, %max3A_22 : vector<1024x128xf32>
    %get3A_24 = arith.constant 0 : index
    %get3A_25 = arith.constant 0 : index
    %get3A_26 = vector.load %arg5[%get3A_24, %get3A_25] : memref<128x128xf32, #tpu.memory_space<vmem>>, vector<128x128xf32>
    %dot_general3A = arith.constant dense<0.000000e+00> : vector<1024x128xf32>
    %dot_general3A_27 = tpu.matmul %max3A_23, %get3A_26, %dot_general3A {dimension_numbers = #tpu.dot_dimension_numbers<[1], [0], [0], [1], [0, 0, 1, 1], [], []>, transpose_lhs_hint = false} : vector<1024x128xf32>, vector<128x128xf32>, vector<1024x128xf32> -> vector<1024x128xf32>
    %get3A_28 = arith.constant 0 : index
    %get3A_29 = arith.constant 0 : index
    %get3A_30 = vector.load %arg3[%get3A_28, %get3A_29] : memref<1024x1xf32, #tpu.memory_space<vmem>>, vector<1024x1xf32>
    %mul3A_31 = vector.broadcast %get3A_30 : vector<1024x1xf32> to vector<1024x128xf32>
    %mul3A_32 = arith.mulf %dot_general3A_27, %mul3A_31 : vector<1024x128xf32>
    %swap3A = arith.constant 0 : index
    %swap3A_33 = arith.constant 0 : index
    %swap3A_34 = vector.load %arg6[%swap3A, %swap3A_33] : memref<1024x128xf32, #tpu.memory_space<vmem>>, vector<1024x128xf32>
    tpu.vector_store %arg6[%swap3A, %swap3A_33], %mul3A_32 {strides = array<i32>} : memref<1024x128xf32, #tpu.memory_space<vmem>>, vector<1024x128xf32>,
    return
  }
  func.func @transform_0(%arg0: i32) -> (i32, i32, i32) {
    %c0_i32 = arith.constant 0 : i32
    %c0_i32_0 = arith.constant 0 : i32
    %c0_i32_1 = arith.constant 0 : i32
    return %c0_i32, %arg0, %c0_i32_0 : i32, i32, i32
  }
  func.func @transform_1(%arg0: i32) -> (i32, i32) {
    %c0_i32 = arith.constant 0 : i32
    %c0_i32_0 = arith.constant 0 : i32
    return %arg0, %c0_i32 : i32, i32
  }
  func.func @transform_2(%arg0: i32) -> (i32, i32) {
    %c0_i32 = arith.constant 0 : i32
    %c0_i32_0 = arith.constant 0 : i32
    return %arg0, %c0_i32 : i32, i32
  }
  func.func @transform_3(%arg0: i32) -> (i32, i32) {
    %c0_i32 = arith.constant 0 : i32
    %c0_i32_0 = arith.constant 0 : i32
    %c0_i32_1 = arith.constant 0 : i32
    return %c0_i32, %c0_i32_0 : i32, i32
  }
  func.func @transform_4(%arg0: i32) -> (i32, i32) {
    %c0_i32 = arith.constant 0 : i32
    %c0_i32_0 = arith.constant 0 : i32
    %c0_i32_1 = arith.constant 0 : i32
    return %c0_i32, %c0_i32_0 : i32, i32
  }
  func.func @transform_5(%arg0: i32) -> (i32, i32) {
    %c0_i32 = arith.constant 0 : i32
    %c0_i32_0 = arith.constant 0 : i32
    return %arg0, %c0_i32 : i32, i32
  }
}

module attributes {stable_mosaic.version = 14 : i64} {
  func.func @_z_body(%arg0: i32, %arg1: memref<2x1024x128xf32, #tpu.memory_space<vmem>>, %arg2: memref<1024x128xf32, #tpu.memory_space<vmem>>, %arg3: memref<1024x1xf32, #tpu.memory_space<vmem>>, %arg4: memref<1x128xf32, #tpu.memory_space<vmem>>, %arg5: memref<1024x128xf32, #tpu.memory_space<vmem>>) attributes {dimension_semantics = [#tpu.dimension_semantics<arbitrary>], iteration_bounds = array<i64: 10>, scalar_prefetch = 0 : i64, scratch_operands = 0 : i64, tpu.core_type = #tpu.core_type<tc>, window_params = [{transform_indices = @transform_0, window_bounds = array<i64: 2, 1024, 128>}, {transform_indices = @transform_1, window_bounds = array<i64: 1024, 128>}, {transform_indices = @transform_2, window_bounds = array<i64: 1024, 1>}, {pipeline_mode = #tpu.pipeline_mode<synchronous>, transform_indices = @transform_3, window_bounds = array<i64: 1, 128>}, {transform_indices = @transform_4, window_bounds = array<i64: 1024, 128>}]} {
    %get3A = arith.constant 0 : index
    %get3A_0 = arith.constant 0 : index
    %get3A_1 = arith.constant 0 : index
    %get3A_2 = vector.load %arg1[%get3A, %get3A_0, %get3A_1] : memref<2x1024x128xf32, #tpu.memory_space<vmem>>, vector<1x1024x128xf32>
    %get3A_3 = vector.shape_cast %get3A_2 : vector<1x1024x128xf32> to vector<1024x128xf32>
    %get3A_4 = arith.constant 1 : index
    %get3A_5 = arith.constant 0 : index
    %get3A_6 = arith.constant 0 : index
    %get3A_7 = vector.load %arg1[%get3A_4, %get3A_5, %get3A_6] : memref<2x1024x128xf32, #tpu.memory_space<vmem>>, vector<1x1024x128xf32>
    %get3A_8 = vector.shape_cast %get3A_7 : vector<1x1024x128xf32> to vector<1024x128xf32>
    %add3A = arith.addf %get3A_3, %get3A_8 : vector<1024x128xf32>
    %get3A_9 = arith.constant 0 : index
    %get3A_10 = arith.constant 0 : index
    %get3A_11 = vector.load %arg2[%get3A_9, %get3A_10] : memref<1024x128xf32, #tpu.memory_space<vmem>>, vector<1024x128xf32>
    %add3A_12 = arith.addf %add3A, %get3A_11 : vector<1024x128xf32>
    %get3A_13 = arith.constant 0 : index
    %get3A_14 = arith.constant 0 : index
    %get3A_15 = vector.load %arg3[%get3A_13, %get3A_14] : memref<1024x1xf32, #tpu.memory_space<vmem>>, vector<1024x1xf32>
    %mul3A = vector.broadcast %get3A_15 : vector<1024x1xf32> to vector<1024x128xf32>
    %mul3A_16 = arith.mulf %mul3A, %add3A_12 : vector<1024x128xf32>
    %get3A_17 = arith.constant 0 : index
    %get3A_18 = arith.constant 0 : index
    %get3A_19 = vector.load %arg4[%get3A_17, %get3A_18] : memref<1x128xf32, #tpu.memory_space<vmem>>, vector<1x128xf32>
    %add3A_20 = vector.broadcast %get3A_19 : vector<1x128xf32> to vector<1024x128xf32>
    %add3A_21 = arith.addf %mul3A_16, %add3A_20 : vector<1024x128xf32>
    %swap3A = arith.constant 0 : index
    %swap3A_22 = arith.constant 0 : index
    %swap3A_23 = vector.load %arg5[%swap3A, %swap3A_22] : memref<1024x128xf32, #tpu.memory_space<vmem>>, vector<1024x128xf32>
    tpu.vector_store %arg5[%swap3A, %swap3A_22], %add3A_21 {strides = array<i32>} : memref<1024x128xf32, #tpu.memory_space<vmem>>, vector<1024x128xf32>,
    return
  }
  func.func @transform_0(%arg0: i32) -> (i32, i32, i32) {
    %c0_i32 = arith.constant 0 : i32
    %c0_i32_0 = arith.constant 0 : i32
    %c0_i32_1 = arith.constant 0 : i32
    return %c0_i32, %arg0, %c0_i32_0 : i32, i32, i32
  }
  func.func @transform_1(%arg0: i32) -> (i32, i32) {
    %c0_i32 = arith.constant 0 : i32
    %c0_i32_0 = arith.constant 0 : i32
    return %arg0, %c0_i32 : i32, i32
  }
  func.func @transform_2(%arg0: i32) -> (i32, i32) {
    %c0_i32 = arith.constant 0 : i32
    %c0_i32_0 = arith.constant 0 : i32
    return %arg0, %c0_i32 : i32, i32
  }
  func.func @transform_3(%arg0: i32) -> (i32, i32) {
    %c0_i32 = arith.constant 0 : i32
    %c0_i32_0 = arith.constant 0 : i32
    %c0_i32_1 = arith.constant 0 : i32
    return %c0_i32, %c0_i32_0 : i32, i32
  }
  func.func @transform_4(%arg0: i32) -> (i32, i32) {
    %c0_i32 = arith.constant 0 : i32
    %c0_i32_0 = arith.constant 0 : i32
    return %arg0, %c0_i32 : i32, i32
  }
}

module attributes {stable_mosaic.version = 14 : i64} {
  func.func @_decode_body(%arg0: i32, %arg1: memref<2x2048x128xf32, #tpu.memory_space<vmem>>, %arg2: memref<128x128xf32, #tpu.memory_space<vmem>>, %arg3: memref<128x128xf32, #tpu.memory_space<vmem>>, %arg4: memref<1x128xf32, #tpu.memory_space<vmem>>, %arg5: memref<128x1xf32, #tpu.memory_space<vmem>>, %arg6: memref<1x1xf32, #tpu.memory_space<vmem>>, %arg7: memref<2048x1xf32, #tpu.memory_space<vmem>>) attributes {dimension_semantics = [#tpu.dimension_semantics<arbitrary>], iteration_bounds = array<i64: 160>, scalar_prefetch = 0 : i64, scratch_operands = 0 : i64, tpu.core_type = #tpu.core_type<tc>, window_params = [{transform_indices = @transform_0, window_bounds = array<i64: 2, 2048, 128>}, {pipeline_mode = #tpu.pipeline_mode<synchronous>, transform_indices = @transform_1, window_bounds = array<i64: 128, 128>}, {pipeline_mode = #tpu.pipeline_mode<synchronous>, transform_indices = @transform_2, window_bounds = array<i64: 128, 128>}, {pipeline_mode = #tpu.pipeline_mode<synchronous>, transform_indices = @transform_3, window_bounds = array<i64: 1, 128>}, {pipeline_mode = #tpu.pipeline_mode<synchronous>, transform_indices = @transform_4, window_bounds = array<i64: 128, 1>}, {pipeline_mode = #tpu.pipeline_mode<synchronous>, transform_indices = @transform_5, window_bounds = array<i64: 1, 1>}, {transform_indices = @transform_6, window_bounds = array<i64: 2048, 1>}]} {
    %get3A = arith.constant 0 : index
    %get3A_0 = arith.constant 0 : index
    %get3A_1 = arith.constant 0 : index
    %get3A_2 = vector.load %arg1[%get3A, %get3A_0, %get3A_1] : memref<2x2048x128xf32, #tpu.memory_space<vmem>>, vector<1x2048x128xf32>
    %get3A_3 = vector.shape_cast %get3A_2 : vector<1x2048x128xf32> to vector<2048x128xf32>
    %get3A_4 = arith.constant 0 : index
    %get3A_5 = arith.constant 0 : index
    %get3A_6 = vector.load %arg2[%get3A_4, %get3A_5] : memref<128x128xf32, #tpu.memory_space<vmem>>, vector<128x128xf32>
    %dot_general3A = arith.constant dense<0.000000e+00> : vector<2048x128xf32>
    %dot_general3A_7 = tpu.matmul %get3A_3, %get3A_6, %dot_general3A {dimension_numbers = #tpu.dot_dimension_numbers<[1], [0], [0], [1], [0, 0, 1, 1], [], []>, transpose_lhs_hint = false} : vector<2048x128xf32>, vector<128x128xf32>, vector<2048x128xf32> -> vector<2048x128xf32>
    %get3A_8 = arith.constant 1 : index
    %get3A_9 = arith.constant 0 : index
    %get3A_10 = arith.constant 0 : index
    %get3A_11 = vector.load %arg1[%get3A_8, %get3A_9, %get3A_10] : memref<2x2048x128xf32, #tpu.memory_space<vmem>>, vector<1x2048x128xf32>
    %get3A_12 = vector.shape_cast %get3A_11 : vector<1x2048x128xf32> to vector<2048x128xf32>
    %get3A_13 = arith.constant 0 : index
    %get3A_14 = arith.constant 0 : index
    %get3A_15 = vector.load %arg3[%get3A_13, %get3A_14] : memref<128x128xf32, #tpu.memory_space<vmem>>, vector<128x128xf32>
    %dot_general3A_16 = arith.constant dense<0.000000e+00> : vector<2048x128xf32>
    %dot_general3A_17 = tpu.matmul %get3A_12, %get3A_15, %dot_general3A_16 {dimension_numbers = #tpu.dot_dimension_numbers<[1], [0], [0], [1], [0, 0, 1, 1], [], []>, transpose_lhs_hint = false} : vector<2048x128xf32>, vector<128x128xf32>, vector<2048x128xf32> -> vector<2048x128xf32>
    %add3A = arith.addf %dot_general3A_7, %dot_general3A_17 : vector<2048x128xf32>
    %get3A_18 = arith.constant 0 : index
    %get3A_19 = arith.constant 0 : index
    %get3A_20 = vector.load %arg4[%get3A_18, %get3A_19] : memref<1x128xf32, #tpu.memory_space<vmem>>, vector<1x128xf32>
    %add3A_21 = vector.broadcast %get3A_20 : vector<1x128xf32> to vector<2048x128xf32>
    %add3A_22 = arith.addf %add3A, %add3A_21 : vector<2048x128xf32>
    %max3A = arith.constant 0.000000e+00 : f32
    %max3A_23 = vector.broadcast %max3A : f32 to vector<2048x128xf32>
    %max3A_24 = arith.maximumf %add3A_22, %max3A_23 : vector<2048x128xf32>
    %get3A_25 = arith.constant 0 : index
    %get3A_26 = arith.constant 0 : index
    %get3A_27 = vector.load %arg5[%get3A_25, %get3A_26] : memref<128x1xf32, #tpu.memory_space<vmem>>, vector<128x1xf32>
    %dot_general3A_28 = arith.constant dense<0.000000e+00> : vector<2048x1xf32>
    %dot_general3A_29 = tpu.matmul %max3A_24, %get3A_27, %dot_general3A_28 {dimension_numbers = #tpu.dot_dimension_numbers<[1], [0], [0], [1], [0, 0, 1, 1], [], []>, transpose_lhs_hint = false} : vector<2048x128xf32>, vector<128x1xf32>, vector<2048x1xf32> -> vector<2048x1xf32>
    %get3A_30 = arith.constant 0 : index
    %get3A_31 = arith.constant 0 : index
    %get3A_32 = vector.load %arg6[%get3A_30, %get3A_31] : memref<1x1xf32, #tpu.memory_space<vmem>>, vector<1x1xf32>
    %add3A_33 = vector.broadcast %get3A_32 : vector<1x1xf32> to vector<2048x1xf32>
    %add3A_34 = arith.addf %dot_general3A_29, %add3A_33 : vector<2048x1xf32>
    %swap3A = arith.constant 0 : index
    %swap3A_35 = arith.constant 0 : index
    %swap3A_36 = vector.load %arg7[%swap3A, %swap3A_35] : memref<2048x1xf32, #tpu.memory_space<vmem>>, vector<2048x1xf32>
    tpu.vector_store %arg7[%swap3A, %swap3A_35], %add3A_34 {strides = array<i32>} : memref<2048x1xf32, #tpu.memory_space<vmem>>, vector<2048x1xf32>,
    return
  }
  func.func @transform_0(%arg0: i32) -> (i32, i32, i32) {
    %c0_i32 = arith.constant 0 : i32
    %c0_i32_0 = arith.constant 0 : i32
    %c0_i32_1 = arith.constant 0 : i32
    return %c0_i32, %arg0, %c0_i32_0 : i32, i32, i32
  }
  func.func @transform_1(%arg0: i32) -> (i32, i32) {
    %c0_i32 = arith.constant 0 : i32
    %c0_i32_0 = arith.constant 0 : i32
    %c0_i32_1 = arith.constant 0 : i32
    return %c0_i32, %c0_i32_0 : i32, i32
  }
  func.func @transform_2(%arg0: i32) -> (i32, i32) {
    %c0_i32 = arith.constant 0 : i32
    %c0_i32_0 = arith.constant 0 : i32
    %c0_i32_1 = arith.constant 0 : i32
    return %c0_i32, %c0_i32_0 : i32, i32
  }
  func.func @transform_3(%arg0: i32) -> (i32, i32) {
    %c0_i32 = arith.constant 0 : i32
    %c0_i32_0 = arith.constant 0 : i32
    %c0_i32_1 = arith.constant 0 : i32
    return %c0_i32, %c0_i32_0 : i32, i32
  }
  func.func @transform_4(%arg0: i32) -> (i32, i32) {
    %c0_i32 = arith.constant 0 : i32
    %c0_i32_0 = arith.constant 0 : i32
    %c0_i32_1 = arith.constant 0 : i32
    return %c0_i32, %c0_i32_0 : i32, i32
  }
  func.func @transform_5(%arg0: i32) -> (i32, i32) {
    %c0_i32 = arith.constant 0 : i32
    %c0_i32_0 = arith.constant 0 : i32
    %c0_i32_1 = arith.constant 0 : i32
    return %c0_i32, %c0_i32_0 : i32, i32
  }
  func.func @transform_6(%arg0: i32) -> (i32, i32) {
    %c0_i32 = arith.constant 0 : i32
    %c0_i32_0 = arith.constant 0 : i32
    return %arg0, %c0_i32 : i32, i32
  }
}

</mosaic_0001>

<sc_bundles>
// kernel: kernel.10.cloned.1.call-start
scs
__scs_entry_jumppad:
0x0: {  	(pc) =	sbr.rel $0x88, $3  }
0x1: {  	(tag) =	ssettag $0x0;
	lr =	simm.s32 $0x1  }
0x2: {  	[smem:$0x3F96] =	sst lr;
	_ =	strace $0xD0000000  }
0x3: {  	_ = 	snop  }
0x4: {  	_ = 	snop  }
0x5: {  	_ = 	snop  }
0x6: {  	_ = 	snop  }
0x7: {  	_ = 	snop  }
__scs_overlays_trampoline_lowered:
0x8: {  	[smem:$0x3FA5] =	sst s0  }
0x9: {  	[smem:$0x3FA6] =	sst s1  }
0xa: {  	[smem:$0x3FA7] =	sst s2  }
0xb: {  	[smem:$0x3FA8] =	sst s3  }
0xc: {  	[smem:$0x3FA9] =	sst s4  }
0xd: {  	[smem:$0x3FAA] =	sst s5  }
0xe: {  	[smem:$0x3FAB] =	sst s6  }
0xf: {  	[smem:$0x3FAC] =	sst s7  }
0x10: {  	[smem:$0x3FAD] =	sst s8  }
0x11: {  	[smem:$0x3FAE] =	sst s9;
	s0 =	simm.s32 @!p0 $0x0  }
0x12: {  	s1 =	sld [smem:$0x3F94];
	s0 =	simm.s32 @p0 $0x1  }
0x13: {  	[smem:$0x3FAF] =	sst s0;
	s0 =	simm.s32 @!p1 $0x0  }
0x14: {  	s2 =	sld [smem:$0x3F93];
	s0 =	simm.s32 @p1 $0x1  }
0x15: {  	[smem:$0x3FB0] =	sst s0;
	s0 =	simm.s32 @!p2 $0x0  }
0x16: {  	s3 =	sld [smem:$0x3FDB];
	s0 =	simm.s32 @p2 $0x1  }
0x17: {  	s4 =	simm.s32 $0x1BF5;
	[smem:$0x3FB2] =	sst s0  }
0x18: {  	s0 =	sld [smem:$0x3F95];
	_ =	swait.ge [sflag:s4], $0x0  }
0x19: {  	s7 =	sld [smem:$0x3F96]  }
0x1a: {  	s8 =	sadd.s32 $0xFFFFE003, lr  }
0x1b: {  	s9 =	sadd.s32 $0xFFFFFEF7, lr;
	s5 =	simm.s32 $0xFFFFFFFF;
	p2 =	slt.u32 s8, $0xFFFFF086  }
0x1c: {  	p1 =	slt.u32 s9, $0xF7A;
	s5 =	simm.s32 @!p2 $0x0  }
0x1d: {  	s5 =	simm.s32 @p1 $0x1;
	p0 =	seq.s32 s7, s2  }
0x1e: {  	s7 =	smul.u32 @!p0 $0xF7A, s2;
	p2 =	seq.s32 @!p0 s5, $0x0  }
0x1f: {  	s9 =	smul.u32 $0xF7A, s1;
	s8 =	simm.s32 @!p0 $0x1BF5;
	p2 =	por !p2, p0  }
0x20: {  	[sflag:s8] =	ssyncset.s32 @!p0 $0xFFFFF086;
	s6 =	sadd.s32 @!p0 s3, s7;
	s7 =	simm.s32 @!p0 $0x108  }
0x21: {  	s3 =	sadd.s32 s3, s9;
	s6 =	sadd.s32 @!p0 $0x88, s6;
	s7 =	simm.s32 @p2 $0x1082  }
0x22: {  	[simem:s7], [sflag:s8] =	dma.local @!p0 [hbm:s6], $0xF7A  }
0x23: {  	s9 =	sor.u32 $0xD0000000, s2;
	s6 =	simm.s32 $0x108;
	_ =	swait.ge @!p0 [sflag:s8], $0x0  }
0x24: {  	s3 =	sadd.s32 $0x88, s3;
	s6 =	simm.s32 @!p1 $0x1082;
	[sflag:s4] =	ssyncset.s32 $0xFFFFF086  }
0x25: {  	[simem:s6], [sflag:s4] =	dma.local [hbm:s3], $0xF7A  }
0x26: {  	[smem:$0x3F96] =	sst s1;
	(tag) =	ssettag s2;
	_ =	strace s9  }
0x27: {  	s1 =	sld [smem:$0x3FA6]  }
0x28: {  	s2 =	sld [smem:$0x3FA7]  }
0x29: {  	s4 =	sld [smem:$0x3FA9]  }
0x2a: {  	p0 =	seq.s32 s5, $0x0;
	s5 =	sld [smem:$0x3FAA]  }
0x2b: {  	s6 =	sld [smem:$0x3FAB]  }
0x2c: {  	s7 =	sld [smem:$0x3FAC]  }
0x2d: {  	s3 =	simm.s32 $0x108;
	s8 =	sld [smem:$0x3FAD]  }
0x2e: {  	s3 =	simm.s32 @!p0 $0x1082;
	s9 =	sld [smem:$0x3FAE]  }
0x2f: {  	lr =	sadd.s32 s0, s3;
	s0 =	sld [smem:$0x3FA5]  }
0x30: {  	s3 =	sld [smem:$0x3FA8]  }
0x31: {  	[smem:$0x3FB1] =	sst s10  }
0x32: {  	s10 =	sld [smem:$0x3FAF];
	_ =	sdelay $0x3  }
0x33: {  	p0 =	seq.s32 s10, $0x1;
	s10 =	sld [smem:$0x3FB1];
	_ =	sdelay $0x3  }
0x34: {  	[smem:$0x3FB1] =	sst s10  }
0x35: {  	s10 =	sld [smem:$0x3FB0];
	_ =	sdelay $0x3  }
0x36: {  	p1 =	seq.s32 s10, $0x1;
	s10 =	sld [smem:$0x3FB1];
	_ =	sdelay $0x3  }
0x37: {  	[smem:$0x3FB1] =	sst s10  }
0x38: {  	s10 =	sld [smem:$0x3FB2]  }
0x39: {  	_ = 	snop;
	(pc) =	sbr.ind lr, $3  }
0x3a: {  	_ = 	snop  }
0x3b: {  	_ = 	snop  }
0x3c: {  	p2 =	seq.s32 s10, $0x1;
	s10 =	sld [smem:$0x3FB1]  }
0x3d: {  	_ =	shalt  }
0x3e: {  	_ =	shalt  }
0x3f: {  	_ =	shalt  }
0x40: {  	_ =	shalt  }
0x41: {  	_ =	shalt  }
0x42: {  	_ =	shalt  }
0x43: {  	_ =	shalt  }
0x44: {  	_ =	shalt  }
0x45: {  	_ =	shalt  }
0x46: {  	_ =	shalt  }
0x47: {  	_ =	shalt  }
0x48: {  	_ =	shalt  }
0x49: {  	_ =	shalt  }
0x4a: {  	_ =	shalt  }
0x4b: {  	_ =	shalt  }
0x4c: {  	_ =	shalt  }
0x4d: {  	_ =	shalt  }
0x4e: {  	_ =	shalt  }
0x4f: {  	_ =	shalt  }
0x50: {  	_ =	shalt  }
0x51: {  	_ =	shalt  }
0x52: {  	_ =	shalt  }
0x53: {  	_ =	shalt  }
0x54: {  	_ =	shalt  }
0x55: {  	_ =	shalt  }
0x56: {  	_ =	shalt  }
0x57: {  	_ =	shalt  }
0x58: {  	_ =	shalt  }
0x59: {  	_ =	shalt  }
0x5a: {  	_ =	shalt  }
0x5b: {  	_ =	shalt  }
0x5c: {  	_ =	shalt  }
0x5d: {  	_ =	shalt  }
0x5e: {  	_ =	shalt  }
0x5f: {  	_ =	shalt  }
0x60: {  	_ =	shalt  }
0x61: {  	_ =	shalt  }
0x62: {  	_ =	shalt  }
0x63: {  	_ =	shalt  }
0x64: {  	_ =	shalt  }
0x65: {  	_ =	shalt  }
0x66: {  	_ =	shalt  }
0x67: {  	_ =	shalt  }
0x68: {  	_ =	shalt  }
0x69: {  	_ =	shalt  }
0x6a: {  	_ =	shalt  }
0x6b: {  	_ =	shalt  }
0x6c: {  	_ =	shalt  }
0x6d: {  	_ =	shalt  }
0x6e: {  	_ =	shalt  }
0x6f: {  	_ =	shalt  }
0x70: {  	_ =	shalt  }
0x71: {  	_ =	shalt  }
0x72: {  	_ =	shalt  }
0x73: {  	_ =	shalt  }
0x74: {  	_ =	shalt  }
0x75: {  	_ =	shalt  }
0x76: {  	_ =	shalt  }
0x77: {  	_ =	shalt  }
0x78: {  	_ =	shalt  }
0x79: {  	_ =	shalt  }
0x7a: {  	_ =	shalt  }
0x7b: {  	_ =	shalt  }
0x7c: {  	_ =	shalt  }
0x7d: {  	_ =	shalt  }
0x7e: {  	_ =	shalt  }
0x7f: {  	_ =	shalt  }
0x80: {  	_ =	shalt  }
0x81: {  	_ =	shalt  }
0x82: {  	_ =	shalt  }
0x83: {  	_ =	shalt  }
0x84: {  	_ =	shalt  }
0x85: {  	_ =	shalt  }
0x86: {  	_ =	shalt  }
0x87: {  	_ =	shalt  }
.Lfunc_end0:
.L_simem_size_0:
called_computation_lowered:
.L_overlay_start_0:
0x88: {  	s2 =	sld [smem:$0x3FD9]  }
0x89: {  	s3 =	sld [smem:$0x3FFE];
	_ =	sdelay $0x1  }
0x8a: {  	s1 =	srdreg.scid  }
0x8b: {  	s0 =	sand.u32 $0x1, s1  }
0x8c: {  	s16 =	sshll.u32 s0, $0xA;
	s2 =	sadd.s32 s3, s2  }
0x8d: {  	s2 =	sadd.s32 s2, s16  }
0x8e: {  	[smem:$0x3FBD] =	sst s2  }
0x8f: {  	_ = 	snop  }
0x90: {  	(tm) =	ssettm $0x1  }
0x91: {  	s17 =	sld [smem:$0x3FFB];
	_ =	sdelay $0x3  }
0x92: {  	_ =	strace s17  }
0x93: {  	s2 =	sld [smem:$0x3FFC];
	_ =	sdelay $0x3  }
0x94: {  	_ =	strace s2  }
0x95: {  	s2 =	sld [smem:$0x3FFD];
	_ =	sdelay $0x3  }
0x96: {  	_ =	strace s2  }
0x97: {  	_ =	strace $0x8FFFFFFF  }
0x98: {  	s18 =	sld [smem:$0x3FDB];
	_ =	sdelay $0x1  }
0x99: {  	s19 =	simm.s32 $_scs_section_size  }
0x9a: {  	s4 =	simm.s32 $_size__tile_overlayer_lowered;
	s5 =	simm.s32 $_tile_overlayer_lowered  }
0x9b: {  	s22 =	simm.s32 $0x1BFF;
	s21 =	sshll.u32 s5, $0x1;
	s2 =	sadd.s32 s19, s18  }
0x9c: {  	s6 =	simm.s32 $0x0;
	s20 =	sshll.u32 s4, $0x1;
	s4 =	sadd.s32 s21, s2  }
0x9d: {  	[timem:s6], [sflag:s22] =	dma.local [hbm:s4], s20  }
0x9e: {  	_ =	swait.ge [sflag:s22], s20  }
0x9f: {  	s3 =	ssub.s32 $0x0, s20;
	[sflag:s22] =	ssyncset.done $0x0  }
0xa0: {  	[sflag:s22] =	ssyncadd.s32 s3;
	_ =	sdelay $0x1  }
0xa1: {  	s23 =	simm.s32 $0x1B8B  }
0xa2: {  	_ =	swait.ge [sflag:s23], $0x1  }
0xa3: {  	[sflag:s23] =	ssyncset.done $0x0  }
0xa4: {  	s25 =	simm.s32 $0x1B8E;
	s24 =	sld [smem:$0x3FFE];
	[sflag:s23] =	ssyncadd.s32 $0xFFFFFFFF  }
0xa5: {  	s26 =	simm.s32 $execute0_lowered;
	[smem:$0x3FD2] =	sst s25  }
0xa6: {  	s4 =	sshll.u32 s26, $0x1;
	_ =	strace $0x80000046;
	[dreg:$0x1] =	wrdreg $0xFFFFFFFF  }
0xa7: {  	s28 =	simm.s32 $_size_execute0_lowered;
	s2 =	sadd.s32 s2, s4;
	[dreg:$0x0] =	wrdreg $0x0  }
0xa8: {  	s4 =	sshll.u32 s28, $0x1;
	[dreg:$0x2] =	wrdreg s2  }
0xa9: {  	[dreg:$0x3] =	wrdreg s4  }
0xaa: {  	[dreg:$0x4] =	wrdreg $0xC0  }
0xab: {  	_ =	task [dreg:s6], $0x5FFFF  }
0xac: {  	[dreg:$0x1] =	wrdreg $0xFFFFFFFF  }
0xad: {  	[dreg:$0x0] =	wrdreg $0x60  }
0xae: {  	[dreg:$0x2] =	wrdreg s24  }
0xaf: {  	[dreg:$0x3] =	wrdreg $0x6C000  }
0xb0: {  	[dreg:$0x4] =	wrdreg $0x9  }
0xb1: {  	_ =	task.clear_ibuf [dreg:s6], $0x5FFFF;
	_ =	strace $0x90000046  }
0xb2: {  	s29 =	simm.s32 $0x9;
	_ =	strace $0x80000048  }
0xb3: {  	_ =	swait.ge [sflag:s29], $0x1  }
0xb4: {  	[sflag:s29] =	ssyncadd.s32 $0xFFFFFFFF  }
0xb5: {  	_ =	strace $0x90000048  }
0xb6: {  	_ =	sfence  }
0xb7: {  	s30 =	sld [smem:$0x0];
	_ =	sdelay $0x2  }
0xb8: {  	s31 =	sshll.u32 s1, $0xD;
	s1 =	sshrl.u32 s1, $0x2  }
0xb9: {  	s3 =	sand.u32 $0x4000, s31;
	s1 =	sadd.s32 s1, s30  }
0xba: {  	s0 =	sor.u32 s3, s0;
	s1 =	sshll.u32 s1, $0x11  }
0xbb: {  	s0 =	sor.u32 s1, s0  }
0xbc: {  	s0 =	sadd.s32 $0x8F2B, s0  }
0xbd: {  	[sflag:s0] =	ssyncadd.remote.s32 $0x1  }
0xbe: {  	_ =	sfence.sel $0xFFFF  }
0xbf: {  	[dreg:$0x0] =	wrdreg $0xFFFFFFFF;
	(pc) =	sbr.abs _section_cstart, $3  }
0xc0: {  	[dreg:$0x1] =	wrdreg $0xFFFFFFFF  }
0xc1: {  	_ =	task.clear_ibuf [dreg:s6], $0x2FFFF;
	_ =	strace $0x9FFFFFFF  }
0xc2: {  	(tm) =	ssettm $0x7FFFFFFF  }
0xc3: {  	_ =	shalt  }
tec
execute0_lowered:
.L_overlay_start_1:
0x0: {  	(tag) =	ssettag $0x1  }
0x1: {  	s1 =	srdreg.scid;
	s5 =	rddreg [dreg:$0x0]  }
0x2: {  	s0 =	stileid.u32;
	s3 =	rddreg [dreg:$0x1];
	s4 =	simm.s32 $0x0  }
0x3: {  	s12 =	simm.s32 $0x2;
	s13 =	simm.s32 $0x80;
	s14 =	simm.s32 $0x6800  }
0x4: {  	s15 =	simm.s32 $0x2800;
	s16 =	simm.s32 $0x6880;
	s17 =	simm.s32 $0x6900  }
0x5: {  	s18 =	simm.s32 $0x6980;
	s19 =	simm.s32 $0x6A00;
	s20 =	simm.s32 $0x1  }
0x6: {  	s21 =	simm.s32 $0x0;
	s6 =	sand.u32 $0x1, s1;
	s2 =	smul.u32 $0x280, s0  }
0x7: {  	s1 =	rddreg [dreg:$0x2];
	s7 =	sshll.u32 s6, $0x4;
	s8 =	smul.u32 $0x2800, s6  }
0x8: {  	[smem:$0x7FF] =	sst s4;
	s6 =	ssub.s32 $0x2, s6;
	s7 =	sor.u32 s0, s7  }
0x9: {  	s31 =	sshrl.u32 s6, $0x1;
	s7 =	smul.u32 $0x500, s7;
	s8 =	sadd.s32 s2, s8  }
0xa: {  	_ =	strace $0x80000047;
	s11 =	ssub.s32 s6, s31;
	s8 =	sshll.u32 s8, $0x4  }
0xb: {  	s11 =	smax.u32 s11, $0x1;
	s7 =	sadd.s32 s7, s5;
	s10 =	sadd.s32 s8, s5  }
0xc: {  	s5 =	sadd.s32 $0x2600, s7;
	s6 =	sadd.s32 $0xC600, s10;
	s7 =	sadd.s32 $0xCE00, s10  }
0xd: {  	v0 =	vlaneseq.u32;
	v1 =	vimm.f32 $0.0e+00;
	v2 =	vimm.f32 $1.000000000e+00;
	s8 =	sadd.s32 $0xD600, s10;
	s9 =	sadd.s32 $0xDE00, s10;
	s10 =	sadd.s32 $0xE600, s10  }
.LBB2_1:
0xe: {  	s23 =	sadd.s32 $0x0, s2  }
0xf: {  	s24 =	sadd.s32 $0x70, s23  }
0x10: {  	s22 =	simm.s32 $0x6840;
	s25 =	sadd.s32 $0x10, s23;
	v3 =	vor.u32 s24, v0  }
0x11: {  	s30 =	sadd.s32 $0x50, s23;
	v4 =	vor.u32 s25, v0;
	[tilespmem:s22+$0x30] =	vst v3  }
0x12: {  	s26 =	sadd.s32 $0x20, s23;
	v5 =	vor.u32 s30, v0;
	[tilespmem:s22+$0xFFFFFFD0] =	vst v4  }
0x13: {  	s28 =	sadd.s32 $0x30, s23;
	v3 =	vor.u32 s26, v0;
	[tilespmem:s22+$0x10] =	vst v5  }
0x14: {  	s29 =	sadd.s32 $0x40, s23;
	v4 =	vor.u32 s28, v0;
	[tilespmem:s22+$0xFFFFFFE0] =	vst v3  }
0x15: {  	s31 =	sadd.s32 $0x60, s23;
	v3 =	vor.u32 s29, v0;
	[tilespmem:s22+$0xFFFFFFF0] =	vst v4  }
0x16: {  	s24 =	simm.s32 $0x100;
	v4 =	vor.u32 s31, v0;
	[tilespmem:s22+$0x0] =	vst v3;
	v3 =	vor.u32 s23, v0;
	s23 =	sadd.s32 $0x80, s2  }
.LBB2_2:
0x17: {  	p0 =	sne.s32 s24, $0x200;
	v5 =	vor.u32 s23, v0;
	s25 =	sadd.s32 $0x10, s23;
	s26 =	sadd.s32 $0x70, s23;
	[tilespmem:s22+$0x20] =	vst v4  }
0x18: {  	s28 =	sadd.s32 $0x30, s23;
	v4 =	vor.u32 s25, v0;
	s25 =	sadd.s32 $0x20, s23;
	v6 =	vor.u32 s26, v0;
	[tilespmem:s22+$0xFFFFFFC0] =	vst v3;
	s22 =	sadd.s32 $0x80, s22;
	v3 =	vmov v5  }
0x19: {  	v7 =	vor.u32 s28, v0;
	s26 =	sadd.s32 $0x50, s23;
	v5 =	vor.u32 s25, v0;
	s25 =	sadd.s32 $0x40, s23;
	s23 =	sadd.s32 $0x60, s23;
	[tilespmem:s22+$0x30] =	vst v6  }
.Ltmp0:
0x1a: {  	v8 =	vor.u32 s26, v0;
	[tilespmem:s22+$0xFFFFFFD0] =	vst v4;
	v6 =	vor.u32 s25, v0;
	v4 =	vor.u32 s23, v0;
	(pc) =	sbr.rel @p0 .LBB2_2-.Ltmp0, $4  }
0x1b: {  	[tilespmem:s22+$0xFFFFFFE0] =	vst v5  }
0x1c: {  	[tilespmem:s22+$0xFFFFFFF0] =	vst v7  }
0x1d: {  	[tilespmem:s22+$0x0] =	vst v6  }
0x1e: {  	s23 =	sadd.s32 s24, s2;
	s24 =	sadd.s32 $0x80, s24;
	[tilespmem:s22+$0x10] =	vst v8  }
0x1f: {  	s24 =	sadd.s32 $0x70, s23;
	[tilespmem:s22+$0x20] =	vst v4  }
0x20: {  	s25 =	sadd.s32 $0x10, s23;
	[tilespmem:s22+$0xFFFFFFC0] =	vst v3;
	s31 =	sadd.s32 $0x80, s22;
	v60 =	vor.u32 s24, v0  }
0x21: {  	s28 =	sadd.s32 $0x40, s23;
	v3 =	vor.u32 s25, v0;
	[tilespmem:s31+$0x30] =	vst v60  }
0x22: {  	s30 =	sadd.s32 $0x60, s23;
	v62 =	vor.u32 s28, v0;
	[tilespmem:s31+$0xFFFFFFD0] =	vst v3  }
0x23: {  	s25 =	sadd.s32 $0x20, s23;
	v63 =	vor.u32 s30, v0;
	[tilespmem:s31+$0x0] =	vst v62  }
0x24: {  	s26 =	sadd.s32 $0x30, s23;
	v61 =	vor.u32 s25, v0;
	[tilespmem:s31+$0x20] =	vst v63  }
0x25: {  	s29 =	sadd.s32 $0x50, s23;
	v3 =	vor.u32 s26, v0;
	[tilespmem:s31+$0xFFFFFFE0] =	vst v61  }
0x26: {  	[tilespmem:s31+$0xFFFFFFF0] =	vst v3;
	v3 =	vor.u32 s29, v0  }
0x27: {  	[tilespmem:s31+$0x10] =	vst v3;
	v3 =	vor.u32 s23, v0  }
0x28: {  	[tilespmem:s31+$0xFFFFFFC0] =	vst v3;
	s31 =	simm.s32 $0x0  }
0x29: {  	[tilespmem:s31], [sflag:$0x2] =	stream.linear.gather [hbm4b:s5+s31], $0x2800, $0x38;
	[tilespmem:$0x1AC00] =	vst v63  }
0x2a: {  	_ =	swait.ge [sflag:s12], $0x2800  }
0x2b: {  	[sflag:s12] =	ssyncset.done $0x0  }
0x2c: {  	s22 =	simm.s32 $0x0;
	s23 =	simm.s32 $0x200;
	[sflag:s12] =	ssyncadd.s32 $0xFFFFD800  }
.LBB2_4:
0x2d: {  	p0 =	sne.s32 s23, $0xFE00;
	[tilespmem:s22+$0x2870] =	vst v1  }
0x2e: {  	[tilespmem:s22+$0x2800] =	vst v1  }
0x2f: {  	[tilespmem:s22+$0x2810] =	vst v1  }
.Ltmp1:
0x30: {  	[tilespmem:s22+$0x2820] =	vst v1;
	(pc) =	sbr.rel @p0 .LBB2_4-.Ltmp1, $4  }
0x31: {  	[tilespmem:s22+$0x2830] =	vst v1  }
0x32: {  	[tilespmem:s22+$0x2840] =	vst v1  }
0x33: {  	[tilespmem:s22+$0x2850] =	vst v1  }
0x34: {  	[tilespmem:s22+$0x2860] =	vst v1;
	s22 =	sshra.s32 s23, $0x2;
	s23 =	sadd.s32 $0x200, s23  }
0x35: {  	[tilespmem:s22+$0x2870] =	vst v1  }
0x36: {  	[tilespmem:s22+$0x2800] =	vst v1  }
0x37: {  	[tilespmem:s22+$0x2810] =	vst v1  }
0x38: {  	[tilespmem:s22+$0x2820] =	vst v1  }
0x39: {  	[tilespmem:s22+$0x2830] =	vst v1  }
0x3a: {  	[tilespmem:s22+$0x2840] =	vst v1  }
0x3b: {  	[tilespmem:s22+$0x2850] =	vst v1  }
0x3c: {  	[tilespmem:s22+$0x2860] =	vst v1  }
0x3d: {  	[spmem:s3] =	stream.indirect.scatter [tilespmem:s15], [sflag:$0x2], $0x80, s14, s13, $0xb8;
	[tilespmem:$0x1AC00] =	vst v63  }
0x3e: {  	_ =	swait.ge [sflag:s12], $0x4000  }
0x3f: {  	[sflag:s12] =	ssyncset.done $0x0  }
0x40: {  	[sflag:s12] =	ssyncadd.s32 $0xFFFFC000  }
0x41: {  	[spmem:s3] =	stream.indirect.scatter [tilespmem:s15], [sflag:$0x2], $0x80, s16, s13, $0xb8;
	[tilespmem:$0x1AC00] =	vst v63  }
0x42: {  	_ =	swait.ge [sflag:s12], $0x4000  }
0x43: {  	[sflag:s12] =	ssyncset.done $0x0  }
0x44: {  	[sflag:s12] =	ssyncadd.s32 $0xFFFFC000  }
0x45: {  	[spmem:s3] =	stream.indirect.scatter [tilespmem:s15], [sflag:$0x2], $0x80, s17, s13, $0xb8;
	[tilespmem:$0x1AC00] =	vst v63  }
0x46: {  	_ =	swait.ge [sflag:s12], $0x4000  }
0x47: {  	[sflag:s12] =	ssyncset.done $0x0  }
0x48: {  	[sflag:s12] =	ssyncadd.s32 $0xFFFFC000  }
0x49: {  	[spmem:s3] =	stream.indirect.scatter [tilespmem:s15], [sflag:$0x2], $0x80, s18, s13, $0xb8;
	[tilespmem:$0x1AC00] =	vst v63  }
0x4a: {  	_ =	swait.ge [sflag:s12], $0x4000  }
0x4b: {  	[sflag:s12] =	ssyncset.done $0x0  }
0x4c: {  	[sflag:s12] =	ssyncadd.s32 $0xFFFFC000  }
0x4d: {  	[spmem:s3] =	stream.indirect.scatter [tilespmem:s15], [sflag:$0x2], $0x80, s19, s13, $0xb8;
	[tilespmem:$0x1AC00] =	vst v63  }
0x4e: {  	_ =	swait.ge [sflag:s12], $0x4000  }
0x4f: {  	[sflag:s12] =	ssyncset.done $0x0  }
0x50: {  	s22 =	simm.s32 $0x0;
	s23 =	simm.s32 $0x200;
	[sflag:s12] =	ssyncadd.s32 $0xFFFFC000  }
.LBB2_6:
0x51: {  	p0 =	sne.s32 s23, $0xFE00;
	[tilespmem:s22+$0x2870] =	vst v2  }
0x52: {  	[tilespmem:s22+$0x2800] =	vst v2  }
0x53: {  	[tilespmem:s22+$0x2810] =	vst v2  }
.Ltmp2:
0x54: {  	[tilespmem:s22+$0x2820] =	vst v2;
	(pc) =	sbr.rel @p0 .LBB2_6-.Ltmp2, $4  }
0x55: {  	[tilespmem:s22+$0x2830] =	vst v2  }
0x56: {  	[tilespmem:s22+$0x2840] =	vst v2  }
0x57: {  	[tilespmem:s22+$0x2850] =	vst v2  }
0x58: {  	[tilespmem:s22+$0x2860] =	vst v2;
	s22 =	sshra.s32 s23, $0x2;
	s23 =	sadd.s32 $0x200, s23  }
0x59: {  	[tilespmem:s22+$0x2870] =	vst v2  }
0x5a: {  	[tilespmem:s22+$0x2800] =	vst v2  }
0x5b: {  	[tilespmem:s22+$0x2810] =	vst v2  }
0x5c: {  	[tilespmem:s22+$0x2820] =	vst v2  }
0x5d: {  	[tilespmem:s22+$0x2830] =	vst v2  }
0x5e: {  	[tilespmem:s22+$0x2840] =	vst v2  }
0x5f: {  	[tilespmem:s22+$0x2850] =	vst v2  }
0x60: {  	[tilespmem:s22+$0x2860] =	vst v2  }
0x61: {  	s28 =	simm.s32 $0x0;
	[bflag:$0x0] =	sbarrier.arrive $0xFFFF  }
0x62: {  	[spmem:s3] =	stream.indirect.scatter.add.f32 [tilespmem:s15], [sflag:$0x1], $0x80, s28, s13, $0xb8;
	[tilespmem:$0x1AC00] =	vst v63  }
0x63: {  	s29 =	simm.s32 $0x80  }
0x64: {  	[spmem:s3] =	stream.indirect.scatter.add.f32 [tilespmem:s15], [sflag:$0x1], $0x80, s29, s13, $0xb8;
	[tilespmem:$0x1AC00] =	vst v63  }
0x65: {  	s30 =	simm.s32 $0x100  }
0x66: {  	[spmem:s3] =	stream.indirect.scatter.add.f32 [tilespmem:s15], [sflag:$0x1], $0x80, s30, s13, $0xb8;
	[tilespmem:$0x1AC00] =	vst v63  }
0x67: {  	s31 =	simm.s32 $0x180  }
0x68: {  	[spmem:s3] =	stream.indirect.scatter.add.f32 [tilespmem:s15], [sflag:$0x1], $0x80, s31, s13, $0xb8;
	[tilespmem:$0x1AC00] =	vst v63  }
0x69: {  	_ =	swait.ge [sflag:s20], $0x4000  }
0x6a: {  	[sflag:s20] =	ssyncset.done $0x0  }
0x6b: {  	[sflag:s20] =	ssyncadd.s32 $0xFFFFC000  }
0x6c: {  	_ =	swait.ge [sflag:s20], $0x4000  }
0x6d: {  	[sflag:s20] =	ssyncset.done $0x0  }
0x6e: {  	[sflag:s20] =	ssyncadd.s32 $0xFFFFC000  }
0x6f: {  	_ =	swait.ge [sflag:s20], $0x4000  }
0x70: {  	[sflag:s20] =	ssyncset.done $0x0  }
0x71: {  	[sflag:s20] =	ssyncadd.s32 $0xFFFFC000  }
0x72: {  	_ =	swait.ge [sflag:s20], $0x4000  }
0x73: {  	s22 =	simm.s32 $0x800;
	s23 =	simm.s32 $0x1000;
	[sflag:s20] =	ssyncset.done $0x0  }
.LBB2_8:
0x74: {  	s24 =	sshra.s32 s22, $0x2  }
0x75: {  	[sflag:s20] =	ssyncadd.s32 $0xFFFFC000;
	s22 =	smov.u32 s23;
	s25 =	sadd.s32 $0x800, s23  }
0x76: {  	[spmem:s3] =	stream.indirect.scatter.add.f32 [tilespmem:s15], [sflag:$0x1], $0x80, s24, s13, $0xb8;
	[tilespmem:$0x1AC00] =	vst v63  }
0x77: {  	p0 =	sne.s32 s23, $0x9800;
	s23 =	sadd.s32 $0x80, s24  }
0x78: {  	[spmem:s3] =	stream.indirect.scatter.add.f32 [tilespmem:s15], [sflag:$0x1], $0x80, s23, s13, $0xb8;
	[tilespmem:$0x1AC00] =	vst v63  }
0x79: {  	s23 =	sadd.s32 $0x100, s24  }
0x7a: {  	[spmem:s3] =	stream.indirect.scatter.add.f32 [tilespmem:s15], [sflag:$0x1], $0x80, s23, s13, $0xb8;
	[tilespmem:$0x1AC00] =	vst v63  }
0x7b: {  	s23 =	sadd.s32 $0x180, s24  }
0x7c: {  	[spmem:s3] =	stream.indirect.scatter.add.f32 [tilespmem:s15], [sflag:$0x1], $0x80, s23, s13, $0xb8;
	[tilespmem:$0x1AC00] =	vst v63  }
0x7d: {  	_ =	swait.ge [sflag:s20], $0x4000  }
0x7e: {  	[sflag:s20] =	ssyncset.done $0x0  }
0x7f: {  	[sflag:s20] =	ssyncadd.s32 $0xFFFFC000  }
0x80: {  	_ =	swait.ge [sflag:s20], $0x4000  }
0x81: {  	[sflag:s20] =	ssyncset.done $0x0  }
0x82: {  	[sflag:s20] =	ssyncadd.s32 $0xFFFFC000  }
.Ltmp3:
0x83: {  	_ =	swait.ge [sflag:s20], $0x4000;
	(pc) =	sbr.rel @p0 .LBB2_8-.Ltmp3, $4  }
0x84: {  	[sflag:s20] =	ssyncset.done $0x0  }
0x85: {  	[sflag:s20] =	ssyncadd.s32 $0xFFFFC000  }
0x86: {  	_ =	swait.ge [sflag:s20], $0x4000  }
0x87: {  	s23 =	smov.u32 s25;
	[sflag:s20] =	ssyncset.done $0x0  }
0x88: {  	s22 =	sshra.s32 s22, $0x2;
	[sflag:s20] =	ssyncadd.s32 $0xFFFFC000  }
0x89: {  	[spmem:s3] =	stream.indirect.scatter.add.f32 [tilespmem:s15], [sflag:$0x1], $0x80, s22, s13, $0xb8;
	[tilespmem:$0x1AC00] =	vst v63  }
0x8a: {  	s23 =	sadd.s32 $0x80, s22  }
0x8b: {  	[spmem:s3] =	stream.indirect.scatter.add.f32 [tilespmem:s15], [sflag:$0x1], $0x80, s23, s13, $0xb8;
	[tilespmem:$0x1AC00] =	vst v63  }
0x8c: {  	s31 =	sadd.s32 $0x100, s22  }
0x8d: {  	[spmem:s3] =	stream.indirect.scatter.add.f32 [tilespmem:s15], [sflag:$0x1], $0x80, s31, s13, $0xb8;
	[tilespmem:$0x1AC00] =	vst v63  }
0x8e: {  	s22 =	sadd.s32 $0x180, s22  }
0x8f: {  	[spmem:s3] =	stream.indirect.scatter.add.f32 [tilespmem:s15], [sflag:$0x1], $0x80, s22, s13, $0xb8;
	[tilespmem:$0x1AC00] =	vst v63  }
0x90: {  	_ =	swait.ge [sflag:s20], $0x4000  }
0x91: {  	[sflag:s20] =	ssyncset.done $0x0  }
0x92: {  	[sflag:s20] =	ssyncadd.s32 $0xFFFFC000  }
0x93: {  	_ =	swait.ge [sflag:s20], $0x4000  }
0x94: {  	[sflag:s20] =	ssyncset.done $0x0  }
0x95: {  	[sflag:s20] =	ssyncadd.s32 $0xFFFFC000  }
0x96: {  	_ =	swait.ge [sflag:s20], $0x4000  }
0x97: {  	[sflag:s20] =	ssyncset.done $0x0  }
0x98: {  	[sflag:s20] =	ssyncadd.s32 $0xFFFFC000  }
0x99: {  	_ =	swait.ge [sflag:s20], $0x4000  }
0x9a: {  	[sflag:s20] =	ssyncset.done $0x0  }
0x9b: {  	[sflag:s20] =	ssyncadd.s32 $0xFFFFC000  }
0x9c: {  	[bflag:$0x0] =	sbarrier.arrive $0xFFFF  }
0x9d: {  	[tilespmem:s15], [sflag:$0x2] =	stream.indirect.gather [spmem:s3], $0x80, s14, s13, $0xb8;
	[tilespmem:$0x1AC00] =	vst v63  }
0x9e: {  	_ =	swait.ge [sflag:s12], $0x4000  }
0x9f: {  	[sflag:s12] =	ssyncset.done $0x0  }
0xa0: {  	[sflag:s12] =	ssyncadd.s32 $0xFFFFC000  }
0xa1: {  	[hbm4b:s6+s4] =	stream.linear.scatter [tilespmem:s15], [sflag:$0x2], $0x4000, $0x38;
	[tilespmem:$0x1AC00] =	vst v63  }
0xa2: {  	_ =	swait.ge [sflag:s12], $0x4000  }
0xa3: {  	[sflag:s12] =	ssyncset.done $0x0  }
0xa4: {  	[sflag:s12] =	ssyncadd.s32 $0xFFFFC000  }
0xa5: {  	[tilespmem:s15], [sflag:$0x2] =	stream.indirect.gather [spmem:s3], $0x80, s16, s13, $0xb8;
	[tilespmem:$0x1AC00] =	vst v63  }
0xa6: {  	_ =	swait.ge [sflag:s12], $0x4000  }
0xa7: {  	[sflag:s12] =	ssyncset.done $0x0  }
0xa8: {  	[sflag:s12] =	ssyncadd.s32 $0xFFFFC000  }
0xa9: {  	[hbm4b:s7+s4] =	stream.linear.scatter [tilespmem:s15], [sflag:$0x2], $0x4000, $0x38;
	[tilespmem:$0x1AC00] =	vst v63  }
0xaa: {  	_ =	swait.ge [sflag:s12], $0x4000  }
0xab: {  	[sflag:s12] =	ssyncset.done $0x0  }
0xac: {  	[sflag:s12] =	ssyncadd.s32 $0xFFFFC000  }
0xad: {  	[tilespmem:s15], [sflag:$0x2] =	stream.indirect.gather [spmem:s3], $0x80, s17, s13, $0xb8;
	[tilespmem:$0x1AC00] =	vst v63  }
0xae: {  	_ =	swait.ge [sflag:s12], $0x4000  }
0xaf: {  	[sflag:s12] =	ssyncset.done $0x0  }
0xb0: {  	[sflag:s12] =	ssyncadd.s32 $0xFFFFC000  }
0xb1: {  	[hbm4b:s8+s4] =	stream.linear.scatter [tilespmem:s15], [sflag:$0x2], $0x4000, $0x38;
	[tilespmem:$0x1AC00] =	vst v63  }
0xb2: {  	_ =	swait.ge [sflag:s12], $0x4000  }
0xb3: {  	[sflag:s12] =	ssyncset.done $0x0  }
0xb4: {  	[sflag:s12] =	ssyncadd.s32 $0xFFFFC000  }
0xb5: {  	[tilespmem:s15], [sflag:$0x2] =	stream.indirect.gather [spmem:s3], $0x80, s18, s13, $0xb8;
	[tilespmem:$0x1AC00] =	vst v63  }
0xb6: {  	_ =	swait.ge [sflag:s12], $0x4000  }
0xb7: {  	[sflag:s12] =	ssyncset.done $0x0  }
0xb8: {  	[sflag:s12] =	ssyncadd.s32 $0xFFFFC000  }
0xb9: {  	[hbm4b:s9+s4] =	stream.linear.scatter [tilespmem:s15], [sflag:$0x2], $0x4000, $0x38;
	[tilespmem:$0x1AC00] =	vst v63  }
0xba: {  	_ =	swait.ge [sflag:s12], $0x4000  }
0xbb: {  	[sflag:s12] =	ssyncset.done $0x0  }
0xbc: {  	[sflag:s12] =	ssyncadd.s32 $0xFFFFC000  }
0xbd: {  	[tilespmem:s15], [sflag:$0x2] =	stream.indirect.gather [spmem:s3], $0x80, s19, s13, $0xb8;
	[tilespmem:$0x1AC00] =	vst v63  }
0xbe: {  	s21 =	sadd.s32 $0x1, s21;
	_ =	swait.ge [sflag:s12], $0x4000  }
0xbf: {  	p0 =	sne.s32 s21, s11;
	[sflag:s12] =	ssyncset.done $0x0  }
.Ltmp4:
0xc0: {  	[sflag:s12] =	ssyncadd.s32 $0xFFFFC000;
	(pc) =	sbr.rel @p0 .LBB2_1-.Ltmp4, $4  }
0xc1: {  	[hbm4b:s10+s4] =	stream.linear.scatter [tilespmem:s15], [sflag:$0x2], $0x4000, $0x38;
	[tilespmem:$0x1AC00] =	vst v63  }
0xc2: {  	_ =	swait.ge [sflag:s12], $0x4000  }
0xc3: {  	[sflag:s12] =	ssyncset.done $0x0  }
0xc4: {  	[sflag:s12] =	ssyncadd.s32 $0xFFFFC000  }
0xc5: {  	_ =	sfence.sel $0x180000  }
0xc6: {  	[bflag:$0x0] =	sbarrier.arrive $0xFFFF  }
0xc7: {  	p0 =	sne.s32 s0, $0x0;
	_ =	strace $0x90000047  }
0xc8: {  	s0 =	sadd.s32 @!p0 $0x100000, s1;
	[bflag:$0x2] =	sbarrier.arrive $0xFFFF  }
0xc9: {  	[sflag:s0] =	ssyncadd.tile.s32 @!p0 $0x1;
	_ =	shalt  }
.Lfunc_end2:
_tile_overlayer_lowered:
.L_overlay_start_2:
0xca: {  	(tag) =	ssettag $0x2  }
0xcb: {  	s0 =	rddreg [dreg:$0x0];
	s2 =	stileid.u32  }
0xcc: {  	s1 =	rddreg [dreg:$0x1];
	p0 =	sne.s32 s2, $0x0  }
0xcd: {  	s3 =	rddreg [dreg:$0x2];
	[bflag:$0x3] =	sbarrier.arrive $0xFFFF;
	s2 =	simm.s32 @!p0 $0x1C02  }
0xce: {  	[timem:s3], [sflag:s2] =	dma.local @!p0 [hbm:s0], s1  }
0xcf: {  	s0 =	simm.s32 @!p0 $0x2  }
0xd0: {  	_ =	swait.ge @!p0 [sflag:s0], s1  }
0xd1: {  	s1 =	ssub.s32 @!p0 $0x0, s1;
	[sflag:s0] =	ssyncset.done @!p0 $0x0  }
0xd2: {  	[sflag:s0] =	ssyncadd.s32 @!p0 s1  }
0xd3: {  	[bflag:$0x3] =	sbarrier.arrive $0xFFFF  }
0xd4: {  	_ =	shalt  }

// kernel: kernel.13.cloned.1.call-start
scs
__scs_entry_jumppad:
0x0: {  	(pc) =	sbr.rel $0x88, $3  }
0x1: {  	(tag) =	ssettag $0x0;
	lr =	simm.s32 $0x1  }
0x2: {  	[smem:$0x3F96] =	sst lr;
	_ =	strace $0xD0000000  }
0x3: {  	_ = 	snop  }
0x4: {  	_ = 	snop  }
0x5: {  	_ = 	snop  }
0x6: {  	_ = 	snop  }
0x7: {  	_ = 	snop  }
__scs_overlays_trampoline_lowered:
0x8: {  	[smem:$0x3FA5] =	sst s0  }
0x9: {  	[smem:$0x3FA6] =	sst s1  }
0xa: {  	[smem:$0x3FA7] =	sst s2  }
0xb: {  	[smem:$0x3FA8] =	sst s3  }
0xc: {  	[smem:$0x3FA9] =	sst s4  }
0xd: {  	[smem:$0x3FAA] =	sst s5  }
0xe: {  	[smem:$0x3FAB] =	sst s6  }
0xf: {  	[smem:$0x3FAC] =	sst s7  }
0x10: {  	[smem:$0x3FAD] =	sst s8  }
0x11: {  	[smem:$0x3FAE] =	sst s9;
	s0 =	simm.s32 @!p0 $0x0  }
0x12: {  	s1 =	sld [smem:$0x3F94];
	s0 =	simm.s32 @p0 $0x1  }
0x13: {  	[smem:$0x3FAF] =	sst s0;
	s0 =	simm.s32 @!p1 $0x0  }
0x14: {  	s2 =	sld [smem:$0x3F93];
	s0 =	simm.s32 @p1 $0x1  }
0x15: {  	[smem:$0x3FB0] =	sst s0;
	s0 =	simm.s32 @!p2 $0x0  }
0x16: {  	s3 =	sld [smem:$0x3FDB];
	s0 =	simm.s32 @p2 $0x1  }
0x17: {  	s4 =	simm.s32 $0x1BF5;
	[smem:$0x3FB2] =	sst s0  }
0x18: {  	s0 =	sld [smem:$0x3F95];
	_ =	swait.ge [sflag:s4], $0x0  }
0x19: {  	s7 =	sld [smem:$0x3F96]  }
0x1a: {  	s8 =	sadd.s32 $0xFFFFE003, lr  }
0x1b: {  	s9 =	sadd.s32 $0xFFFFFEF7, lr;
	s5 =	simm.s32 $0xFFFFFFFF;
	p2 =	slt.u32 s8, $0xFFFFF086  }
0x1c: {  	p1 =	slt.u32 s9, $0xF7A;
	s5 =	simm.s32 @!p2 $0x0  }
0x1d: {  	s5 =	simm.s32 @p1 $0x1;
	p0 =	seq.s32 s7, s2  }
0x1e: {  	s7 =	smul.u32 @!p0 $0xF7A, s2;
	p2 =	seq.s32 @!p0 s5, $0x0  }
0x1f: {  	s9 =	smul.u32 $0xF7A, s1;
	s8 =	simm.s32 @!p0 $0x1BF5;
	p2 =	por !p2, p0  }
0x20: {  	[sflag:s8] =	ssyncset.s32 @!p0 $0xFFFFF086;
	s6 =	sadd.s32 @!p0 s3, s7;
	s7 =	simm.s32 @!p0 $0x108  }
0x21: {  	s3 =	sadd.s32 s3, s9;
	s6 =	sadd.s32 @!p0 $0x88, s6;
	s7 =	simm.s32 @p2 $0x1082  }
0x22: {  	[simem:s7], [sflag:s8] =	dma.local @!p0 [hbm:s6], $0xF7A  }
0x23: {  	s9 =	sor.u32 $0xD0000000, s2;
	s6 =	simm.s32 $0x108;
	_ =	swait.ge @!p0 [sflag:s8], $0x0  }
0x24: {  	s3 =	sadd.s32 $0x88, s3;
	s6 =	simm.s32 @!p1 $0x1082;
	[sflag:s4] =	ssyncset.s32 $0xFFFFF086  }
0x25: {  	[simem:s6], [sflag:s4] =	dma.local [hbm:s3], $0xF7A  }
0x26: {  	[smem:$0x3F96] =	sst s1;
	(tag) =	ssettag s2;
	_ =	strace s9  }
0x27: {  	s1 =	sld [smem:$0x3FA6]  }
0x28: {  	s2 =	sld [smem:$0x3FA7]  }
0x29: {  	s4 =	sld [smem:$0x3FA9]  }
0x2a: {  	p0 =	seq.s32 s5, $0x0;
	s5 =	sld [smem:$0x3FAA]  }
0x2b: {  	s6 =	sld [smem:$0x3FAB]  }
0x2c: {  	s7 =	sld [smem:$0x3FAC]  }
0x2d: {  	s3 =	simm.s32 $0x108;
	s8 =	sld [smem:$0x3FAD]  }
0x2e: {  	s3 =	simm.s32 @!p0 $0x1082;
	s9 =	sld [smem:$0x3FAE]  }
0x2f: {  	lr =	sadd.s32 s0, s3;
	s0 =	sld [smem:$0x3FA5]  }
0x30: {  	s3 =	sld [smem:$0x3FA8]  }
0x31: {  	[smem:$0x3FB1] =	sst s10  }
0x32: {  	s10 =	sld [smem:$0x3FAF];
	_ =	sdelay $0x3  }
0x33: {  	p0 =	seq.s32 s10, $0x1;
	s10 =	sld [smem:$0x3FB1];
	_ =	sdelay $0x3  }
0x34: {  	[smem:$0x3FB1] =	sst s10  }
0x35: {  	s10 =	sld [smem:$0x3FB0];
	_ =	sdelay $0x3  }
0x36: {  	p1 =	seq.s32 s10, $0x1;
	s10 =	sld [smem:$0x3FB1];
	_ =	sdelay $0x3  }
0x37: {  	[smem:$0x3FB1] =	sst s10  }
0x38: {  	s10 =	sld [smem:$0x3FB2]  }
0x39: {  	_ = 	snop;
	(pc) =	sbr.ind lr, $3  }
0x3a: {  	_ = 	snop  }
0x3b: {  	_ = 	snop  }
0x3c: {  	p2 =	seq.s32 s10, $0x1;
	s10 =	sld [smem:$0x3FB1]  }
0x3d: {  	_ =	shalt  }
0x3e: {  	_ =	shalt  }
0x3f: {  	_ =	shalt  }
0x40: {  	_ =	shalt  }
0x41: {  	_ =	shalt  }
0x42: {  	_ =	shalt  }
0x43: {  	_ =	shalt  }
0x44: {  	_ =	shalt  }
0x45: {  	_ =	shalt  }
0x46: {  	_ =	shalt  }
0x47: {  	_ =	shalt  }
0x48: {  	_ =	shalt  }
0x49: {  	_ =	shalt  }
0x4a: {  	_ =	shalt  }
0x4b: {  	_ =	shalt  }
0x4c: {  	_ =	shalt  }
0x4d: {  	_ =	shalt  }
0x4e: {  	_ =	shalt  }
0x4f: {  	_ =	shalt  }
0x50: {  	_ =	shalt  }
0x51: {  	_ =	shalt  }
0x52: {  	_ =	shalt  }
0x53: {  	_ =	shalt  }
0x54: {  	_ =	shalt  }
0x55: {  	_ =	shalt  }
0x56: {  	_ =	shalt  }
0x57: {  	_ =	shalt  }
0x58: {  	_ =	shalt  }
0x59: {  	_ =	shalt  }
0x5a: {  	_ =	shalt  }
0x5b: {  	_ =	shalt  }
0x5c: {  	_ =	shalt  }
0x5d: {  	_ =	shalt  }
0x5e: {  	_ =	shalt  }
0x5f: {  	_ =	shalt  }
0x60: {  	_ =	shalt  }
0x61: {  	_ =	shalt  }
0x62: {  	_ =	shalt  }
0x63: {  	_ =	shalt  }
0x64: {  	_ =	shalt  }
0x65: {  	_ =	shalt  }
0x66: {  	_ =	shalt  }
0x67: {  	_ =	shalt  }
0x68: {  	_ =	shalt  }
0x69: {  	_ =	shalt  }
0x6a: {  	_ =	shalt  }
0x6b: {  	_ =	shalt  }
0x6c: {  	_ =	shalt  }
0x6d: {  	_ =	shalt  }
0x6e: {  	_ =	shalt  }
0x6f: {  	_ =	shalt  }
0x70: {  	_ =	shalt  }
0x71: {  	_ =	shalt  }
0x72: {  	_ =	shalt  }
0x73: {  	_ =	shalt  }
0x74: {  	_ =	shalt  }
0x75: {  	_ =	shalt  }
0x76: {  	_ =	shalt  }
0x77: {  	_ =	shalt  }
0x78: {  	_ =	shalt  }
0x79: {  	_ =	shalt  }
0x7a: {  	_ =	shalt  }
0x7b: {  	_ =	shalt  }
0x7c: {  	_ =	shalt  }
0x7d: {  	_ =	shalt  }
0x7e: {  	_ =	shalt  }
0x7f: {  	_ =	shalt  }
0x80: {  	_ =	shalt  }
0x81: {  	_ =	shalt  }
0x82: {  	_ =	shalt  }
0x83: {  	_ =	shalt  }
0x84: {  	_ =	shalt  }
0x85: {  	_ =	shalt  }
0x86: {  	_ =	shalt  }
0x87: {  	_ =	shalt  }
.Lfunc_end0:
.L_simem_size_0:
called_computation.1_lowered:
.L_overlay_start_0:
0x88: {  	s2 =	sld [smem:$0x3FD9]  }
0x89: {  	s3 =	sld [smem:$0x3FFE];
	_ =	sdelay $0x1  }
0x8a: {  	s1 =	srdreg.scid  }
0x8b: {  	s0 =	sand.u32 $0x1, s1  }
0x8c: {  	s16 =	sshll.u32 s0, $0xA;
	s2 =	sadd.s32 s3, s2  }
0x8d: {  	s2 =	sadd.s32 s2, s16  }
0x8e: {  	[smem:$0x3FBD] =	sst s2  }
0x8f: {  	_ = 	snop  }
0x90: {  	(tm) =	ssettm $0x1  }
0x91: {  	s17 =	sld [smem:$0x3FFB];
	_ =	sdelay $0x3  }
0x92: {  	_ =	strace s17  }
0x93: {  	s2 =	sld [smem:$0x3FFC];
	_ =	sdelay $0x3  }
0x94: {  	_ =	strace s2  }
0x95: {  	s2 =	sld [smem:$0x3FFD];
	_ =	sdelay $0x3  }
0x96: {  	_ =	strace s2  }
0x97: {  	_ =	strace $0x8FFFFFFF  }
0x98: {  	s18 =	sld [smem:$0x3FDB];
	_ =	sdelay $0x1  }
0x99: {  	s19 =	simm.s32 $_scs_section_size  }
0x9a: {  	s4 =	simm.s32 $_size__tile_overlayer_lowered;
	s5 =	simm.s32 $_tile_overlayer_lowered  }
0x9b: {  	s22 =	simm.s32 $0x1BFF;
	s21 =	sshll.u32 s5, $0x1;
	s2 =	sadd.s32 s19, s18  }
0x9c: {  	s6 =	simm.s32 $0x0;
	s20 =	sshll.u32 s4, $0x1;
	s4 =	sadd.s32 s21, s2  }
0x9d: {  	[timem:s6], [sflag:s22] =	dma.local [hbm:s4], s20  }
0x9e: {  	_ =	swait.ge [sflag:s22], s20  }
0x9f: {  	s3 =	ssub.s32 $0x0, s20;
	[sflag:s22] =	ssyncset.done $0x0  }
0xa0: {  	[sflag:s22] =	ssyncadd.s32 s3;
	_ =	sdelay $0x1  }
0xa1: {  	s23 =	simm.s32 $0x1B8B  }
0xa2: {  	_ =	swait.ge [sflag:s23], $0x1  }
0xa3: {  	[sflag:s23] =	ssyncset.done $0x0  }
0xa4: {  	s25 =	simm.s32 $0x1B8E;
	s24 =	sld [smem:$0x3FFE];
	[sflag:s23] =	ssyncadd.s32 $0xFFFFFFFF  }
0xa5: {  	s26 =	simm.s32 $execute0_lowered;
	[smem:$0x3FD2] =	sst s25  }
0xa6: {  	s4 =	sshll.u32 s26, $0x1;
	_ =	strace $0x80000049;
	[dreg:$0x1] =	wrdreg $0xFFFFFFFF  }
0xa7: {  	s28 =	simm.s32 $_size_execute0_lowered;
	s2 =	sadd.s32 s2, s4;
	[dreg:$0x0] =	wrdreg $0x0  }
0xa8: {  	s4 =	sshll.u32 s28, $0x1;
	[dreg:$0x2] =	wrdreg s2  }
0xa9: {  	[dreg:$0x3] =	wrdreg s4  }
0xaa: {  	[dreg:$0x4] =	wrdreg $0xC0  }
0xab: {  	_ =	task [dreg:s6], $0x5FFFF  }
0xac: {  	[dreg:$0x1] =	wrdreg $0xFFFFFFFF  }
0xad: {  	[dreg:$0x0] =	wrdreg $0x60  }
0xae: {  	[dreg:$0x2] =	wrdreg s24  }
0xaf: {  	[dreg:$0x3] =	wrdreg $0xAC000  }
0xb0: {  	[dreg:$0x4] =	wrdreg $0x9  }
0xb1: {  	_ =	task.clear_ibuf [dreg:s6], $0x5FFFF;
	_ =	strace $0x90000049  }
0xb2: {  	s29 =	simm.s32 $0x9;
	_ =	strace $0x8000004B  }
0xb3: {  	_ =	swait.ge [sflag:s29], $0x1  }
0xb4: {  	[sflag:s29] =	ssyncadd.s32 $0xFFFFFFFF  }
0xb5: {  	_ =	strace $0x9000004B  }
0xb6: {  	_ =	sfence  }
0xb7: {  	s30 =	sld [smem:$0x0];
	_ =	sdelay $0x2  }
0xb8: {  	s31 =	sshll.u32 s1, $0xD;
	s1 =	sshrl.u32 s1, $0x2  }
0xb9: {  	s3 =	sand.u32 $0x4000, s31;
	s1 =	sadd.s32 s1, s30  }
0xba: {  	s0 =	sor.u32 s3, s0;
	s1 =	sshll.u32 s1, $0x11  }
0xbb: {  	s0 =	sor.u32 s1, s0  }
0xbc: {  	s0 =	sadd.s32 $0x8F2B, s0  }
0xbd: {  	[sflag:s0] =	ssyncadd.remote.s32 $0x1  }
0xbe: {  	_ =	sfence.sel $0xFFFF  }
0xbf: {  	[dreg:$0x0] =	wrdreg $0xFFFFFFFF;
	(pc) =	sbr.abs _section_cstart, $3  }
0xc0: {  	[dreg:$0x1] =	wrdreg $0xFFFFFFFF  }
0xc1: {  	_ =	task.clear_ibuf [dreg:s6], $0x2FFFF;
	_ =	strace $0x9FFFFFFF  }
0xc2: {  	(tm) =	ssettm $0x7FFFFFFF  }
0xc3: {  	_ =	shalt  }
tec
execute0_lowered:
.L_overlay_start_1:
0x0: {  	(tag) =	ssettag $0x1  }
0x1: {  	s0 =	rddreg [dreg:$0x0]  }
0x2: {  	s1 =	rddreg [dreg:$0x1];
	s3 =	simm.s32 $0x0  }
0x3: {  	s2 =	srdreg.scid;
	s10 =	stileid.u32;
	s16 =	simm.s32 $0x80  }
0x4: {  	s18 =	simm.s32 $0x2800;
	s19 =	simm.s32 $0x3;
	s20 =	simm.s32 $0xA880  }
0x5: {  	s21 =	simm.s32 $0xA900;
	s22 =	simm.s32 $0xA980;
	s23 =	simm.s32 $0xAA00  }
0x6: {  	s28 =	simm.s32 $0x2;
	s29 =	simm.s32 $0x1380;
	s30 =	simm.s32 $0x2700  }
0x7: {  	s31 =	simm.s32 $0x2780;
	[smem:$0x7FF] =	sst s3;
	s2 =	sand.u32 $0x1, s2  }
0x8: {  	s4 =	smul.u32 $0x280, s10;
	s5 =	sadd.s32 $0xC600, s0;
	s7 =	sshll.u32 s2, $0x4  }
0x9: {  	s8 =	sadd.s32 $0x5C600, s0;
	s6 =	smul.u32 $0x2800, s2;
	s7 =	sor.u32 s10, s7  }
0xa: {  	s9 =	sadd.s32 $0x2600, s0;
	s2 =	ssub.s32 $0x2, s2;
	s10 =	smul.u32 $0x2800, s7  }
0xb: {  	s11 =	sshrl.u32 s2, $0x1;
	s6 =	sadd.s32 s4, s6;
	s7 =	smul.u32 $0x500, s7  }
0xc: {  	_ =	strace $0x8000004A;
	s2 =	ssub.s32 s2, s11;
	s6 =	sshll.u32 s6, $0x4  }
0xd: {  	s15 =	smax.u32 s2, $0x1;
	s0 =	sadd.s32 s6, s0;
	s25 =	sadd.s32 s8, s7  }
0xe: {  	s24 =	sshrl.u32 s10, $0x3;
	s7 =	sadd.s32 s9, s7;
	[dreg:$0x3] =	wrdreg s25  }
0xf: {  	[dreg:$0x4] =	wrdreg s7;
	s6 =	sadd.s32 $0x280, s24;
	s10 =	sadd.s32 $0x7A600, s0  }
0x10: {  	s11 =	sadd.s32 $0x7AE00, s0;
	s12 =	sadd.s32 $0x7B600, s0;
	s13 =	sadd.s32 $0x7BE00, s0  }
0x11: {  	s14 =	sadd.s32 $0x7C600, s0;
	s24 =	simm.s32 $0x1400;
	s26 =	sadd.s32 s8, s6  }
0x12: {  	s25 =	simm.s32 $0x6800;
	s6 =	sadd.s32 s9, s6;
	[dreg:$0x5] =	wrdreg s26  }
0x13: {  	v0 =	vlaneseq.u32;
	v1 =	vimm.f32 $0.0e+00;
	s0 =	simm.s32 $0x0;
	[dreg:$0x6] =	wrdreg s6;
	s26 =	simm.s32 $0x1  }
.LBB2_1:
0x14: {  	s6 =	sadd.s32 $0x0, s4  }
0x15: {  	s7 =	sadd.s32 $0x70, s6  }
0x16: {  	s2 =	simm.s32 $0xA840;
	s8 =	sadd.s32 $0x10, s6;
	v2 =	vor.u32 s7, v0  }
0x17: {  	s9 =	sadd.s32 $0x20, s6;
	v3 =	vor.u32 s8, v0;
	[tilespmem:s2+$0x30] =	vst v2  }
0x18: {  	s17 =	sadd.s32 $0x30, s6;
	v2 =	vor.u32 s9, v0;
	[tilespmem:s2+$0xFFFFFFD0] =	vst v3  }
0x19: {  	s8 =	sadd.s32 $0x40, s6;
	v3 =	vor.u32 s17, v0;
	[tilespmem:s2+$0xFFFFFFE0] =	vst v2  }
0x1a: {  	s9 =	sadd.s32 $0x50, s6;
	v2 =	vor.u32 s8, v0;
	[tilespmem:s2+$0xFFFFFFF0] =	vst v3  }
0x1b: {  	s17 =	sadd.s32 $0x60, s6;
	v4 =	vor.u32 s9, v0;
	[tilespmem:s2+$0x0] =	vst v2  }
0x1c: {  	s7 =	simm.s32 $0x100;
	v3 =	vor.u32 s17, v0;
	v2 =	vor.u32 s6, v0;
	s6 =	sadd.s32 $0x80, s4;
	[tilespmem:s2+$0x10] =	vst v4  }
.LBB2_2:
0x1d: {  	p0 =	sne.s32 s7, $0x200;
	v4 =	vor.u32 s6, v0;
	s8 =	sadd.s32 $0x10, s6;
	s9 =	sadd.s32 $0x70, s6;
	[tilespmem:s2+$0x20] =	vst v3  }
0x1e: {  	s17 =	sadd.s32 $0x30, s6;
	v3 =	vor.u32 s8, v0;
	s8 =	sadd.s32 $0x20, s6;
	v5 =	vor.u32 s9, v0;
	[tilespmem:s2+$0xFFFFFFC0] =	vst v2;
	s2 =	sadd.s32 $0x80, s2;
	v2 =	vmov v4  }
0x1f: {  	v6 =	vor.u32 s17, v0;
	s9 =	sadd.s32 $0x50, s6;
	v4 =	vor.u32 s8, v0;
	s8 =	sadd.s32 $0x40, s6;
	s6 =	sadd.s32 $0x60, s6;
	[tilespmem:s2+$0x30] =	vst v5  }
.Ltmp0:
0x20: {  	v7 =	vor.u32 s9, v0;
	[tilespmem:s2+$0xFFFFFFD0] =	vst v3;
	v5 =	vor.u32 s8, v0;
	v3 =	vor.u32 s6, v0;
	(pc) =	sbr.rel @p0 .LBB2_2-.Ltmp0, $4  }
0x21: {  	[tilespmem:s2+$0xFFFFFFE0] =	vst v4  }
0x22: {  	[tilespmem:s2+$0xFFFFFFF0] =	vst v6  }
0x23: {  	[tilespmem:s2+$0x0] =	vst v5  }
0x24: {  	s6 =	sadd.s32 s7, s4;
	s7 =	sadd.s32 $0x80, s7;
	[tilespmem:s2+$0x10] =	vst v7  }
0x25: {  	s7 =	sadd.s32 $0x70, s6;
	[tilespmem:s2+$0x20] =	vst v3  }
0x26: {  	s8 =	sadd.s32 $0x10, s6;
	[tilespmem:s2+$0xFFFFFFC0] =	vst v2;
	s2 =	sadd.s32 $0x80, s2;
	v3 =	vor.u32 s7, v0  }
0x27: {  	s9 =	sadd.s32 $0x20, s6;
	v2 =	vor.u32 s8, v0;
	[tilespmem:s2+$0x30] =	vst v3  }
0x28: {  	s17 =	sadd.s32 $0x30, s6;
	v3 =	vor.u32 s9, v0;
	[tilespmem:s2+$0xFFFFFFD0] =	vst v2  }
0x29: {  	s8 =	sadd.s32 $0x40, s6;
	v2 =	vor.u32 s17, v0;
	[tilespmem:s2+$0xFFFFFFE0] =	vst v3  }
0x2a: {  	s9 =	sadd.s32 $0x50, s6;
	v3 =	vor.u32 s8, v0;
	[tilespmem:s2+$0xFFFFFFF0] =	vst v2  }
0x2b: {  	s17 =	sadd.s32 $0x60, s6;
	v2 =	vor.u32 s9, v0;
	[tilespmem:s2+$0x0] =	vst v3  }
0x2c: {  	v3 =	vor.u32 s17, v0;
	[tilespmem:s2+$0x10] =	vst v2  }
0x2d: {  	v2 =	vor.u32 s6, v0;
	[tilespmem:s2+$0x20] =	vst v3  }
0x2e: {  	s6 =	simm.s32 $0x200;
	[tilespmem:s2+$0xFFFFFFC0] =	vst v2;
	s2 =	simm.s32 $0x0  }
.LBB2_4:
0x2f: {  	p0 =	sne.s32 s6, $0xFE00;
	[tilespmem:s2+$0x2870] =	vst v1  }
0x30: {  	[tilespmem:s2+$0x2800] =	vst v1  }
0x31: {  	[tilespmem:s2+$0x2810] =	vst v1  }
.Ltmp1:
0x32: {  	[tilespmem:s2+$0x2820] =	vst v1;
	(pc) =	sbr.rel @p0 .LBB2_4-.Ltmp1, $4  }
0x33: {  	[tilespmem:s2+$0x2830] =	vst v1  }
0x34: {  	[tilespmem:s2+$0x2840] =	vst v1  }
0x35: {  	[tilespmem:s2+$0x2850] =	vst v1  }
0x36: {  	[tilespmem:s2+$0x2860] =	vst v1;
	s2 =	sshra.s32 s6, $0x2;
	s6 =	sadd.s32 $0x200, s6  }
0x37: {  	[tilespmem:s2+$0x2870] =	vst v1  }
0x38: {  	[tilespmem:s2+$0x2800] =	vst v1  }
0x39: {  	[tilespmem:s2+$0x2810] =	vst v1  }
0x3a: {  	[tilespmem:s2+$0x2820] =	vst v1  }
0x3b: {  	[tilespmem:s2+$0x2830] =	vst v1  }
0x3c: {  	[tilespmem:s2+$0x2840] =	vst v1  }
0x3d: {  	[tilespmem:s2+$0x2850] =	vst v1  }
0x3e: {  	[tilespmem:s2+$0x2860] =	vst v1;
	s17 =	simm.s32 $0xA800  }
0x3f: {  	[spmem:s1] =	stream.indirect.scatter [tilespmem:s18], [sflag:$0x3], $0x80, s17, s16, $0xb8;
	[tilespmem:$0x1EC00] =	vst v63  }
0x40: {  	_ =	swait.ge [sflag:s19], $0x4000  }
0x41: {  	[sflag:s19] =	ssyncset.done $0x0  }
0x42: {  	[sflag:s19] =	ssyncadd.s32 $0xFFFFC000  }
0x43: {  	[spmem:s1] =	stream.indirect.scatter [tilespmem:s18], [sflag:$0x3], $0x80, s20, s16, $0xb8;
	[tilespmem:$0x1EC00] =	vst v63  }
0x44: {  	_ =	swait.ge [sflag:s19], $0x4000  }
0x45: {  	[sflag:s19] =	ssyncset.done $0x0  }
0x46: {  	[sflag:s19] =	ssyncadd.s32 $0xFFFFC000  }
0x47: {  	[spmem:s1] =	stream.indirect.scatter [tilespmem:s18], [sflag:$0x3], $0x80, s21, s16, $0xb8;
	[tilespmem:$0x1EC00] =	vst v63  }
0x48: {  	_ =	swait.ge [sflag:s19], $0x4000  }
0x49: {  	[sflag:s19] =	ssyncset.done $0x0  }
0x4a: {  	[sflag:s19] =	ssyncadd.s32 $0xFFFFC000  }
0x4b: {  	[spmem:s1] =	stream.indirect.scatter [tilespmem:s18], [sflag:$0x3], $0x80, s22, s16, $0xb8;
	[tilespmem:$0x1EC00] =	vst v63  }
0x4c: {  	_ =	swait.ge [sflag:s19], $0x4000  }
0x4d: {  	[sflag:s19] =	ssyncset.done $0x0  }
0x4e: {  	[sflag:s19] =	ssyncadd.s32 $0xFFFFC000  }
0x4f: {  	[spmem:s1] =	stream.indirect.scatter [tilespmem:s18], [sflag:$0x3], $0x80, s23, s16, $0xb8;
	[tilespmem:$0x1EC00] =	vst v63  }
0x50: {  	_ =	swait.ge [sflag:s19], $0x4000  }
0x51: {  	[sflag:s19] =	ssyncset.done $0x0  }
0x52: {  	[sflag:s19] =	ssyncadd.s32 $0xFFFFC000  }
0x53: {  	[bflag:$0x0] =	sbarrier.arrive $0xFFFF  }
0x54: {  	s8 =	simm.s32 $0x0;
	s6 =	rddreg [dreg:$0x3]  }
0x55: {  	[tilespmem:s8], [sflag:$0x3] =	stream.linear.gather [hbm4b:s6+s8], $0x1400, $0x38;
	[tilespmem:$0x1EC00] =	vst v63  }
0x56: {  	_ =	swait.ge [sflag:s19], $0x1400  }
0x57: {  	[sflag:s19] =	ssyncset.done $0x0  }
0x58: {  	s9 =	rddreg [dreg:$0x4];
	[sflag:s19] =	ssyncadd.s32 $0xFFFFEC00  }
0x59: {  	[tilespmem:s24], [sflag:$0x3] =	stream.linear.gather [hbm4b:s9+s8], $0x1400, $0x38;
	[tilespmem:$0x1EC00] =	vst v63  }
0x5a: {  	_ =	swait.ge [sflag:s19], $0x1400  }
0x5b: {  	[sflag:s19] =	ssyncset.done $0x0  }
0x5c: {  	[sflag:s19] =	ssyncadd.s32 $0xFFFFEC00  }
0x5d: {  	[tilespmem:s18], [sflag:$0x1] =	stream.indirect.gather [hbm4b:s5+s16], $0x80, s8, s16, $0xb8;
	[tilespmem:$0x1EC00] =	vst v63  }
0x5e: {  	s6 =	simm.s32 $0x80  }
0x5f: {  	[tilespmem:s25], [sflag:$0x2] =	stream.indirect.gather [hbm4b:s5+s16], $0x80, s6, s16, $0xb8;
	[tilespmem:$0x1EC00] =	vst v63  }
0x60: {  	_ =	swait.ge [sflag:s26], $0x4000  }
0x61: {  	[sflag:s26] =	ssyncset.done $0x0  }
0x62: {  	s7 =	simm.s32 $0x1400;
	[sflag:s26] =	ssyncadd.s32 $0xFFFFC000  }
0x63: {  	[spmem:s1] =	stream.indirect.scatter.add.f32 [tilespmem:s18], [sflag:$0x3], $0x80, s7, s16, $0xb8;
	[tilespmem:$0x1EC00] =	vst v63  }
0x64: {  	_ =	swait.ge [sflag:s19], $0x4000  }
0x65: {  	[sflag:s19] =	ssyncset.done $0x0  }
0x66: {  	s8 =	simm.s32 $0x100;
	[sflag:s19] =	ssyncadd.s32 $0xFFFFC000  }
0x67: {  	[tilespmem:s18], [sflag:$0x1] =	stream.indirect.gather [hbm4b:s5+s16], $0x80, s8, s16, $0xb8;
	[tilespmem:$0x1EC00] =	vst v63  }
0x68: {  	_ =	swait.ge [sflag:s28], $0x4000  }
0x69: {  	[sflag:s28] =	ssyncset.done $0x0  }
0x6a: {  	s9 =	simm.s32 $0x1480;
	[sflag:s28] =	ssyncadd.s32 $0xFFFFC000  }
0x6b: {  	[spmem:s1] =	stream.indirect.scatter.add.f32 [tilespmem:s25], [sflag:$0x3], $0x80, s9, s16, $0xb8;
	[tilespmem:$0x1EC00] =	vst v63  }
0x6c: {  	_ =	swait.ge [sflag:s19], $0x4000  }
0x6d: {  	s2 =	simm.s32 $0x100;
	s6 =	simm.s32 $0x800;
	[sflag:s19] =	ssyncset.done $0x0  }
.LBB2_6:
0x6e: {  	s7 =	sadd.s32 $0x80, s2  }
0x6f: {  	[sflag:s19] =	ssyncadd.s32 $0xFFFFC000;
	s8 =	smov.u32 s6;
	s9 =	sadd.s32 $0x400, s6  }
0x70: {  	[tilespmem:s25], [sflag:$0x2] =	stream.indirect.gather [hbm4b:s5+s16], $0x80, s7, s16, $0xb8;
	[tilespmem:$0x1EC00] =	vst v63  }
0x71: {  	p0 =	sne.s32 s6, $0x4800;
	_ =	swait.ge [sflag:s26], $0x4000  }
0x72: {  	[sflag:s26] =	ssyncset.done $0x0  }
0x73: {  	s6 =	sadd.s32 $0x1400, s2;
	[sflag:s26] =	ssyncadd.s32 $0xFFFFC000  }
0x74: {  	[spmem:s1] =	stream.indirect.scatter.add.f32 [tilespmem:s18], [sflag:$0x3], $0x80, s6, s16, $0xb8;
	[tilespmem:$0x1EC00] =	vst v63  }
0x75: {  	_ =	swait.ge [sflag:s19], $0x4000  }
0x76: {  	[sflag:s19] =	ssyncset.done $0x0  }
0x77: {  	s6 =	sadd.s32 $0x100, s2;
	[sflag:s19] =	ssyncadd.s32 $0xFFFFC000  }
0x78: {  	[tilespmem:s18], [sflag:$0x1] =	stream.indirect.gather [hbm4b:s5+s16], $0x80, s6, s16, $0xb8;
	[tilespmem:$0x1EC00] =	vst v63  }
0x79: {  	_ =	swait.ge [sflag:s28], $0x4000  }
.Ltmp2:
0x7a: {  	[sflag:s28] =	ssyncset.done $0x0;
	(pc) =	sbr.rel @p0 .LBB2_6-.Ltmp2, $4  }
0x7b: {  	s2 =	sadd.s32 $0x1480, s2;
	[sflag:s28] =	ssyncadd.s32 $0xFFFFC000  }
0x7c: {  	[spmem:s1] =	stream.indirect.scatter.add.f32 [tilespmem:s25], [sflag:$0x3], $0x80, s2, s16, $0xb8;
	[tilespmem:$0x1EC00] =	vst v63  }
0x7d: {  	_ =	swait.ge [sflag:s19], $0x4000  }
0x7e: {  	s6 =	smov.u32 s9;
	s2 =	sshra.s32 s8, $0x2;
	[sflag:s19] =	ssyncset.done $0x0  }
0x7f: {  	s6 =	sadd.s32 $0x80, s2;
	[sflag:s19] =	ssyncadd.s32 $0xFFFFC000  }
0x80: {  	[tilespmem:s25], [sflag:$0x2] =	stream.indirect.gather [hbm4b:s5+s16], $0x80, s6, s16, $0xb8;
	[tilespmem:$0x1EC00] =	vst v63  }
0x81: {  	_ =	swait.ge [sflag:s26], $0x4000  }
0x82: {  	[sflag:s26] =	ssyncset.done $0x0  }
0x83: {  	s8 =	sadd.s32 $0x1400, s2;
	[sflag:s26] =	ssyncadd.s32 $0xFFFFC000  }
0x84: {  	[spmem:s1] =	stream.indirect.scatter.add.f32 [tilespmem:s18], [sflag:$0x3], $0x80, s8, s16, $0xb8;
	[tilespmem:$0x1EC00] =	vst v63  }
0x85: {  	_ =	swait.ge [sflag:s19], $0x4000  }
0x86: {  	[sflag:s19] =	ssyncset.done $0x0  }
0x87: {  	s9 =	sadd.s32 $0x100, s2;
	[sflag:s19] =	ssyncadd.s32 $0xFFFFC000  }
0x88: {  	[tilespmem:s18], [sflag:$0x1] =	stream.indirect.gather [hbm4b:s5+s16], $0x80, s9, s16, $0xb8;
	[tilespmem:$0x1EC00] =	vst v63  }
0x89: {  	_ =	swait.ge [sflag:s28], $0x4000  }
0x8a: {  	[sflag:s28] =	ssyncset.done $0x0  }
0x8b: {  	s6 =	sadd.s32 $0x1480, s2;
	[sflag:s28] =	ssyncadd.s32 $0xFFFFC000  }
0x8c: {  	[spmem:s1] =	stream.indirect.scatter.add.f32 [tilespmem:s25], [sflag:$0x3], $0x80, s6, s16, $0xb8;
	[tilespmem:$0x1EC00] =	vst v63  }
0x8d: {  	_ =	swait.ge [sflag:s19], $0x4000  }
0x8e: {  	[sflag:s19] =	ssyncset.done $0x0  }
0x8f: {  	[sflag:s19] =	ssyncadd.s32 $0xFFFFC000  }
0x90: {  	[tilespmem:s25], [sflag:$0x2] =	stream.indirect.gather [hbm4b:s5+s16], $0x80, s29, s16, $0xb8;
	[tilespmem:$0x1EC00] =	vst v63  }
0x91: {  	_ =	swait.ge [sflag:s26], $0x4000  }
0x92: {  	[sflag:s26] =	ssyncset.done $0x0  }
0x93: {  	[sflag:s26] =	ssyncadd.s32 $0xFFFFC000  }
0x94: {  	[spmem:s1] =	stream.indirect.scatter.add.f32 [tilespmem:s18], [sflag:$0x3], $0x80, s30, s16, $0xb8;
	[tilespmem:$0x1EC00] =	vst v63  }
0x95: {  	_ =	swait.ge [sflag:s19], $0x4000  }
0x96: {  	[sflag:s19] =	ssyncset.done $0x0  }
0x97: {  	[sflag:s19] =	ssyncadd.s32 $0xFFFFC000  }
0x98: {  	_ =	swait.ge [sflag:s28], $0x4000  }
0x99: {  	[sflag:s28] =	ssyncset.done $0x0  }
0x9a: {  	[sflag:s28] =	ssyncadd.s32 $0xFFFFC000  }
0x9b: {  	[spmem:s1] =	stream.indirect.scatter.add.f32 [tilespmem:s25], [sflag:$0x3], $0x80, s31, s16, $0xb8;
	[tilespmem:$0x1EC00] =	vst v63  }
0x9c: {  	_ =	swait.ge [sflag:s19], $0x4000  }
0x9d: {  	[sflag:s19] =	ssyncset.done $0x0  }
0x9e: {  	s7 =	simm.s32 $0x0;
	s8 =	rddreg [dreg:$0x5];
	[sflag:s19] =	ssyncadd.s32 $0xFFFFC000  }
0x9f: {  	[tilespmem:s7], [sflag:$0x3] =	stream.linear.gather [hbm4b:s8+s7], $0x1400, $0x38;
	[tilespmem:$0x1EC00] =	vst v63  }
0xa0: {  	_ =	swait.ge [sflag:s19], $0x1400  }
0xa1: {  	[sflag:s19] =	ssyncset.done $0x0  }
0xa2: {  	s9 =	rddreg [dreg:$0x6];
	[sflag:s19] =	ssyncadd.s32 $0xFFFFEC00  }
0xa3: {  	[tilespmem:s24], [sflag:$0x3] =	stream.linear.gather [hbm4b:s9+s7], $0x1400, $0x38;
	[tilespmem:$0x1EC00] =	vst v63  }
0xa4: {  	_ =	swait.ge [sflag:s19], $0x1400  }
0xa5: {  	[sflag:s19] =	ssyncset.done $0x0  }
0xa6: {  	[sflag:s19] =	ssyncadd.s32 $0xFFFFEC00  }
0xa7: {  	[tilespmem:s18], [sflag:$0x1] =	stream.indirect.gather [hbm4b:s5+s16], $0x80, s7, s16, $0xb8;
	[tilespmem:$0x1EC00] =	vst v63  }
0xa8: {  	s6 =	simm.s32 $0x80  }
0xa9: {  	[tilespmem:s25], [sflag:$0x2] =	stream.indirect.gather [hbm4b:s5+s16], $0x80, s6, s16, $0xb8;
	[tilespmem:$0x1EC00] =	vst v63  }
0xaa: {  	_ =	swait.ge [sflag:s26], $0x4000  }
0xab: {  	[sflag:s26] =	ssyncset.done $0x0  }
0xac: {  	s7 =	simm.s32 $0x1400;
	[sflag:s26] =	ssyncadd.s32 $0xFFFFC000  }
0xad: {  	[spmem:s1] =	stream.indirect.scatter.add.f32 [tilespmem:s18], [sflag:$0x3], $0x80, s7, s16, $0xb8;
	[tilespmem:$0x1EC00] =	vst v63  }
0xae: {  	_ =	swait.ge [sflag:s19], $0x4000  }
0xaf: {  	[sflag:s19] =	ssyncset.done $0x0  }
0xb0: {  	s8 =	simm.s32 $0x100;
	[sflag:s19] =	ssyncadd.s32 $0xFFFFC000  }
0xb1: {  	[tilespmem:s18], [sflag:$0x1] =	stream.indirect.gather [hbm4b:s5+s16], $0x80, s8, s16, $0xb8;
	[tilespmem:$0x1EC00] =	vst v63  }
0xb2: {  	_ =	swait.ge [sflag:s28], $0x4000  }
0xb3: {  	[sflag:s28] =	ssyncset.done $0x0  }
0xb4: {  	s9 =	simm.s32 $0x1480;
	[sflag:s28] =	ssyncadd.s32 $0xFFFFC000  }
0xb5: {  	[spmem:s1] =	stream.indirect.scatter.add.f32 [tilespmem:s25], [sflag:$0x3], $0x80, s9, s16, $0xb8;
	[tilespmem:$0x1EC00] =	vst v63  }
0xb6: {  	_ =	swait.ge [sflag:s19], $0x4000  }
0xb7: {  	s2 =	simm.s32 $0x100;
	s6 =	simm.s32 $0x800;
	[sflag:s19] =	ssyncset.done $0x0  }
.LBB2_8:
0xb8: {  	s7 =	sadd.s32 $0x80, s2  }
0xb9: {  	[sflag:s19] =	ssyncadd.s32 $0xFFFFC000;
	s8 =	smov.u32 s6;
	s9 =	sadd.s32 $0x400, s6  }
0xba: {  	[tilespmem:s25], [sflag:$0x2] =	stream.indirect.gather [hbm4b:s5+s16], $0x80, s7, s16, $0xb8;
	[tilespmem:$0x1EC00] =	vst v63  }
0xbb: {  	p0 =	sne.s32 s6, $0x4800;
	_ =	swait.ge [sflag:s26], $0x4000  }
0xbc: {  	[sflag:s26] =	ssyncset.done $0x0  }
0xbd: {  	s6 =	sadd.s32 $0x1400, s2;
	[sflag:s26] =	ssyncadd.s32 $0xFFFFC000  }
0xbe: {  	[spmem:s1] =	stream.indirect.scatter.add.f32 [tilespmem:s18], [sflag:$0x3], $0x80, s6, s16, $0xb8;
	[tilespmem:$0x1EC00] =	vst v63  }
0xbf: {  	_ =	swait.ge [sflag:s19], $0x4000  }
0xc0: {  	[sflag:s19] =	ssyncset.done $0x0  }
0xc1: {  	s6 =	sadd.s32 $0x100, s2;
	[sflag:s19] =	ssyncadd.s32 $0xFFFFC000  }
0xc2: {  	[tilespmem:s18], [sflag:$0x1] =	stream.indirect.gather [hbm4b:s5+s16], $0x80, s6, s16, $0xb8;
	[tilespmem:$0x1EC00] =	vst v63  }
0xc3: {  	_ =	swait.ge [sflag:s28], $0x4000  }
.Ltmp3:
0xc4: {  	[sflag:s28] =	ssyncset.done $0x0;
	(pc) =	sbr.rel @p0 .LBB2_8-.Ltmp3, $4  }
0xc5: {  	s2 =	sadd.s32 $0x1480, s2;
	[sflag:s28] =	ssyncadd.s32 $0xFFFFC000  }
0xc6: {  	[spmem:s1] =	stream.indirect.scatter.add.f32 [tilespmem:s25], [sflag:$0x3], $0x80, s2, s16, $0xb8;
	[tilespmem:$0x1EC00] =	vst v63  }
0xc7: {  	_ =	swait.ge [sflag:s19], $0x4000  }
0xc8: {  	s6 =	smov.u32 s9;
	s2 =	sshra.s32 s8, $0x2;
	[sflag:s19] =	ssyncset.done $0x0  }
0xc9: {  	s6 =	sadd.s32 $0x80, s2;
	[sflag:s19] =	ssyncadd.s32 $0xFFFFC000  }
0xca: {  	[tilespmem:s25], [sflag:$0x2] =	stream.indirect.gather [hbm4b:s5+s16], $0x80, s6, s16, $0xb8;
	[tilespmem:$0x1EC00] =	vst v63  }
0xcb: {  	_ =	swait.ge [sflag:s26], $0x4000  }
0xcc: {  	[sflag:s26] =	ssyncset.done $0x0  }
0xcd: {  	s7 =	sadd.s32 $0x1400, s2;
	[sflag:s26] =	ssyncadd.s32 $0xFFFFC000  }
0xce: {  	[spmem:s1] =	stream.indirect.scatter.add.f32 [tilespmem:s18], [sflag:$0x3], $0x80, s7, s16, $0xb8;
	[tilespmem:$0x1EC00] =	vst v63  }
0xcf: {  	_ =	swait.ge [sflag:s19], $0x4000  }
0xd0: {  	[sflag:s19] =	ssyncset.done $0x0  }
0xd1: {  	s8 =	sadd.s32 $0x100, s2;
	[sflag:s19] =	ssyncadd.s32 $0xFFFFC000  }
0xd2: {  	[tilespmem:s18], [sflag:$0x1] =	stream.indirect.gather [hbm4b:s5+s16], $0x80, s8, s16, $0xb8;
	[tilespmem:$0x1EC00] =	vst v63  }
0xd3: {  	_ =	swait.ge [sflag:s28], $0x4000  }
0xd4: {  	[sflag:s28] =	ssyncset.done $0x0  }
0xd5: {  	s9 =	sadd.s32 $0x1480, s2;
	[sflag:s28] =	ssyncadd.s32 $0xFFFFC000  }
0xd6: {  	[spmem:s1] =	stream.indirect.scatter.add.f32 [tilespmem:s25], [sflag:$0x3], $0x80, s9, s16, $0xb8;
	[tilespmem:$0x1EC00] =	vst v63  }
0xd7: {  	_ =	swait.ge [sflag:s19], $0x4000  }
0xd8: {  	[sflag:s19] =	ssyncset.done $0x0  }
0xd9: {  	[sflag:s19] =	ssyncadd.s32 $0xFFFFC000  }
0xda: {  	[tilespmem:s25], [sflag:$0x2] =	stream.indirect.gather [hbm4b:s5+s16], $0x80, s29, s16, $0xb8;
	[tilespmem:$0x1EC00] =	vst v63  }
0xdb: {  	_ =	swait.ge [sflag:s26], $0x4000  }
0xdc: {  	[sflag:s26] =	ssyncset.done $0x0  }
0xdd: {  	[sflag:s26] =	ssyncadd.s32 $0xFFFFC000  }
0xde: {  	[spmem:s1] =	stream.indirect.scatter.add.f32 [tilespmem:s18], [sflag:$0x3], $0x80, s30, s16, $0xb8;
	[tilespmem:$0x1EC00] =	vst v63  }
0xdf: {  	_ =	swait.ge [sflag:s19], $0x4000  }
0xe0: {  	[sflag:s19] =	ssyncset.done $0x0  }
0xe1: {  	[sflag:s19] =	ssyncadd.s32 $0xFFFFC000  }
0xe2: {  	_ =	swait.ge [sflag:s28], $0x4000  }
0xe3: {  	[sflag:s28] =	ssyncset.done $0x0  }
0xe4: {  	[sflag:s28] =	ssyncadd.s32 $0xFFFFC000  }
0xe5: {  	[spmem:s1] =	stream.indirect.scatter.add.f32 [tilespmem:s25], [sflag:$0x3], $0x80, s31, s16, $0xb8;
	[tilespmem:$0x1EC00] =	vst v63  }
0xe6: {  	_ =	swait.ge [sflag:s19], $0x4000  }
0xe7: {  	[sflag:s19] =	ssyncset.done $0x0  }
0xe8: {  	[sflag:s19] =	ssyncadd.s32 $0xFFFFC000  }
0xe9: {  	[bflag:$0x0] =	sbarrier.arrive $0xFFFF  }
0xea: {  	[tilespmem:s18], [sflag:$0x3] =	stream.indirect.gather [spmem:s1], $0x80, s17, s16, $0xb8;
	[tilespmem:$0x1EC00] =	vst v63  }
0xeb: {  	_ =	swait.ge [sflag:s19], $0x4000  }
0xec: {  	[sflag:s19] =	ssyncset.done $0x0  }
0xed: {  	[sflag:s19] =	ssyncadd.s32 $0xFFFFC000  }
0xee: {  	[hbm4b:s10+s3] =	stream.linear.scatter [tilespmem:s18], [sflag:$0x3], $0x4000, $0x38;
	[tilespmem:$0x1EC00] =	vst v63  }
0xef: {  	_ =	swait.ge [sflag:s19], $0x4000  }
0xf0: {  	[sflag:s19] =	ssyncset.done $0x0  }
0xf1: {  	[sflag:s19] =	ssyncadd.s32 $0xFFFFC000  }
0xf2: {  	[tilespmem:s18], [sflag:$0x3] =	stream.indirect.gather [spmem:s1], $0x80, s20, s16, $0xb8;
	[tilespmem:$0x1EC00] =	vst v63  }
0xf3: {  	_ =	swait.ge [sflag:s19], $0x4000  }
0xf4: {  	[sflag:s19] =	ssyncset.done $0x0  }
0xf5: {  	[sflag:s19] =	ssyncadd.s32 $0xFFFFC000  }
0xf6: {  	[hbm4b:s11+s3] =	stream.linear.scatter [tilespmem:s18], [sflag:$0x3], $0x4000, $0x38;
	[tilespmem:$0x1EC00] =	vst v63  }
0xf7: {  	_ =	swait.ge [sflag:s19], $0x4000  }
0xf8: {  	[sflag:s19] =	ssyncset.done $0x0  }
0xf9: {  	[sflag:s19] =	ssyncadd.s32 $0xFFFFC000  }
0xfa: {  	[tilespmem:s18], [sflag:$0x3] =	stream.indirect.gather [spmem:s1], $0x80, s21, s16, $0xb8;
	[tilespmem:$0x1EC00] =	vst v63  }
0xfb: {  	_ =	swait.ge [sflag:s19], $0x4000  }
0xfc: {  	[sflag:s19] =	ssyncset.done $0x0  }
0xfd: {  	[sflag:s19] =	ssyncadd.s32 $0xFFFFC000  }
0xfe: {  	[hbm4b:s12+s3] =	stream.linear.scatter [tilespmem:s18], [sflag:$0x3], $0x4000, $0x38;
	[tilespmem:$0x1EC00] =	vst v63  }
0xff: {  	_ =	swait.ge [sflag:s19], $0x4000  }
0x100: {  	[sflag:s19] =	ssyncset.done $0x0  }
0x101: {  	[sflag:s19] =	ssyncadd.s32 $0xFFFFC000  }
0x102: {  	[tilespmem:s18], [sflag:$0x3] =	stream.indirect.gather [spmem:s1], $0x80, s22, s16, $0xb8;
	[tilespmem:$0x1EC00] =	vst v63  }
0x103: {  	_ =	swait.ge [sflag:s19], $0x4000  }
0x104: {  	[sflag:s19] =	ssyncset.done $0x0  }
0x105: {  	[sflag:s19] =	ssyncadd.s32 $0xFFFFC000  }
0x106: {  	[hbm4b:s13+s3] =	stream.linear.scatter [tilespmem:s18], [sflag:$0x3], $0x4000, $0x38;
	[tilespmem:$0x1EC00] =	vst v63  }
0x107: {  	_ =	swait.ge [sflag:s19], $0x4000  }
0x108: {  	[sflag:s19] =	ssyncset.done $0x0  }
0x109: {  	[sflag:s19] =	ssyncadd.s32 $0xFFFFC000  }
0x10a: {  	[tilespmem:s18], [sflag:$0x3] =	stream.indirect.gather [spmem:s1], $0x80, s23, s16, $0xb8;
	[tilespmem:$0x1EC00] =	vst v63  }
0x10b: {  	s0 =	sadd.s32 $0x1, s0;
	_ =	swait.ge [sflag:s19], $0x4000  }
0x10c: {  	p0 =	sne.s32 s0, s15;
	[sflag:s19] =	ssyncset.done $0x0  }
.Ltmp4:
0x10d: {  	[sflag:s19] =	ssyncadd.s32 $0xFFFFC000;
	(pc) =	sbr.rel @p0 .LBB2_1-.Ltmp4, $4  }
0x10e: {  	[hbm4b:s14+s3] =	stream.linear.scatter [tilespmem:s18], [sflag:$0x3], $0x4000, $0x38;
	[tilespmem:$0x1EC00] =	vst v63  }
0x10f: {  	_ =	swait.ge [sflag:s19], $0x4000  }
0x110: {  	[sflag:s19] =	ssyncset.done $0x0  }
0x111: {  	[sflag:s19] =	ssyncadd.s32 $0xFFFFC000  }
0x112: {  	_ =	sfence.sel $0x180000  }
0x113: {  	[bflag:$0x0] =	sbarrier.arrive $0xFFFF  }
0x114: {  	_ =	strace $0x9000004A  }
0x115: {  	s0 =	stileid.u32;
	[bflag:$0x2] =	sbarrier.arrive $0xFFFF  }
0x116: {  	p0 =	sne.s32 s0, $0x0;
	s0 =	rddreg [dreg:$0x2]  }
0x117: {  	s0 =	sadd.s32 @!p0 $0x100000, s0  }
0x118: {  	[sflag:s0] =	ssyncadd.tile.s32 @!p0 $0x1;
	_ =	shalt  }
.Lfunc_end2:
_tile_overlayer_lowered:
.L_overlay_start_2:
0x119: {  	(tag) =	ssettag $0x2  }
0x11a: {  	s0 =	rddreg [dreg:$0x0];
	s2 =	stileid.u32  }
0x11b: {  	s1 =	rddreg [dreg:$0x1];
	p0 =	sne.s32 s2, $0x0  }
0x11c: {  	s3 =	rddreg [dreg:$0x2];
	[bflag:$0x3] =	sbarrier.arrive $0xFFFF;
	s2 =	simm.s32 @!p0 $0x1C03  }
0x11d: {  	[timem:s3], [sflag:s2] =	dma.local @!p0 [hbm:s0], s1  }
0x11e: {  	s0 =	simm.s32 @!p0 $0x3  }
0x11f: {  	_ =	swait.ge @!p0 [sflag:s0], s1  }
0x120: {  	s1 =	ssub.s32 @!p0 $0x0, s1;
	[sflag:s0] =	ssyncset.done @!p0 $0x0  }
0x121: {  	[sflag:s0] =	ssyncadd.s32 @!p0 s1  }
0x122: {  	[bflag:$0x3] =	sbarrier.arrive $0xFFFF  }
0x123: {  	_ =	shalt  }

// kernel: kernel.16.cloned.1.call-start
scs
__scs_entry_jumppad:
0x0: {  	(pc) =	sbr.rel $0x88, $3  }
0x1: {  	(tag) =	ssettag $0x0;
	lr =	simm.s32 $0x1  }
0x2: {  	[smem:$0x3F96] =	sst lr;
	_ =	strace $0xD0000000  }
0x3: {  	_ = 	snop  }
0x4: {  	_ = 	snop  }
0x5: {  	_ = 	snop  }
0x6: {  	_ = 	snop  }
0x7: {  	_ = 	snop  }
__scs_overlays_trampoline_lowered:
0x8: {  	[smem:$0x3FA5] =	sst s0  }
0x9: {  	[smem:$0x3FA6] =	sst s1  }
0xa: {  	[smem:$0x3FA7] =	sst s2  }
0xb: {  	[smem:$0x3FA8] =	sst s3  }
0xc: {  	[smem:$0x3FA9] =	sst s4  }
0xd: {  	[smem:$0x3FAA] =	sst s5  }
0xe: {  	[smem:$0x3FAB] =	sst s6  }
0xf: {  	[smem:$0x3FAC] =	sst s7  }
0x10: {  	[smem:$0x3FAD] =	sst s8  }
0x11: {  	[smem:$0x3FAE] =	sst s9;
	s0 =	simm.s32 @!p0 $0x0  }
0x12: {  	s1 =	sld [smem:$0x3F94];
	s0 =	simm.s32 @p0 $0x1  }
0x13: {  	[smem:$0x3FAF] =	sst s0;
	s0 =	simm.s32 @!p1 $0x0  }
0x14: {  	s2 =	sld [smem:$0x3F93];
	s0 =	simm.s32 @p1 $0x1  }
0x15: {  	[smem:$0x3FB0] =	sst s0;
	s0 =	simm.s32 @!p2 $0x0  }
0x16: {  	s3 =	sld [smem:$0x3FDB];
	s0 =	simm.s32 @p2 $0x1  }
0x17: {  	s4 =	simm.s32 $0x1BF5;
	[smem:$0x3FB2] =	sst s0  }
0x18: {  	s0 =	sld [smem:$0x3F95];
	_ =	swait.ge [sflag:s4], $0x0  }
0x19: {  	s7 =	sld [smem:$0x3F96]  }
0x1a: {  	s8 =	sadd.s32 $0xFFFFE003, lr  }
0x1b: {  	s9 =	sadd.s32 $0xFFFFFEF7, lr;
	s5 =	simm.s32 $0xFFFFFFFF;
	p2 =	slt.u32 s8, $0xFFFFF086  }
0x1c: {  	p1 =	slt.u32 s9, $0xF7A;
	s5 =	simm.s32 @!p2 $0x0  }
0x1d: {  	s5 =	simm.s32 @p1 $0x1;
	p0 =	seq.s32 s7, s2  }
0x1e: {  	s7 =	smul.u32 @!p0 $0xF7A, s2;
	p2 =	seq.s32 @!p0 s5, $0x0  }
0x1f: {  	s9 =	smul.u32 $0xF7A, s1;
	s8 =	simm.s32 @!p0 $0x1BF5;
	p2 =	por !p2, p0  }
0x20: {  	[sflag:s8] =	ssyncset.s32 @!p0 $0xFFFFF086;
	s6 =	sadd.s32 @!p0 s3, s7;
	s7 =	simm.s32 @!p0 $0x108  }
0x21: {  	s3 =	sadd.s32 s3, s9;
	s6 =	sadd.s32 @!p0 $0x88, s6;
	s7 =	simm.s32 @p2 $0x1082  }
0x22: {  	[simem:s7], [sflag:s8] =	dma.local @!p0 [hbm:s6], $0xF7A  }
0x23: {  	s9 =	sor.u32 $0xD0000000, s2;
	s6 =	simm.s32 $0x108;
	_ =	swait.ge @!p0 [sflag:s8], $0x0  }
0x24: {  	s3 =	sadd.s32 $0x88, s3;
	s6 =	simm.s32 @!p1 $0x1082;
	[sflag:s4] =	ssyncset.s32 $0xFFFFF086  }
0x25: {  	[simem:s6], [sflag:s4] =	dma.local [hbm:s3], $0xF7A  }
0x26: {  	[smem:$0x3F96] =	sst s1;
	(tag) =	ssettag s2;
	_ =	strace s9  }
0x27: {  	s1 =	sld [smem:$0x3FA6]  }
0x28: {  	s2 =	sld [smem:$0x3FA7]  }
0x29: {  	s4 =	sld [smem:$0x3FA9]  }
0x2a: {  	p0 =	seq.s32 s5, $0x0;
	s5 =	sld [smem:$0x3FAA]  }
0x2b: {  	s6 =	sld [smem:$0x3FAB]  }
0x2c: {  	s7 =	sld [smem:$0x3FAC]  }
0x2d: {  	s3 =	simm.s32 $0x108;
	s8 =	sld [smem:$0x3FAD]  }
0x2e: {  	s3 =	simm.s32 @!p0 $0x1082;
	s9 =	sld [smem:$0x3FAE]  }
0x2f: {  	lr =	sadd.s32 s0, s3;
	s0 =	sld [smem:$0x3FA5]  }
0x30: {  	s3 =	sld [smem:$0x3FA8]  }
0x31: {  	[smem:$0x3FB1] =	sst s10  }
0x32: {  	s10 =	sld [smem:$0x3FAF];
	_ =	sdelay $0x3  }
0x33: {  	p0 =	seq.s32 s10, $0x1;
	s10 =	sld [smem:$0x3FB1];
	_ =	sdelay $0x3  }
0x34: {  	[smem:$0x3FB1] =	sst s10  }
0x35: {  	s10 =	sld [smem:$0x3FB0];
	_ =	sdelay $0x3  }
0x36: {  	p1 =	seq.s32 s10, $0x1;
	s10 =	sld [smem:$0x3FB1];
	_ =	sdelay $0x3  }
0x37: {  	[smem:$0x3FB1] =	sst s10  }
0x38: {  	s10 =	sld [smem:$0x3FB2]  }
0x39: {  	_ = 	snop;
	(pc) =	sbr.ind lr, $3  }
0x3a: {  	_ = 	snop  }
0x3b: {  	_ = 	snop  }
0x3c: {  	p2 =	seq.s32 s10, $0x1;
	s10 =	sld [smem:$0x3FB1]  }
0x3d: {  	_ =	shalt  }
0x3e: {  	_ =	shalt  }
0x3f: {  	_ =	shalt  }
0x40: {  	_ =	shalt  }
0x41: {  	_ =	shalt  }
0x42: {  	_ =	shalt  }
0x43: {  	_ =	shalt  }
0x44: {  	_ =	shalt  }
0x45: {  	_ =	shalt  }
0x46: {  	_ =	shalt  }
0x47: {  	_ =	shalt  }
0x48: {  	_ =	shalt  }
0x49: {  	_ =	shalt  }
0x4a: {  	_ =	shalt  }
0x4b: {  	_ =	shalt  }
0x4c: {  	_ =	shalt  }
0x4d: {  	_ =	shalt  }
0x4e: {  	_ =	shalt  }
0x4f: {  	_ =	shalt  }
0x50: {  	_ =	shalt  }
0x51: {  	_ =	shalt  }
0x52: {  	_ =	shalt  }
0x53: {  	_ =	shalt  }
0x54: {  	_ =	shalt  }
0x55: {  	_ =	shalt  }
0x56: {  	_ =	shalt  }
0x57: {  	_ =	shalt  }
0x58: {  	_ =	shalt  }
0x59: {  	_ =	shalt  }
0x5a: {  	_ =	shalt  }
0x5b: {  	_ =	shalt  }
0x5c: {  	_ =	shalt  }
0x5d: {  	_ =	shalt  }
0x5e: {  	_ =	shalt  }
0x5f: {  	_ =	shalt  }
0x60: {  	_ =	shalt  }
0x61: {  	_ =	shalt  }
0x62: {  	_ =	shalt  }
0x63: {  	_ =	shalt  }
0x64: {  	_ =	shalt  }
0x65: {  	_ =	shalt  }
0x66: {  	_ =	shalt  }
0x67: {  	_ =	shalt  }
0x68: {  	_ =	shalt  }
0x69: {  	_ =	shalt  }
0x6a: {  	_ =	shalt  }
0x6b: {  	_ =	shalt  }
0x6c: {  	_ =	shalt  }
0x6d: {  	_ =	shalt  }
0x6e: {  	_ =	shalt  }
0x6f: {  	_ =	shalt  }
0x70: {  	_ =	shalt  }
0x71: {  	_ =	shalt  }
0x72: {  	_ =	shalt  }
0x73: {  	_ =	shalt  }
0x74: {  	_ =	shalt  }
0x75: {  	_ =	shalt  }
0x76: {  	_ =	shalt  }
0x77: {  	_ =	shalt  }
0x78: {  	_ =	shalt  }
0x79: {  	_ =	shalt  }
0x7a: {  	_ =	shalt  }
0x7b: {  	_ =	shalt  }
0x7c: {  	_ =	shalt  }
0x7d: {  	_ =	shalt  }
0x7e: {  	_ =	shalt  }
0x7f: {  	_ =	shalt  }
0x80: {  	_ =	shalt  }
0x81: {  	_ =	shalt  }
0x82: {  	_ =	shalt  }
0x83: {  	_ =	shalt  }
0x84: {  	_ =	shalt  }
0x85: {  	_ =	shalt  }
0x86: {  	_ =	shalt  }
0x87: {  	_ =	shalt  }
.Lfunc_end0:
.L_simem_size_0:
called_computation.2_lowered:
.L_overlay_start_0:
0x88: {  	s2 =	sld [smem:$0x3FD9]  }
0x89: {  	s3 =	sld [smem:$0x3FFE];
	_ =	sdelay $0x1  }
0x8a: {  	s1 =	srdreg.scid  }
0x8b: {  	s0 =	sand.u32 $0x1, s1  }
0x8c: {  	s16 =	sshll.u32 s0, $0xA;
	s2 =	sadd.s32 s3, s2  }
0x8d: {  	s2 =	sadd.s32 s2, s16  }
0x8e: {  	[smem:$0x3FBD] =	sst s2  }
0x8f: {  	_ = 	snop  }
0x90: {  	(tm) =	ssettm $0x1  }
0x91: {  	s17 =	sld [smem:$0x3FFB];
	_ =	sdelay $0x3  }
0x92: {  	_ =	strace s17  }
0x93: {  	s2 =	sld [smem:$0x3FFC];
	_ =	sdelay $0x3  }
0x94: {  	_ =	strace s2  }
0x95: {  	s2 =	sld [smem:$0x3FFD];
	_ =	sdelay $0x3  }
0x96: {  	_ =	strace s2  }
0x97: {  	_ =	strace $0x8FFFFFFF  }
0x98: {  	s18 =	sld [smem:$0x3FDB];
	_ =	sdelay $0x1  }
0x99: {  	s19 =	simm.s32 $_scs_section_size  }
0x9a: {  	s4 =	simm.s32 $_size__tile_overlayer_lowered;
	s5 =	simm.s32 $_tile_overlayer_lowered  }
0x9b: {  	s22 =	simm.s32 $0x1BFF;
	s21 =	sshll.u32 s5, $0x1;
	s2 =	sadd.s32 s19, s18  }
0x9c: {  	s6 =	simm.s32 $0x0;
	s20 =	sshll.u32 s4, $0x1;
	s4 =	sadd.s32 s21, s2  }
0x9d: {  	[timem:s6], [sflag:s22] =	dma.local [hbm:s4], s20  }
0x9e: {  	_ =	swait.ge [sflag:s22], s20  }
0x9f: {  	s3 =	ssub.s32 $0x0, s20;
	[sflag:s22] =	ssyncset.done $0x0  }
0xa0: {  	[sflag:s22] =	ssyncadd.s32 s3;
	_ =	sdelay $0x1  }
0xa1: {  	s23 =	simm.s32 $0x1B8B  }
0xa2: {  	_ =	swait.ge [sflag:s23], $0x1  }
0xa3: {  	[sflag:s23] =	ssyncset.done $0x0  }
0xa4: {  	s25 =	simm.s32 $0x1B8E;
	s24 =	sld [smem:$0x3FFE];
	[sflag:s23] =	ssyncadd.s32 $0xFFFFFFFF  }
0xa5: {  	s26 =	simm.s32 $execute0_lowered;
	[smem:$0x3FD2] =	sst s25  }
0xa6: {  	s4 =	sshll.u32 s26, $0x1;
	_ =	strace $0x8000004C;
	[dreg:$0x1] =	wrdreg $0xFFFFFFFF  }
0xa7: {  	s28 =	simm.s32 $_size_execute0_lowered;
	s2 =	sadd.s32 s2, s4;
	[dreg:$0x0] =	wrdreg $0x0  }
0xa8: {  	s4 =	sshll.u32 s28, $0x1;
	[dreg:$0x2] =	wrdreg s2  }
0xa9: {  	[dreg:$0x3] =	wrdreg s4  }
0xaa: {  	[dreg:$0x4] =	wrdreg $0xC0  }
0xab: {  	_ =	task [dreg:s6], $0x5FFFF  }
0xac: {  	[dreg:$0x1] =	wrdreg $0xFFFFFFFF  }
0xad: {  	[dreg:$0x0] =	wrdreg $0x60  }
0xae: {  	[dreg:$0x2] =	wrdreg s24  }
0xaf: {  	[dreg:$0x3] =	wrdreg $0xAC000  }
0xb0: {  	[dreg:$0x4] =	wrdreg $0x9  }
0xb1: {  	_ =	task.clear_ibuf [dreg:s6], $0x5FFFF;
	_ =	strace $0x9000004C  }
0xb2: {  	s29 =	simm.s32 $0x9;
	_ =	strace $0x8000004E  }
0xb3: {  	_ =	swait.ge [sflag:s29], $0x1  }
0xb4: {  	[sflag:s29] =	ssyncadd.s32 $0xFFFFFFFF  }
0xb5: {  	_ =	strace $0x9000004E  }
0xb6: {  	_ =	sfence  }
0xb7: {  	s30 =	sld [smem:$0x0];
	_ =	sdelay $0x2  }
0xb8: {  	s31 =	sshll.u32 s1, $0xD;
	s1 =	sshrl.u32 s1, $0x2  }
0xb9: {  	s3 =	sand.u32 $0x4000, s31;
	s1 =	sadd.s32 s1, s30  }
0xba: {  	s0 =	sor.u32 s3, s0;
	s1 =	sshll.u32 s1, $0x11  }
0xbb: {  	s0 =	sor.u32 s1, s0  }
0xbc: {  	s0 =	sadd.s32 $0x8F2B, s0  }
0xbd: {  	[sflag:s0] =	ssyncadd.remote.s32 $0x1  }
0xbe: {  	_ =	sfence.sel $0xFFFF  }
0xbf: {  	[dreg:$0x0] =	wrdreg $0xFFFFFFFF;
	(pc) =	sbr.abs _section_cstart, $3  }
0xc0: {  	[dreg:$0x1] =	wrdreg $0xFFFFFFFF  }
0xc1: {  	_ =	task.clear_ibuf [dreg:s6], $0x2FFFF;
	_ =	strace $0x9FFFFFFF  }
0xc2: {  	(tm) =	ssettm $0x7FFFFFFF  }
0xc3: {  	_ =	shalt  }
tec
execute0_lowered:
.L_overlay_start_1:
0x0: {  	(tag) =	ssettag $0x1  }
0x1: {  	s0 =	rddreg [dreg:$0x0]  }
0x2: {  	s1 =	rddreg [dreg:$0x1];
	s3 =	simm.s32 $0x0  }
0x3: {  	s2 =	srdreg.scid;
	s10 =	stileid.u32;
	s16 =	simm.s32 $0x80  }
0x4: {  	s18 =	simm.s32 $0x2800;
	s19 =	simm.s32 $0x3;
	s20 =	simm.s32 $0xA880  }
0x5: {  	s21 =	simm.s32 $0xA900;
	s22 =	simm.s32 $0xA980;
	s23 =	simm.s32 $0xAA00  }
0x6: {  	s28 =	simm.s32 $0x2;
	s29 =	simm.s32 $0x1380;
	s30 =	simm.s32 $0x2700  }
0x7: {  	s31 =	simm.s32 $0x2780;
	[smem:$0x7FF] =	sst s3;
	s2 =	sand.u32 $0x1, s2  }
0x8: {  	s4 =	smul.u32 $0x280, s10;
	s5 =	sadd.s32 $0xC600, s0;
	s7 =	sshll.u32 s2, $0x4  }
0x9: {  	s8 =	sadd.s32 $0x5C600, s0;
	s6 =	smul.u32 $0x2800, s2;
	s7 =	sor.u32 s10, s7  }
0xa: {  	s9 =	sadd.s32 $0x2600, s0;
	s2 =	ssub.s32 $0x2, s2;
	s10 =	smul.u32 $0x2800, s7  }
0xb: {  	s11 =	sshrl.u32 s2, $0x1;
	s6 =	sadd.s32 s4, s6;
	s7 =	smul.u32 $0x500, s7  }
0xc: {  	_ =	strace $0x8000004D;
	s2 =	ssub.s32 s2, s11;
	s6 =	sshll.u32 s6, $0x4  }
0xd: {  	s15 =	smax.u32 s2, $0x1;
	s0 =	sadd.s32 s6, s0;
	s25 =	sadd.s32 s8, s7  }
0xe: {  	s24 =	sshrl.u32 s10, $0x3;
	s7 =	sadd.s32 s9, s7;
	[dreg:$0x3] =	wrdreg s25  }
0xf: {  	[dreg:$0x4] =	wrdreg s7;
	s6 =	sadd.s32 $0x280, s24;
	s10 =	sadd.s32 $0x7A600, s0  }
0x10: {  	s11 =	sadd.s32 $0x7AE00, s0;
	s12 =	sadd.s32 $0x7B600, s0;
	s13 =	sadd.s32 $0x7BE00, s0  }
0x11: {  	s14 =	sadd.s32 $0x7C600, s0;
	s24 =	simm.s32 $0x1400;
	s26 =	sadd.s32 s8, s6  }
0x12: {  	s25 =	simm.s32 $0x6800;
	s6 =	sadd.s32 s9, s6;
	[dreg:$0x5] =	wrdreg s26  }
0x13: {  	v0 =	vlaneseq.u32;
	v1 =	vimm.f32 $0.0e+00;
	s0 =	simm.s32 $0x0;
	[dreg:$0x6] =	wrdreg s6;
	s26 =	simm.s32 $0x1  }
.LBB2_1:
0x14: {  	s6 =	sadd.s32 $0x0, s4  }
0x15: {  	s7 =	sadd.s32 $0x70, s6  }
0x16: {  	s2 =	simm.s32 $0xA840;
	s8 =	sadd.s32 $0x10, s6;
	v2 =	vor.u32 s7, v0  }
0x17: {  	s9 =	sadd.s32 $0x20, s6;
	v3 =	vor.u32 s8, v0;
	[tilespmem:s2+$0x30] =	vst v2  }
0x18: {  	s17 =	sadd.s32 $0x30, s6;
	v2 =	vor.u32 s9, v0;
	[tilespmem:s2+$0xFFFFFFD0] =	vst v3  }
0x19: {  	s8 =	sadd.s32 $0x40, s6;
	v3 =	vor.u32 s17, v0;
	[tilespmem:s2+$0xFFFFFFE0] =	vst v2  }
0x1a: {  	s9 =	sadd.s32 $0x50, s6;
	v2 =	vor.u32 s8, v0;
	[tilespmem:s2+$0xFFFFFFF0] =	vst v3  }
0x1b: {  	s17 =	sadd.s32 $0x60, s6;
	v4 =	vor.u32 s9, v0;
	[tilespmem:s2+$0x0] =	vst v2  }
0x1c: {  	s7 =	simm.s32 $0x100;
	v3 =	vor.u32 s17, v0;
	v2 =	vor.u32 s6, v0;
	s6 =	sadd.s32 $0x80, s4;
	[tilespmem:s2+$0x10] =	vst v4  }
.LBB2_2:
0x1d: {  	p0 =	sne.s32 s7, $0x200;
	v4 =	vor.u32 s6, v0;
	s8 =	sadd.s32 $0x10, s6;
	s9 =	sadd.s32 $0x70, s6;
	[tilespmem:s2+$0x20] =	vst v3  }
0x1e: {  	s17 =	sadd.s32 $0x30, s6;
	v3 =	vor.u32 s8, v0;
	s8 =	sadd.s32 $0x20, s6;
	v5 =	vor.u32 s9, v0;
	[tilespmem:s2+$0xFFFFFFC0] =	vst v2;
	s2 =	sadd.s32 $0x80, s2;
	v2 =	vmov v4  }
0x1f: {  	v6 =	vor.u32 s17, v0;
	s9 =	sadd.s32 $0x50, s6;
	v4 =	vor.u32 s8, v0;
	s8 =	sadd.s32 $0x40, s6;
	s6 =	sadd.s32 $0x60, s6;
	[tilespmem:s2+$0x30] =	vst v5  }
.Ltmp0:
0x20: {  	v7 =	vor.u32 s9, v0;
	[tilespmem:s2+$0xFFFFFFD0] =	vst v3;
	v5 =	vor.u32 s8, v0;
	v3 =	vor.u32 s6, v0;
	(pc) =	sbr.rel @p0 .LBB2_2-.Ltmp0, $4  }
0x21: {  	[tilespmem:s2+$0xFFFFFFE0] =	vst v4  }
0x22: {  	[tilespmem:s2+$0xFFFFFFF0] =	vst v6  }
0x23: {  	[tilespmem:s2+$0x0] =	vst v5  }
0x24: {  	s6 =	sadd.s32 s7, s4;
	s7 =	sadd.s32 $0x80, s7;
	[tilespmem:s2+$0x10] =	vst v7  }
0x25: {  	s7 =	sadd.s32 $0x70, s6;
	[tilespmem:s2+$0x20] =	vst v3  }
0x26: {  	s8 =	sadd.s32 $0x10, s6;
	[tilespmem:s2+$0xFFFFFFC0] =	vst v2;
	s2 =	sadd.s32 $0x80, s2;
	v3 =	vor.u32 s7, v0  }
0x27: {  	s9 =	sadd.s32 $0x20, s6;
	v2 =	vor.u32 s8, v0;
	[tilespmem:s2+$0x30] =	vst v3  }
0x28: {  	s17 =	sadd.s32 $0x30, s6;
	v3 =	vor.u32 s9, v0;
	[tilespmem:s2+$0xFFFFFFD0] =	vst v2  }
0x29: {  	s8 =	sadd.s32 $0x40, s6;
	v2 =	vor.u32 s17, v0;
	[tilespmem:s2+$0xFFFFFFE0] =	vst v3  }
0x2a: {  	s9 =	sadd.s32 $0x50, s6;
	v3 =	vor.u32 s8, v0;
	[tilespmem:s2+$0xFFFFFFF0] =	vst v2  }
0x2b: {  	s17 =	sadd.s32 $0x60, s6;
	v2 =	vor.u32 s9, v0;
	[tilespmem:s2+$0x0] =	vst v3  }
0x2c: {  	v3 =	vor.u32 s17, v0;
	[tilespmem:s2+$0x10] =	vst v2  }
0x2d: {  	v2 =	vor.u32 s6, v0;
	[tilespmem:s2+$0x20] =	vst v3  }
0x2e: {  	s6 =	simm.s32 $0x200;
	[tilespmem:s2+$0xFFFFFFC0] =	vst v2;
	s2 =	simm.s32 $0x0  }
.LBB2_4:
0x2f: {  	p0 =	sne.s32 s6, $0xFE00;
	[tilespmem:s2+$0x2870] =	vst v1  }
0x30: {  	[tilespmem:s2+$0x2800] =	vst v1  }
0x31: {  	[tilespmem:s2+$0x2810] =	vst v1  }
.Ltmp1:
0x32: {  	[tilespmem:s2+$0x2820] =	vst v1;
	(pc) =	sbr.rel @p0 .LBB2_4-.Ltmp1, $4  }
0x33: {  	[tilespmem:s2+$0x2830] =	vst v1  }
0x34: {  	[tilespmem:s2+$0x2840] =	vst v1  }
0x35: {  	[tilespmem:s2+$0x2850] =	vst v1  }
0x36: {  	[tilespmem:s2+$0x2860] =	vst v1;
	s2 =	sshra.s32 s6, $0x2;
	s6 =	sadd.s32 $0x200, s6  }
0x37: {  	[tilespmem:s2+$0x2870] =	vst v1  }
0x38: {  	[tilespmem:s2+$0x2800] =	vst v1  }
0x39: {  	[tilespmem:s2+$0x2810] =	vst v1  }
0x3a: {  	[tilespmem:s2+$0x2820] =	vst v1  }
0x3b: {  	[tilespmem:s2+$0x2830] =	vst v1  }
0x3c: {  	[tilespmem:s2+$0x2840] =	vst v1  }
0x3d: {  	[tilespmem:s2+$0x2850] =	vst v1  }
0x3e: {  	[tilespmem:s2+$0x2860] =	vst v1;
	s17 =	simm.s32 $0xA800  }
0x3f: {  	[spmem:s1] =	stream.indirect.scatter [tilespmem:s18], [sflag:$0x3], $0x80, s17, s16, $0xb8;
	[tilespmem:$0x1EC00] =	vst v63  }
0x40: {  	_ =	swait.ge [sflag:s19], $0x4000  }
0x41: {  	[sflag:s19] =	ssyncset.done $0x0  }
0x42: {  	[sflag:s19] =	ssyncadd.s32 $0xFFFFC000  }
0x43: {  	[spmem:s1] =	stream.indirect.scatter [tilespmem:s18], [sflag:$0x3], $0x80, s20, s16, $0xb8;
	[tilespmem:$0x1EC00] =	vst v63  }
0x44: {  	_ =	swait.ge [sflag:s19], $0x4000  }
0x45: {  	[sflag:s19] =	ssyncset.done $0x0  }
0x46: {  	[sflag:s19] =	ssyncadd.s32 $0xFFFFC000  }
0x47: {  	[spmem:s1] =	stream.indirect.scatter [tilespmem:s18], [sflag:$0x3], $0x80, s21, s16, $0xb8;
	[tilespmem:$0x1EC00] =	vst v63  }
0x48: {  	_ =	swait.ge [sflag:s19], $0x4000  }
0x49: {  	[sflag:s19] =	ssyncset.done $0x0  }
0x4a: {  	[sflag:s19] =	ssyncadd.s32 $0xFFFFC000  }
0x4b: {  	[spmem:s1] =	stream.indirect.scatter [tilespmem:s18], [sflag:$0x3], $0x80, s22, s16, $0xb8;
	[tilespmem:$0x1EC00] =	vst v63  }
0x4c: {  	_ =	swait.ge [sflag:s19], $0x4000  }
0x4d: {  	[sflag:s19] =	ssyncset.done $0x0  }
0x4e: {  	[sflag:s19] =	ssyncadd.s32 $0xFFFFC000  }
0x4f: {  	[spmem:s1] =	stream.indirect.scatter [tilespmem:s18], [sflag:$0x3], $0x80, s23, s16, $0xb8;
	[tilespmem:$0x1EC00] =	vst v63  }
0x50: {  	_ =	swait.ge [sflag:s19], $0x4000  }
0x51: {  	[sflag:s19] =	ssyncset.done $0x0  }
0x52: {  	[sflag:s19] =	ssyncadd.s32 $0xFFFFC000  }
0x53: {  	[bflag:$0x0] =	sbarrier.arrive $0xFFFF  }
0x54: {  	s8 =	simm.s32 $0x0;
	s6 =	rddreg [dreg:$0x3]  }
0x55: {  	[tilespmem:s8], [sflag:$0x3] =	stream.linear.gather [hbm4b:s6+s8], $0x1400, $0x38;
	[tilespmem:$0x1EC00] =	vst v63  }
0x56: {  	_ =	swait.ge [sflag:s19], $0x1400  }
0x57: {  	[sflag:s19] =	ssyncset.done $0x0  }
0x58: {  	s9 =	rddreg [dreg:$0x4];
	[sflag:s19] =	ssyncadd.s32 $0xFFFFEC00  }
0x59: {  	[tilespmem:s24], [sflag:$0x3] =	stream.linear.gather [hbm4b:s9+s8], $0x1400, $0x38;
	[tilespmem:$0x1EC00] =	vst v63  }
0x5a: {  	_ =	swait.ge [sflag:s19], $0x1400  }
0x5b: {  	[sflag:s19] =	ssyncset.done $0x0  }
0x5c: {  	[sflag:s19] =	ssyncadd.s32 $0xFFFFEC00  }
0x5d: {  	[tilespmem:s18], [sflag:$0x1] =	stream.indirect.gather [hbm4b:s5+s16], $0x80, s8, s16, $0xb8;
	[tilespmem:$0x1EC00] =	vst v63  }
0x5e: {  	s6 =	simm.s32 $0x80  }
0x5f: {  	[tilespmem:s25], [sflag:$0x2] =	stream.indirect.gather [hbm4b:s5+s16], $0x80, s6, s16, $0xb8;
	[tilespmem:$0x1EC00] =	vst v63  }
0x60: {  	_ =	swait.ge [sflag:s26], $0x4000  }
0x61: {  	[sflag:s26] =	ssyncset.done $0x0  }
0x62: {  	s7 =	simm.s32 $0x1400;
	[sflag:s26] =	ssyncadd.s32 $0xFFFFC000  }
0x63: {  	[spmem:s1] =	stream.indirect.scatter.add.f32 [tilespmem:s18], [sflag:$0x3], $0x80, s7, s16, $0xb8;
	[tilespmem:$0x1EC00] =	vst v63  }
0x64: {  	_ =	swait.ge [sflag:s19], $0x4000  }
0x65: {  	[sflag:s19] =	ssyncset.done $0x0  }
0x66: {  	s8 =	simm.s32 $0x100;
	[sflag:s19] =	ssyncadd.s32 $0xFFFFC000  }
0x67: {  	[tilespmem:s18], [sflag:$0x1] =	stream.indirect.gather [hbm4b:s5+s16], $0x80, s8, s16, $0xb8;
	[tilespmem:$0x1EC00] =	vst v63  }
0x68: {  	_ =	swait.ge [sflag:s28], $0x4000  }
0x69: {  	[sflag:s28] =	ssyncset.done $0x0  }
0x6a: {  	s9 =	simm.s32 $0x1480;
	[sflag:s28] =	ssyncadd.s32 $0xFFFFC000  }
0x6b: {  	[spmem:s1] =	stream.indirect.scatter.add.f32 [tilespmem:s25], [sflag:$0x3], $0x80, s9, s16, $0xb8;
	[tilespmem:$0x1EC00] =	vst v63  }
0x6c: {  	_ =	swait.ge [sflag:s19], $0x4000  }
0x6d: {  	s2 =	simm.s32 $0x100;
	s6 =	simm.s32 $0x800;
	[sflag:s19] =	ssyncset.done $0x0  }
.LBB2_6:
0x6e: {  	s7 =	sadd.s32 $0x80, s2  }
0x6f: {  	[sflag:s19] =	ssyncadd.s32 $0xFFFFC000;
	s8 =	smov.u32 s6;
	s9 =	sadd.s32 $0x400, s6  }
0x70: {  	[tilespmem:s25], [sflag:$0x2] =	stream.indirect.gather [hbm4b:s5+s16], $0x80, s7, s16, $0xb8;
	[tilespmem:$0x1EC00] =	vst v63  }
0x71: {  	p0 =	sne.s32 s6, $0x4800;
	_ =	swait.ge [sflag:s26], $0x4000  }
0x72: {  	[sflag:s26] =	ssyncset.done $0x0  }
0x73: {  	s6 =	sadd.s32 $0x1400, s2;
	[sflag:s26] =	ssyncadd.s32 $0xFFFFC000  }
0x74: {  	[spmem:s1] =	stream.indirect.scatter.add.f32 [tilespmem:s18], [sflag:$0x3], $0x80, s6, s16, $0xb8;
	[tilespmem:$0x1EC00] =	vst v63  }
0x75: {  	_ =	swait.ge [sflag:s19], $0x4000  }
0x76: {  	[sflag:s19] =	ssyncset.done $0x0  }
0x77: {  	s6 =	sadd.s32 $0x100, s2;
	[sflag:s19] =	ssyncadd.s32 $0xFFFFC000  }
0x78: {  	[tilespmem:s18], [sflag:$0x1] =	stream.indirect.gather [hbm4b:s5+s16], $0x80, s6, s16, $0xb8;
	[tilespmem:$0x1EC00] =	vst v63  }
0x79: {  	_ =	swait.ge [sflag:s28], $0x4000  }
.Ltmp2:
0x7a: {  	[sflag:s28] =	ssyncset.done $0x0;
	(pc) =	sbr.rel @p0 .LBB2_6-.Ltmp2, $4  }
0x7b: {  	s2 =	sadd.s32 $0x1480, s2;
	[sflag:s28] =	ssyncadd.s32 $0xFFFFC000  }
0x7c: {  	[spmem:s1] =	stream.indirect.scatter.add.f32 [tilespmem:s25], [sflag:$0x3], $0x80, s2, s16, $0xb8;
	[tilespmem:$0x1EC00] =	vst v63  }
0x7d: {  	_ =	swait.ge [sflag:s19], $0x4000  }
0x7e: {  	s6 =	smov.u32 s9;
	s2 =	sshra.s32 s8, $0x2;
	[sflag:s19] =	ssyncset.done $0x0  }
0x7f: {  	s6 =	sadd.s32 $0x80, s2;
	[sflag:s19] =	ssyncadd.s32 $0xFFFFC000  }
0x80: {  	[tilespmem:s25], [sflag:$0x2] =	stream.indirect.gather [hbm4b:s5+s16], $0x80, s6, s16, $0xb8;
	[tilespmem:$0x1EC00] =	vst v63  }
0x81: {  	_ =	swait.ge [sflag:s26], $0x4000  }
0x82: {  	[sflag:s26] =	ssyncset.done $0x0  }
0x83: {  	s8 =	sadd.s32 $0x1400, s2;
	[sflag:s26] =	ssyncadd.s32 $0xFFFFC000  }
0x84: {  	[spmem:s1] =	stream.indirect.scatter.add.f32 [tilespmem:s18], [sflag:$0x3], $0x80, s8, s16, $0xb8;
	[tilespmem:$0x1EC00] =	vst v63  }
0x85: {  	_ =	swait.ge [sflag:s19], $0x4000  }
0x86: {  	[sflag:s19] =	ssyncset.done $0x0  }
0x87: {  	s9 =	sadd.s32 $0x100, s2;
	[sflag:s19] =	ssyncadd.s32 $0xFFFFC000  }
0x88: {  	[tilespmem:s18], [sflag:$0x1] =	stream.indirect.gather [hbm4b:s5+s16], $0x80, s9, s16, $0xb8;
	[tilespmem:$0x1EC00] =	vst v63  }
0x89: {  	_ =	swait.ge [sflag:s28], $0x4000  }
0x8a: {  	[sflag:s28] =	ssyncset.done $0x0  }
0x8b: {  	s6 =	sadd.s32 $0x1480, s2;
	[sflag:s28] =	ssyncadd.s32 $0xFFFFC000  }
0x8c: {  	[spmem:s1] =	stream.indirect.scatter.add.f32 [tilespmem:s25], [sflag:$0x3], $0x80, s6, s16, $0xb8;
	[tilespmem:$0x1EC00] =	vst v63  }
0x8d: {  	_ =	swait.ge [sflag:s19], $0x4000  }
0x8e: {  	[sflag:s19] =	ssyncset.done $0x0  }
0x8f: {  	[sflag:s19] =	ssyncadd.s32 $0xFFFFC000  }
0x90: {  	[tilespmem:s25], [sflag:$0x2] =	stream.indirect.gather [hbm4b:s5+s16], $0x80, s29, s16, $0xb8;
	[tilespmem:$0x1EC00] =	vst v63  }
0x91: {  	_ =	swait.ge [sflag:s26], $0x4000  }
0x92: {  	[sflag:s26] =	ssyncset.done $0x0  }
0x93: {  	[sflag:s26] =	ssyncadd.s32 $0xFFFFC000  }
0x94: {  	[spmem:s1] =	stream.indirect.scatter.add.f32 [tilespmem:s18], [sflag:$0x3], $0x80, s30, s16, $0xb8;
	[tilespmem:$0x1EC00] =	vst v63  }
0x95: {  	_ =	swait.ge [sflag:s19], $0x4000  }
0x96: {  	[sflag:s19] =	ssyncset.done $0x0  }
0x97: {  	[sflag:s19] =	ssyncadd.s32 $0xFFFFC000  }
0x98: {  	_ =	swait.ge [sflag:s28], $0x4000  }
0x99: {  	[sflag:s28] =	ssyncset.done $0x0  }
0x9a: {  	[sflag:s28] =	ssyncadd.s32 $0xFFFFC000  }
0x9b: {  	[spmem:s1] =	stream.indirect.scatter.add.f32 [tilespmem:s25], [sflag:$0x3], $0x80, s31, s16, $0xb8;
	[tilespmem:$0x1EC00] =	vst v63  }
0x9c: {  	_ =	swait.ge [sflag:s19], $0x4000  }
0x9d: {  	[sflag:s19] =	ssyncset.done $0x0  }
0x9e: {  	s7 =	simm.s32 $0x0;
	s8 =	rddreg [dreg:$0x5];
	[sflag:s19] =	ssyncadd.s32 $0xFFFFC000  }
0x9f: {  	[tilespmem:s7], [sflag:$0x3] =	stream.linear.gather [hbm4b:s8+s7], $0x1400, $0x38;
	[tilespmem:$0x1EC00] =	vst v63  }
0xa0: {  	_ =	swait.ge [sflag:s19], $0x1400  }
0xa1: {  	[sflag:s19] =	ssyncset.done $0x0  }
0xa2: {  	s9 =	rddreg [dreg:$0x6];
	[sflag:s19] =	ssyncadd.s32 $0xFFFFEC00  }
0xa3: {  	[tilespmem:s24], [sflag:$0x3] =	stream.linear.gather [hbm4b:s9+s7], $0x1400, $0x38;
	[tilespmem:$0x1EC00] =	vst v63  }
0xa4: {  	_ =	swait.ge [sflag:s19], $0x1400  }
0xa5: {  	[sflag:s19] =	ssyncset.done $0x0  }
0xa6: {  	[sflag:s19] =	ssyncadd.s32 $0xFFFFEC00  }
0xa7: {  	[tilespmem:s18], [sflag:$0x1] =	stream.indirect.gather [hbm4b:s5+s16], $0x80, s7, s16, $0xb8;
	[tilespmem:$0x1EC00] =	vst v63  }
0xa8: {  	s6 =	simm.s32 $0x80  }
0xa9: {  	[tilespmem:s25], [sflag:$0x2] =	stream.indirect.gather [hbm4b:s5+s16], $0x80, s6, s16, $0xb8;
	[tilespmem:$0x1EC00] =	vst v63  }
0xaa: {  	_ =	swait.ge [sflag:s26], $0x4000  }
0xab: {  	[sflag:s26] =	ssyncset.done $0x0  }
0xac: {  	s7 =	simm.s32 $0x1400;
	[sflag:s26] =	ssyncadd.s32 $0xFFFFC000  }
0xad: {  	[spmem:s1] =	stream.indirect.scatter.add.f32 [tilespmem:s18], [sflag:$0x3], $0x80, s7, s16, $0xb8;
	[tilespmem:$0x1EC00] =	vst v63  }
0xae: {  	_ =	swait.ge [sflag:s19], $0x4000  }
0xaf: {  	[sflag:s19] =	ssyncset.done $0x0  }
0xb0: {  	s8 =	simm.s32 $0x100;
	[sflag:s19] =	ssyncadd.s32 $0xFFFFC000  }
0xb1: {  	[tilespmem:s18], [sflag:$0x1] =	stream.indirect.gather [hbm4b:s5+s16], $0x80, s8, s16, $0xb8;
	[tilespmem:$0x1EC00] =	vst v63  }
0xb2: {  	_ =	swait.ge [sflag:s28], $0x4000  }
0xb3: {  	[sflag:s28] =	ssyncset.done $0x0  }
0xb4: {  	s9 =	simm.s32 $0x1480;
	[sflag:s28] =	ssyncadd.s32 $0xFFFFC000  }
0xb5: {  	[spmem:s1] =	stream.indirect.scatter.add.f32 [tilespmem:s25], [sflag:$0x3], $0x80, s9, s16, $0xb8;
	[tilespmem:$0x1EC00] =	vst v63  }
0xb6: {  	_ =	swait.ge [sflag:s19], $0x4000  }
0xb7: {  	s2 =	simm.s32 $0x100;
	s6 =	simm.s32 $0x800;
	[sflag:s19] =	ssyncset.done $0x0  }
.LBB2_8:
0xb8: {  	s7 =	sadd.s32 $0x80, s2  }
0xb9: {  	[sflag:s19] =	ssyncadd.s32 $0xFFFFC000;
	s8 =	smov.u32 s6;
	s9 =	sadd.s32 $0x400, s6  }
0xba: {  	[tilespmem:s25], [sflag:$0x2] =	stream.indirect.gather [hbm4b:s5+s16], $0x80, s7, s16, $0xb8;
	[tilespmem:$0x1EC00] =	vst v63  }
0xbb: {  	p0 =	sne.s32 s6, $0x4800;
	_ =	swait.ge [sflag:s26], $0x4000  }
0xbc: {  	[sflag:s26] =	ssyncset.done $0x0  }
0xbd: {  	s6 =	sadd.s32 $0x1400, s2;
	[sflag:s26] =	ssyncadd.s32 $0xFFFFC000  }
0xbe: {  	[spmem:s1] =	stream.indirect.scatter.add.f32 [tilespmem:s18], [sflag:$0x3], $0x80, s6, s16, $0xb8;
	[tilespmem:$0x1EC00] =	vst v63  }
0xbf: {  	_ =	swait.ge [sflag:s19], $0x4000  }
0xc0: {  	[sflag:s19] =	ssyncset.done $0x0  }
0xc1: {  	s6 =	sadd.s32 $0x100, s2;
	[sflag:s19] =	ssyncadd.s32 $0xFFFFC000  }
0xc2: {  	[tilespmem:s18], [sflag:$0x1] =	stream.indirect.gather [hbm4b:s5+s16], $0x80, s6, s16, $0xb8;
	[tilespmem:$0x1EC00] =	vst v63  }
0xc3: {  	_ =	swait.ge [sflag:s28], $0x4000  }
.Ltmp3:
0xc4: {  	[sflag:s28] =	ssyncset.done $0x0;
	(pc) =	sbr.rel @p0 .LBB2_8-.Ltmp3, $4  }
0xc5: {  	s2 =	sadd.s32 $0x1480, s2;
	[sflag:s28] =	ssyncadd.s32 $0xFFFFC000  }
0xc6: {  	[spmem:s1] =	stream.indirect.scatter.add.f32 [tilespmem:s25], [sflag:$0x3], $0x80, s2, s16, $0xb8;
	[tilespmem:$0x1EC00] =	vst v63  }
0xc7: {  	_ =	swait.ge [sflag:s19], $0x4000  }
0xc8: {  	s6 =	smov.u32 s9;
	s2 =	sshra.s32 s8, $0x2;
	[sflag:s19] =	ssyncset.done $0x0  }
0xc9: {  	s6 =	sadd.s32 $0x80, s2;
	[sflag:s19] =	ssyncadd.s32 $0xFFFFC000  }
0xca: {  	[tilespmem:s25], [sflag:$0x2] =	stream.indirect.gather [hbm4b:s5+s16], $0x80, s6, s16, $0xb8;
	[tilespmem:$0x1EC00] =	vst v63  }
0xcb: {  	_ =	swait.ge [sflag:s26], $0x4000  }
0xcc: {  	[sflag:s26] =	ssyncset.done $0x0  }
0xcd: {  	s7 =	sadd.s32 $0x1400, s2;
	[sflag:s26] =	ssyncadd.s32 $0xFFFFC000  }
0xce: {  	[spmem:s1] =	stream.indirect.scatter.add.f32 [tilespmem:s18], [sflag:$0x3], $0x80, s7, s16, $0xb8;
	[tilespmem:$0x1EC00] =	vst v63  }
0xcf: {  	_ =	swait.ge [sflag:s19], $0x4000  }
0xd0: {  	[sflag:s19] =	ssyncset.done $0x0  }
0xd1: {  	s8 =	sadd.s32 $0x100, s2;
	[sflag:s19] =	ssyncadd.s32 $0xFFFFC000  }
0xd2: {  	[tilespmem:s18], [sflag:$0x1] =	stream.indirect.gather [hbm4b:s5+s16], $0x80, s8, s16, $0xb8;
	[tilespmem:$0x1EC00] =	vst v63  }
0xd3: {  	_ =	swait.ge [sflag:s28], $0x4000  }
0xd4: {  	[sflag:s28] =	ssyncset.done $0x0  }
0xd5: {  	s9 =	sadd.s32 $0x1480, s2;
	[sflag:s28] =	ssyncadd.s32 $0xFFFFC000  }
0xd6: {  	[spmem:s1] =	stream.indirect.scatter.add.f32 [tilespmem:s25], [sflag:$0x3], $0x80, s9, s16, $0xb8;
	[tilespmem:$0x1EC00] =	vst v63  }
0xd7: {  	_ =	swait.ge [sflag:s19], $0x4000  }
0xd8: {  	[sflag:s19] =	ssyncset.done $0x0  }
0xd9: {  	[sflag:s19] =	ssyncadd.s32 $0xFFFFC000  }
0xda: {  	[tilespmem:s25], [sflag:$0x2] =	stream.indirect.gather [hbm4b:s5+s16], $0x80, s29, s16, $0xb8;
	[tilespmem:$0x1EC00] =	vst v63  }
0xdb: {  	_ =	swait.ge [sflag:s26], $0x4000  }
0xdc: {  	[sflag:s26] =	ssyncset.done $0x0  }
0xdd: {  	[sflag:s26] =	ssyncadd.s32 $0xFFFFC000  }
0xde: {  	[spmem:s1] =	stream.indirect.scatter.add.f32 [tilespmem:s18], [sflag:$0x3], $0x80, s30, s16, $0xb8;
	[tilespmem:$0x1EC00] =	vst v63  }
0xdf: {  	_ =	swait.ge [sflag:s19], $0x4000  }
0xe0: {  	[sflag:s19] =	ssyncset.done $0x0  }
0xe1: {  	[sflag:s19] =	ssyncadd.s32 $0xFFFFC000  }
0xe2: {  	_ =	swait.ge [sflag:s28], $0x4000  }
0xe3: {  	[sflag:s28] =	ssyncset.done $0x0  }
0xe4: {  	[sflag:s28] =	ssyncadd.s32 $0xFFFFC000  }
0xe5: {  	[spmem:s1] =	stream.indirect.scatter.add.f32 [tilespmem:s25], [sflag:$0x3], $0x80, s31, s16, $0xb8;
	[tilespmem:$0x1EC00] =	vst v63  }
0xe6: {  	_ =	swait.ge [sflag:s19], $0x4000  }
0xe7: {  	[sflag:s19] =	ssyncset.done $0x0  }
0xe8: {  	[sflag:s19] =	ssyncadd.s32 $0xFFFFC000  }
0xe9: {  	[bflag:$0x0] =	sbarrier.arrive $0xFFFF  }
0xea: {  	[tilespmem:s18], [sflag:$0x3] =	stream.indirect.gather [spmem:s1], $0x80, s17, s16, $0xb8;
	[tilespmem:$0x1EC00] =	vst v63  }
0xeb: {  	_ =	swait.ge [sflag:s19], $0x4000  }
0xec: {  	[sflag:s19] =	ssyncset.done $0x0  }
0xed: {  	[sflag:s19] =	ssyncadd.s32 $0xFFFFC000  }
0xee: {  	[hbm4b:s10+s3] =	stream.linear.scatter [tilespmem:s18], [sflag:$0x3], $0x4000, $0x38;
	[tilespmem:$0x1EC00] =	vst v63  }
0xef: {  	_ =	swait.ge [sflag:s19], $0x4000  }
0xf0: {  	[sflag:s19] =	ssyncset.done $0x0  }
0xf1: {  	[sflag:s19] =	ssyncadd.s32 $0xFFFFC000  }
0xf2: {  	[tilespmem:s18], [sflag:$0x3] =	stream.indirect.gather [spmem:s1], $0x80, s20, s16, $0xb8;
	[tilespmem:$0x1EC00] =	vst v63  }
0xf3: {  	_ =	swait.ge [sflag:s19], $0x4000  }
0xf4: {  	[sflag:s19] =	ssyncset.done $0x0  }
0xf5: {  	[sflag:s19] =	ssyncadd.s32 $0xFFFFC000  }
0xf6: {  	[hbm4b:s11+s3] =	stream.linear.scatter [tilespmem:s18], [sflag:$0x3], $0x4000, $0x38;
	[tilespmem:$0x1EC00] =	vst v63  }
0xf7: {  	_ =	swait.ge [sflag:s19], $0x4000  }
0xf8: {  	[sflag:s19] =	ssyncset.done $0x0  }
0xf9: {  	[sflag:s19] =	ssyncadd.s32 $0xFFFFC000  }
0xfa: {  	[tilespmem:s18], [sflag:$0x3] =	stream.indirect.gather [spmem:s1], $0x80, s21, s16, $0xb8;
	[tilespmem:$0x1EC00] =	vst v63  }
0xfb: {  	_ =	swait.ge [sflag:s19], $0x4000  }
0xfc: {  	[sflag:s19] =	ssyncset.done $0x0  }
0xfd: {  	[sflag:s19] =	ssyncadd.s32 $0xFFFFC000  }
0xfe: {  	[hbm4b:s12+s3] =	stream.linear.scatter [tilespmem:s18], [sflag:$0x3], $0x4000, $0x38;
	[tilespmem:$0x1EC00] =	vst v63  }
0xff: {  	_ =	swait.ge [sflag:s19], $0x4000  }
0x100: {  	[sflag:s19] =	ssyncset.done $0x0  }
0x101: {  	[sflag:s19] =	ssyncadd.s32 $0xFFFFC000  }
0x102: {  	[tilespmem:s18], [sflag:$0x3] =	stream.indirect.gather [spmem:s1], $0x80, s22, s16, $0xb8;
	[tilespmem:$0x1EC00] =	vst v63  }
0x103: {  	_ =	swait.ge [sflag:s19], $0x4000  }
0x104: {  	[sflag:s19] =	ssyncset.done $0x0  }
0x105: {  	[sflag:s19] =	ssyncadd.s32 $0xFFFFC000  }
0x106: {  	[hbm4b:s13+s3] =	stream.linear.scatter [tilespmem:s18], [sflag:$0x3], $0x4000, $0x38;
	[tilespmem:$0x1EC00] =	vst v63  }
0x107: {  	_ =	swait.ge [sflag:s19], $0x4000  }
0x108: {  	[sflag:s19] =	ssyncset.done $0x0  }
0x109: {  	[sflag:s19] =	ssyncadd.s32 $0xFFFFC000  }
0x10a: {  	[tilespmem:s18], [sflag:$0x3] =	stream.indirect.gather [spmem:s1], $0x80, s23, s16, $0xb8;
	[tilespmem:$0x1EC00] =	vst v63  }
0x10b: {  	s0 =	sadd.s32 $0x1, s0;
	_ =	swait.ge [sflag:s19], $0x4000  }
0x10c: {  	p0 =	sne.s32 s0, s15;
	[sflag:s19] =	ssyncset.done $0x0  }
.Ltmp4:
0x10d: {  	[sflag:s19] =	ssyncadd.s32 $0xFFFFC000;
	(pc) =	sbr.rel @p0 .LBB2_1-.Ltmp4, $4  }
0x10e: {  	[hbm4b:s14+s3] =	stream.linear.scatter [tilespmem:s18], [sflag:$0x3], $0x4000, $0x38;
	[tilespmem:$0x1EC00] =	vst v63  }
0x10f: {  	_ =	swait.ge [sflag:s19], $0x4000  }
0x110: {  	[sflag:s19] =	ssyncset.done $0x0  }
0x111: {  	[sflag:s19] =	ssyncadd.s32 $0xFFFFC000  }
0x112: {  	_ =	sfence.sel $0x180000  }
0x113: {  	[bflag:$0x0] =	sbarrier.arrive $0xFFFF  }
0x114: {  	_ =	strace $0x9000004D  }
0x115: {  	s0 =	stileid.u32;
	[bflag:$0x2] =	sbarrier.arrive $0xFFFF  }
0x116: {  	p0 =	sne.s32 s0, $0x0;
	s0 =	rddreg [dreg:$0x2]  }
0x117: {  	s0 =	sadd.s32 @!p0 $0x100000, s0  }
0x118: {  	[sflag:s0] =	ssyncadd.tile.s32 @!p0 $0x1;
	_ =	shalt  }
.Lfunc_end2:
_tile_overlayer_lowered:
.L_overlay_start_2:
0x119: {  	(tag) =	ssettag $0x2  }
0x11a: {  	s0 =	rddreg [dreg:$0x0];
	s2 =	stileid.u32  }
0x11b: {  	s1 =	rddreg [dreg:$0x1];
	p0 =	sne.s32 s2, $0x0  }
0x11c: {  	s3 =	rddreg [dreg:$0x2];
	[bflag:$0x3] =	sbarrier.arrive $0xFFFF;
	s2 =	simm.s32 @!p0 $0x1C03  }
0x11d: {  	[timem:s3], [sflag:s2] =	dma.local @!p0 [hbm:s0], s1  }
0x11e: {  	s0 =	simm.s32 @!p0 $0x3  }
0x11f: {  	_ =	swait.ge @!p0 [sflag:s0], s1  }
0x120: {  	s1 =	ssub.s32 @!p0 $0x0, s1;
	[sflag:s0] =	ssyncset.done @!p0 $0x0  }
0x121: {  	[sflag:s0] =	ssyncadd.s32 @!p0 s1  }
0x122: {  	[bflag:$0x3] =	sbarrier.arrive $0xFFFF  }
0x123: {  	_ =	shalt  }

// kernel: kernel.19.cloned.1.call-start
scs
__scs_entry_jumppad:
0x0: {  	(pc) =	sbr.rel $0x88, $3  }
0x1: {  	(tag) =	ssettag $0x0;
	lr =	simm.s32 $0x1  }
0x2: {  	[smem:$0x3F96] =	sst lr;
	_ =	strace $0xD0000000  }
0x3: {  	_ = 	snop  }
0x4: {  	_ = 	snop  }
0x5: {  	_ = 	snop  }
0x6: {  	_ = 	snop  }
0x7: {  	_ = 	snop  }
__scs_overlays_trampoline_lowered:
0x8: {  	[smem:$0x3FA5] =	sst s0  }
0x9: {  	[smem:$0x3FA6] =	sst s1  }
0xa: {  	[smem:$0x3FA7] =	sst s2  }
0xb: {  	[smem:$0x3FA8] =	sst s3  }
0xc: {  	[smem:$0x3FA9] =	sst s4  }
0xd: {  	[smem:$0x3FAA] =	sst s5  }
0xe: {  	[smem:$0x3FAB] =	sst s6  }
0xf: {  	[smem:$0x3FAC] =	sst s7  }
0x10: {  	[smem:$0x3FAD] =	sst s8  }
0x11: {  	[smem:$0x3FAE] =	sst s9;
	s0 =	simm.s32 @!p0 $0x0  }
0x12: {  	s1 =	sld [smem:$0x3F94];
	s0 =	simm.s32 @p0 $0x1  }
0x13: {  	[smem:$0x3FAF] =	sst s0;
	s0 =	simm.s32 @!p1 $0x0  }
0x14: {  	s2 =	sld [smem:$0x3F93];
	s0 =	simm.s32 @p1 $0x1  }
0x15: {  	[smem:$0x3FB0] =	sst s0;
	s0 =	simm.s32 @!p2 $0x0  }
0x16: {  	s3 =	sld [smem:$0x3FDB];
	s0 =	simm.s32 @p2 $0x1  }
0x17: {  	s4 =	simm.s32 $0x1BF5;
	[smem:$0x3FB2] =	sst s0  }
0x18: {  	s0 =	sld [smem:$0x3F95];
	_ =	swait.ge [sflag:s4], $0x0  }
0x19: {  	s7 =	sld [smem:$0x3F96]  }
0x1a: {  	s8 =	sadd.s32 $0xFFFFE003, lr  }
0x1b: {  	s9 =	sadd.s32 $0xFFFFFEF7, lr;
	s5 =	simm.s32 $0xFFFFFFFF;
	p2 =	slt.u32 s8, $0xFFFFF086  }
0x1c: {  	p1 =	slt.u32 s9, $0xF7A;
	s5 =	simm.s32 @!p2 $0x0  }
0x1d: {  	s5 =	simm.s32 @p1 $0x1;
	p0 =	seq.s32 s7, s2  }
0x1e: {  	s7 =	smul.u32 @!p0 $0xF7A, s2;
	p2 =	seq.s32 @!p0 s5, $0x0  }
0x1f: {  	s9 =	smul.u32 $0xF7A, s1;
	s8 =	simm.s32 @!p0 $0x1BF5;
	p2 =	por !p2, p0  }
0x20: {  	[sflag:s8] =	ssyncset.s32 @!p0 $0xFFFFF086;
	s6 =	sadd.s32 @!p0 s3, s7;
	s7 =	simm.s32 @!p0 $0x108  }
0x21: {  	s3 =	sadd.s32 s3, s9;
	s6 =	sadd.s32 @!p0 $0x88, s6;
	s7 =	simm.s32 @p2 $0x1082  }
0x22: {  	[simem:s7], [sflag:s8] =	dma.local @!p0 [hbm:s6], $0xF7A  }
0x23: {  	s9 =	sor.u32 $0xD0000000, s2;
	s6 =	simm.s32 $0x108;
	_ =	swait.ge @!p0 [sflag:s8], $0x0  }
0x24: {  	s3 =	sadd.s32 $0x88, s3;
	s6 =	simm.s32 @!p1 $0x1082;
	[sflag:s4] =	ssyncset.s32 $0xFFFFF086  }
0x25: {  	[simem:s6], [sflag:s4] =	dma.local [hbm:s3], $0xF7A  }
0x26: {  	[smem:$0x3F96] =	sst s1;
	(tag) =	ssettag s2;
	_ =	strace s9  }
0x27: {  	s1 =	sld [smem:$0x3FA6]  }
0x28: {  	s2 =	sld [smem:$0x3FA7]  }
0x29: {  	s4 =	sld [smem:$0x3FA9]  }
0x2a: {  	p0 =	seq.s32 s5, $0x0;
	s5 =	sld [smem:$0x3FAA]  }
0x2b: {  	s6 =	sld [smem:$0x3FAB]  }
0x2c: {  	s7 =	sld [smem:$0x3FAC]  }
0x2d: {  	s3 =	simm.s32 $0x108;
	s8 =	sld [smem:$0x3FAD]  }
0x2e: {  	s3 =	simm.s32 @!p0 $0x1082;
	s9 =	sld [smem:$0x3FAE]  }
0x2f: {  	lr =	sadd.s32 s0, s3;
	s0 =	sld [smem:$0x3FA5]  }
0x30: {  	s3 =	sld [smem:$0x3FA8]  }
0x31: {  	[smem:$0x3FB1] =	sst s10  }
0x32: {  	s10 =	sld [smem:$0x3FAF];
	_ =	sdelay $0x3  }
0x33: {  	p0 =	seq.s32 s10, $0x1;
	s10 =	sld [smem:$0x3FB1];
	_ =	sdelay $0x3  }
0x34: {  	[smem:$0x3FB1] =	sst s10  }
0x35: {  	s10 =	sld [smem:$0x3FB0];
	_ =	sdelay $0x3  }
0x36: {  	p1 =	seq.s32 s10, $0x1;
	s10 =	sld [smem:$0x3FB1];
	_ =	sdelay $0x3  }
0x37: {  	[smem:$0x3FB1] =	sst s10  }
0x38: {  	s10 =	sld [smem:$0x3FB2]  }
0x39: {  	_ = 	snop;
	(pc) =	sbr.ind lr, $3  }
0x3a: {  	_ = 	snop  }
0x3b: {  	_ = 	snop  }
0x3c: {  	p2 =	seq.s32 s10, $0x1;
	s10 =	sld [smem:$0x3FB1]  }
0x3d: {  	_ =	shalt  }
0x3e: {  	_ =	shalt  }
0x3f: {  	_ =	shalt  }
0x40: {  	_ =	shalt  }
0x41: {  	_ =	shalt  }
0x42: {  	_ =	shalt  }
0x43: {  	_ =	shalt  }
0x44: {  	_ =	shalt  }
0x45: {  	_ =	shalt  }
0x46: {  	_ =	shalt  }
0x47: {  	_ =	shalt  }
0x48: {  	_ =	shalt  }
0x49: {  	_ =	shalt  }
0x4a: {  	_ =	shalt  }
0x4b: {  	_ =	shalt  }
0x4c: {  	_ =	shalt  }
0x4d: {  	_ =	shalt  }
0x4e: {  	_ =	shalt  }
0x4f: {  	_ =	shalt  }
0x50: {  	_ =	shalt  }
0x51: {  	_ =	shalt  }
0x52: {  	_ =	shalt  }
0x53: {  	_ =	shalt  }
0x54: {  	_ =	shalt  }
0x55: {  	_ =	shalt  }
0x56: {  	_ =	shalt  }
0x57: {  	_ =	shalt  }
0x58: {  	_ =	shalt  }
0x59: {  	_ =	shalt  }
0x5a: {  	_ =	shalt  }
0x5b: {  	_ =	shalt  }
0x5c: {  	_ =	shalt  }
0x5d: {  	_ =	shalt  }
0x5e: {  	_ =	shalt  }
0x5f: {  	_ =	shalt  }
0x60: {  	_ =	shalt  }
0x61: {  	_ =	shalt  }
0x62: {  	_ =	shalt  }
0x63: {  	_ =	shalt  }
0x64: {  	_ =	shalt  }
0x65: {  	_ =	shalt  }
0x66: {  	_ =	shalt  }
0x67: {  	_ =	shalt  }
0x68: {  	_ =	shalt  }
0x69: {  	_ =	shalt  }
0x6a: {  	_ =	shalt  }
0x6b: {  	_ =	shalt  }
0x6c: {  	_ =	shalt  }
0x6d: {  	_ =	shalt  }
0x6e: {  	_ =	shalt  }
0x6f: {  	_ =	shalt  }
0x70: {  	_ =	shalt  }
0x71: {  	_ =	shalt  }
0x72: {  	_ =	shalt  }
0x73: {  	_ =	shalt  }
0x74: {  	_ =	shalt  }
0x75: {  	_ =	shalt  }
0x76: {  	_ =	shalt  }
0x77: {  	_ =	shalt  }
0x78: {  	_ =	shalt  }
0x79: {  	_ =	shalt  }
0x7a: {  	_ =	shalt  }
0x7b: {  	_ =	shalt  }
0x7c: {  	_ =	shalt  }
0x7d: {  	_ =	shalt  }
0x7e: {  	_ =	shalt  }
0x7f: {  	_ =	shalt  }
0x80: {  	_ =	shalt  }
0x81: {  	_ =	shalt  }
0x82: {  	_ =	shalt  }
0x83: {  	_ =	shalt  }
0x84: {  	_ =	shalt  }
0x85: {  	_ =	shalt  }
0x86: {  	_ =	shalt  }
0x87: {  	_ =	shalt  }
.Lfunc_end0:
.L_simem_size_0:
called_computation.3_lowered:
.L_overlay_start_0:
0x88: {  	s2 =	sld [smem:$0x3FD9]  }
0x89: {  	s3 =	sld [smem:$0x3FFE];
	_ =	sdelay $0x1  }
0x8a: {  	s1 =	srdreg.scid  }
0x8b: {  	s0 =	sand.u32 $0x1, s1  }
0x8c: {  	s16 =	sshll.u32 s0, $0xA;
	s2 =	sadd.s32 s3, s2  }
0x8d: {  	s2 =	sadd.s32 s2, s16  }
0x8e: {  	[smem:$0x3FBD] =	sst s2  }
0x8f: {  	_ = 	snop  }
0x90: {  	(tm) =	ssettm $0x1  }
0x91: {  	s17 =	sld [smem:$0x3FFB];
	_ =	sdelay $0x3  }
0x92: {  	_ =	strace s17  }
0x93: {  	s2 =	sld [smem:$0x3FFC];
	_ =	sdelay $0x3  }
0x94: {  	_ =	strace s2  }
0x95: {  	s2 =	sld [smem:$0x3FFD];
	_ =	sdelay $0x3  }
0x96: {  	_ =	strace s2  }
0x97: {  	_ =	strace $0x8FFFFFFF  }
0x98: {  	s18 =	sld [smem:$0x3FDB];
	_ =	sdelay $0x1  }
0x99: {  	s19 =	simm.s32 $_scs_section_size  }
0x9a: {  	s4 =	simm.s32 $_size__tile_overlayer_lowered;
	s5 =	simm.s32 $_tile_overlayer_lowered  }
0x9b: {  	s22 =	simm.s32 $0x1BFF;
	s21 =	sshll.u32 s5, $0x1;
	s2 =	sadd.s32 s19, s18  }
0x9c: {  	s6 =	simm.s32 $0x0;
	s20 =	sshll.u32 s4, $0x1;
	s4 =	sadd.s32 s21, s2  }
0x9d: {  	[timem:s6], [sflag:s22] =	dma.local [hbm:s4], s20  }
0x9e: {  	_ =	swait.ge [sflag:s22], s20  }
0x9f: {  	s3 =	ssub.s32 $0x0, s20;
	[sflag:s22] =	ssyncset.done $0x0  }
0xa0: {  	[sflag:s22] =	ssyncadd.s32 s3;
	_ =	sdelay $0x1  }
0xa1: {  	s23 =	simm.s32 $0x1B8B  }
0xa2: {  	_ =	swait.ge [sflag:s23], $0x1  }
0xa3: {  	[sflag:s23] =	ssyncset.done $0x0  }
0xa4: {  	s25 =	simm.s32 $0x1B8E;
	s24 =	sld [smem:$0x3FFE];
	[sflag:s23] =	ssyncadd.s32 $0xFFFFFFFF  }
0xa5: {  	s26 =	simm.s32 $execute0_lowered;
	[smem:$0x3FD2] =	sst s25  }
0xa6: {  	s4 =	sshll.u32 s26, $0x1;
	_ =	strace $0x8000004F;
	[dreg:$0x1] =	wrdreg $0xFFFFFFFF  }
0xa7: {  	s28 =	simm.s32 $_size_execute0_lowered;
	s2 =	sadd.s32 s2, s4;
	[dreg:$0x0] =	wrdreg $0x0  }
0xa8: {  	s4 =	sshll.u32 s28, $0x1;
	[dreg:$0x2] =	wrdreg s2  }
0xa9: {  	[dreg:$0x3] =	wrdreg s4  }
0xaa: {  	[dreg:$0x4] =	wrdreg $0xC0  }
0xab: {  	_ =	task [dreg:s6], $0x5FFFF  }
0xac: {  	[dreg:$0x1] =	wrdreg $0xFFFFFFFF  }
0xad: {  	[dreg:$0x0] =	wrdreg $0x60  }
0xae: {  	[dreg:$0x2] =	wrdreg s24  }
0xaf: {  	[dreg:$0x3] =	wrdreg $0x9  }
0xb0: {  	_ =	task.clear_ibuf [dreg:s6], $0x4FFFF;
	_ =	strace $0x9000004F  }
0xb1: {  	s29 =	simm.s32 $0x9;
	_ =	strace $0x80000051  }
0xb2: {  	_ =	swait.ge [sflag:s29], $0x1  }
0xb3: {  	[sflag:s29] =	ssyncadd.s32 $0xFFFFFFFF  }
0xb4: {  	_ =	strace $0x90000051  }
0xb5: {  	_ =	sfence  }
0xb6: {  	s30 =	sld [smem:$0x0];
	_ =	sdelay $0x2  }
0xb7: {  	s31 =	sshll.u32 s1, $0xD;
	s1 =	sshrl.u32 s1, $0x2  }
0xb8: {  	s3 =	sand.u32 $0x4000, s31;
	s1 =	sadd.s32 s1, s30  }
0xb9: {  	s0 =	sor.u32 s3, s0;
	s1 =	sshll.u32 s1, $0x11  }
0xba: {  	s0 =	sor.u32 s1, s0  }
0xbb: {  	s0 =	sadd.s32 $0x8F2B, s0  }
0xbc: {  	[sflag:s0] =	ssyncadd.remote.s32 $0x1  }
0xbd: {  	_ =	sfence.sel $0xFFFF  }
0xbe: {  	[dreg:$0x0] =	wrdreg $0xFFFFFFFF;
	(pc) =	sbr.abs _section_cstart, $3  }
0xbf: {  	[dreg:$0x1] =	wrdreg $0xFFFFFFFF  }
0xc0: {  	_ =	task.clear_ibuf [dreg:s6], $0x2FFFF;
	_ =	strace $0x9FFFFFFF  }
0xc1: {  	(tm) =	ssettm $0x7FFFFFFF  }
tec
execute0_lowered:
.L_overlay_start_1:
0x0: {  	(tag) =	ssettag $0x1  }
0x1: {  	s0 =	srdreg.scid;
	s7 =	rddreg [dreg:$0x0]  }
0x2: {  	s1 =	stileid.u32;
	s2 =	simm.s32 $0x0;
	s15 =	simm.s32 $0x9000  }
0x3: {  	s16 =	simm.s32 $0x80;
	s17 =	simm.s32 $0xD000;
	s18 =	simm.s32 $0x11000  }
0x4: {  	s19 =	simm.s32 $0x1;
	s20 =	simm.s32 $0x2;
	s21 =	simm.s32 $0x2780  }
0x5: {  	s22 =	simm.s32 $0x4F80;
	s6 =	sand.u32 $0x1, s0;
	s0 =	rddreg [dreg:$0x1]  }
0x6: {  	s23 =	simm.s32 $0x0;
	[smem:$0x7FF] =	sst s2;
	s9 =	sadd.s32 $0x7A600, s7  }
0x7: {  	s30 =	sadd.s32 $0x57A600, s7;
	s14 =	smul.u32 $0x28000, s1;
	s3 =	sshll.u32 s6, $0x4  }
0x8: {  	s8 =	ssub.s32 $0x2, s6;
	s13 =	smul.u32 $0x280000, s6;
	s4 =	sor.u32 s1, s3  }
0x9: {  	_ =	strace $0x80000050;
	s10 =	sshrl.u32 s8, $0x1;
	s5 =	smul.u32 $0x500, s4  }
0xa: {  	s3 =	sadd.s32 $0x2600, s7;
	s11 =	smul.u32 $0x28000, s4;
	s8 =	ssub.s32 s8, s10  }
0xb: {  	s31 =	sadd.s32 s13, s9;
	s13 =	simm.s32 $0x2800;
	s6 =	smax.u32 s8, $0x1  }
0xc: {  	s5 =	sadd.s32 s5, s7;
	s12 =	sadd.s32 $0x27000, s11;
	s11 =	sadd.s32 $0x27800, s11  }
0xd: {  	s4 =	sadd.s32 $0x70600, s5;
	s5 =	sadd.s32 $0x66600, s5;
	s7 =	sadd.s32 s9, s12  }
0xe: {  	s8 =	sadd.s32 s12, s30;
	s9 =	sadd.s32 s9, s11;
	s10 =	sadd.s32 s11, s30  }
0xf: {  	s11 =	sadd.s32 s14, s31;
	s12 =	simm.s32 $0x3;
	s14 =	simm.s32 $0x5000  }
.LBB2_1:
0x10: {  	[tilespmem:s2], [sflag:$0x3] =	stream.linear.gather [hbm4b:s4+s2], $0x2800, $0x38;
	[tilespmem:$0x15000] =	vst v63  }
0x11: {  	_ =	swait.ge [sflag:s12], $0x2800  }
0x12: {  	[sflag:s12] =	ssyncset.done $0x0  }
0x13: {  	[sflag:s12] =	ssyncadd.s32 $0xFFFFD800  }
0x14: {  	[tilespmem:s13], [sflag:$0x3] =	stream.linear.gather [hbm4b:s5+s2], $0x2800, $0x38;
	[tilespmem:$0x15000] =	vst v63  }
0x15: {  	_ =	swait.ge [sflag:s12], $0x2800  }
0x16: {  	[sflag:s12] =	ssyncset.done $0x0  }
0x17: {  	[sflag:s12] =	ssyncadd.s32 $0xFFFFD800  }
0x18: {  	[tilespmem:s14], [sflag:$0x1] =	stream.indirect.gather [hbm4b:s3+s16], $0x80, s2, s16, $0xb8;
	[tilespmem:$0x15000] =	vst v63  }
0x19: {  	_ = 	snop  }
0x1a: {  	[tilespmem:s15], [sflag:$0x1] =	stream.indirect.gather [hbm4b:s3+s16], $0x80, s13, s16, $0xb8;
	[tilespmem:$0x15000] =	vst v63  }
0x1b: {  	_ = 	snop  }
0x1c: {  	[tilespmem:s17], [sflag:$0x2] =	stream.indirect.gather [hbm4b:s3+s16], $0x80, s16, s16, $0xb8;
	[tilespmem:$0x15000] =	vst v63  }
0x1d: {  	s24 =	simm.s32 $0x2880  }
0x1e: {  	[tilespmem:s18], [sflag:$0x2] =	stream.indirect.gather [hbm4b:s3+s16], $0x80, s24, s16, $0xb8;
	[tilespmem:$0x15000] =	vst v63  }
0x1f: {  	_ =	swait.ge [sflag:s19], $0x4000  }
0x20: {  	[sflag:s19] =	ssyncset.done $0x0  }
0x21: {  	[sflag:s19] =	ssyncadd.s32 $0xFFFFC000  }
0x22: {  	_ =	swait.ge [sflag:s19], $0x4000  }
0x23: {  	[sflag:s19] =	ssyncset.done $0x0  }
0x24: {  	s25 =	sadd.s32 $0x0, s11;
	[sflag:s19] =	ssyncadd.s32 $0xFFFFC000  }
0x25: {  	[hbm4b:s25+s2] =	stream.linear.scatter [tilespmem:s14], [sflag:$0x3], $0x4000, $0x38;
	[tilespmem:$0x15000] =	vst v63  }
0x26: {  	_ =	swait.ge [sflag:s12], $0x4000  }
0x27: {  	[sflag:s12] =	ssyncset.done $0x0  }
0x28: {  	s26 =	sadd.s32 $0x500000, s25;
	[sflag:s12] =	ssyncadd.s32 $0xFFFFC000  }
0x29: {  	[hbm4b:s26+s2] =	stream.linear.scatter [tilespmem:s15], [sflag:$0x3], $0x4000, $0x38;
	[tilespmem:$0x15000] =	vst v63  }
0x2a: {  	_ =	swait.ge [sflag:s12], $0x4000  }
0x2b: {  	[sflag:s12] =	ssyncset.done $0x0  }
0x2c: {  	s29 =	simm.s32 $0x100;
	[sflag:s12] =	ssyncadd.s32 $0xFFFFC000  }
0x2d: {  	[tilespmem:s14], [sflag:$0x1] =	stream.indirect.gather [hbm4b:s3+s16], $0x80, s29, s16, $0xb8;
	[tilespmem:$0x15000] =	vst v63  }
0x2e: {  	s30 =	simm.s32 $0x2900  }
0x2f: {  	[tilespmem:s15], [sflag:$0x1] =	stream.indirect.gather [hbm4b:s3+s16], $0x80, s30, s16, $0xb8;
	[tilespmem:$0x15000] =	vst v63  }
0x30: {  	_ =	swait.ge [sflag:s20], $0x4000  }
0x31: {  	[sflag:s20] =	ssyncset.done $0x0  }
0x32: {  	[sflag:s20] =	ssyncadd.s32 $0xFFFFC000  }
0x33: {  	_ =	swait.ge [sflag:s20], $0x4000  }
0x34: {  	[sflag:s20] =	ssyncset.done $0x0  }
0x35: {  	s31 =	sadd.s32 $0x800, s25;
	[sflag:s20] =	ssyncadd.s32 $0xFFFFC000  }
0x36: {  	[hbm4b:s31+s2] =	stream.linear.scatter [tilespmem:s17], [sflag:$0x3], $0x4000, $0x38;
	[tilespmem:$0x15000] =	vst v63  }
0x37: {  	_ =	swait.ge [sflag:s12], $0x4000  }
0x38: {  	[sflag:s12] =	ssyncset.done $0x0  }
0x39: {  	s25 =	sadd.s32 $0x500800, s25;
	[sflag:s12] =	ssyncadd.s32 $0xFFFFC000  }
0x3a: {  	[hbm4b:s25+s2] =	stream.linear.scatter [tilespmem:s18], [sflag:$0x3], $0x4000, $0x38;
	[tilespmem:$0x15000] =	vst v63  }
0x3b: {  	_ =	swait.ge [sflag:s12], $0x4000  }
0x3c: {  	s26 =	simm.s32 $0x80;
	s25 =	simm.s32 $0x1000;
	[sflag:s12] =	ssyncset.done $0x0  }
.LBB2_2:
0x3d: {  	[sflag:s12] =	ssyncadd.s32 $0xFFFFC000;
	s24 =	sadd.s32 $0x100, s24;
	s26 =	sadd.s32 $0x100, s26  }
0x3e: {  	[tilespmem:s17], [sflag:$0x2] =	stream.indirect.gather [hbm4b:s3+s16], $0x80, s26, s16, $0xb8;
	[tilespmem:$0x15000] =	vst v63  }
0x3f: {  	p0 =	sne.s32 s25, $0x26000;
	s28 =	smov.u32 s25;
	s25 =	sadd.s32 $0x1000, s25  }
0x40: {  	[tilespmem:s18], [sflag:$0x2] =	stream.indirect.gather [hbm4b:s3+s16], $0x80, s24, s16, $0xb8;
	[tilespmem:$0x15000] =	vst v63  }
0x41: {  	_ =	swait.ge [sflag:s19], $0x4000  }
0x42: {  	[sflag:s19] =	ssyncset.done $0x0  }
0x43: {  	[sflag:s19] =	ssyncadd.s32 $0xFFFFC000  }
0x44: {  	_ =	swait.ge [sflag:s19], $0x4000  }
0x45: {  	[sflag:s19] =	ssyncset.done $0x0  }
0x46: {  	s28 =	sadd.s32 s28, s11;
	[sflag:s19] =	ssyncadd.s32 $0xFFFFC000  }
0x47: {  	[hbm4b:s28+s2] =	stream.linear.scatter [tilespmem:s14], [sflag:$0x3], $0x4000, $0x38;
	[tilespmem:$0x15000] =	vst v63  }
0x48: {  	_ =	swait.ge [sflag:s12], $0x4000  }
0x49: {  	[sflag:s12] =	ssyncset.done $0x0  }
0x4a: {  	s29 =	sadd.s32 $0x500000, s28;
	[sflag:s12] =	ssyncadd.s32 $0xFFFFC000  }
0x4b: {  	[hbm4b:s29+s2] =	stream.linear.scatter [tilespmem:s15], [sflag:$0x3], $0x4000, $0x38;
	[tilespmem:$0x15000] =	vst v63  }
0x4c: {  	_ =	swait.ge [sflag:s12], $0x4000  }
0x4d: {  	[sflag:s12] =	ssyncset.done $0x0  }
0x4e: {  	s29 =	sadd.s32 $0x80, s26;
	[sflag:s12] =	ssyncadd.s32 $0xFFFFC000  }
0x4f: {  	[tilespmem:s14], [sflag:$0x1] =	stream.indirect.gather [hbm4b:s3+s16], $0x80, s29, s16, $0xb8;
	[tilespmem:$0x15000] =	vst v63  }
0x50: {  	s29 =	sadd.s32 $0x80, s24  }
0x51: {  	[tilespmem:s15], [sflag:$0x1] =	stream.indirect.gather [hbm4b:s3+s16], $0x80, s29, s16, $0xb8;
	[tilespmem:$0x15000] =	vst v63  }
0x52: {  	_ =	swait.ge [sflag:s20], $0x4000  }
0x53: {  	[sflag:s20] =	ssyncset.done $0x0  }
0x54: {  	[sflag:s20] =	ssyncadd.s32 $0xFFFFC000  }
0x55: {  	_ =	swait.ge [sflag:s20], $0x4000  }
0x56: {  	[sflag:s20] =	ssyncset.done $0x0  }
0x57: {  	s29 =	sadd.s32 $0x800, s28;
	[sflag:s20] =	ssyncadd.s32 $0xFFFFC000  }
0x58: {  	[hbm4b:s29+s2] =	stream.linear.scatter [tilespmem:s17], [sflag:$0x3], $0x4000, $0x38;
	[tilespmem:$0x15000] =	vst v63  }
0x59: {  	_ =	swait.ge [sflag:s12], $0x4000  }
.Ltmp0:
0x5a: {  	[sflag:s12] =	ssyncset.done $0x0;
	(pc) =	sbr.rel @p0 .LBB2_2-.Ltmp0, $4  }
0x5b: {  	s28 =	sadd.s32 $0x500800, s28;
	[sflag:s12] =	ssyncadd.s32 $0xFFFFC000  }
0x5c: {  	[hbm4b:s28+s2] =	stream.linear.scatter [tilespmem:s18], [sflag:$0x3], $0x4000, $0x38;
	[tilespmem:$0x15000] =	vst v63  }
0x5d: {  	_ =	swait.ge [sflag:s12], $0x4000  }
0x5e: {  	[sflag:s12] =	ssyncset.done $0x0  }
0x5f: {  	[sflag:s12] =	ssyncadd.s32 $0xFFFFC000  }
0x60: {  	[tilespmem:s17], [sflag:$0x2] =	stream.indirect.gather [hbm4b:s3+s16], $0x80, s21, s16, $0xb8;
	[tilespmem:$0x15000] =	vst v63  }
0x61: {  	_ = 	snop  }
0x62: {  	[tilespmem:s18], [sflag:$0x2] =	stream.indirect.gather [hbm4b:s3+s16], $0x80, s22, s16, $0xb8;
	[tilespmem:$0x15000] =	vst v63  }
0x63: {  	_ =	swait.ge [sflag:s19], $0x4000  }
0x64: {  	[sflag:s19] =	ssyncset.done $0x0  }
0x65: {  	[sflag:s19] =	ssyncadd.s32 $0xFFFFC000  }
0x66: {  	_ =	swait.ge [sflag:s19], $0x4000  }
0x67: {  	[sflag:s19] =	ssyncset.done $0x0  }
0x68: {  	[sflag:s19] =	ssyncadd.s32 $0xFFFFC000  }
0x69: {  	[hbm4b:s7+s2] =	stream.linear.scatter [tilespmem:s14], [sflag:$0x3], $0x4000, $0x38;
	[tilespmem:$0x15000] =	vst v63  }
0x6a: {  	_ =	swait.ge [sflag:s12], $0x4000  }
0x6b: {  	[sflag:s12] =	ssyncset.done $0x0  }
0x6c: {  	[sflag:s12] =	ssyncadd.s32 $0xFFFFC000  }
0x6d: {  	[hbm4b:s8+s2] =	stream.linear.scatter [tilespmem:s15], [sflag:$0x3], $0x4000, $0x38;
	[tilespmem:$0x15000] =	vst v63  }
0x6e: {  	_ =	swait.ge [sflag:s12], $0x4000  }
0x6f: {  	[sflag:s12] =	ssyncset.done $0x0  }
0x70: {  	[sflag:s12] =	ssyncadd.s32 $0xFFFFC000  }
0x71: {  	_ =	swait.ge [sflag:s20], $0x4000  }
0x72: {  	[sflag:s20] =	ssyncset.done $0x0  }
0x73: {  	[sflag:s20] =	ssyncadd.s32 $0xFFFFC000  }
0x74: {  	_ =	swait.ge [sflag:s20], $0x4000  }
0x75: {  	[sflag:s20] =	ssyncset.done $0x0  }
0x76: {  	[sflag:s20] =	ssyncadd.s32 $0xFFFFC000  }
0x77: {  	[hbm4b:s9+s2] =	stream.linear.scatter [tilespmem:s17], [sflag:$0x3], $0x4000, $0x38;
	[tilespmem:$0x15000] =	vst v63  }
0x78: {  	s23 =	sadd.s32 $0x1, s23;
	_ =	swait.ge [sflag:s12], $0x4000  }
0x79: {  	p0 =	sne.s32 s23, s6;
	[sflag:s12] =	ssyncset.done $0x0  }
.Ltmp1:
0x7a: {  	[sflag:s12] =	ssyncadd.s32 $0xFFFFC000;
	(pc) =	sbr.rel @p0 .LBB2_1-.Ltmp1, $4  }
0x7b: {  	[hbm4b:s10+s2] =	stream.linear.scatter [tilespmem:s18], [sflag:$0x3], $0x4000, $0x38;
	[tilespmem:$0x15000] =	vst v63  }
0x7c: {  	_ =	swait.ge [sflag:s12], $0x4000  }
0x7d: {  	[sflag:s12] =	ssyncset.done $0x0  }
0x7e: {  	[sflag:s12] =	ssyncadd.s32 $0xFFFFC000  }
0x7f: {  	_ =	sfence.sel $0x180000  }
0x80: {  	[bflag:$0x0] =	sbarrier.arrive $0xFFFF  }
0x81: {  	p0 =	sne.s32 s1, $0x0;
	_ =	strace $0x90000050  }
0x82: {  	s0 =	sadd.s32 @!p0 $0x100000, s0;
	[bflag:$0x2] =	sbarrier.arrive $0xFFFF  }
0x83: {  	[sflag:s0] =	ssyncadd.tile.s32 @!p0 $0x1;
	_ =	shalt  }
.Lfunc_end2:
_tile_overlayer_lowered:
.L_overlay_start_2:
0x84: {  	(tag) =	ssettag $0x2  }
0x85: {  	s0 =	rddreg [dreg:$0x0];
	s2 =	stileid.u32  }
0x86: {  	s1 =	rddreg [dreg:$0x1];
	p0 =	sne.s32 s2, $0x0  }
0x87: {  	s3 =	rddreg [dreg:$0x2];
	[bflag:$0x3] =	sbarrier.arrive $0xFFFF;
	s2 =	simm.s32 @!p0 $0x1C03  }
0x88: {  	[timem:s3], [sflag:s2] =	dma.local @!p0 [hbm:s0], s1  }
0x89: {  	s0 =	simm.s32 @!p0 $0x3  }
0x8a: {  	_ =	swait.ge @!p0 [sflag:s0], s1  }
0x8b: {  	s1 =	ssub.s32 @!p0 $0x0, s1;
	[sflag:s0] =	ssyncset.done @!p0 $0x0  }
0x8c: {  	[sflag:s0] =	ssyncadd.s32 @!p0 s1  }
0x8d: {  	[bflag:$0x3] =	sbarrier.arrive $0xFFFF  }
0x8e: {  	_ =	shalt  }

</sc_bundles>
